<compile_context>
chip_gen: v7x
topology: tpu7x:2x2x1
jax: 0.10.2.dev20260603
libtpu: 0.0.44.dev20260713+nightly
codegen_flags: <defaults>
</compile_context>

<pallas_src>
import dataclasses

import jax
import jax.numpy as jnp
from jax import lax
from jax.experimental import pallas as pl
from jax.experimental.pallas import tpu as pltpu
from jax.experimental.pallas import tpu_sc as plsc

_B = 16384
_D = 64
_L = 16
_NC = 2
_NS = 16
_NW = _NC * _NS
_BPW = _B // _NW
_W = 128
_NWIN = _BPW // _W
_RING = 6
_WAVE = 8
_NWAVES = _BPW // _WAVE


def _sc_body(uid_hbm, iid_hbm, uf_hbm, if_hbm, ub_hbm,
             ib_hbm, gb_hbm, dummy_hbm, out_hbm, uid_v, iid_v,
             ublk_v, iblk_v, ub_v, ib_v, gb_v, out_v, bsem, fsem):
  wid = lax.axis_index("s") * _NC + lax.axis_index("c")
  base = wid * _BPW
  pltpu.sync_copy(uid_hbm.at[pl.ds(base, _BPW)], uid_v.at[pl.ds(0, _BPW)])
  pltpu.sync_copy(iid_hbm.at[pl.ds(base, _BPW)], iid_v.at[pl.ds(0, _BPW)])
  pltpu.sync_copy(gb_hbm, gb_v)

  bias_copies = []
  for j in range(_NWIN):
    sl = pl.ds(j * _W, _W)
    bias_copies.append(
        pltpu.async_copy(ub_hbm.at[uid_v.at[sl]], ub_v.at[sl], bsem))
    bias_copies.append(
        pltpu.async_copy(ib_hbm.at[iid_v.at[sl]], ib_v.at[sl], bsem))

  def fire(g):
    ring = g % _RING
    uvec = uid_v[pl.ds(g * _WAVE, _L)]
    ivec = iid_v[pl.ds(g * _WAVE, _L)]
    ub8 = (uvec >> 3) << 3
    ib8 = (ivec >> 3) << 3
    for r in range(_WAVE):
      u0 = pl.multiple_of(ub8[r], 8)
      i0 = pl.multiple_of(ib8[r], 8)
      pltpu.async_copy(uf_hbm.at[pl.ds(u0, 8), :],
                       ublk_v.at[ring, r], fsem.at[ring])
      pltpu.async_copy(if_hbm.at[pl.ds(i0, 8), :],
                       iblk_v.at[ring, r], fsem.at[ring])

  def drain(g):
    ring = g % _RING
    pltpu.make_async_copy(dummy_hbm, ublk_v.at[ring], fsem.at[ring]).wait()
    pltpu.make_async_copy(dummy_hbm, iblk_v.at[ring], fsem.at[ring]).wait()

  lane = lax.iota(jnp.int32, _L)
  for g in range(_RING - 1):
    fire(g)

  @pl.loop(0, _NWAVES)
  def _(g):
    @pl.when(g + _RING - 1 < _NWAVES)
    def _():
      fire(g + _RING - 1)

    drain(g)
    ring = g % _RING
    b0 = g * _WAVE
    urem = uid_v[pl.ds(b0, _L)] & 7
    irem = iid_v[pl.ds(b0, _L)] & 7
    acc = jnp.zeros((_L,), jnp.float32)
    for r in range(_WAVE):
      ur = urem[r]
      ir = irem[r]
      p = (ublk_v[ring, r, ur, pl.ds(0, _L)] *
           iblk_v[ring, r, ir, pl.ds(0, _L)])
      for k in range(1, _D // _L):
        p += (ublk_v[ring, r, ur, pl.ds(k * _L, _L)] *
              iblk_v[ring, r, ir, pl.ds(k * _L, _L)])
      acc = jnp.where(lane == r, acc + jnp.sum(p), acc)
    out_v[pl.ds(b0, _L)] = acc

  for c in bias_copies:
    c.wait()

  gb16 = gb_v[...]

  @pl.loop(0, _BPW // _L)
  def _(g):
    sl = pl.ds(g * _L, _L)
    out_v[sl] = out_v[sl] + ub_v[sl] + ib_v[sl] + gb16

  pltpu.sync_copy(out_v, out_hbm.at[pl.ds(base, _BPW)])


_CHB = 262144


def _bias_1d(bias_t):
  n = bias_t.shape[1]

  def body(x_ref, o_ref):
    o_ref[...] = x_ref[...].reshape(_CHB)

  return pl.pallas_call(
      body,
      grid=(pl.cdiv(n, _CHB),),
      in_specs=[pl.BlockSpec((1, _CHB), lambda i: (0, i))],
      out_specs=pl.BlockSpec((_CHB,), lambda i: (i,)),
      out_shape=jax.ShapeDtypeStruct((n,), jnp.float32),
  )(bias_t)


def kernel(user_ids, item_ids, user_factors, item_factors, user_biases,
           item_biases, global_bias):
  mesh = plsc.VectorSubcoreMesh(core_axis_name="c", subcore_axis_name="s")
  cp = pltpu.CompilerParams(use_tc_tiling_on_sc=True)
  if "needs_layout_passes" in pltpu.CompilerParams.__dataclass_fields__:
    cp = dataclasses.replace(cp, needs_layout_passes=False)
  sc_call = pl.kernel(
      _sc_body,
      mesh=mesh,
      compiler_params=cp,
      out_type=jax.ShapeDtypeStruct((_B,), jnp.float32),
      scratch_types=[
          pltpu.VMEM((_BPW + _L,), jnp.int32),
          pltpu.VMEM((_BPW + _L,), jnp.int32),
          pltpu.VMEM((_RING, _WAVE, 8, _D), jnp.float32),
          pltpu.VMEM((_RING, _WAVE, 8, _D), jnp.float32),
          pltpu.VMEM((_BPW,), jnp.float32),
          pltpu.VMEM((_BPW,), jnp.float32),
          pltpu.VMEM((_L,), jnp.float32),
          pltpu.VMEM((_BPW,), jnp.float32),
          pltpu.SemaphoreType.DMA,
          pltpu.SemaphoreType.DMA((_RING,)),
      ],
  )
  return sc_call(
      user_ids,
      item_ids,
      user_factors,
      item_factors,
      _bias_1d(user_biases.T),
      _bias_1d(item_biases.T),
      jnp.broadcast_to(global_bias, (_L,)),
      jnp.zeros((_WAVE, 8, _D), jnp.float32),
  )

# --- scband reference (transcript-rebuilt; emitter-appended) ---
"""Pipeline reference for scband-svdrecommender-14645838479798 (READ-ONLY COPY).

The authoritative reference and input builder live on the scoring server;
editing this copy changes nothing except your own understanding.
"""

import jax, jax.numpy as jnp
import numpy as np

NUM_USERS = 1000000
NUM_ITEMS = 100000
NUM_FACTORS = 64
BATCH = 16384

def setup_inputs(seed: int = 0) -> dict:
    key = jax.random.key(seed)
    k1, k2, k3, k4, k5, k6 = jax.random.split(key, 6)
    user_ids = jax.random.randint(k1, (BATCH,), 0, NUM_USERS, dtype=jnp.int64 if jax.config.jax_enable_x64 else jnp.int32)
    item_ids = jax.random.randint(k2, (BATCH,), 0, NUM_ITEMS, dtype=jnp.int64 if jax.config.jax_enable_x64 else jnp.int32)
    user_factors = jax.random.normal(k3, (NUM_USERS, NUM_FACTORS), dtype=jnp.float32)
    item_factors = jax.random.normal(k4, (NUM_ITEMS, NUM_FACTORS), dtype=jnp.float32)
    user_biases = jax.random.normal(k5, (NUM_USERS, 1), dtype=jnp.float32)
    item_biases = jax.random.normal(k6, (NUM_ITEMS, 1), dtype=jnp.float32)
    global_bias = jnp.zeros((1,), dtype=jnp.float32)
    return {
        "user_ids": user_ids,
        "item_ids": item_ids,
        "user_factors": user_factors,
        "item_factors": item_factors,
        "user_biases": user_biases,
        "item_biases": item_biases,
        "global_bias": global_bias,
    }

def reference(user_ids, item_ids, user_factors, item_factors, user_biases, item_biases, global_bias):
    user_vec = jnp.take(user_factors, user_ids, axis=0)
    item_vec = jnp.take(item_factors, item_ids, axis=0)
    user_bias = jnp.take(user_biases, user_ids, axis=0).squeeze(-1)
    item_bias = jnp.take(item_biases, item_ids, axis=0).squeeze(-1)
    dot = (user_vec * item_vec).sum(axis=1)
    return dot + user_bias + item_bias + global_bias

if __name__ == "__main__":
    import jax
    _d = setup_inputs()
    print(jax.jit(kernel)(*tuple(_d.values())))

</pallas_src>

<mosaic_0001>
#map = affine_map<(d0, d1) -> (0)>
#map1 = affine_map<(d0, d1) -> (0, 0)>
#map2 = affine_map<(d0, d1) -> (0, 0, 0)>
module attributes {stable_mosaic.version = 14 : i64} {
  func.func @_sc_body(%arg0: i32, %arg1: i32, %arg2: memref<16384xi32, #tpu.memory_space<hbm>>, %arg3: memref<16384xi32, #tpu.memory_space<hbm>>, %arg4: memref<1000000x64xf32, #tpu.memory_space<hbm>>, %arg5: memref<100000x64xf32, #tpu.memory_space<hbm>>, %arg6: memref<1000000xf32, #tpu.memory_space<hbm>>, %arg7: memref<100000xf32, #tpu.memory_space<hbm>>, %arg8: memref<16xf32, #tpu.memory_space<hbm>>, %arg9: memref<8x8x64xf32, #tpu.memory_space<hbm>>, %arg10: memref<16384xf32, #tpu.memory_space<hbm>>, %arg11: memref<528xi32, #tpu.memory_space<vmem>>, %arg12: memref<528xi32, #tpu.memory_space<vmem>>, %arg13: memref<6x8x8x64xf32, #tpu.memory_space<vmem>>, %arg14: memref<6x8x8x64xf32, #tpu.memory_space<vmem>>, %arg15: memref<512xf32, #tpu.memory_space<vmem>>, %arg16: memref<512xf32, #tpu.memory_space<vmem>>, %arg17: memref<16xf32, #tpu.memory_space<vmem>>, %arg18: memref<512xf32, #tpu.memory_space<vmem>>, %arg19: memref<!tpu.dma_semaphore, #tpu.memory_space<semaphore_mem>>, %arg20: memref<6x!tpu.dma_semaphore, #tpu.memory_space<semaphore_mem>>) attributes {dimension_semantics = [#tpu.dimension_semantics<core_parallel>, #tpu.dimension_semantics<subcore_parallel>], iteration_bounds = array<i64: 2, 16>, scalar_prefetch = 0 : i64, scratch_operands = 10 : i64, tpu.core_type = #tpu.core_type<sc_vector_subcore>, window_params = [{transform_indices = #map}, {transform_indices = #map}, {transform_indices = #map1}, {transform_indices = #map1}, {transform_indices = #map}, {transform_indices = #map}, {transform_indices = #map}, {transform_indices = #map2}, {transform_indices = #map}]} {
    %mul3A = arith.constant 2 : i32
    %mul3A_0 = arith.muli %arg1, %mul3A : i32
    %add3A = arith.addi %mul3A_0, %arg0 : i32
    %mul3A_1 = arith.constant 512 : i32
    %mul3A_2 = arith.muli %add3A, %mul3A_1 : i32
    "tpu.region"() ({
      %run_scoped3A = tpu.sem_alloc : memref<!tpu.dma_semaphore, #tpu.memory_space<semaphore_mem>>
      %dma_start3A_1782 = arith.constant 0 : i32
      %dma_start3A_1783 = tpu.memref_slice %arg11[%dma_start3A_1782] : memref<528xi32, #tpu.memory_space<vmem>> -> memref<512xi32, #tpu.memory_space<vmem>>
      %dma_start3A_1784 = tpu.memref_slice %arg2[%mul3A_2] : memref<16384xi32, #tpu.memory_space<hbm>> -> memref<512xi32, #tpu.memory_space<hbm>>
      %dma_start3A_1785 = arith.constant 0 : i32
      %dma_start3A_1786 = tpu.memref_slice %arg11[%dma_start3A_1785] : memref<528xi32, #tpu.memory_space<vmem>> -> memref<512xi32, #tpu.memory_space<vmem>>
      %dma_start3A_1787 = tpu.memref_slice %arg2[%mul3A_2] : memref<16384xi32, #tpu.memory_space<hbm>> -> memref<512xi32, #tpu.memory_space<hbm>>
      tpu.enqueue_dma source(%dma_start3A_1787 : memref<512xi32, #tpu.memory_space<hbm>>) target(%dma_start3A_1786 : memref<512xi32, #tpu.memory_space<vmem>>) target_semaphore(%run_scoped3A : memref<!tpu.dma_semaphore, #tpu.memory_space<semaphore_mem>>)
      %dma_wait3A_1788 = arith.constant 0 : i32
      %dma_wait3A_1789 = tpu.memref_slice %arg11[%dma_wait3A_1788] : memref<528xi32, #tpu.memory_space<vmem>> -> memref<512xi32, #tpu.memory_space<vmem>>
      %dma_wait3A_1790 = tpu.memref_slice %arg2[%mul3A_2] : memref<16384xi32, #tpu.memory_space<hbm>> -> memref<512xi32, #tpu.memory_space<hbm>>
      %dma_wait3A_1791 = arith.constant 0 : i32
      %dma_wait3A_1792 = tpu.memref_slice %arg11[%dma_wait3A_1791] : memref<528xi32, #tpu.memory_space<vmem>> -> memref<512xi32, #tpu.memory_space<vmem>>
      %dma_wait3A_1793 = tpu.memref_slice %arg2[%mul3A_2] : memref<16384xi32, #tpu.memory_space<hbm>> -> memref<512xi32, #tpu.memory_space<hbm>>
      tpu.wait_dma2 semaphore(%run_scoped3A : memref<!tpu.dma_semaphore, #tpu.memory_space<semaphore_mem>>) src(%dma_wait3A_1793 : memref<512xi32, #tpu.memory_space<hbm>>) dst(%dma_wait3A_1792 : memref<512xi32, #tpu.memory_space<vmem>>)
      tpu.yield
    }) : () -> ()
    "tpu.region"() ({
      %run_scoped3A = tpu.sem_alloc : memref<!tpu.dma_semaphore, #tpu.memory_space<semaphore_mem>>
      %dma_start3A_1782 = arith.constant 0 : i32
      %dma_start3A_1783 = tpu.memref_slice %arg12[%dma_start3A_1782] : memref<528xi32, #tpu.memory_space<vmem>> -> memref<512xi32, #tpu.memory_space<vmem>>
      %dma_start3A_1784 = tpu.memref_slice %arg3[%mul3A_2] : memref<16384xi32, #tpu.memory_space<hbm>> -> memref<512xi32, #tpu.memory_space<hbm>>
      %dma_start3A_1785 = arith.constant 0 : i32
      %dma_start3A_1786 = tpu.memref_slice %arg12[%dma_start3A_1785] : memref<528xi32, #tpu.memory_space<vmem>> -> memref<512xi32, #tpu.memory_space<vmem>>
      %dma_start3A_1787 = tpu.memref_slice %arg3[%mul3A_2] : memref<16384xi32, #tpu.memory_space<hbm>> -> memref<512xi32, #tpu.memory_space<hbm>>
      tpu.enqueue_dma source(%dma_start3A_1787 : memref<512xi32, #tpu.memory_space<hbm>>) target(%dma_start3A_1786 : memref<512xi32, #tpu.memory_space<vmem>>) target_semaphore(%run_scoped3A : memref<!tpu.dma_semaphore, #tpu.memory_space<semaphore_mem>>)
      %dma_wait3A_1788 = arith.constant 0 : i32
      %dma_wait3A_1789 = tpu.memref_slice %arg12[%dma_wait3A_1788] : memref<528xi32, #tpu.memory_space<vmem>> -> memref<512xi32, #tpu.memory_space<vmem>>
      %dma_wait3A_1790 = tpu.memref_slice %arg3[%mul3A_2] : memref<16384xi32, #tpu.memory_space<hbm>> -> memref<512xi32, #tpu.memory_space<hbm>>
      %dma_wait3A_1791 = arith.constant 0 : i32
      %dma_wait3A_1792 = tpu.memref_slice %arg12[%dma_wait3A_1791] : memref<528xi32, #tpu.memory_space<vmem>> -> memref<512xi32, #tpu.memory_space<vmem>>
      %dma_wait3A_1793 = tpu.memref_slice %arg3[%mul3A_2] : memref<16384xi32, #tpu.memory_space<hbm>> -> memref<512xi32, #tpu.memory_space<hbm>>
      tpu.wait_dma2 semaphore(%run_scoped3A : memref<!tpu.dma_semaphore, #tpu.memory_space<semaphore_mem>>) src(%dma_wait3A_1793 : memref<512xi32, #tpu.memory_space<hbm>>) dst(%dma_wait3A_1792 : memref<512xi32, #tpu.memory_space<vmem>>)
      tpu.yield
    }) : () -> ()
    "tpu.region"() ({
      %run_scoped3A = tpu.sem_alloc : memref<!tpu.dma_semaphore, #tpu.memory_space<semaphore_mem>>
      tpu.enqueue_dma source(%arg8 : memref<16xf32, #tpu.memory_space<hbm>>) target(%arg17 : memref<16xf32, #tpu.memory_space<vmem>>) target_semaphore(%run_scoped3A : memref<!tpu.dma_semaphore, #tpu.memory_space<semaphore_mem>>)
      tpu.wait_dma2 semaphore(%run_scoped3A : memref<!tpu.dma_semaphore, #tpu.memory_space<semaphore_mem>>) src(%arg8 : memref<16xf32, #tpu.memory_space<hbm>>) dst(%arg17 : memref<16xf32, #tpu.memory_space<vmem>>)
      tpu.yield
    }) : () -> ()
    %dma_start3A = arith.constant 0 : i32
    %dma_start3A_3 = tpu.memref_slice %arg15[%dma_start3A] : memref<512xf32, #tpu.memory_space<vmem>> -> memref<128xf32, #tpu.memory_space<vmem>>
    %dma_start3A_4 = arith.constant 0 : i32
    %dma_start3A_5 = tpu.memref_slice %arg11[%dma_start3A_4] : memref<528xi32, #tpu.memory_space<vmem>> -> memref<128xi32, #tpu.memory_space<vmem>>
    %dma_start3A_6 = arith.constant 0 : i32
    %dma_start3A_7 = tpu.memref_slice %arg6[%dma_start3A_6] : memref<1000000xf32, #tpu.memory_space<hbm>> -> memref<1000000xf32, #tpu.memory_space<hbm>>
    tpu.enqueue_indirect_dma source(%dma_start3A_7 : memref<1000000xf32, #tpu.memory_space<hbm>>) target(%dma_start3A_3 : memref<128xf32, #tpu.memory_space<vmem>>) offsets(%dma_start3A_5 : memref<128xi32, #tpu.memory_space<vmem>>) semaphore(%arg19 : memref<!tpu.dma_semaphore, #tpu.memory_space<semaphore_mem>>)
    %dma_start3A_8 = arith.constant 0 : i32
    %dma_start3A_9 = tpu.memref_slice %arg16[%dma_start3A_8] : memref<512xf32, #tpu.memory_space<vmem>> -> memref<128xf32, #tpu.memory_space<vmem>>
    %dma_start3A_10 = arith.constant 0 : i32
    %dma_start3A_11 = tpu.memref_slice %arg12[%dma_start3A_10] : memref<528xi32, #tpu.memory_space<vmem>> -> memref<128xi32, #tpu.memory_space<vmem>>
    %dma_start3A_12 = arith.constant 0 : i32
    %dma_start3A_13 = tpu.memref_slice %arg7[%dma_start3A_12] : memref<100000xf32, #tpu.memory_space<hbm>> -> memref<100000xf32, #tpu.memory_space<hbm>>
    tpu.enqueue_indirect_dma source(%dma_start3A_13 : memref<100000xf32, #tpu.memory_space<hbm>>) target(%dma_start3A_9 : memref<128xf32, #tpu.memory_space<vmem>>) offsets(%dma_start3A_11 : memref<128xi32, #tpu.memory_space<vmem>>) semaphore(%arg19 : memref<!tpu.dma_semaphore, #tpu.memory_space<semaphore_mem>>)
    %dma_start3A_14 = arith.constant 128 : i32
    %dma_start3A_15 = tpu.memref_slice %arg15[%dma_start3A_14] : memref<512xf32, #tpu.memory_space<vmem>> -> memref<128xf32, #tpu.memory_space<vmem>>
    %dma_start3A_16 = arith.constant 128 : i32
    %dma_start3A_17 = tpu.memref_slice %arg11[%dma_start3A_16] : memref<528xi32, #tpu.memory_space<vmem>> -> memref<128xi32, #tpu.memory_space<vmem>>
    %dma_start3A_18 = arith.constant 0 : i32
    %dma_start3A_19 = tpu.memref_slice %arg6[%dma_start3A_18] : memref<1000000xf32, #tpu.memory_space<hbm>> -> memref<1000000xf32, #tpu.memory_space<hbm>>
    tpu.enqueue_indirect_dma source(%dma_start3A_19 : memref<1000000xf32, #tpu.memory_space<hbm>>) target(%dma_start3A_15 : memref<128xf32, #tpu.memory_space<vmem>>) offsets(%dma_start3A_17 : memref<128xi32, #tpu.memory_space<vmem>>) semaphore(%arg19 : memref<!tpu.dma_semaphore, #tpu.memory_space<semaphore_mem>>)
    %dma_start3A_20 = arith.constant 128 : i32
    %dma_start3A_21 = tpu.memref_slice %arg16[%dma_start3A_20] : memref<512xf32, #tpu.memory_space<vmem>> -> memref<128xf32, #tpu.memory_space<vmem>>
    %dma_start3A_22 = arith.constant 128 : i32
    %dma_start3A_23 = tpu.memref_slice %arg12[%dma_start3A_22] : memref<528xi32, #tpu.memory_space<vmem>> -> memref<128xi32, #tpu.memory_space<vmem>>
    %dma_start3A_24 = arith.constant 0 : i32
    %dma_start3A_25 = tpu.memref_slice %arg7[%dma_start3A_24] : memref<100000xf32, #tpu.memory_space<hbm>> -> memref<100000xf32, #tpu.memory_space<hbm>>
    tpu.enqueue_indirect_dma source(%dma_start3A_25 : memref<100000xf32, #tpu.memory_space<hbm>>) target(%dma_start3A_21 : memref<128xf32, #tpu.memory_space<vmem>>) offsets(%dma_start3A_23 : memref<128xi32, #tpu.memory_space<vmem>>) semaphore(%arg19 : memref<!tpu.dma_semaphore, #tpu.memory_space<semaphore_mem>>)
    %dma_start3A_26 = arith.constant 256 : i32
    %dma_start3A_27 = tpu.memref_slice %arg15[%dma_start3A_26] : memref<512xf32, #tpu.memory_space<vmem>> -> memref<128xf32, #tpu.memory_space<vmem>>
    %dma_start3A_28 = arith.constant 256 : i32
    %dma_start3A_29 = tpu.memref_slice %arg11[%dma_start3A_28] : memref<528xi32, #tpu.memory_space<vmem>> -> memref<128xi32, #tpu.memory_space<vmem>>
    %dma_start3A_30 = arith.constant 0 : i32
    %dma_start3A_31 = tpu.memref_slice %arg6[%dma_start3A_30] : memref<1000000xf32, #tpu.memory_space<hbm>> -> memref<1000000xf32, #tpu.memory_space<hbm>>
    tpu.enqueue_indirect_dma source(%dma_start3A_31 : memref<1000000xf32, #tpu.memory_space<hbm>>) target(%dma_start3A_27 : memref<128xf32, #tpu.memory_space<vmem>>) offsets(%dma_start3A_29 : memref<128xi32, #tpu.memory_space<vmem>>) semaphore(%arg19 : memref<!tpu.dma_semaphore, #tpu.memory_space<semaphore_mem>>)
    %dma_start3A_32 = arith.constant 256 : i32
    %dma_start3A_33 = tpu.memref_slice %arg16[%dma_start3A_32] : memref<512xf32, #tpu.memory_space<vmem>> -> memref<128xf32, #tpu.memory_space<vmem>>
    %dma_start3A_34 = arith.constant 256 : i32
    %dma_start3A_35 = tpu.memref_slice %arg12[%dma_start3A_34] : memref<528xi32, #tpu.memory_space<vmem>> -> memref<128xi32, #tpu.memory_space<vmem>>
    %dma_start3A_36 = arith.constant 0 : i32
    %dma_start3A_37 = tpu.memref_slice %arg7[%dma_start3A_36] : memref<100000xf32, #tpu.memory_space<hbm>> -> memref<100000xf32, #tpu.memory_space<hbm>>
    tpu.enqueue_indirect_dma source(%dma_start3A_37 : memref<100000xf32, #tpu.memory_space<hbm>>) target(%dma_start3A_33 : memref<128xf32, #tpu.memory_space<vmem>>) offsets(%dma_start3A_35 : memref<128xi32, #tpu.memory_space<vmem>>) semaphore(%arg19 : memref<!tpu.dma_semaphore, #tpu.memory_space<semaphore_mem>>)
    %dma_start3A_38 = arith.constant 384 : i32
    %dma_start3A_39 = tpu.memref_slice %arg15[%dma_start3A_38] : memref<512xf32, #tpu.memory_space<vmem>> -> memref<128xf32, #tpu.memory_space<vmem>>
    %dma_start3A_40 = arith.constant 384 : i32
    %dma_start3A_41 = tpu.memref_slice %arg11[%dma_start3A_40] : memref<528xi32, #tpu.memory_space<vmem>> -> memref<128xi32, #tpu.memory_space<vmem>>
    %dma_start3A_42 = arith.constant 0 : i32
    %dma_start3A_43 = tpu.memref_slice %arg6[%dma_start3A_42] : memref<1000000xf32, #tpu.memory_space<hbm>> -> memref<1000000xf32, #tpu.memory_space<hbm>>
    tpu.enqueue_indirect_dma source(%dma_start3A_43 : memref<1000000xf32, #tpu.memory_space<hbm>>) target(%dma_start3A_39 : memref<128xf32, #tpu.memory_space<vmem>>) offsets(%dma_start3A_41 : memref<128xi32, #tpu.memory_space<vmem>>) semaphore(%arg19 : memref<!tpu.dma_semaphore, #tpu.memory_space<semaphore_mem>>)
    %dma_start3A_44 = arith.constant 384 : i32
    %dma_start3A_45 = tpu.memref_slice %arg16[%dma_start3A_44] : memref<512xf32, #tpu.memory_space<vmem>> -> memref<128xf32, #tpu.memory_space<vmem>>
    %dma_start3A_46 = arith.constant 384 : i32
    %dma_start3A_47 = tpu.memref_slice %arg12[%dma_start3A_46] : memref<528xi32, #tpu.memory_space<vmem>> -> memref<128xi32, #tpu.memory_space<vmem>>
    %dma_start3A_48 = arith.constant 0 : i32
    %dma_start3A_49 = tpu.memref_slice %arg7[%dma_start3A_48] : memref<100000xf32, #tpu.memory_space<hbm>> -> memref<100000xf32, #tpu.memory_space<hbm>>
    tpu.enqueue_indirect_dma source(%dma_start3A_49 : memref<100000xf32, #tpu.memory_space<hbm>>) target(%dma_start3A_45 : memref<128xf32, #tpu.memory_space<vmem>>) offsets(%dma_start3A_47 : memref<128xi32, #tpu.memory_space<vmem>>) semaphore(%arg19 : memref<!tpu.dma_semaphore, #tpu.memory_space<semaphore_mem>>)
    %iota3A = tpu.iota {dimensions = array<i32: 0>} : vector<16xi32>
    %get3A = arith.constant 0 : index
    %get3A_50 = tpu.vector_load %arg11[%get3A] {strides = array<i32>} : memref<528xi32, #tpu.memory_space<vmem>>, vector<16xi32>,
    %get3A_51 = arith.constant 0 : index
    %get3A_52 = tpu.vector_load %arg12[%get3A_51] {strides = array<i32>} : memref<528xi32, #tpu.memory_space<vmem>>, vector<16xi32>,
    %shift_right_arithmetic3A = arith.constant 3 : i32
    %shift_right_arithmetic3A_53 = vector.broadcast %shift_right_arithmetic3A : i32 to vector<16xi32>
    %shift_right_arithmetic3A_54 = arith.shrsi %get3A_50, %shift_right_arithmetic3A_53 : vector<16xi32>
    %shift_left3A = arith.constant 3 : i32
    %shift_left3A_55 = vector.broadcast %shift_left3A : i32 to vector<16xi32>
    %shift_left3A_56 = arith.shli %shift_right_arithmetic3A_54, %shift_left3A_55 : vector<16xi32>
    %shift_right_arithmetic3A_57 = arith.constant 3 : i32
    %shift_right_arithmetic3A_58 = vector.broadcast %shift_right_arithmetic3A_57 : i32 to vector<16xi32>
    %shift_right_arithmetic3A_59 = arith.shrsi %get3A_52, %shift_right_arithmetic3A_58 : vector<16xi32>
    %shift_left3A_60 = arith.constant 3 : i32
    %shift_left3A_61 = vector.broadcast %shift_left3A_60 : i32 to vector<16xi32>
    %shift_left3A_62 = arith.shli %shift_right_arithmetic3A_59, %shift_left3A_61 : vector<16xi32>
    %slice3A = vector.extract_strided_slice %shift_left3A_56 {offsets = [0], sizes = [1], strides = [1]} : vector<16xi32> to vector<1xi32>
    %squeeze3A = vector.extract %slice3A[0] : i32 from vector<1xi32>
    %multiple_of3A = tpu.assume_multiple %squeeze3A, 8 : i32
    %slice3A_63 = vector.extract_strided_slice %shift_left3A_62 {offsets = [0], sizes = [1], strides = [1]} : vector<16xi32> to vector<1xi32>
    %squeeze3A_64 = vector.extract %slice3A_63[0] : i32 from vector<1xi32>
    %multiple_of3A_65 = tpu.assume_multiple %squeeze3A_64, 8 : i32
    %dma_start3A_66 = arith.constant 0 : i32
    %dma_start3A_67 = arith.constant 0 : i32
    %dma_start3A_68 = arith.constant 0 : i32
    %dma_start3A_69 = arith.constant 0 : i32
    %dma_start3A_70 = arith.constant 0 : i32
    %dma_start3A_71 = tpu.memref_slice %arg13[%dma_start3A_66, %dma_start3A_67, %dma_start3A_69, %dma_start3A_70] : memref<6x8x8x64xf32, #tpu.memory_space<vmem>> -> memref<1x1x8x64xf32, #tpu.memory_space<vmem>>
    %dma_start3A_72 = tpu.memref_squeeze %dma_start3A_71 : memref<1x1x8x64xf32, #tpu.memory_space<vmem>> -> memref<8x64xf32, #tpu.memory_space<vmem>>
    %dma_start3A_73 = arith.constant 0 : i32
    %dma_start3A_74 = tpu.memref_slice %arg4[%multiple_of3A, %dma_start3A_73] : memref<1000000x64xf32, #tpu.memory_space<hbm>> -> memref<8x64xf32, #tpu.memory_space<hbm>>
    %dma_start3A_75 = tpu.memref_slice %arg20[%dma_start3A_68] : memref<6x!tpu.dma_semaphore, #tpu.memory_space<semaphore_mem>> -> memref<1x!tpu.dma_semaphore, #tpu.memory_space<semaphore_mem>>
    %dma_start3A_76 = tpu.memref_squeeze %dma_start3A_75 : memref<1x!tpu.dma_semaphore, #tpu.memory_space<semaphore_mem>> -> memref<!tpu.dma_semaphore, #tpu.memory_space<semaphore_mem>>
    %dma_start3A_77 = arith.constant 0 : i32
    %dma_start3A_78 = arith.constant 0 : i32
    %dma_start3A_79 = tpu.memref_slice %arg13[%dma_start3A_66, %dma_start3A_67, %dma_start3A_77, %dma_start3A_78] : memref<6x8x8x64xf32, #tpu.memory_space<vmem>> -> memref<1x1x8x64xf32, #tpu.memory_space<vmem>>
    %dma_start3A_80 = tpu.memref_squeeze %dma_start3A_79 : memref<1x1x8x64xf32, #tpu.memory_space<vmem>> -> memref<8x64xf32, #tpu.memory_space<vmem>>
    %dma_start3A_81 = arith.constant 0 : i32
    %dma_start3A_82 = tpu.memref_slice %arg4[%multiple_of3A, %dma_start3A_81] : memref<1000000x64xf32, #tpu.memory_space<hbm>> -> memref<8x64xf32, #tpu.memory_space<hbm>>
    tpu.enqueue_dma source(%dma_start3A_82 : memref<8x64xf32, #tpu.memory_space<hbm>>) target(%dma_start3A_80 : memref<8x64xf32, #tpu.memory_space<vmem>>) target_semaphore(%dma_start3A_76 : memref<!tpu.dma_semaphore, #tpu.memory_space<semaphore_mem>>)
    %dma_start3A_83 = arith.constant 0 : i32
    %dma_start3A_84 = arith.constant 0 : i32
    %dma_start3A_85 = arith.constant 0 : i32
    %dma_start3A_86 = arith.constant 0 : i32
    %dma_start3A_87 = arith.constant 0 : i32
    %dma_start3A_88 = tpu.memref_slice %arg14[%dma_start3A_83, %dma_start3A_84, %dma_start3A_86, %dma_start3A_87] : memref<6x8x8x64xf32, #tpu.memory_space<vmem>> -> memref<1x1x8x64xf32, #tpu.memory_space<vmem>>
    %dma_start3A_89 = tpu.memref_squeeze %dma_start3A_88 : memref<1x1x8x64xf32, #tpu.memory_space<vmem>> -> memref<8x64xf32, #tpu.memory_space<vmem>>
    %dma_start3A_90 = arith.constant 0 : i32
    %dma_start3A_91 = tpu.memref_slice %arg5[%multiple_of3A_65, %dma_start3A_90] : memref<100000x64xf32, #tpu.memory_space<hbm>> -> memref<8x64xf32, #tpu.memory_space<hbm>>
    %dma_start3A_92 = tpu.memref_slice %arg20[%dma_start3A_85] : memref<6x!tpu.dma_semaphore, #tpu.memory_space<semaphore_mem>> -> memref<1x!tpu.dma_semaphore, #tpu.memory_space<semaphore_mem>>
    %dma_start3A_93 = tpu.memref_squeeze %dma_start3A_92 : memref<1x!tpu.dma_semaphore, #tpu.memory_space<semaphore_mem>> -> memref<!tpu.dma_semaphore, #tpu.memory_space<semaphore_mem>>
    %dma_start3A_94 = arith.constant 0 : i32
    %dma_start3A_95 = arith.constant 0 : i32
    %dma_start3A_96 = tpu.memref_slice %arg14[%dma_start3A_83, %dma_start3A_84, %dma_start3A_94, %dma_start3A_95] : memref<6x8x8x64xf32, #tpu.memory_space<vmem>> -> memref<1x1x8x64xf32, #tpu.memory_space<vmem>>
    %dma_start3A_97 = tpu.memref_squeeze %dma_start3A_96 : memref<1x1x8x64xf32, #tpu.memory_space<vmem>> -> memref<8x64xf32, #tpu.memory_space<vmem>>
    %dma_start3A_98 = arith.constant 0 : i32
    %dma_start3A_99 = tpu.memref_slice %arg5[%multiple_of3A_65, %dma_start3A_98] : memref<100000x64xf32, #tpu.memory_space<hbm>> -> memref<8x64xf32, #tpu.memory_space<hbm>>
    tpu.enqueue_dma source(%dma_start3A_99 : memref<8x64xf32, #tpu.memory_space<hbm>>) target(%dma_start3A_97 : memref<8x64xf32, #tpu.memory_space<vmem>>) target_semaphore(%dma_start3A_93 : memref<!tpu.dma_semaphore, #tpu.memory_space<semaphore_mem>>)
    %slice3A_100 = vector.extract_strided_slice %shift_left3A_56 {offsets = [1], sizes = [1], strides = [1]} : vector<16xi32> to vector<1xi32>
    %squeeze3A_101 = vector.extract %slice3A_100[0] : i32 from vector<1xi32>
    %multiple_of3A_102 = tpu.assume_multiple %squeeze3A_101, 8 : i32
    %slice3A_103 = vector.extract_strided_slice %shift_left3A_62 {offsets = [1], sizes = [1], strides = [1]} : vector<16xi32> to vector<1xi32>
    %squeeze3A_104 = vector.extract %slice3A_103[0] : i32 from vector<1xi32>
    %multiple_of3A_105 = tpu.assume_multiple %squeeze3A_104, 8 : i32
    %dma_start3A_106 = arith.constant 0 : i32
    %dma_start3A_107 = arith.constant 1 : i32
    %dma_start3A_108 = arith.constant 0 : i32
    %dma_start3A_109 = arith.constant 0 : i32
    %dma_start3A_110 = arith.constant 0 : i32
    %dma_start3A_111 = tpu.memref_slice %arg13[%dma_start3A_106, %dma_start3A_107, %dma_start3A_109, %dma_start3A_110] : memref<6x8x8x64xf32, #tpu.memory_space<vmem>> -> memref<1x1x8x64xf32, #tpu.memory_space<vmem>>
    %dma_start3A_112 = tpu.memref_squeeze %dma_start3A_111 : memref<1x1x8x64xf32, #tpu.memory_space<vmem>> -> memref<8x64xf32, #tpu.memory_space<vmem>>
    %dma_start3A_113 = arith.constant 0 : i32
    %dma_start3A_114 = tpu.memref_slice %arg4[%multiple_of3A_102, %dma_start3A_113] : memref<1000000x64xf32, #tpu.memory_space<hbm>> -> memref<8x64xf32, #tpu.memory_space<hbm>>
    %dma_start3A_115 = tpu.memref_slice %arg20[%dma_start3A_108] : memref<6x!tpu.dma_semaphore, #tpu.memory_space<semaphore_mem>> -> memref<1x!tpu.dma_semaphore, #tpu.memory_space<semaphore_mem>>
    %dma_start3A_116 = tpu.memref_squeeze %dma_start3A_115 : memref<1x!tpu.dma_semaphore, #tpu.memory_space<semaphore_mem>> -> memref<!tpu.dma_semaphore, #tpu.memory_space<semaphore_mem>>
    %dma_start3A_117 = arith.constant 0 : i32
    %dma_start3A_118 = arith.constant 0 : i32
    %dma_start3A_119 = tpu.memref_slice %arg13[%dma_start3A_106, %dma_start3A_107, %dma_start3A_117, %dma_start3A_118] : memref<6x8x8x64xf32, #tpu.memory_space<vmem>> -> memref<1x1x8x64xf32, #tpu.memory_space<vmem>>
    %dma_start3A_120 = tpu.memref_squeeze %dma_start3A_119 : memref<1x1x8x64xf32, #tpu.memory_space<vmem>> -> memref<8x64xf32, #tpu.memory_space<vmem>>
    %dma_start3A_121 = arith.constant 0 : i32
    %dma_start3A_122 = tpu.memref_slice %arg4[%multiple_of3A_102, %dma_start3A_121] : memref<1000000x64xf32, #tpu.memory_space<hbm>> -> memref<8x64xf32, #tpu.memory_space<hbm>>
    tpu.enqueue_dma source(%dma_start3A_122 : memref<8x64xf32, #tpu.memory_space<hbm>>) target(%dma_start3A_120 : memref<8x64xf32, #tpu.memory_space<vmem>>) target_semaphore(%dma_start3A_116 : memref<!tpu.dma_semaphore, #tpu.memory_space<semaphore_mem>>)
    %dma_start3A_123 = arith.constant 0 : i32
    %dma_start3A_124 = arith.constant 1 : i32
    %dma_start3A_125 = arith.constant 0 : i32
    %dma_start3A_126 = arith.constant 0 : i32
    %dma_start3A_127 = arith.constant 0 : i32
    %dma_start3A_128 = tpu.memref_slice %arg14[%dma_start3A_123, %dma_start3A_124, %dma_start3A_126, %dma_start3A_127] : memref<6x8x8x64xf32, #tpu.memory_space<vmem>> -> memref<1x1x8x64xf32, #tpu.memory_space<vmem>>
    %dma_start3A_129 = tpu.memref_squeeze %dma_start3A_128 : memref<1x1x8x64xf32, #tpu.memory_space<vmem>> -> memref<8x64xf32, #tpu.memory_space<vmem>>
    %dma_start3A_130 = arith.constant 0 : i32
    %dma_start3A_131 = tpu.memref_slice %arg5[%multiple_of3A_105, %dma_start3A_130] : memref<100000x64xf32, #tpu.memory_space<hbm>> -> memref<8x64xf32, #tpu.memory_space<hbm>>
    %dma_start3A_132 = tpu.memref_slice %arg20[%dma_start3A_125] : memref<6x!tpu.dma_semaphore, #tpu.memory_space<semaphore_mem>> -> memref<1x!tpu.dma_semaphore, #tpu.memory_space<semaphore_mem>>
    %dma_start3A_133 = tpu.memref_squeeze %dma_start3A_132 : memref<1x!tpu.dma_semaphore, #tpu.memory_space<semaphore_mem>> -> memref<!tpu.dma_semaphore, #tpu.memory_space<semaphore_mem>>
    %dma_start3A_134 = arith.constant 0 : i32
    %dma_start3A_135 = arith.constant 0 : i32
    %dma_start3A_136 = tpu.memref_slice %arg14[%dma_start3A_123, %dma_start3A_124, %dma_start3A_134, %dma_start3A_135] : memref<6x8x8x64xf32, #tpu.memory_space<vmem>> -> memref<1x1x8x64xf32, #tpu.memory_space<vmem>>
    %dma_start3A_137 = tpu.memref_squeeze %dma_start3A_136 : memref<1x1x8x64xf32, #tpu.memory_space<vmem>> -> memref<8x64xf32, #tpu.memory_space<vmem>>
    %dma_start3A_138 = arith.constant 0 : i32
    %dma_start3A_139 = tpu.memref_slice %arg5[%multiple_of3A_105, %dma_start3A_138] : memref<100000x64xf32, #tpu.memory_space<hbm>> -> memref<8x64xf32, #tpu.memory_space<hbm>>
    tpu.enqueue_dma source(%dma_start3A_139 : memref<8x64xf32, #tpu.memory_space<hbm>>) target(%dma_start3A_137 : memref<8x64xf32, #tpu.memory_space<vmem>>) target_semaphore(%dma_start3A_133 : memref<!tpu.dma_semaphore, #tpu.memory_space<semaphore_mem>>)
    %slice3A_140 = vector.extract_strided_slice %shift_left3A_56 {offsets = [2], sizes = [1], strides = [1]} : vector<16xi32> to vector<1xi32>
    %squeeze3A_141 = vector.extract %slice3A_140[0] : i32 from vector<1xi32>
    %multiple_of3A_142 = tpu.assume_multiple %squeeze3A_141, 8 : i32
    %slice3A_143 = vector.extract_strided_slice %shift_left3A_62 {offsets = [2], sizes = [1], strides = [1]} : vector<16xi32> to vector<1xi32>
    %squeeze3A_144 = vector.extract %slice3A_143[0] : i32 from vector<1xi32>
    %multiple_of3A_145 = tpu.assume_multiple %squeeze3A_144, 8 : i32
    %dma_start3A_146 = arith.constant 0 : i32
    %dma_start3A_147 = arith.constant 2 : i32
    %dma_start3A_148 = arith.constant 0 : i32
    %dma_start3A_149 = arith.constant 0 : i32
    %dma_start3A_150 = arith.constant 0 : i32
    %dma_start3A_151 = tpu.memref_slice %arg13[%dma_start3A_146, %dma_start3A_147, %dma_start3A_149, %dma_start3A_150] : memref<6x8x8x64xf32, #tpu.memory_space<vmem>> -> memref<1x1x8x64xf32, #tpu.memory_space<vmem>>
    %dma_start3A_152 = tpu.memref_squeeze %dma_start3A_151 : memref<1x1x8x64xf32, #tpu.memory_space<vmem>> -> memref<8x64xf32, #tpu.memory_space<vmem>>
    %dma_start3A_153 = arith.constant 0 : i32
    %dma_start3A_154 = tpu.memref_slice %arg4[%multiple_of3A_142, %dma_start3A_153] : memref<1000000x64xf32, #tpu.memory_space<hbm>> -> memref<8x64xf32, #tpu.memory_space<hbm>>
    %dma_start3A_155 = tpu.memref_slice %arg20[%dma_start3A_148] : memref<6x!tpu.dma_semaphore, #tpu.memory_space<semaphore_mem>> -> memref<1x!tpu.dma_semaphore, #tpu.memory_space<semaphore_mem>>
    %dma_start3A_156 = tpu.memref_squeeze %dma_start3A_155 : memref<1x!tpu.dma_semaphore, #tpu.memory_space<semaphore_mem>> -> memref<!tpu.dma_semaphore, #tpu.memory_space<semaphore_mem>>
    %dma_start3A_157 = arith.constant 0 : i32
    %dma_start3A_158 = arith.constant 0 : i32
    %dma_start3A_159 = tpu.memref_slice %arg13[%dma_start3A_146, %dma_start3A_147, %dma_start3A_157, %dma_start3A_158] : memref<6x8x8x64xf32, #tpu.memory_space<vmem>> -> memref<1x1x8x64xf32, #tpu.memory_space<vmem>>
    %dma_start3A_160 = tpu.memref_squeeze %dma_start3A_159 : memref<1x1x8x64xf32, #tpu.memory_space<vmem>> -> memref<8x64xf32, #tpu.memory_space<vmem>>
    %dma_start3A_161 = arith.constant 0 : i32
    %dma_start3A_162 = tpu.memref_slice %arg4[%multiple_of3A_142, %dma_start3A_161] : memref<1000000x64xf32, #tpu.memory_space<hbm>> -> memref<8x64xf32, #tpu.memory_space<hbm>>
    tpu.enqueue_dma source(%dma_start3A_162 : memref<8x64xf32, #tpu.memory_space<hbm>>) target(%dma_start3A_160 : memref<8x64xf32, #tpu.memory_space<vmem>>) target_semaphore(%dma_start3A_156 : memref<!tpu.dma_semaphore, #tpu.memory_space<semaphore_mem>>)
    %dma_start3A_163 = arith.constant 0 : i32
    %dma_start3A_164 = arith.constant 2 : i32
    %dma_start3A_165 = arith.constant 0 : i32
    %dma_start3A_166 = arith.constant 0 : i32
    %dma_start3A_167 = arith.constant 0 : i32
    %dma_start3A_168 = tpu.memref_slice %arg14[%dma_start3A_163, %dma_start3A_164, %dma_start3A_166, %dma_start3A_167] : memref<6x8x8x64xf32, #tpu.memory_space<vmem>> -> memref<1x1x8x64xf32, #tpu.memory_space<vmem>>
    %dma_start3A_169 = tpu.memref_squeeze %dma_start3A_168 : memref<1x1x8x64xf32, #tpu.memory_space<vmem>> -> memref<8x64xf32, #tpu.memory_space<vmem>>
    %dma_start3A_170 = arith.constant 0 : i32
    %dma_start3A_171 = tpu.memref_slice %arg5[%multiple_of3A_145, %dma_start3A_170] : memref<100000x64xf32, #tpu.memory_space<hbm>> -> memref<8x64xf32, #tpu.memory_space<hbm>>
    %dma_start3A_172 = tpu.memref_slice %arg20[%dma_start3A_165] : memref<6x!tpu.dma_semaphore, #tpu.memory_space<semaphore_mem>> -> memref<1x!tpu.dma_semaphore, #tpu.memory_space<semaphore_mem>>
    %dma_start3A_173 = tpu.memref_squeeze %dma_start3A_172 : memref<1x!tpu.dma_semaphore, #tpu.memory_space<semaphore_mem>> -> memref<!tpu.dma_semaphore, #tpu.memory_space<semaphore_mem>>
    %dma_start3A_174 = arith.constant 0 : i32
    %dma_start3A_175 = arith.constant 0 : i32
    %dma_start3A_176 = tpu.memref_slice %arg14[%dma_start3A_163, %dma_start3A_164, %dma_start3A_174, %dma_start3A_175] : memref<6x8x8x64xf32, #tpu.memory_space<vmem>> -> memref<1x1x8x64xf32, #tpu.memory_space<vmem>>
    %dma_start3A_177 = tpu.memref_squeeze %dma_start3A_176 : memref<1x1x8x64xf32, #tpu.memory_space<vmem>> -> memref<8x64xf32, #tpu.memory_space<vmem>>
    %dma_start3A_178 = arith.constant 0 : i32
    %dma_start3A_179 = tpu.memref_slice %arg5[%multiple_of3A_145, %dma_start3A_178] : memref<100000x64xf32, #tpu.memory_space<hbm>> -> memref<8x64xf32, #tpu.memory_space<hbm>>
    tpu.enqueue_dma source(%dma_start3A_179 : memref<8x64xf32, #tpu.memory_space<hbm>>) target(%dma_start3A_177 : memref<8x64xf32, #tpu.memory_space<vmem>>) target_semaphore(%dma_start3A_173 : memref<!tpu.dma_semaphore, #tpu.memory_space<semaphore_mem>>)
    %slice3A_180 = vector.extract_strided_slice %shift_left3A_56 {offsets = [3], sizes = [1], strides = [1]} : vector<16xi32> to vector<1xi32>
    %squeeze3A_181 = vector.extract %slice3A_180[0] : i32 from vector<1xi32>
    %multiple_of3A_182 = tpu.assume_multiple %squeeze3A_181, 8 : i32
    %slice3A_183 = vector.extract_strided_slice %shift_left3A_62 {offsets = [3], sizes = [1], strides = [1]} : vector<16xi32> to vector<1xi32>
    %squeeze3A_184 = vector.extract %slice3A_183[0] : i32 from vector<1xi32>
    %multiple_of3A_185 = tpu.assume_multiple %squeeze3A_184, 8 : i32
    %dma_start3A_186 = arith.constant 0 : i32
    %dma_start3A_187 = arith.constant 3 : i32
    %dma_start3A_188 = arith.constant 0 : i32
    %dma_start3A_189 = arith.constant 0 : i32
    %dma_start3A_190 = arith.constant 0 : i32
    %dma_start3A_191 = tpu.memref_slice %arg13[%dma_start3A_186, %dma_start3A_187, %dma_start3A_189, %dma_start3A_190] : memref<6x8x8x64xf32, #tpu.memory_space<vmem>> -> memref<1x1x8x64xf32, #tpu.memory_space<vmem>>
    %dma_start3A_192 = tpu.memref_squeeze %dma_start3A_191 : memref<1x1x8x64xf32, #tpu.memory_space<vmem>> -> memref<8x64xf32, #tpu.memory_space<vmem>>
    %dma_start3A_193 = arith.constant 0 : i32
    %dma_start3A_194 = tpu.memref_slice %arg4[%multiple_of3A_182, %dma_start3A_193] : memref<1000000x64xf32, #tpu.memory_space<hbm>> -> memref<8x64xf32, #tpu.memory_space<hbm>>
    %dma_start3A_195 = tpu.memref_slice %arg20[%dma_start3A_188] : memref<6x!tpu.dma_semaphore, #tpu.memory_space<semaphore_mem>> -> memref<1x!tpu.dma_semaphore, #tpu.memory_space<semaphore_mem>>
    %dma_start3A_196 = tpu.memref_squeeze %dma_start3A_195 : memref<1x!tpu.dma_semaphore, #tpu.memory_space<semaphore_mem>> -> memref<!tpu.dma_semaphore, #tpu.memory_space<semaphore_mem>>
    %dma_start3A_197 = arith.constant 0 : i32
    %dma_start3A_198 = arith.constant 0 : i32
    %dma_start3A_199 = tpu.memref_slice %arg13[%dma_start3A_186, %dma_start3A_187, %dma_start3A_197, %dma_start3A_198] : memref<6x8x8x64xf32, #tpu.memory_space<vmem>> -> memref<1x1x8x64xf32, #tpu.memory_space<vmem>>
    %dma_start3A_200 = tpu.memref_squeeze %dma_start3A_199 : memref<1x1x8x64xf32, #tpu.memory_space<vmem>> -> memref<8x64xf32, #tpu.memory_space<vmem>>
    %dma_start3A_201 = arith.constant 0 : i32
    %dma_start3A_202 = tpu.memref_slice %arg4[%multiple_of3A_182, %dma_start3A_201] : memref<1000000x64xf32, #tpu.memory_space<hbm>> -> memref<8x64xf32, #tpu.memory_space<hbm>>
    tpu.enqueue_dma source(%dma_start3A_202 : memref<8x64xf32, #tpu.memory_space<hbm>>) target(%dma_start3A_200 : memref<8x64xf32, #tpu.memory_space<vmem>>) target_semaphore(%dma_start3A_196 : memref<!tpu.dma_semaphore, #tpu.memory_space<semaphore_mem>>)
    %dma_start3A_203 = arith.constant 0 : i32
    %dma_start3A_204 = arith.constant 3 : i32
    %dma_start3A_205 = arith.constant 0 : i32
    %dma_start3A_206 = arith.constant 0 : i32
    %dma_start3A_207 = arith.constant 0 : i32
    %dma_start3A_208 = tpu.memref_slice %arg14[%dma_start3A_203, %dma_start3A_204, %dma_start3A_206, %dma_start3A_207] : memref<6x8x8x64xf32, #tpu.memory_space<vmem>> -> memref<1x1x8x64xf32, #tpu.memory_space<vmem>>
    %dma_start3A_209 = tpu.memref_squeeze %dma_start3A_208 : memref<1x1x8x64xf32, #tpu.memory_space<vmem>> -> memref<8x64xf32, #tpu.memory_space<vmem>>
    %dma_start3A_210 = arith.constant 0 : i32
    %dma_start3A_211 = tpu.memref_slice %arg5[%multiple_of3A_185, %dma_start3A_210] : memref<100000x64xf32, #tpu.memory_space<hbm>> -> memref<8x64xf32, #tpu.memory_space<hbm>>
    %dma_start3A_212 = tpu.memref_slice %arg20[%dma_start3A_205] : memref<6x!tpu.dma_semaphore, #tpu.memory_space<semaphore_mem>> -> memref<1x!tpu.dma_semaphore, #tpu.memory_space<semaphore_mem>>
    %dma_start3A_213 = tpu.memref_squeeze %dma_start3A_212 : memref<1x!tpu.dma_semaphore, #tpu.memory_space<semaphore_mem>> -> memref<!tpu.dma_semaphore, #tpu.memory_space<semaphore_mem>>
    %dma_start3A_214 = arith.constant 0 : i32
    %dma_start3A_215 = arith.constant 0 : i32
    %dma_start3A_216 = tpu.memref_slice %arg14[%dma_start3A_203, %dma_start3A_204, %dma_start3A_214, %dma_start3A_215] : memref<6x8x8x64xf32, #tpu.memory_space<vmem>> -> memref<1x1x8x64xf32, #tpu.memory_space<vmem>>
    %dma_start3A_217 = tpu.memref_squeeze %dma_start3A_216 : memref<1x1x8x64xf32, #tpu.memory_space<vmem>> -> memref<8x64xf32, #tpu.memory_space<vmem>>
    %dma_start3A_218 = arith.constant 0 : i32
    %dma_start3A_219 = tpu.memref_slice %arg5[%multiple_of3A_185, %dma_start3A_218] : memref<100000x64xf32, #tpu.memory_space<hbm>> -> memref<8x64xf32, #tpu.memory_space<hbm>>
    tpu.enqueue_dma source(%dma_start3A_219 : memref<8x64xf32, #tpu.memory_space<hbm>>) target(%dma_start3A_217 : memref<8x64xf32, #tpu.memory_space<vmem>>) target_semaphore(%dma_start3A_213 : memref<!tpu.dma_semaphore, #tpu.memory_space<semaphore_mem>>)
    %slice3A_220 = vector.extract_strided_slice %shift_left3A_56 {offsets = [4], sizes = [1], strides = [1]} : vector<16xi32> to vector<1xi32>
    %squeeze3A_221 = vector.extract %slice3A_220[0] : i32 from vector<1xi32>
    %multiple_of3A_222 = tpu.assume_multiple %squeeze3A_221, 8 : i32
    %slice3A_223 = vector.extract_strided_slice %shift_left3A_62 {offsets = [4], sizes = [1], strides = [1]} : vector<16xi32> to vector<1xi32>
    %squeeze3A_224 = vector.extract %slice3A_223[0] : i32 from vector<1xi32>
    %multiple_of3A_225 = tpu.assume_multiple %squeeze3A_224, 8 : i32
    %dma_start3A_226 = arith.constant 0 : i32
    %dma_start3A_227 = arith.constant 4 : i32
    %dma_start3A_228 = arith.constant 0 : i32
    %dma_start3A_229 = arith.constant 0 : i32
    %dma_start3A_230 = arith.constant 0 : i32
    %dma_start3A_231 = tpu.memref_slice %arg13[%dma_start3A_226, %dma_start3A_227, %dma_start3A_229, %dma_start3A_230] : memref<6x8x8x64xf32, #tpu.memory_space<vmem>> -> memref<1x1x8x64xf32, #tpu.memory_space<vmem>>
    %dma_start3A_232 = tpu.memref_squeeze %dma_start3A_231 : memref<1x1x8x64xf32, #tpu.memory_space<vmem>> -> memref<8x64xf32, #tpu.memory_space<vmem>>
    %dma_start3A_233 = arith.constant 0 : i32
    %dma_start3A_234 = tpu.memref_slice %arg4[%multiple_of3A_222, %dma_start3A_233] : memref<1000000x64xf32, #tpu.memory_space<hbm>> -> memref<8x64xf32, #tpu.memory_space<hbm>>
    %dma_start3A_235 = tpu.memref_slice %arg20[%dma_start3A_228] : memref<6x!tpu.dma_semaphore, #tpu.memory_space<semaphore_mem>> -> memref<1x!tpu.dma_semaphore, #tpu.memory_space<semaphore_mem>>
    %dma_start3A_236 = tpu.memref_squeeze %dma_start3A_235 : memref<1x!tpu.dma_semaphore, #tpu.memory_space<semaphore_mem>> -> memref<!tpu.dma_semaphore, #tpu.memory_space<semaphore_mem>>
    %dma_start3A_237 = arith.constant 0 : i32
    %dma_start3A_238 = arith.constant 0 : i32
    %dma_start3A_239 = tpu.memref_slice %arg13[%dma_start3A_226, %dma_start3A_227, %dma_start3A_237, %dma_start3A_238] : memref<6x8x8x64xf32, #tpu.memory_space<vmem>> -> memref<1x1x8x64xf32, #tpu.memory_space<vmem>>
    %dma_start3A_240 = tpu.memref_squeeze %dma_start3A_239 : memref<1x1x8x64xf32, #tpu.memory_space<vmem>> -> memref<8x64xf32, #tpu.memory_space<vmem>>
    %dma_start3A_241 = arith.constant 0 : i32
    %dma_start3A_242 = tpu.memref_slice %arg4[%multiple_of3A_222, %dma_start3A_241] : memref<1000000x64xf32, #tpu.memory_space<hbm>> -> memref<8x64xf32, #tpu.memory_space<hbm>>
    tpu.enqueue_dma source(%dma_start3A_242 : memref<8x64xf32, #tpu.memory_space<hbm>>) target(%dma_start3A_240 : memref<8x64xf32, #tpu.memory_space<vmem>>) target_semaphore(%dma_start3A_236 : memref<!tpu.dma_semaphore, #tpu.memory_space<semaphore_mem>>)
    %dma_start3A_243 = arith.constant 0 : i32
    %dma_start3A_244 = arith.constant 4 : i32
    %dma_start3A_245 = arith.constant 0 : i32
    %dma_start3A_246 = arith.constant 0 : i32
    %dma_start3A_247 = arith.constant 0 : i32
    %dma_start3A_248 = tpu.memref_slice %arg14[%dma_start3A_243, %dma_start3A_244, %dma_start3A_246, %dma_start3A_247] : memref<6x8x8x64xf32, #tpu.memory_space<vmem>> -> memref<1x1x8x64xf32, #tpu.memory_space<vmem>>
    %dma_start3A_249 = tpu.memref_squeeze %dma_start3A_248 : memref<1x1x8x64xf32, #tpu.memory_space<vmem>> -> memref<8x64xf32, #tpu.memory_space<vmem>>
    %dma_start3A_250 = arith.constant 0 : i32
    %dma_start3A_251 = tpu.memref_slice %arg5[%multiple_of3A_225, %dma_start3A_250] : memref<100000x64xf32, #tpu.memory_space<hbm>> -> memref<8x64xf32, #tpu.memory_space<hbm>>
    %dma_start3A_252 = tpu.memref_slice %arg20[%dma_start3A_245] : memref<6x!tpu.dma_semaphore, #tpu.memory_space<semaphore_mem>> -> memref<1x!tpu.dma_semaphore, #tpu.memory_space<semaphore_mem>>
    %dma_start3A_253 = tpu.memref_squeeze %dma_start3A_252 : memref<1x!tpu.dma_semaphore, #tpu.memory_space<semaphore_mem>> -> memref<!tpu.dma_semaphore, #tpu.memory_space<semaphore_mem>>
    %dma_start3A_254 = arith.constant 0 : i32
    %dma_start3A_255 = arith.constant 0 : i32
    %dma_start3A_256 = tpu.memref_slice %arg14[%dma_start3A_243, %dma_start3A_244, %dma_start3A_254, %dma_start3A_255] : memref<6x8x8x64xf32, #tpu.memory_space<vmem>> -> memref<1x1x8x64xf32, #tpu.memory_space<vmem>>
    %dma_start3A_257 = tpu.memref_squeeze %dma_start3A_256 : memref<1x1x8x64xf32, #tpu.memory_space<vmem>> -> memref<8x64xf32, #tpu.memory_space<vmem>>
    %dma_start3A_258 = arith.constant 0 : i32
    %dma_start3A_259 = tpu.memref_slice %arg5[%multiple_of3A_225, %dma_start3A_258] : memref<100000x64xf32, #tpu.memory_space<hbm>> -> memref<8x64xf32, #tpu.memory_space<hbm>>
    tpu.enqueue_dma source(%dma_start3A_259 : memref<8x64xf32, #tpu.memory_space<hbm>>) target(%dma_start3A_257 : memref<8x64xf32, #tpu.memory_space<vmem>>) target_semaphore(%dma_start3A_253 : memref<!tpu.dma_semaphore, #tpu.memory_space<semaphore_mem>>)
    %slice3A_260 = vector.extract_strided_slice %shift_left3A_56 {offsets = [5], sizes = [1], strides = [1]} : vector<16xi32> to vector<1xi32>
    %squeeze3A_261 = vector.extract %slice3A_260[0] : i32 from vector<1xi32>
    %multiple_of3A_262 = tpu.assume_multiple %squeeze3A_261, 8 : i32
    %slice3A_263 = vector.extract_strided_slice %shift_left3A_62 {offsets = [5], sizes = [1], strides = [1]} : vector<16xi32> to vector<1xi32>
    %squeeze3A_264 = vector.extract %slice3A_263[0] : i32 from vector<1xi32>
    %multiple_of3A_265 = tpu.assume_multiple %squeeze3A_264, 8 : i32
    %dma_start3A_266 = arith.constant 0 : i32
    %dma_start3A_267 = arith.constant 5 : i32
    %dma_start3A_268 = arith.constant 0 : i32
    %dma_start3A_269 = arith.constant 0 : i32
    %dma_start3A_270 = arith.constant 0 : i32
    %dma_start3A_271 = tpu.memref_slice %arg13[%dma_start3A_266, %dma_start3A_267, %dma_start3A_269, %dma_start3A_270] : memref<6x8x8x64xf32, #tpu.memory_space<vmem>> -> memref<1x1x8x64xf32, #tpu.memory_space<vmem>>
    %dma_start3A_272 = tpu.memref_squeeze %dma_start3A_271 : memref<1x1x8x64xf32, #tpu.memory_space<vmem>> -> memref<8x64xf32, #tpu.memory_space<vmem>>
    %dma_start3A_273 = arith.constant 0 : i32
    %dma_start3A_274 = tpu.memref_slice %arg4[%multiple_of3A_262, %dma_start3A_273] : memref<1000000x64xf32, #tpu.memory_space<hbm>> -> memref<8x64xf32, #tpu.memory_space<hbm>>
    %dma_start3A_275 = tpu.memref_slice %arg20[%dma_start3A_268] : memref<6x!tpu.dma_semaphore, #tpu.memory_space<semaphore_mem>> -> memref<1x!tpu.dma_semaphore, #tpu.memory_space<semaphore_mem>>
    %dma_start3A_276 = tpu.memref_squeeze %dma_start3A_275 : memref<1x!tpu.dma_semaphore, #tpu.memory_space<semaphore_mem>> -> memref<!tpu.dma_semaphore, #tpu.memory_space<semaphore_mem>>
    %dma_start3A_277 = arith.constant 0 : i32
    %dma_start3A_278 = arith.constant 0 : i32
    %dma_start3A_279 = tpu.memref_slice %arg13[%dma_start3A_266, %dma_start3A_267, %dma_start3A_277, %dma_start3A_278] : memref<6x8x8x64xf32, #tpu.memory_space<vmem>> -> memref<1x1x8x64xf32, #tpu.memory_space<vmem>>
    %dma_start3A_280 = tpu.memref_squeeze %dma_start3A_279 : memref<1x1x8x64xf32, #tpu.memory_space<vmem>> -> memref<8x64xf32, #tpu.memory_space<vmem>>
    %dma_start3A_281 = arith.constant 0 : i32
    %dma_start3A_282 = tpu.memref_slice %arg4[%multiple_of3A_262, %dma_start3A_281] : memref<1000000x64xf32, #tpu.memory_space<hbm>> -> memref<8x64xf32, #tpu.memory_space<hbm>>
    tpu.enqueue_dma source(%dma_start3A_282 : memref<8x64xf32, #tpu.memory_space<hbm>>) target(%dma_start3A_280 : memref<8x64xf32, #tpu.memory_space<vmem>>) target_semaphore(%dma_start3A_276 : memref<!tpu.dma_semaphore, #tpu.memory_space<semaphore_mem>>)
    %dma_start3A_283 = arith.constant 0 : i32
    %dma_start3A_284 = arith.constant 5 : i32
    %dma_start3A_285 = arith.constant 0 : i32
    %dma_start3A_286 = arith.constant 0 : i32
    %dma_start3A_287 = arith.constant 0 : i32
    %dma_start3A_288 = tpu.memref_slice %arg14[%dma_start3A_283, %dma_start3A_284, %dma_start3A_286, %dma_start3A_287] : memref<6x8x8x64xf32, #tpu.memory_space<vmem>> -> memref<1x1x8x64xf32, #tpu.memory_space<vmem>>
    %dma_start3A_289 = tpu.memref_squeeze %dma_start3A_288 : memref<1x1x8x64xf32, #tpu.memory_space<vmem>> -> memref<8x64xf32, #tpu.memory_space<vmem>>
    %dma_start3A_290 = arith.constant 0 : i32
    %dma_start3A_291 = tpu.memref_slice %arg5[%multiple_of3A_265, %dma_start3A_290] : memref<100000x64xf32, #tpu.memory_space<hbm>> -> memref<8x64xf32, #tpu.memory_space<hbm>>
    %dma_start3A_292 = tpu.memref_slice %arg20[%dma_start3A_285] : memref<6x!tpu.dma_semaphore, #tpu.memory_space<semaphore_mem>> -> memref<1x!tpu.dma_semaphore, #tpu.memory_space<semaphore_mem>>
    %dma_start3A_293 = tpu.memref_squeeze %dma_start3A_292 : memref<1x!tpu.dma_semaphore, #tpu.memory_space<semaphore_mem>> -> memref<!tpu.dma_semaphore, #tpu.memory_space<semaphore_mem>>
    %dma_start3A_294 = arith.constant 0 : i32
    %dma_start3A_295 = arith.constant 0 : i32
    %dma_start3A_296 = tpu.memref_slice %arg14[%dma_start3A_283, %dma_start3A_284, %dma_start3A_294, %dma_start3A_295] : memref<6x8x8x64xf32, #tpu.memory_space<vmem>> -> memref<1x1x8x64xf32, #tpu.memory_space<vmem>>
    %dma_start3A_297 = tpu.memref_squeeze %dma_start3A_296 : memref<1x1x8x64xf32, #tpu.memory_space<vmem>> -> memref<8x64xf32, #tpu.memory_space<vmem>>
    %dma_start3A_298 = arith.constant 0 : i32
    %dma_start3A_299 = tpu.memref_slice %arg5[%multiple_of3A_265, %dma_start3A_298] : memref<100000x64xf32, #tpu.memory_space<hbm>> -> memref<8x64xf32, #tpu.memory_space<hbm>>
    tpu.enqueue_dma source(%dma_start3A_299 : memref<8x64xf32, #tpu.memory_space<hbm>>) target(%dma_start3A_297 : memref<8x64xf32, #tpu.memory_space<vmem>>) target_semaphore(%dma_start3A_293 : memref<!tpu.dma_semaphore, #tpu.memory_space<semaphore_mem>>)
    %slice3A_300 = vector.extract_strided_slice %shift_left3A_56 {offsets = [6], sizes = [1], strides = [1]} : vector<16xi32> to vector<1xi32>
    %squeeze3A_301 = vector.extract %slice3A_300[0] : i32 from vector<1xi32>
    %multiple_of3A_302 = tpu.assume_multiple %squeeze3A_301, 8 : i32
    %slice3A_303 = vector.extract_strided_slice %shift_left3A_62 {offsets = [6], sizes = [1], strides = [1]} : vector<16xi32> to vector<1xi32>
    %squeeze3A_304 = vector.extract %slice3A_303[0] : i32 from vector<1xi32>
    %multiple_of3A_305 = tpu.assume_multiple %squeeze3A_304, 8 : i32
    %dma_start3A_306 = arith.constant 0 : i32
    %dma_start3A_307 = arith.constant 6 : i32
    %dma_start3A_308 = arith.constant 0 : i32
    %dma_start3A_309 = arith.constant 0 : i32
    %dma_start3A_310 = arith.constant 0 : i32
    %dma_start3A_311 = tpu.memref_slice %arg13[%dma_start3A_306, %dma_start3A_307, %dma_start3A_309, %dma_start3A_310] : memref<6x8x8x64xf32, #tpu.memory_space<vmem>> -> memref<1x1x8x64xf32, #tpu.memory_space<vmem>>
    %dma_start3A_312 = tpu.memref_squeeze %dma_start3A_311 : memref<1x1x8x64xf32, #tpu.memory_space<vmem>> -> memref<8x64xf32, #tpu.memory_space<vmem>>
    %dma_start3A_313 = arith.constant 0 : i32
    %dma_start3A_314 = tpu.memref_slice %arg4[%multiple_of3A_302, %dma_start3A_313] : memref<1000000x64xf32, #tpu.memory_space<hbm>> -> memref<8x64xf32, #tpu.memory_space<hbm>>
    %dma_start3A_315 = tpu.memref_slice %arg20[%dma_start3A_308] : memref<6x!tpu.dma_semaphore, #tpu.memory_space<semaphore_mem>> -> memref<1x!tpu.dma_semaphore, #tpu.memory_space<semaphore_mem>>
    %dma_start3A_316 = tpu.memref_squeeze %dma_start3A_315 : memref<1x!tpu.dma_semaphore, #tpu.memory_space<semaphore_mem>> -> memref<!tpu.dma_semaphore, #tpu.memory_space<semaphore_mem>>
    %dma_start3A_317 = arith.constant 0 : i32
    %dma_start3A_318 = arith.constant 0 : i32
    %dma_start3A_319 = tpu.memref_slice %arg13[%dma_start3A_306, %dma_start3A_307, %dma_start3A_317, %dma_start3A_318] : memref<6x8x8x64xf32, #tpu.memory_space<vmem>> -> memref<1x1x8x64xf32, #tpu.memory_space<vmem>>
    %dma_start3A_320 = tpu.memref_squeeze %dma_start3A_319 : memref<1x1x8x64xf32, #tpu.memory_space<vmem>> -> memref<8x64xf32, #tpu.memory_space<vmem>>
    %dma_start3A_321 = arith.constant 0 : i32
    %dma_start3A_322 = tpu.memref_slice %arg4[%multiple_of3A_302, %dma_start3A_321] : memref<1000000x64xf32, #tpu.memory_space<hbm>> -> memref<8x64xf32, #tpu.memory_space<hbm>>
    tpu.enqueue_dma source(%dma_start3A_322 : memref<8x64xf32, #tpu.memory_space<hbm>>) target(%dma_start3A_320 : memref<8x64xf32, #tpu.memory_space<vmem>>) target_semaphore(%dma_start3A_316 : memref<!tpu.dma_semaphore, #tpu.memory_space<semaphore_mem>>)
    %dma_start3A_323 = arith.constant 0 : i32
    %dma_start3A_324 = arith.constant 6 : i32
    %dma_start3A_325 = arith.constant 0 : i32
    %dma_start3A_326 = arith.constant 0 : i32
    %dma_start3A_327 = arith.constant 0 : i32
    %dma_start3A_328 = tpu.memref_slice %arg14[%dma_start3A_323, %dma_start3A_324, %dma_start3A_326, %dma_start3A_327] : memref<6x8x8x64xf32, #tpu.memory_space<vmem>> -> memref<1x1x8x64xf32, #tpu.memory_space<vmem>>
    %dma_start3A_329 = tpu.memref_squeeze %dma_start3A_328 : memref<1x1x8x64xf32, #tpu.memory_space<vmem>> -> memref<8x64xf32, #tpu.memory_space<vmem>>
    %dma_start3A_330 = arith.constant 0 : i32
    %dma_start3A_331 = tpu.memref_slice %arg5[%multiple_of3A_305, %dma_start3A_330] : memref<100000x64xf32, #tpu.memory_space<hbm>> -> memref<8x64xf32, #tpu.memory_space<hbm>>
    %dma_start3A_332 = tpu.memref_slice %arg20[%dma_start3A_325] : memref<6x!tpu.dma_semaphore, #tpu.memory_space<semaphore_mem>> -> memref<1x!tpu.dma_semaphore, #tpu.memory_space<semaphore_mem>>
    %dma_start3A_333 = tpu.memref_squeeze %dma_start3A_332 : memref<1x!tpu.dma_semaphore, #tpu.memory_space<semaphore_mem>> -> memref<!tpu.dma_semaphore, #tpu.memory_space<semaphore_mem>>
    %dma_start3A_334 = arith.constant 0 : i32
    %dma_start3A_335 = arith.constant 0 : i32
    %dma_start3A_336 = tpu.memref_slice %arg14[%dma_start3A_323, %dma_start3A_324, %dma_start3A_334, %dma_start3A_335] : memref<6x8x8x64xf32, #tpu.memory_space<vmem>> -> memref<1x1x8x64xf32, #tpu.memory_space<vmem>>
    %dma_start3A_337 = tpu.memref_squeeze %dma_start3A_336 : memref<1x1x8x64xf32, #tpu.memory_space<vmem>> -> memref<8x64xf32, #tpu.memory_space<vmem>>
    %dma_start3A_338 = arith.constant 0 : i32
    %dma_start3A_339 = tpu.memref_slice %arg5[%multiple_of3A_305, %dma_start3A_338] : memref<100000x64xf32, #tpu.memory_space<hbm>> -> memref<8x64xf32, #tpu.memory_space<hbm>>
    tpu.enqueue_dma source(%dma_start3A_339 : memref<8x64xf32, #tpu.memory_space<hbm>>) target(%dma_start3A_337 : memref<8x64xf32, #tpu.memory_space<vmem>>) target_semaphore(%dma_start3A_333 : memref<!tpu.dma_semaphore, #tpu.memory_space<semaphore_mem>>)
    %slice3A_340 = vector.extract_strided_slice %shift_left3A_56 {offsets = [7], sizes = [1], strides = [1]} : vector<16xi32> to vector<1xi32>
    %squeeze3A_341 = vector.extract %slice3A_340[0] : i32 from vector<1xi32>
    %multiple_of3A_342 = tpu.assume_multiple %squeeze3A_341, 8 : i32
    %slice3A_343 = vector.extract_strided_slice %shift_left3A_62 {offsets = [7], sizes = [1], strides = [1]} : vector<16xi32> to vector<1xi32>
    %squeeze3A_344 = vector.extract %slice3A_343[0] : i32 from vector<1xi32>
    %multiple_of3A_345 = tpu.assume_multiple %squeeze3A_344, 8 : i32
    %dma_start3A_346 = arith.constant 0 : i32
    %dma_start3A_347 = arith.constant 7 : i32
    %dma_start3A_348 = arith.constant 0 : i32
    %dma_start3A_349 = arith.constant 0 : i32
    %dma_start3A_350 = arith.constant 0 : i32
    %dma_start3A_351 = tpu.memref_slice %arg13[%dma_start3A_346, %dma_start3A_347, %dma_start3A_349, %dma_start3A_350] : memref<6x8x8x64xf32, #tpu.memory_space<vmem>> -> memref<1x1x8x64xf32, #tpu.memory_space<vmem>>
    %dma_start3A_352 = tpu.memref_squeeze %dma_start3A_351 : memref<1x1x8x64xf32, #tpu.memory_space<vmem>> -> memref<8x64xf32, #tpu.memory_space<vmem>>
    %dma_start3A_353 = arith.constant 0 : i32
    %dma_start3A_354 = tpu.memref_slice %arg4[%multiple_of3A_342, %dma_start3A_353] : memref<1000000x64xf32, #tpu.memory_space<hbm>> -> memref<8x64xf32, #tpu.memory_space<hbm>>
    %dma_start3A_355 = tpu.memref_slice %arg20[%dma_start3A_348] : memref<6x!tpu.dma_semaphore, #tpu.memory_space<semaphore_mem>> -> memref<1x!tpu.dma_semaphore, #tpu.memory_space<semaphore_mem>>
    %dma_start3A_356 = tpu.memref_squeeze %dma_start3A_355 : memref<1x!tpu.dma_semaphore, #tpu.memory_space<semaphore_mem>> -> memref<!tpu.dma_semaphore, #tpu.memory_space<semaphore_mem>>
    %dma_start3A_357 = arith.constant 0 : i32
    %dma_start3A_358 = arith.constant 0 : i32
    %dma_start3A_359 = tpu.memref_slice %arg13[%dma_start3A_346, %dma_start3A_347, %dma_start3A_357, %dma_start3A_358] : memref<6x8x8x64xf32, #tpu.memory_space<vmem>> -> memref<1x1x8x64xf32, #tpu.memory_space<vmem>>
    %dma_start3A_360 = tpu.memref_squeeze %dma_start3A_359 : memref<1x1x8x64xf32, #tpu.memory_space<vmem>> -> memref<8x64xf32, #tpu.memory_space<vmem>>
    %dma_start3A_361 = arith.constant 0 : i32
    %dma_start3A_362 = tpu.memref_slice %arg4[%multiple_of3A_342, %dma_start3A_361] : memref<1000000x64xf32, #tpu.memory_space<hbm>> -> memref<8x64xf32, #tpu.memory_space<hbm>>
    tpu.enqueue_dma source(%dma_start3A_362 : memref<8x64xf32, #tpu.memory_space<hbm>>) target(%dma_start3A_360 : memref<8x64xf32, #tpu.memory_space<vmem>>) target_semaphore(%dma_start3A_356 : memref<!tpu.dma_semaphore, #tpu.memory_space<semaphore_mem>>)
    %dma_start3A_363 = arith.constant 0 : i32
    %dma_start3A_364 = arith.constant 7 : i32
    %dma_start3A_365 = arith.constant 0 : i32
    %dma_start3A_366 = arith.constant 0 : i32
    %dma_start3A_367 = arith.constant 0 : i32
    %dma_start3A_368 = tpu.memref_slice %arg14[%dma_start3A_363, %dma_start3A_364, %dma_start3A_366, %dma_start3A_367] : memref<6x8x8x64xf32, #tpu.memory_space<vmem>> -> memref<1x1x8x64xf32, #tpu.memory_space<vmem>>
    %dma_start3A_369 = tpu.memref_squeeze %dma_start3A_368 : memref<1x1x8x64xf32, #tpu.memory_space<vmem>> -> memref<8x64xf32, #tpu.memory_space<vmem>>
    %dma_start3A_370 = arith.constant 0 : i32
    %dma_start3A_371 = tpu.memref_slice %arg5[%multiple_of3A_345, %dma_start3A_370] : memref<100000x64xf32, #tpu.memory_space<hbm>> -> memref<8x64xf32, #tpu.memory_space<hbm>>
    %dma_start3A_372 = tpu.memref_slice %arg20[%dma_start3A_365] : memref<6x!tpu.dma_semaphore, #tpu.memory_space<semaphore_mem>> -> memref<1x!tpu.dma_semaphore, #tpu.memory_space<semaphore_mem>>
    %dma_start3A_373 = tpu.memref_squeeze %dma_start3A_372 : memref<1x!tpu.dma_semaphore, #tpu.memory_space<semaphore_mem>> -> memref<!tpu.dma_semaphore, #tpu.memory_space<semaphore_mem>>
    %dma_start3A_374 = arith.constant 0 : i32
    %dma_start3A_375 = arith.constant 0 : i32
    %dma_start3A_376 = tpu.memref_slice %arg14[%dma_start3A_363, %dma_start3A_364, %dma_start3A_374, %dma_start3A_375] : memref<6x8x8x64xf32, #tpu.memory_space<vmem>> -> memref<1x1x8x64xf32, #tpu.memory_space<vmem>>
    %dma_start3A_377 = tpu.memref_squeeze %dma_start3A_376 : memref<1x1x8x64xf32, #tpu.memory_space<vmem>> -> memref<8x64xf32, #tpu.memory_space<vmem>>
    %dma_start3A_378 = arith.constant 0 : i32
    %dma_start3A_379 = tpu.memref_slice %arg5[%multiple_of3A_345, %dma_start3A_378] : memref<100000x64xf32, #tpu.memory_space<hbm>> -> memref<8x64xf32, #tpu.memory_space<hbm>>
    tpu.enqueue_dma source(%dma_start3A_379 : memref<8x64xf32, #tpu.memory_space<hbm>>) target(%dma_start3A_377 : memref<8x64xf32, #tpu.memory_space<vmem>>) target_semaphore(%dma_start3A_373 : memref<!tpu.dma_semaphore, #tpu.memory_space<semaphore_mem>>)
    %get3A_380 = arith.constant 8 : index
    %get3A_381 = tpu.vector_load %arg11[%get3A_380] {strides = array<i32>} : memref<528xi32, #tpu.memory_space<vmem>>, vector<16xi32>,
    %get3A_382 = arith.constant 8 : index
    %get3A_383 = tpu.vector_load %arg12[%get3A_382] {strides = array<i32>} : memref<528xi32, #tpu.memory_space<vmem>>, vector<16xi32>,
    %shift_right_arithmetic3A_384 = arith.constant 3 : i32
    %shift_right_arithmetic3A_385 = vector.broadcast %shift_right_arithmetic3A_384 : i32 to vector<16xi32>
    %shift_right_arithmetic3A_386 = arith.shrsi %get3A_381, %shift_right_arithmetic3A_385 : vector<16xi32>
    %shift_left3A_387 = arith.constant 3 : i32
    %shift_left3A_388 = vector.broadcast %shift_left3A_387 : i32 to vector<16xi32>
    %shift_left3A_389 = arith.shli %shift_right_arithmetic3A_386, %shift_left3A_388 : vector<16xi32>
    %shift_right_arithmetic3A_390 = arith.constant 3 : i32
    %shift_right_arithmetic3A_391 = vector.broadcast %shift_right_arithmetic3A_390 : i32 to vector<16xi32>
    %shift_right_arithmetic3A_392 = arith.shrsi %get3A_383, %shift_right_arithmetic3A_391 : vector<16xi32>
    %shift_left3A_393 = arith.constant 3 : i32
    %shift_left3A_394 = vector.broadcast %shift_left3A_393 : i32 to vector<16xi32>
    %shift_left3A_395 = arith.shli %shift_right_arithmetic3A_392, %shift_left3A_394 : vector<16xi32>
    %slice3A_396 = vector.extract_strided_slice %shift_left3A_389 {offsets = [0], sizes = [1], strides = [1]} : vector<16xi32> to vector<1xi32>
    %squeeze3A_397 = vector.extract %slice3A_396[0] : i32 from vector<1xi32>
    %multiple_of3A_398 = tpu.assume_multiple %squeeze3A_397, 8 : i32
    %slice3A_399 = vector.extract_strided_slice %shift_left3A_395 {offsets = [0], sizes = [1], strides = [1]} : vector<16xi32> to vector<1xi32>
    %squeeze3A_400 = vector.extract %slice3A_399[0] : i32 from vector<1xi32>
    %multiple_of3A_401 = tpu.assume_multiple %squeeze3A_400, 8 : i32
    %dma_start3A_402 = arith.constant 1 : i32
    %dma_start3A_403 = arith.constant 0 : i32
    %dma_start3A_404 = arith.constant 1 : i32
    %dma_start3A_405 = arith.constant 0 : i32
    %dma_start3A_406 = arith.constant 0 : i32
    %dma_start3A_407 = tpu.memref_slice %arg13[%dma_start3A_402, %dma_start3A_403, %dma_start3A_405, %dma_start3A_406] : memref<6x8x8x64xf32, #tpu.memory_space<vmem>> -> memref<1x1x8x64xf32, #tpu.memory_space<vmem>>
    %dma_start3A_408 = tpu.memref_squeeze %dma_start3A_407 : memref<1x1x8x64xf32, #tpu.memory_space<vmem>> -> memref<8x64xf32, #tpu.memory_space<vmem>>
    %dma_start3A_409 = arith.constant 0 : i32
    %dma_start3A_410 = tpu.memref_slice %arg4[%multiple_of3A_398, %dma_start3A_409] : memref<1000000x64xf32, #tpu.memory_space<hbm>> -> memref<8x64xf32, #tpu.memory_space<hbm>>
    %dma_start3A_411 = tpu.memref_slice %arg20[%dma_start3A_404] : memref<6x!tpu.dma_semaphore, #tpu.memory_space<semaphore_mem>> -> memref<1x!tpu.dma_semaphore, #tpu.memory_space<semaphore_mem>>
    %dma_start3A_412 = tpu.memref_squeeze %dma_start3A_411 : memref<1x!tpu.dma_semaphore, #tpu.memory_space<semaphore_mem>> -> memref<!tpu.dma_semaphore, #tpu.memory_space<semaphore_mem>>
    %dma_start3A_413 = arith.constant 0 : i32
    %dma_start3A_414 = arith.constant 0 : i32
    %dma_start3A_415 = tpu.memref_slice %arg13[%dma_start3A_402, %dma_start3A_403, %dma_start3A_413, %dma_start3A_414] : memref<6x8x8x64xf32, #tpu.memory_space<vmem>> -> memref<1x1x8x64xf32, #tpu.memory_space<vmem>>
    %dma_start3A_416 = tpu.memref_squeeze %dma_start3A_415 : memref<1x1x8x64xf32, #tpu.memory_space<vmem>> -> memref<8x64xf32, #tpu.memory_space<vmem>>
    %dma_start3A_417 = arith.constant 0 : i32
    %dma_start3A_418 = tpu.memref_slice %arg4[%multiple_of3A_398, %dma_start3A_417] : memref<1000000x64xf32, #tpu.memory_space<hbm>> -> memref<8x64xf32, #tpu.memory_space<hbm>>
    tpu.enqueue_dma source(%dma_start3A_418 : memref<8x64xf32, #tpu.memory_space<hbm>>) target(%dma_start3A_416 : memref<8x64xf32, #tpu.memory_space<vmem>>) target_semaphore(%dma_start3A_412 : memref<!tpu.dma_semaphore, #tpu.memory_space<semaphore_mem>>)
    %dma_start3A_419 = arith.constant 1 : i32
    %dma_start3A_420 = arith.constant 0 : i32
    %dma_start3A_421 = arith.constant 1 : i32
    %dma_start3A_422 = arith.constant 0 : i32
    %dma_start3A_423 = arith.constant 0 : i32
    %dma_start3A_424 = tpu.memref_slice %arg14[%dma_start3A_419, %dma_start3A_420, %dma_start3A_422, %dma_start3A_423] : memref<6x8x8x64xf32, #tpu.memory_space<vmem>> -> memref<1x1x8x64xf32, #tpu.memory_space<vmem>>
    %dma_start3A_425 = tpu.memref_squeeze %dma_start3A_424 : memref<1x1x8x64xf32, #tpu.memory_space<vmem>> -> memref<8x64xf32, #tpu.memory_space<vmem>>
    %dma_start3A_426 = arith.constant 0 : i32
    %dma_start3A_427 = tpu.memref_slice %arg5[%multiple_of3A_401, %dma_start3A_426] : memref<100000x64xf32, #tpu.memory_space<hbm>> -> memref<8x64xf32, #tpu.memory_space<hbm>>
    %dma_start3A_428 = tpu.memref_slice %arg20[%dma_start3A_421] : memref<6x!tpu.dma_semaphore, #tpu.memory_space<semaphore_mem>> -> memref<1x!tpu.dma_semaphore, #tpu.memory_space<semaphore_mem>>
    %dma_start3A_429 = tpu.memref_squeeze %dma_start3A_428 : memref<1x!tpu.dma_semaphore, #tpu.memory_space<semaphore_mem>> -> memref<!tpu.dma_semaphore, #tpu.memory_space<semaphore_mem>>
    %dma_start3A_430 = arith.constant 0 : i32
    %dma_start3A_431 = arith.constant 0 : i32
    %dma_start3A_432 = tpu.memref_slice %arg14[%dma_start3A_419, %dma_start3A_420, %dma_start3A_430, %dma_start3A_431] : memref<6x8x8x64xf32, #tpu.memory_space<vmem>> -> memref<1x1x8x64xf32, #tpu.memory_space<vmem>>
    %dma_start3A_433 = tpu.memref_squeeze %dma_start3A_432 : memref<1x1x8x64xf32, #tpu.memory_space<vmem>> -> memref<8x64xf32, #tpu.memory_space<vmem>>
    %dma_start3A_434 = arith.constant 0 : i32
    %dma_start3A_435 = tpu.memref_slice %arg5[%multiple_of3A_401, %dma_start3A_434] : memref<100000x64xf32, #tpu.memory_space<hbm>> -> memref<8x64xf32, #tpu.memory_space<hbm>>
    tpu.enqueue_dma source(%dma_start3A_435 : memref<8x64xf32, #tpu.memory_space<hbm>>) target(%dma_start3A_433 : memref<8x64xf32, #tpu.memory_space<vmem>>) target_semaphore(%dma_start3A_429 : memref<!tpu.dma_semaphore, #tpu.memory_space<semaphore_mem>>)
    %slice3A_436 = vector.extract_strided_slice %shift_left3A_389 {offsets = [1], sizes = [1], strides = [1]} : vector<16xi32> to vector<1xi32>
    %squeeze3A_437 = vector.extract %slice3A_436[0] : i32 from vector<1xi32>
    %multiple_of3A_438 = tpu.assume_multiple %squeeze3A_437, 8 : i32
    %slice3A_439 = vector.extract_strided_slice %shift_left3A_395 {offsets = [1], sizes = [1], strides = [1]} : vector<16xi32> to vector<1xi32>
    %squeeze3A_440 = vector.extract %slice3A_439[0] : i32 from vector<1xi32>
    %multiple_of3A_441 = tpu.assume_multiple %squeeze3A_440, 8 : i32
    %dma_start3A_442 = arith.constant 1 : i32
    %dma_start3A_443 = arith.constant 1 : i32
    %dma_start3A_444 = arith.constant 1 : i32
    %dma_start3A_445 = arith.constant 0 : i32
    %dma_start3A_446 = arith.constant 0 : i32
    %dma_start3A_447 = tpu.memref_slice %arg13[%dma_start3A_442, %dma_start3A_443, %dma_start3A_445, %dma_start3A_446] : memref<6x8x8x64xf32, #tpu.memory_space<vmem>> -> memref<1x1x8x64xf32, #tpu.memory_space<vmem>>
    %dma_start3A_448 = tpu.memref_squeeze %dma_start3A_447 : memref<1x1x8x64xf32, #tpu.memory_space<vmem>> -> memref<8x64xf32, #tpu.memory_space<vmem>>
    %dma_start3A_449 = arith.constant 0 : i32
    %dma_start3A_450 = tpu.memref_slice %arg4[%multiple_of3A_438, %dma_start3A_449] : memref<1000000x64xf32, #tpu.memory_space<hbm>> -> memref<8x64xf32, #tpu.memory_space<hbm>>
    %dma_start3A_451 = tpu.memref_slice %arg20[%dma_start3A_444] : memref<6x!tpu.dma_semaphore, #tpu.memory_space<semaphore_mem>> -> memref<1x!tpu.dma_semaphore, #tpu.memory_space<semaphore_mem>>
    %dma_start3A_452 = tpu.memref_squeeze %dma_start3A_451 : memref<1x!tpu.dma_semaphore, #tpu.memory_space<semaphore_mem>> -> memref<!tpu.dma_semaphore, #tpu.memory_space<semaphore_mem>>
    %dma_start3A_453 = arith.constant 0 : i32
    %dma_start3A_454 = arith.constant 0 : i32
    %dma_start3A_455 = tpu.memref_slice %arg13[%dma_start3A_442, %dma_start3A_443, %dma_start3A_453, %dma_start3A_454] : memref<6x8x8x64xf32, #tpu.memory_space<vmem>> -> memref<1x1x8x64xf32, #tpu.memory_space<vmem>>
    %dma_start3A_456 = tpu.memref_squeeze %dma_start3A_455 : memref<1x1x8x64xf32, #tpu.memory_space<vmem>> -> memref<8x64xf32, #tpu.memory_space<vmem>>
    %dma_start3A_457 = arith.constant 0 : i32
    %dma_start3A_458 = tpu.memref_slice %arg4[%multiple_of3A_438, %dma_start3A_457] : memref<1000000x64xf32, #tpu.memory_space<hbm>> -> memref<8x64xf32, #tpu.memory_space<hbm>>
    tpu.enqueue_dma source(%dma_start3A_458 : memref<8x64xf32, #tpu.memory_space<hbm>>) target(%dma_start3A_456 : memref<8x64xf32, #tpu.memory_space<vmem>>) target_semaphore(%dma_start3A_452 : memref<!tpu.dma_semaphore, #tpu.memory_space<semaphore_mem>>)
    %dma_start3A_459 = arith.constant 1 : i32
    %dma_start3A_460 = arith.constant 1 : i32
    %dma_start3A_461 = arith.constant 1 : i32
    %dma_start3A_462 = arith.constant 0 : i32
    %dma_start3A_463 = arith.constant 0 : i32
    %dma_start3A_464 = tpu.memref_slice %arg14[%dma_start3A_459, %dma_start3A_460, %dma_start3A_462, %dma_start3A_463] : memref<6x8x8x64xf32, #tpu.memory_space<vmem>> -> memref<1x1x8x64xf32, #tpu.memory_space<vmem>>
    %dma_start3A_465 = tpu.memref_squeeze %dma_start3A_464 : memref<1x1x8x64xf32, #tpu.memory_space<vmem>> -> memref<8x64xf32, #tpu.memory_space<vmem>>
    %dma_start3A_466 = arith.constant 0 : i32
    %dma_start3A_467 = tpu.memref_slice %arg5[%multiple_of3A_441, %dma_start3A_466] : memref<100000x64xf32, #tpu.memory_space<hbm>> -> memref<8x64xf32, #tpu.memory_space<hbm>>
    %dma_start3A_468 = tpu.memref_slice %arg20[%dma_start3A_461] : memref<6x!tpu.dma_semaphore, #tpu.memory_space<semaphore_mem>> -> memref<1x!tpu.dma_semaphore, #tpu.memory_space<semaphore_mem>>
    %dma_start3A_469 = tpu.memref_squeeze %dma_start3A_468 : memref<1x!tpu.dma_semaphore, #tpu.memory_space<semaphore_mem>> -> memref<!tpu.dma_semaphore, #tpu.memory_space<semaphore_mem>>
    %dma_start3A_470 = arith.constant 0 : i32
    %dma_start3A_471 = arith.constant 0 : i32
    %dma_start3A_472 = tpu.memref_slice %arg14[%dma_start3A_459, %dma_start3A_460, %dma_start3A_470, %dma_start3A_471] : memref<6x8x8x64xf32, #tpu.memory_space<vmem>> -> memref<1x1x8x64xf32, #tpu.memory_space<vmem>>
    %dma_start3A_473 = tpu.memref_squeeze %dma_start3A_472 : memref<1x1x8x64xf32, #tpu.memory_space<vmem>> -> memref<8x64xf32, #tpu.memory_space<vmem>>
    %dma_start3A_474 = arith.constant 0 : i32
    %dma_start3A_475 = tpu.memref_slice %arg5[%multiple_of3A_441, %dma_start3A_474] : memref<100000x64xf32, #tpu.memory_space<hbm>> -> memref<8x64xf32, #tpu.memory_space<hbm>>
    tpu.enqueue_dma source(%dma_start3A_475 : memref<8x64xf32, #tpu.memory_space<hbm>>) target(%dma_start3A_473 : memref<8x64xf32, #tpu.memory_space<vmem>>) target_semaphore(%dma_start3A_469 : memref<!tpu.dma_semaphore, #tpu.memory_space<semaphore_mem>>)
    %slice3A_476 = vector.extract_strided_slice %shift_left3A_389 {offsets = [2], sizes = [1], strides = [1]} : vector<16xi32> to vector<1xi32>
    %squeeze3A_477 = vector.extract %slice3A_476[0] : i32 from vector<1xi32>
    %multiple_of3A_478 = tpu.assume_multiple %squeeze3A_477, 8 : i32
    %slice3A_479 = vector.extract_strided_slice %shift_left3A_395 {offsets = [2], sizes = [1], strides = [1]} : vector<16xi32> to vector<1xi32>
    %squeeze3A_480 = vector.extract %slice3A_479[0] : i32 from vector<1xi32>
    %multiple_of3A_481 = tpu.assume_multiple %squeeze3A_480, 8 : i32
    %dma_start3A_482 = arith.constant 1 : i32
    %dma_start3A_483 = arith.constant 2 : i32
    %dma_start3A_484 = arith.constant 1 : i32
    %dma_start3A_485 = arith.constant 0 : i32
    %dma_start3A_486 = arith.constant 0 : i32
    %dma_start3A_487 = tpu.memref_slice %arg13[%dma_start3A_482, %dma_start3A_483, %dma_start3A_485, %dma_start3A_486] : memref<6x8x8x64xf32, #tpu.memory_space<vmem>> -> memref<1x1x8x64xf32, #tpu.memory_space<vmem>>
    %dma_start3A_488 = tpu.memref_squeeze %dma_start3A_487 : memref<1x1x8x64xf32, #tpu.memory_space<vmem>> -> memref<8x64xf32, #tpu.memory_space<vmem>>
    %dma_start3A_489 = arith.constant 0 : i32
    %dma_start3A_490 = tpu.memref_slice %arg4[%multiple_of3A_478, %dma_start3A_489] : memref<1000000x64xf32, #tpu.memory_space<hbm>> -> memref<8x64xf32, #tpu.memory_space<hbm>>
    %dma_start3A_491 = tpu.memref_slice %arg20[%dma_start3A_484] : memref<6x!tpu.dma_semaphore, #tpu.memory_space<semaphore_mem>> -> memref<1x!tpu.dma_semaphore, #tpu.memory_space<semaphore_mem>>
    %dma_start3A_492 = tpu.memref_squeeze %dma_start3A_491 : memref<1x!tpu.dma_semaphore, #tpu.memory_space<semaphore_mem>> -> memref<!tpu.dma_semaphore, #tpu.memory_space<semaphore_mem>>
    %dma_start3A_493 = arith.constant 0 : i32
    %dma_start3A_494 = arith.constant 0 : i32
    %dma_start3A_495 = tpu.memref_slice %arg13[%dma_start3A_482, %dma_start3A_483, %dma_start3A_493, %dma_start3A_494] : memref<6x8x8x64xf32, #tpu.memory_space<vmem>> -> memref<1x1x8x64xf32, #tpu.memory_space<vmem>>
    %dma_start3A_496 = tpu.memref_squeeze %dma_start3A_495 : memref<1x1x8x64xf32, #tpu.memory_space<vmem>> -> memref<8x64xf32, #tpu.memory_space<vmem>>
    %dma_start3A_497 = arith.constant 0 : i32
    %dma_start3A_498 = tpu.memref_slice %arg4[%multiple_of3A_478, %dma_start3A_497] : memref<1000000x64xf32, #tpu.memory_space<hbm>> -> memref<8x64xf32, #tpu.memory_space<hbm>>
    tpu.enqueue_dma source(%dma_start3A_498 : memref<8x64xf32, #tpu.memory_space<hbm>>) target(%dma_start3A_496 : memref<8x64xf32, #tpu.memory_space<vmem>>) target_semaphore(%dma_start3A_492 : memref<!tpu.dma_semaphore, #tpu.memory_space<semaphore_mem>>)
    %dma_start3A_499 = arith.constant 1 : i32
    %dma_start3A_500 = arith.constant 2 : i32
    %dma_start3A_501 = arith.constant 1 : i32
    %dma_start3A_502 = arith.constant 0 : i32
    %dma_start3A_503 = arith.constant 0 : i32
    %dma_start3A_504 = tpu.memref_slice %arg14[%dma_start3A_499, %dma_start3A_500, %dma_start3A_502, %dma_start3A_503] : memref<6x8x8x64xf32, #tpu.memory_space<vmem>> -> memref<1x1x8x64xf32, #tpu.memory_space<vmem>>
    %dma_start3A_505 = tpu.memref_squeeze %dma_start3A_504 : memref<1x1x8x64xf32, #tpu.memory_space<vmem>> -> memref<8x64xf32, #tpu.memory_space<vmem>>
    %dma_start3A_506 = arith.constant 0 : i32
    %dma_start3A_507 = tpu.memref_slice %arg5[%multiple_of3A_481, %dma_start3A_506] : memref<100000x64xf32, #tpu.memory_space<hbm>> -> memref<8x64xf32, #tpu.memory_space<hbm>>
    %dma_start3A_508 = tpu.memref_slice %arg20[%dma_start3A_501] : memref<6x!tpu.dma_semaphore, #tpu.memory_space<semaphore_mem>> -> memref<1x!tpu.dma_semaphore, #tpu.memory_space<semaphore_mem>>
    %dma_start3A_509 = tpu.memref_squeeze %dma_start3A_508 : memref<1x!tpu.dma_semaphore, #tpu.memory_space<semaphore_mem>> -> memref<!tpu.dma_semaphore, #tpu.memory_space<semaphore_mem>>
    %dma_start3A_510 = arith.constant 0 : i32
    %dma_start3A_511 = arith.constant 0 : i32
    %dma_start3A_512 = tpu.memref_slice %arg14[%dma_start3A_499, %dma_start3A_500, %dma_start3A_510, %dma_start3A_511] : memref<6x8x8x64xf32, #tpu.memory_space<vmem>> -> memref<1x1x8x64xf32, #tpu.memory_space<vmem>>
    %dma_start3A_513 = tpu.memref_squeeze %dma_start3A_512 : memref<1x1x8x64xf32, #tpu.memory_space<vmem>> -> memref<8x64xf32, #tpu.memory_space<vmem>>
    %dma_start3A_514 = arith.constant 0 : i32
    %dma_start3A_515 = tpu.memref_slice %arg5[%multiple_of3A_481, %dma_start3A_514] : memref<100000x64xf32, #tpu.memory_space<hbm>> -> memref<8x64xf32, #tpu.memory_space<hbm>>
    tpu.enqueue_dma source(%dma_start3A_515 : memref<8x64xf32, #tpu.memory_space<hbm>>) target(%dma_start3A_513 : memref<8x64xf32, #tpu.memory_space<vmem>>) target_semaphore(%dma_start3A_509 : memref<!tpu.dma_semaphore, #tpu.memory_space<semaphore_mem>>)
    %slice3A_516 = vector.extract_strided_slice %shift_left3A_389 {offsets = [3], sizes = [1], strides = [1]} : vector<16xi32> to vector<1xi32>
    %squeeze3A_517 = vector.extract %slice3A_516[0] : i32 from vector<1xi32>
    %multiple_of3A_518 = tpu.assume_multiple %squeeze3A_517, 8 : i32
    %slice3A_519 = vector.extract_strided_slice %shift_left3A_395 {offsets = [3], sizes = [1], strides = [1]} : vector<16xi32> to vector<1xi32>
    %squeeze3A_520 = vector.extract %slice3A_519[0] : i32 from vector<1xi32>
    %multiple_of3A_521 = tpu.assume_multiple %squeeze3A_520, 8 : i32
    %dma_start3A_522 = arith.constant 1 : i32
    %dma_start3A_523 = arith.constant 3 : i32
    %dma_start3A_524 = arith.constant 1 : i32
    %dma_start3A_525 = arith.constant 0 : i32
    %dma_start3A_526 = arith.constant 0 : i32
    %dma_start3A_527 = tpu.memref_slice %arg13[%dma_start3A_522, %dma_start3A_523, %dma_start3A_525, %dma_start3A_526] : memref<6x8x8x64xf32, #tpu.memory_space<vmem>> -> memref<1x1x8x64xf32, #tpu.memory_space<vmem>>
    %dma_start3A_528 = tpu.memref_squeeze %dma_start3A_527 : memref<1x1x8x64xf32, #tpu.memory_space<vmem>> -> memref<8x64xf32, #tpu.memory_space<vmem>>
    %dma_start3A_529 = arith.constant 0 : i32
    %dma_start3A_530 = tpu.memref_slice %arg4[%multiple_of3A_518, %dma_start3A_529] : memref<1000000x64xf32, #tpu.memory_space<hbm>> -> memref<8x64xf32, #tpu.memory_space<hbm>>
    %dma_start3A_531 = tpu.memref_slice %arg20[%dma_start3A_524] : memref<6x!tpu.dma_semaphore, #tpu.memory_space<semaphore_mem>> -> memref<1x!tpu.dma_semaphore, #tpu.memory_space<semaphore_mem>>
    %dma_start3A_532 = tpu.memref_squeeze %dma_start3A_531 : memref<1x!tpu.dma_semaphore, #tpu.memory_space<semaphore_mem>> -> memref<!tpu.dma_semaphore, #tpu.memory_space<semaphore_mem>>
    %dma_start3A_533 = arith.constant 0 : i32
    %dma_start3A_534 = arith.constant 0 : i32
    %dma_start3A_535 = tpu.memref_slice %arg13[%dma_start3A_522, %dma_start3A_523, %dma_start3A_533, %dma_start3A_534] : memref<6x8x8x64xf32, #tpu.memory_space<vmem>> -> memref<1x1x8x64xf32, #tpu.memory_space<vmem>>
    %dma_start3A_536 = tpu.memref_squeeze %dma_start3A_535 : memref<1x1x8x64xf32, #tpu.memory_space<vmem>> -> memref<8x64xf32, #tpu.memory_space<vmem>>
    %dma_start3A_537 = arith.constant 0 : i32
    %dma_start3A_538 = tpu.memref_slice %arg4[%multiple_of3A_518, %dma_start3A_537] : memref<1000000x64xf32, #tpu.memory_space<hbm>> -> memref<8x64xf32, #tpu.memory_space<hbm>>
    tpu.enqueue_dma source(%dma_start3A_538 : memref<8x64xf32, #tpu.memory_space<hbm>>) target(%dma_start3A_536 : memref<8x64xf32, #tpu.memory_space<vmem>>) target_semaphore(%dma_start3A_532 : memref<!tpu.dma_semaphore, #tpu.memory_space<semaphore_mem>>)
    %dma_start3A_539 = arith.constant 1 : i32
    %dma_start3A_540 = arith.constant 3 : i32
    %dma_start3A_541 = arith.constant 1 : i32
    %dma_start3A_542 = arith.constant 0 : i32
    %dma_start3A_543 = arith.constant 0 : i32
    %dma_start3A_544 = tpu.memref_slice %arg14[%dma_start3A_539, %dma_start3A_540, %dma_start3A_542, %dma_start3A_543] : memref<6x8x8x64xf32, #tpu.memory_space<vmem>> -> memref<1x1x8x64xf32, #tpu.memory_space<vmem>>
    %dma_start3A_545 = tpu.memref_squeeze %dma_start3A_544 : memref<1x1x8x64xf32, #tpu.memory_space<vmem>> -> memref<8x64xf32, #tpu.memory_space<vmem>>
    %dma_start3A_546 = arith.constant 0 : i32
    %dma_start3A_547 = tpu.memref_slice %arg5[%multiple_of3A_521, %dma_start3A_546] : memref<100000x64xf32, #tpu.memory_space<hbm>> -> memref<8x64xf32, #tpu.memory_space<hbm>>
    %dma_start3A_548 = tpu.memref_slice %arg20[%dma_start3A_541] : memref<6x!tpu.dma_semaphore, #tpu.memory_space<semaphore_mem>> -> memref<1x!tpu.dma_semaphore, #tpu.memory_space<semaphore_mem>>
    %dma_start3A_549 = tpu.memref_squeeze %dma_start3A_548 : memref<1x!tpu.dma_semaphore, #tpu.memory_space<semaphore_mem>> -> memref<!tpu.dma_semaphore, #tpu.memory_space<semaphore_mem>>
    %dma_start3A_550 = arith.constant 0 : i32
    %dma_start3A_551 = arith.constant 0 : i32
    %dma_start3A_552 = tpu.memref_slice %arg14[%dma_start3A_539, %dma_start3A_540, %dma_start3A_550, %dma_start3A_551] : memref<6x8x8x64xf32, #tpu.memory_space<vmem>> -> memref<1x1x8x64xf32, #tpu.memory_space<vmem>>
    %dma_start3A_553 = tpu.memref_squeeze %dma_start3A_552 : memref<1x1x8x64xf32, #tpu.memory_space<vmem>> -> memref<8x64xf32, #tpu.memory_space<vmem>>
    %dma_start3A_554 = arith.constant 0 : i32
    %dma_start3A_555 = tpu.memref_slice %arg5[%multiple_of3A_521, %dma_start3A_554] : memref<100000x64xf32, #tpu.memory_space<hbm>> -> memref<8x64xf32, #tpu.memory_space<hbm>>
    tpu.enqueue_dma source(%dma_start3A_555 : memref<8x64xf32, #tpu.memory_space<hbm>>) target(%dma_start3A_553 : memref<8x64xf32, #tpu.memory_space<vmem>>) target_semaphore(%dma_start3A_549 : memref<!tpu.dma_semaphore, #tpu.memory_space<semaphore_mem>>)
    %slice3A_556 = vector.extract_strided_slice %shift_left3A_389 {offsets = [4], sizes = [1], strides = [1]} : vector<16xi32> to vector<1xi32>
    %squeeze3A_557 = vector.extract %slice3A_556[0] : i32 from vector<1xi32>
    %multiple_of3A_558 = tpu.assume_multiple %squeeze3A_557, 8 : i32
    %slice3A_559 = vector.extract_strided_slice %shift_left3A_395 {offsets = [4], sizes = [1], strides = [1]} : vector<16xi32> to vector<1xi32>
    %squeeze3A_560 = vector.extract %slice3A_559[0] : i32 from vector<1xi32>
    %multiple_of3A_561 = tpu.assume_multiple %squeeze3A_560, 8 : i32
    %dma_start3A_562 = arith.constant 1 : i32
    %dma_start3A_563 = arith.constant 4 : i32
    %dma_start3A_564 = arith.constant 1 : i32
    %dma_start3A_565 = arith.constant 0 : i32
    %dma_start3A_566 = arith.constant 0 : i32
    %dma_start3A_567 = tpu.memref_slice %arg13[%dma_start3A_562, %dma_start3A_563, %dma_start3A_565, %dma_start3A_566] : memref<6x8x8x64xf32, #tpu.memory_space<vmem>> -> memref<1x1x8x64xf32, #tpu.memory_space<vmem>>
    %dma_start3A_568 = tpu.memref_squeeze %dma_start3A_567 : memref<1x1x8x64xf32, #tpu.memory_space<vmem>> -> memref<8x64xf32, #tpu.memory_space<vmem>>
    %dma_start3A_569 = arith.constant 0 : i32
    %dma_start3A_570 = tpu.memref_slice %arg4[%multiple_of3A_558, %dma_start3A_569] : memref<1000000x64xf32, #tpu.memory_space<hbm>> -> memref<8x64xf32, #tpu.memory_space<hbm>>
    %dma_start3A_571 = tpu.memref_slice %arg20[%dma_start3A_564] : memref<6x!tpu.dma_semaphore, #tpu.memory_space<semaphore_mem>> -> memref<1x!tpu.dma_semaphore, #tpu.memory_space<semaphore_mem>>
    %dma_start3A_572 = tpu.memref_squeeze %dma_start3A_571 : memref<1x!tpu.dma_semaphore, #tpu.memory_space<semaphore_mem>> -> memref<!tpu.dma_semaphore, #tpu.memory_space<semaphore_mem>>
    %dma_start3A_573 = arith.constant 0 : i32
    %dma_start3A_574 = arith.constant 0 : i32
    %dma_start3A_575 = tpu.memref_slice %arg13[%dma_start3A_562, %dma_start3A_563, %dma_start3A_573, %dma_start3A_574] : memref<6x8x8x64xf32, #tpu.memory_space<vmem>> -> memref<1x1x8x64xf32, #tpu.memory_space<vmem>>
    %dma_start3A_576 = tpu.memref_squeeze %dma_start3A_575 : memref<1x1x8x64xf32, #tpu.memory_space<vmem>> -> memref<8x64xf32, #tpu.memory_space<vmem>>
    %dma_start3A_577 = arith.constant 0 : i32
    %dma_start3A_578 = tpu.memref_slice %arg4[%multiple_of3A_558, %dma_start3A_577] : memref<1000000x64xf32, #tpu.memory_space<hbm>> -> memref<8x64xf32, #tpu.memory_space<hbm>>
    tpu.enqueue_dma source(%dma_start3A_578 : memref<8x64xf32, #tpu.memory_space<hbm>>) target(%dma_start3A_576 : memref<8x64xf32, #tpu.memory_space<vmem>>) target_semaphore(%dma_start3A_572 : memref<!tpu.dma_semaphore, #tpu.memory_space<semaphore_mem>>)
    %dma_start3A_579 = arith.constant 1 : i32
    %dma_start3A_580 = arith.constant 4 : i32
    %dma_start3A_581 = arith.constant 1 : i32
    %dma_start3A_582 = arith.constant 0 : i32
    %dma_start3A_583 = arith.constant 0 : i32
    %dma_start3A_584 = tpu.memref_slice %arg14[%dma_start3A_579, %dma_start3A_580, %dma_start3A_582, %dma_start3A_583] : memref<6x8x8x64xf32, #tpu.memory_space<vmem>> -> memref<1x1x8x64xf32, #tpu.memory_space<vmem>>
    %dma_start3A_585 = tpu.memref_squeeze %dma_start3A_584 : memref<1x1x8x64xf32, #tpu.memory_space<vmem>> -> memref<8x64xf32, #tpu.memory_space<vmem>>
    %dma_start3A_586 = arith.constant 0 : i32
    %dma_start3A_587 = tpu.memref_slice %arg5[%multiple_of3A_561, %dma_start3A_586] : memref<100000x64xf32, #tpu.memory_space<hbm>> -> memref<8x64xf32, #tpu.memory_space<hbm>>
    %dma_start3A_588 = tpu.memref_slice %arg20[%dma_start3A_581] : memref<6x!tpu.dma_semaphore, #tpu.memory_space<semaphore_mem>> -> memref<1x!tpu.dma_semaphore, #tpu.memory_space<semaphore_mem>>
    %dma_start3A_589 = tpu.memref_squeeze %dma_start3A_588 : memref<1x!tpu.dma_semaphore, #tpu.memory_space<semaphore_mem>> -> memref<!tpu.dma_semaphore, #tpu.memory_space<semaphore_mem>>
    %dma_start3A_590 = arith.constant 0 : i32
    %dma_start3A_591 = arith.constant 0 : i32
    %dma_start3A_592 = tpu.memref_slice %arg14[%dma_start3A_579, %dma_start3A_580, %dma_start3A_590, %dma_start3A_591] : memref<6x8x8x64xf32, #tpu.memory_space<vmem>> -> memref<1x1x8x64xf32, #tpu.memory_space<vmem>>
    %dma_start3A_593 = tpu.memref_squeeze %dma_start3A_592 : memref<1x1x8x64xf32, #tpu.memory_space<vmem>> -> memref<8x64xf32, #tpu.memory_space<vmem>>
    %dma_start3A_594 = arith.constant 0 : i32
    %dma_start3A_595 = tpu.memref_slice %arg5[%multiple_of3A_561, %dma_start3A_594] : memref<100000x64xf32, #tpu.memory_space<hbm>> -> memref<8x64xf32, #tpu.memory_space<hbm>>
    tpu.enqueue_dma source(%dma_start3A_595 : memref<8x64xf32, #tpu.memory_space<hbm>>) target(%dma_start3A_593 : memref<8x64xf32, #tpu.memory_space<vmem>>) target_semaphore(%dma_start3A_589 : memref<!tpu.dma_semaphore, #tpu.memory_space<semaphore_mem>>)
    %slice3A_596 = vector.extract_strided_slice %shift_left3A_389 {offsets = [5], sizes = [1], strides = [1]} : vector<16xi32> to vector<1xi32>
    %squeeze3A_597 = vector.extract %slice3A_596[0] : i32 from vector<1xi32>
    %multiple_of3A_598 = tpu.assume_multiple %squeeze3A_597, 8 : i32
    %slice3A_599 = vector.extract_strided_slice %shift_left3A_395 {offsets = [5], sizes = [1], strides = [1]} : vector<16xi32> to vector<1xi32>
    %squeeze3A_600 = vector.extract %slice3A_599[0] : i32 from vector<1xi32>
    %multiple_of3A_601 = tpu.assume_multiple %squeeze3A_600, 8 : i32
    %dma_start3A_602 = arith.constant 1 : i32
    %dma_start3A_603 = arith.constant 5 : i32
    %dma_start3A_604 = arith.constant 1 : i32
    %dma_start3A_605 = arith.constant 0 : i32
    %dma_start3A_606 = arith.constant 0 : i32
    %dma_start3A_607 = tpu.memref_slice %arg13[%dma_start3A_602, %dma_start3A_603, %dma_start3A_605, %dma_start3A_606] : memref<6x8x8x64xf32, #tpu.memory_space<vmem>> -> memref<1x1x8x64xf32, #tpu.memory_space<vmem>>
    %dma_start3A_608 = tpu.memref_squeeze %dma_start3A_607 : memref<1x1x8x64xf32, #tpu.memory_space<vmem>> -> memref<8x64xf32, #tpu.memory_space<vmem>>
    %dma_start3A_609 = arith.constant 0 : i32
    %dma_start3A_610 = tpu.memref_slice %arg4[%multiple_of3A_598, %dma_start3A_609] : memref<1000000x64xf32, #tpu.memory_space<hbm>> -> memref<8x64xf32, #tpu.memory_space<hbm>>
    %dma_start3A_611 = tpu.memref_slice %arg20[%dma_start3A_604] : memref<6x!tpu.dma_semaphore, #tpu.memory_space<semaphore_mem>> -> memref<1x!tpu.dma_semaphore, #tpu.memory_space<semaphore_mem>>
    %dma_start3A_612 = tpu.memref_squeeze %dma_start3A_611 : memref<1x!tpu.dma_semaphore, #tpu.memory_space<semaphore_mem>> -> memref<!tpu.dma_semaphore, #tpu.memory_space<semaphore_mem>>
    %dma_start3A_613 = arith.constant 0 : i32
    %dma_start3A_614 = arith.constant 0 : i32
    %dma_start3A_615 = tpu.memref_slice %arg13[%dma_start3A_602, %dma_start3A_603, %dma_start3A_613, %dma_start3A_614] : memref<6x8x8x64xf32, #tpu.memory_space<vmem>> -> memref<1x1x8x64xf32, #tpu.memory_space<vmem>>
    %dma_start3A_616 = tpu.memref_squeeze %dma_start3A_615 : memref<1x1x8x64xf32, #tpu.memory_space<vmem>> -> memref<8x64xf32, #tpu.memory_space<vmem>>
    %dma_start3A_617 = arith.constant 0 : i32
    %dma_start3A_618 = tpu.memref_slice %arg4[%multiple_of3A_598, %dma_start3A_617] : memref<1000000x64xf32, #tpu.memory_space<hbm>> -> memref<8x64xf32, #tpu.memory_space<hbm>>
    tpu.enqueue_dma source(%dma_start3A_618 : memref<8x64xf32, #tpu.memory_space<hbm>>) target(%dma_start3A_616 : memref<8x64xf32, #tpu.memory_space<vmem>>) target_semaphore(%dma_start3A_612 : memref<!tpu.dma_semaphore, #tpu.memory_space<semaphore_mem>>)
    %dma_start3A_619 = arith.constant 1 : i32
    %dma_start3A_620 = arith.constant 5 : i32
    %dma_start3A_621 = arith.constant 1 : i32
    %dma_start3A_622 = arith.constant 0 : i32
    %dma_start3A_623 = arith.constant 0 : i32
    %dma_start3A_624 = tpu.memref_slice %arg14[%dma_start3A_619, %dma_start3A_620, %dma_start3A_622, %dma_start3A_623] : memref<6x8x8x64xf32, #tpu.memory_space<vmem>> -> memref<1x1x8x64xf32, #tpu.memory_space<vmem>>
    %dma_start3A_625 = tpu.memref_squeeze %dma_start3A_624 : memref<1x1x8x64xf32, #tpu.memory_space<vmem>> -> memref<8x64xf32, #tpu.memory_space<vmem>>
    %dma_start3A_626 = arith.constant 0 : i32
    %dma_start3A_627 = tpu.memref_slice %arg5[%multiple_of3A_601, %dma_start3A_626] : memref<100000x64xf32, #tpu.memory_space<hbm>> -> memref<8x64xf32, #tpu.memory_space<hbm>>
    %dma_start3A_628 = tpu.memref_slice %arg20[%dma_start3A_621] : memref<6x!tpu.dma_semaphore, #tpu.memory_space<semaphore_mem>> -> memref<1x!tpu.dma_semaphore, #tpu.memory_space<semaphore_mem>>
    %dma_start3A_629 = tpu.memref_squeeze %dma_start3A_628 : memref<1x!tpu.dma_semaphore, #tpu.memory_space<semaphore_mem>> -> memref<!tpu.dma_semaphore, #tpu.memory_space<semaphore_mem>>
    %dma_start3A_630 = arith.constant 0 : i32
    %dma_start3A_631 = arith.constant 0 : i32
    %dma_start3A_632 = tpu.memref_slice %arg14[%dma_start3A_619, %dma_start3A_620, %dma_start3A_630, %dma_start3A_631] : memref<6x8x8x64xf32, #tpu.memory_space<vmem>> -> memref<1x1x8x64xf32, #tpu.memory_space<vmem>>
    %dma_start3A_633 = tpu.memref_squeeze %dma_start3A_632 : memref<1x1x8x64xf32, #tpu.memory_space<vmem>> -> memref<8x64xf32, #tpu.memory_space<vmem>>
    %dma_start3A_634 = arith.constant 0 : i32
    %dma_start3A_635 = tpu.memref_slice %arg5[%multiple_of3A_601, %dma_start3A_634] : memref<100000x64xf32, #tpu.memory_space<hbm>> -> memref<8x64xf32, #tpu.memory_space<hbm>>
    tpu.enqueue_dma source(%dma_start3A_635 : memref<8x64xf32, #tpu.memory_space<hbm>>) target(%dma_start3A_633 : memref<8x64xf32, #tpu.memory_space<vmem>>) target_semaphore(%dma_start3A_629 : memref<!tpu.dma_semaphore, #tpu.memory_space<semaphore_mem>>)
    %slice3A_636 = vector.extract_strided_slice %shift_left3A_389 {offsets = [6], sizes = [1], strides = [1]} : vector<16xi32> to vector<1xi32>
    %squeeze3A_637 = vector.extract %slice3A_636[0] : i32 from vector<1xi32>
    %multiple_of3A_638 = tpu.assume_multiple %squeeze3A_637, 8 : i32
    %slice3A_639 = vector.extract_strided_slice %shift_left3A_395 {offsets = [6], sizes = [1], strides = [1]} : vector<16xi32> to vector<1xi32>
    %squeeze3A_640 = vector.extract %slice3A_639[0] : i32 from vector<1xi32>
    %multiple_of3A_641 = tpu.assume_multiple %squeeze3A_640, 8 : i32
    %dma_start3A_642 = arith.constant 1 : i32
    %dma_start3A_643 = arith.constant 6 : i32
    %dma_start3A_644 = arith.constant 1 : i32
    %dma_start3A_645 = arith.constant 0 : i32
    %dma_start3A_646 = arith.constant 0 : i32
    %dma_start3A_647 = tpu.memref_slice %arg13[%dma_start3A_642, %dma_start3A_643, %dma_start3A_645, %dma_start3A_646] : memref<6x8x8x64xf32, #tpu.memory_space<vmem>> -> memref<1x1x8x64xf32, #tpu.memory_space<vmem>>
    %dma_start3A_648 = tpu.memref_squeeze %dma_start3A_647 : memref<1x1x8x64xf32, #tpu.memory_space<vmem>> -> memref<8x64xf32, #tpu.memory_space<vmem>>
    %dma_start3A_649 = arith.constant 0 : i32
    %dma_start3A_650 = tpu.memref_slice %arg4[%multiple_of3A_638, %dma_start3A_649] : memref<1000000x64xf32, #tpu.memory_space<hbm>> -> memref<8x64xf32, #tpu.memory_space<hbm>>
    %dma_start3A_651 = tpu.memref_slice %arg20[%dma_start3A_644] : memref<6x!tpu.dma_semaphore, #tpu.memory_space<semaphore_mem>> -> memref<1x!tpu.dma_semaphore, #tpu.memory_space<semaphore_mem>>
    %dma_start3A_652 = tpu.memref_squeeze %dma_start3A_651 : memref<1x!tpu.dma_semaphore, #tpu.memory_space<semaphore_mem>> -> memref<!tpu.dma_semaphore, #tpu.memory_space<semaphore_mem>>
    %dma_start3A_653 = arith.constant 0 : i32
    %dma_start3A_654 = arith.constant 0 : i32
    %dma_start3A_655 = tpu.memref_slice %arg13[%dma_start3A_642, %dma_start3A_643, %dma_start3A_653, %dma_start3A_654] : memref<6x8x8x64xf32, #tpu.memory_space<vmem>> -> memref<1x1x8x64xf32, #tpu.memory_space<vmem>>
    %dma_start3A_656 = tpu.memref_squeeze %dma_start3A_655 : memref<1x1x8x64xf32, #tpu.memory_space<vmem>> -> memref<8x64xf32, #tpu.memory_space<vmem>>
    %dma_start3A_657 = arith.constant 0 : i32
    %dma_start3A_658 = tpu.memref_slice %arg4[%multiple_of3A_638, %dma_start3A_657] : memref<1000000x64xf32, #tpu.memory_space<hbm>> -> memref<8x64xf32, #tpu.memory_space<hbm>>
    tpu.enqueue_dma source(%dma_start3A_658 : memref<8x64xf32, #tpu.memory_space<hbm>>) target(%dma_start3A_656 : memref<8x64xf32, #tpu.memory_space<vmem>>) target_semaphore(%dma_start3A_652 : memref<!tpu.dma_semaphore, #tpu.memory_space<semaphore_mem>>)
    %dma_start3A_659 = arith.constant 1 : i32
    %dma_start3A_660 = arith.constant 6 : i32
    %dma_start3A_661 = arith.constant 1 : i32
    %dma_start3A_662 = arith.constant 0 : i32
    %dma_start3A_663 = arith.constant 0 : i32
    %dma_start3A_664 = tpu.memref_slice %arg14[%dma_start3A_659, %dma_start3A_660, %dma_start3A_662, %dma_start3A_663] : memref<6x8x8x64xf32, #tpu.memory_space<vmem>> -> memref<1x1x8x64xf32, #tpu.memory_space<vmem>>
    %dma_start3A_665 = tpu.memref_squeeze %dma_start3A_664 : memref<1x1x8x64xf32, #tpu.memory_space<vmem>> -> memref<8x64xf32, #tpu.memory_space<vmem>>
    %dma_start3A_666 = arith.constant 0 : i32
    %dma_start3A_667 = tpu.memref_slice %arg5[%multiple_of3A_641, %dma_start3A_666] : memref<100000x64xf32, #tpu.memory_space<hbm>> -> memref<8x64xf32, #tpu.memory_space<hbm>>
    %dma_start3A_668 = tpu.memref_slice %arg20[%dma_start3A_661] : memref<6x!tpu.dma_semaphore, #tpu.memory_space<semaphore_mem>> -> memref<1x!tpu.dma_semaphore, #tpu.memory_space<semaphore_mem>>
    %dma_start3A_669 = tpu.memref_squeeze %dma_start3A_668 : memref<1x!tpu.dma_semaphore, #tpu.memory_space<semaphore_mem>> -> memref<!tpu.dma_semaphore, #tpu.memory_space<semaphore_mem>>
    %dma_start3A_670 = arith.constant 0 : i32
    %dma_start3A_671 = arith.constant 0 : i32
    %dma_start3A_672 = tpu.memref_slice %arg14[%dma_start3A_659, %dma_start3A_660, %dma_start3A_670, %dma_start3A_671] : memref<6x8x8x64xf32, #tpu.memory_space<vmem>> -> memref<1x1x8x64xf32, #tpu.memory_space<vmem>>
    %dma_start3A_673 = tpu.memref_squeeze %dma_start3A_672 : memref<1x1x8x64xf32, #tpu.memory_space<vmem>> -> memref<8x64xf32, #tpu.memory_space<vmem>>
    %dma_start3A_674 = arith.constant 0 : i32
    %dma_start3A_675 = tpu.memref_slice %arg5[%multiple_of3A_641, %dma_start3A_674] : memref<100000x64xf32, #tpu.memory_space<hbm>> -> memref<8x64xf32, #tpu.memory_space<hbm>>
    tpu.enqueue_dma source(%dma_start3A_675 : memref<8x64xf32, #tpu.memory_space<hbm>>) target(%dma_start3A_673 : memref<8x64xf32, #tpu.memory_space<vmem>>) target_semaphore(%dma_start3A_669 : memref<!tpu.dma_semaphore, #tpu.memory_space<semaphore_mem>>)
    %slice3A_676 = vector.extract_strided_slice %shift_left3A_389 {offsets = [7], sizes = [1], strides = [1]} : vector<16xi32> to vector<1xi32>
    %squeeze3A_677 = vector.extract %slice3A_676[0] : i32 from vector<1xi32>
    %multiple_of3A_678 = tpu.assume_multiple %squeeze3A_677, 8 : i32
    %slice3A_679 = vector.extract_strided_slice %shift_left3A_395 {offsets = [7], sizes = [1], strides = [1]} : vector<16xi32> to vector<1xi32>
    %squeeze3A_680 = vector.extract %slice3A_679[0] : i32 from vector<1xi32>
    %multiple_of3A_681 = tpu.assume_multiple %squeeze3A_680, 8 : i32
    %dma_start3A_682 = arith.constant 1 : i32
    %dma_start3A_683 = arith.constant 7 : i32
    %dma_start3A_684 = arith.constant 1 : i32
    %dma_start3A_685 = arith.constant 0 : i32
    %dma_start3A_686 = arith.constant 0 : i32
    %dma_start3A_687 = tpu.memref_slice %arg13[%dma_start3A_682, %dma_start3A_683, %dma_start3A_685, %dma_start3A_686] : memref<6x8x8x64xf32, #tpu.memory_space<vmem>> -> memref<1x1x8x64xf32, #tpu.memory_space<vmem>>
    %dma_start3A_688 = tpu.memref_squeeze %dma_start3A_687 : memref<1x1x8x64xf32, #tpu.memory_space<vmem>> -> memref<8x64xf32, #tpu.memory_space<vmem>>
    %dma_start3A_689 = arith.constant 0 : i32
    %dma_start3A_690 = tpu.memref_slice %arg4[%multiple_of3A_678, %dma_start3A_689] : memref<1000000x64xf32, #tpu.memory_space<hbm>> -> memref<8x64xf32, #tpu.memory_space<hbm>>
    %dma_start3A_691 = tpu.memref_slice %arg20[%dma_start3A_684] : memref<6x!tpu.dma_semaphore, #tpu.memory_space<semaphore_mem>> -> memref<1x!tpu.dma_semaphore, #tpu.memory_space<semaphore_mem>>
    %dma_start3A_692 = tpu.memref_squeeze %dma_start3A_691 : memref<1x!tpu.dma_semaphore, #tpu.memory_space<semaphore_mem>> -> memref<!tpu.dma_semaphore, #tpu.memory_space<semaphore_mem>>
    %dma_start3A_693 = arith.constant 0 : i32
    %dma_start3A_694 = arith.constant 0 : i32
    %dma_start3A_695 = tpu.memref_slice %arg13[%dma_start3A_682, %dma_start3A_683, %dma_start3A_693, %dma_start3A_694] : memref<6x8x8x64xf32, #tpu.memory_space<vmem>> -> memref<1x1x8x64xf32, #tpu.memory_space<vmem>>
    %dma_start3A_696 = tpu.memref_squeeze %dma_start3A_695 : memref<1x1x8x64xf32, #tpu.memory_space<vmem>> -> memref<8x64xf32, #tpu.memory_space<vmem>>
    %dma_start3A_697 = arith.constant 0 : i32
    %dma_start3A_698 = tpu.memref_slice %arg4[%multiple_of3A_678, %dma_start3A_697] : memref<1000000x64xf32, #tpu.memory_space<hbm>> -> memref<8x64xf32, #tpu.memory_space<hbm>>
    tpu.enqueue_dma source(%dma_start3A_698 : memref<8x64xf32, #tpu.memory_space<hbm>>) target(%dma_start3A_696 : memref<8x64xf32, #tpu.memory_space<vmem>>) target_semaphore(%dma_start3A_692 : memref<!tpu.dma_semaphore, #tpu.memory_space<semaphore_mem>>)
    %dma_start3A_699 = arith.constant 1 : i32
    %dma_start3A_700 = arith.constant 7 : i32
    %dma_start3A_701 = arith.constant 1 : i32
    %dma_start3A_702 = arith.constant 0 : i32
    %dma_start3A_703 = arith.constant 0 : i32
    %dma_start3A_704 = tpu.memref_slice %arg14[%dma_start3A_699, %dma_start3A_700, %dma_start3A_702, %dma_start3A_703] : memref<6x8x8x64xf32, #tpu.memory_space<vmem>> -> memref<1x1x8x64xf32, #tpu.memory_space<vmem>>
    %dma_start3A_705 = tpu.memref_squeeze %dma_start3A_704 : memref<1x1x8x64xf32, #tpu.memory_space<vmem>> -> memref<8x64xf32, #tpu.memory_space<vmem>>
    %dma_start3A_706 = arith.constant 0 : i32
    %dma_start3A_707 = tpu.memref_slice %arg5[%multiple_of3A_681, %dma_start3A_706] : memref<100000x64xf32, #tpu.memory_space<hbm>> -> memref<8x64xf32, #tpu.memory_space<hbm>>
    %dma_start3A_708 = tpu.memref_slice %arg20[%dma_start3A_701] : memref<6x!tpu.dma_semaphore, #tpu.memory_space<semaphore_mem>> -> memref<1x!tpu.dma_semaphore, #tpu.memory_space<semaphore_mem>>
    %dma_start3A_709 = tpu.memref_squeeze %dma_start3A_708 : memref<1x!tpu.dma_semaphore, #tpu.memory_space<semaphore_mem>> -> memref<!tpu.dma_semaphore, #tpu.memory_space<semaphore_mem>>
    %dma_start3A_710 = arith.constant 0 : i32
    %dma_start3A_711 = arith.constant 0 : i32
    %dma_start3A_712 = tpu.memref_slice %arg14[%dma_start3A_699, %dma_start3A_700, %dma_start3A_710, %dma_start3A_711] : memref<6x8x8x64xf32, #tpu.memory_space<vmem>> -> memref<1x1x8x64xf32, #tpu.memory_space<vmem>>
    %dma_start3A_713 = tpu.memref_squeeze %dma_start3A_712 : memref<1x1x8x64xf32, #tpu.memory_space<vmem>> -> memref<8x64xf32, #tpu.memory_space<vmem>>
    %dma_start3A_714 = arith.constant 0 : i32
    %dma_start3A_715 = tpu.memref_slice %arg5[%multiple_of3A_681, %dma_start3A_714] : memref<100000x64xf32, #tpu.memory_space<hbm>> -> memref<8x64xf32, #tpu.memory_space<hbm>>
    tpu.enqueue_dma source(%dma_start3A_715 : memref<8x64xf32, #tpu.memory_space<hbm>>) target(%dma_start3A_713 : memref<8x64xf32, #tpu.memory_space<vmem>>) target_semaphore(%dma_start3A_709 : memref<!tpu.dma_semaphore, #tpu.memory_space<semaphore_mem>>)
    %get3A_716 = arith.constant 16 : index
    %get3A_717 = tpu.vector_load %arg11[%get3A_716] {strides = array<i32>} : memref<528xi32, #tpu.memory_space<vmem>>, vector<16xi32>,
    %get3A_718 = arith.constant 16 : index
    %get3A_719 = tpu.vector_load %arg12[%get3A_718] {strides = array<i32>} : memref<528xi32, #tpu.memory_space<vmem>>, vector<16xi32>,
    %shift_right_arithmetic3A_720 = arith.constant 3 : i32
    %shift_right_arithmetic3A_721 = vector.broadcast %shift_right_arithmetic3A_720 : i32 to vector<16xi32>
    %shift_right_arithmetic3A_722 = arith.shrsi %get3A_717, %shift_right_arithmetic3A_721 : vector<16xi32>
    %shift_left3A_723 = arith.constant 3 : i32
    %shift_left3A_724 = vector.broadcast %shift_left3A_723 : i32 to vector<16xi32>
    %shift_left3A_725 = arith.shli %shift_right_arithmetic3A_722, %shift_left3A_724 : vector<16xi32>
    %shift_right_arithmetic3A_726 = arith.constant 3 : i32
    %shift_right_arithmetic3A_727 = vector.broadcast %shift_right_arithmetic3A_726 : i32 to vector<16xi32>
    %shift_right_arithmetic3A_728 = arith.shrsi %get3A_719, %shift_right_arithmetic3A_727 : vector<16xi32>
    %shift_left3A_729 = arith.constant 3 : i32
    %shift_left3A_730 = vector.broadcast %shift_left3A_729 : i32 to vector<16xi32>
    %shift_left3A_731 = arith.shli %shift_right_arithmetic3A_728, %shift_left3A_730 : vector<16xi32>
    %slice3A_732 = vector.extract_strided_slice %shift_left3A_725 {offsets = [0], sizes = [1], strides = [1]} : vector<16xi32> to vector<1xi32>
    %squeeze3A_733 = vector.extract %slice3A_732[0] : i32 from vector<1xi32>
    %multiple_of3A_734 = tpu.assume_multiple %squeeze3A_733, 8 : i32
    %slice3A_735 = vector.extract_strided_slice %shift_left3A_731 {offsets = [0], sizes = [1], strides = [1]} : vector<16xi32> to vector<1xi32>
    %squeeze3A_736 = vector.extract %slice3A_735[0] : i32 from vector<1xi32>
    %multiple_of3A_737 = tpu.assume_multiple %squeeze3A_736, 8 : i32
    %dma_start3A_738 = arith.constant 2 : i32
    %dma_start3A_739 = arith.constant 0 : i32
    %dma_start3A_740 = arith.constant 2 : i32
    %dma_start3A_741 = arith.constant 0 : i32
    %dma_start3A_742 = arith.constant 0 : i32
    %dma_start3A_743 = tpu.memref_slice %arg13[%dma_start3A_738, %dma_start3A_739, %dma_start3A_741, %dma_start3A_742] : memref<6x8x8x64xf32, #tpu.memory_space<vmem>> -> memref<1x1x8x64xf32, #tpu.memory_space<vmem>>
    %dma_start3A_744 = tpu.memref_squeeze %dma_start3A_743 : memref<1x1x8x64xf32, #tpu.memory_space<vmem>> -> memref<8x64xf32, #tpu.memory_space<vmem>>
    %dma_start3A_745 = arith.constant 0 : i32
    %dma_start3A_746 = tpu.memref_slice %arg4[%multiple_of3A_734, %dma_start3A_745] : memref<1000000x64xf32, #tpu.memory_space<hbm>> -> memref<8x64xf32, #tpu.memory_space<hbm>>
    %dma_start3A_747 = tpu.memref_slice %arg20[%dma_start3A_740] : memref<6x!tpu.dma_semaphore, #tpu.memory_space<semaphore_mem>> -> memref<1x!tpu.dma_semaphore, #tpu.memory_space<semaphore_mem>>
    %dma_start3A_748 = tpu.memref_squeeze %dma_start3A_747 : memref<1x!tpu.dma_semaphore, #tpu.memory_space<semaphore_mem>> -> memref<!tpu.dma_semaphore, #tpu.memory_space<semaphore_mem>>
    %dma_start3A_749 = arith.constant 0 : i32
    %dma_start3A_750 = arith.constant 0 : i32
    %dma_start3A_751 = tpu.memref_slice %arg13[%dma_start3A_738, %dma_start3A_739, %dma_start3A_749, %dma_start3A_750] : memref<6x8x8x64xf32, #tpu.memory_space<vmem>> -> memref<1x1x8x64xf32, #tpu.memory_space<vmem>>
    %dma_start3A_752 = tpu.memref_squeeze %dma_start3A_751 : memref<1x1x8x64xf32, #tpu.memory_space<vmem>> -> memref<8x64xf32, #tpu.memory_space<vmem>>
    %dma_start3A_753 = arith.constant 0 : i32
    %dma_start3A_754 = tpu.memref_slice %arg4[%multiple_of3A_734, %dma_start3A_753] : memref<1000000x64xf32, #tpu.memory_space<hbm>> -> memref<8x64xf32, #tpu.memory_space<hbm>>
    tpu.enqueue_dma source(%dma_start3A_754 : memref<8x64xf32, #tpu.memory_space<hbm>>) target(%dma_start3A_752 : memref<8x64xf32, #tpu.memory_space<vmem>>) target_semaphore(%dma_start3A_748 : memref<!tpu.dma_semaphore, #tpu.memory_space<semaphore_mem>>)
    %dma_start3A_755 = arith.constant 2 : i32
    %dma_start3A_756 = arith.constant 0 : i32
    %dma_start3A_757 = arith.constant 2 : i32
    %dma_start3A_758 = arith.constant 0 : i32
    %dma_start3A_759 = arith.constant 0 : i32
    %dma_start3A_760 = tpu.memref_slice %arg14[%dma_start3A_755, %dma_start3A_756, %dma_start3A_758, %dma_start3A_759] : memref<6x8x8x64xf32, #tpu.memory_space<vmem>> -> memref<1x1x8x64xf32, #tpu.memory_space<vmem>>
    %dma_start3A_761 = tpu.memref_squeeze %dma_start3A_760 : memref<1x1x8x64xf32, #tpu.memory_space<vmem>> -> memref<8x64xf32, #tpu.memory_space<vmem>>
    %dma_start3A_762 = arith.constant 0 : i32
    %dma_start3A_763 = tpu.memref_slice %arg5[%multiple_of3A_737, %dma_start3A_762] : memref<100000x64xf32, #tpu.memory_space<hbm>> -> memref<8x64xf32, #tpu.memory_space<hbm>>
    %dma_start3A_764 = tpu.memref_slice %arg20[%dma_start3A_757] : memref<6x!tpu.dma_semaphore, #tpu.memory_space<semaphore_mem>> -> memref<1x!tpu.dma_semaphore, #tpu.memory_space<semaphore_mem>>
    %dma_start3A_765 = tpu.memref_squeeze %dma_start3A_764 : memref<1x!tpu.dma_semaphore, #tpu.memory_space<semaphore_mem>> -> memref<!tpu.dma_semaphore, #tpu.memory_space<semaphore_mem>>
    %dma_start3A_766 = arith.constant 0 : i32
    %dma_start3A_767 = arith.constant 0 : i32
    %dma_start3A_768 = tpu.memref_slice %arg14[%dma_start3A_755, %dma_start3A_756, %dma_start3A_766, %dma_start3A_767] : memref<6x8x8x64xf32, #tpu.memory_space<vmem>> -> memref<1x1x8x64xf32, #tpu.memory_space<vmem>>
    %dma_start3A_769 = tpu.memref_squeeze %dma_start3A_768 : memref<1x1x8x64xf32, #tpu.memory_space<vmem>> -> memref<8x64xf32, #tpu.memory_space<vmem>>
    %dma_start3A_770 = arith.constant 0 : i32
    %dma_start3A_771 = tpu.memref_slice %arg5[%multiple_of3A_737, %dma_start3A_770] : memref<100000x64xf32, #tpu.memory_space<hbm>> -> memref<8x64xf32, #tpu.memory_space<hbm>>
    tpu.enqueue_dma source(%dma_start3A_771 : memref<8x64xf32, #tpu.memory_space<hbm>>) target(%dma_start3A_769 : memref<8x64xf32, #tpu.memory_space<vmem>>) target_semaphore(%dma_start3A_765 : memref<!tpu.dma_semaphore, #tpu.memory_space<semaphore_mem>>)
    %slice3A_772 = vector.extract_strided_slice %shift_left3A_725 {offsets = [1], sizes = [1], strides = [1]} : vector<16xi32> to vector<1xi32>
    %squeeze3A_773 = vector.extract %slice3A_772[0] : i32 from vector<1xi32>
    %multiple_of3A_774 = tpu.assume_multiple %squeeze3A_773, 8 : i32
    %slice3A_775 = vector.extract_strided_slice %shift_left3A_731 {offsets = [1], sizes = [1], strides = [1]} : vector<16xi32> to vector<1xi32>
    %squeeze3A_776 = vector.extract %slice3A_775[0] : i32 from vector<1xi32>
    %multiple_of3A_777 = tpu.assume_multiple %squeeze3A_776, 8 : i32
    %dma_start3A_778 = arith.constant 2 : i32
    %dma_start3A_779 = arith.constant 1 : i32
    %dma_start3A_780 = arith.constant 2 : i32
    %dma_start3A_781 = arith.constant 0 : i32
    %dma_start3A_782 = arith.constant 0 : i32
    %dma_start3A_783 = tpu.memref_slice %arg13[%dma_start3A_778, %dma_start3A_779, %dma_start3A_781, %dma_start3A_782] : memref<6x8x8x64xf32, #tpu.memory_space<vmem>> -> memref<1x1x8x64xf32, #tpu.memory_space<vmem>>
    %dma_start3A_784 = tpu.memref_squeeze %dma_start3A_783 : memref<1x1x8x64xf32, #tpu.memory_space<vmem>> -> memref<8x64xf32, #tpu.memory_space<vmem>>
    %dma_start3A_785 = arith.constant 0 : i32
    %dma_start3A_786 = tpu.memref_slice %arg4[%multiple_of3A_774, %dma_start3A_785] : memref<1000000x64xf32, #tpu.memory_space<hbm>> -> memref<8x64xf32, #tpu.memory_space<hbm>>
    %dma_start3A_787 = tpu.memref_slice %arg20[%dma_start3A_780] : memref<6x!tpu.dma_semaphore, #tpu.memory_space<semaphore_mem>> -> memref<1x!tpu.dma_semaphore, #tpu.memory_space<semaphore_mem>>
    %dma_start3A_788 = tpu.memref_squeeze %dma_start3A_787 : memref<1x!tpu.dma_semaphore, #tpu.memory_space<semaphore_mem>> -> memref<!tpu.dma_semaphore, #tpu.memory_space<semaphore_mem>>
    %dma_start3A_789 = arith.constant 0 : i32
    %dma_start3A_790 = arith.constant 0 : i32
    %dma_start3A_791 = tpu.memref_slice %arg13[%dma_start3A_778, %dma_start3A_779, %dma_start3A_789, %dma_start3A_790] : memref<6x8x8x64xf32, #tpu.memory_space<vmem>> -> memref<1x1x8x64xf32, #tpu.memory_space<vmem>>
    %dma_start3A_792 = tpu.memref_squeeze %dma_start3A_791 : memref<1x1x8x64xf32, #tpu.memory_space<vmem>> -> memref<8x64xf32, #tpu.memory_space<vmem>>
    %dma_start3A_793 = arith.constant 0 : i32
    %dma_start3A_794 = tpu.memref_slice %arg4[%multiple_of3A_774, %dma_start3A_793] : memref<1000000x64xf32, #tpu.memory_space<hbm>> -> memref<8x64xf32, #tpu.memory_space<hbm>>
    tpu.enqueue_dma source(%dma_start3A_794 : memref<8x64xf32, #tpu.memory_space<hbm>>) target(%dma_start3A_792 : memref<8x64xf32, #tpu.memory_space<vmem>>) target_semaphore(%dma_start3A_788 : memref<!tpu.dma_semaphore, #tpu.memory_space<semaphore_mem>>)
    %dma_start3A_795 = arith.constant 2 : i32
    %dma_start3A_796 = arith.constant 1 : i32
    %dma_start3A_797 = arith.constant 2 : i32
    %dma_start3A_798 = arith.constant 0 : i32
    %dma_start3A_799 = arith.constant 0 : i32
    %dma_start3A_800 = tpu.memref_slice %arg14[%dma_start3A_795, %dma_start3A_796, %dma_start3A_798, %dma_start3A_799] : memref<6x8x8x64xf32, #tpu.memory_space<vmem>> -> memref<1x1x8x64xf32, #tpu.memory_space<vmem>>
    %dma_start3A_801 = tpu.memref_squeeze %dma_start3A_800 : memref<1x1x8x64xf32, #tpu.memory_space<vmem>> -> memref<8x64xf32, #tpu.memory_space<vmem>>
    %dma_start3A_802 = arith.constant 0 : i32
    %dma_start3A_803 = tpu.memref_slice %arg5[%multiple_of3A_777, %dma_start3A_802] : memref<100000x64xf32, #tpu.memory_space<hbm>> -> memref<8x64xf32, #tpu.memory_space<hbm>>
    %dma_start3A_804 = tpu.memref_slice %arg20[%dma_start3A_797] : memref<6x!tpu.dma_semaphore, #tpu.memory_space<semaphore_mem>> -> memref<1x!tpu.dma_semaphore, #tpu.memory_space<semaphore_mem>>
    %dma_start3A_805 = tpu.memref_squeeze %dma_start3A_804 : memref<1x!tpu.dma_semaphore, #tpu.memory_space<semaphore_mem>> -> memref<!tpu.dma_semaphore, #tpu.memory_space<semaphore_mem>>
    %dma_start3A_806 = arith.constant 0 : i32
    %dma_start3A_807 = arith.constant 0 : i32
    %dma_start3A_808 = tpu.memref_slice %arg14[%dma_start3A_795, %dma_start3A_796, %dma_start3A_806, %dma_start3A_807] : memref<6x8x8x64xf32, #tpu.memory_space<vmem>> -> memref<1x1x8x64xf32, #tpu.memory_space<vmem>>
    %dma_start3A_809 = tpu.memref_squeeze %dma_start3A_808 : memref<1x1x8x64xf32, #tpu.memory_space<vmem>> -> memref<8x64xf32, #tpu.memory_space<vmem>>
    %dma_start3A_810 = arith.constant 0 : i32
    %dma_start3A_811 = tpu.memref_slice %arg5[%multiple_of3A_777, %dma_start3A_810] : memref<100000x64xf32, #tpu.memory_space<hbm>> -> memref<8x64xf32, #tpu.memory_space<hbm>>
    tpu.enqueue_dma source(%dma_start3A_811 : memref<8x64xf32, #tpu.memory_space<hbm>>) target(%dma_start3A_809 : memref<8x64xf32, #tpu.memory_space<vmem>>) target_semaphore(%dma_start3A_805 : memref<!tpu.dma_semaphore, #tpu.memory_space<semaphore_mem>>)
    %slice3A_812 = vector.extract_strided_slice %shift_left3A_725 {offsets = [2], sizes = [1], strides = [1]} : vector<16xi32> to vector<1xi32>
    %squeeze3A_813 = vector.extract %slice3A_812[0] : i32 from vector<1xi32>
    %multiple_of3A_814 = tpu.assume_multiple %squeeze3A_813, 8 : i32
    %slice3A_815 = vector.extract_strided_slice %shift_left3A_731 {offsets = [2], sizes = [1], strides = [1]} : vector<16xi32> to vector<1xi32>
    %squeeze3A_816 = vector.extract %slice3A_815[0] : i32 from vector<1xi32>
    %multiple_of3A_817 = tpu.assume_multiple %squeeze3A_816, 8 : i32
    %dma_start3A_818 = arith.constant 2 : i32
    %dma_start3A_819 = arith.constant 2 : i32
    %dma_start3A_820 = arith.constant 2 : i32
    %dma_start3A_821 = arith.constant 0 : i32
    %dma_start3A_822 = arith.constant 0 : i32
    %dma_start3A_823 = tpu.memref_slice %arg13[%dma_start3A_818, %dma_start3A_819, %dma_start3A_821, %dma_start3A_822] : memref<6x8x8x64xf32, #tpu.memory_space<vmem>> -> memref<1x1x8x64xf32, #tpu.memory_space<vmem>>
    %dma_start3A_824 = tpu.memref_squeeze %dma_start3A_823 : memref<1x1x8x64xf32, #tpu.memory_space<vmem>> -> memref<8x64xf32, #tpu.memory_space<vmem>>
    %dma_start3A_825 = arith.constant 0 : i32
    %dma_start3A_826 = tpu.memref_slice %arg4[%multiple_of3A_814, %dma_start3A_825] : memref<1000000x64xf32, #tpu.memory_space<hbm>> -> memref<8x64xf32, #tpu.memory_space<hbm>>
    %dma_start3A_827 = tpu.memref_slice %arg20[%dma_start3A_820] : memref<6x!tpu.dma_semaphore, #tpu.memory_space<semaphore_mem>> -> memref<1x!tpu.dma_semaphore, #tpu.memory_space<semaphore_mem>>
    %dma_start3A_828 = tpu.memref_squeeze %dma_start3A_827 : memref<1x!tpu.dma_semaphore, #tpu.memory_space<semaphore_mem>> -> memref<!tpu.dma_semaphore, #tpu.memory_space<semaphore_mem>>
    %dma_start3A_829 = arith.constant 0 : i32
    %dma_start3A_830 = arith.constant 0 : i32
    %dma_start3A_831 = tpu.memref_slice %arg13[%dma_start3A_818, %dma_start3A_819, %dma_start3A_829, %dma_start3A_830] : memref<6x8x8x64xf32, #tpu.memory_space<vmem>> -> memref<1x1x8x64xf32, #tpu.memory_space<vmem>>
    %dma_start3A_832 = tpu.memref_squeeze %dma_start3A_831 : memref<1x1x8x64xf32, #tpu.memory_space<vmem>> -> memref<8x64xf32, #tpu.memory_space<vmem>>
    %dma_start3A_833 = arith.constant 0 : i32
    %dma_start3A_834 = tpu.memref_slice %arg4[%multiple_of3A_814, %dma_start3A_833] : memref<1000000x64xf32, #tpu.memory_space<hbm>> -> memref<8x64xf32, #tpu.memory_space<hbm>>
    tpu.enqueue_dma source(%dma_start3A_834 : memref<8x64xf32, #tpu.memory_space<hbm>>) target(%dma_start3A_832 : memref<8x64xf32, #tpu.memory_space<vmem>>) target_semaphore(%dma_start3A_828 : memref<!tpu.dma_semaphore, #tpu.memory_space<semaphore_mem>>)
    %dma_start3A_835 = arith.constant 2 : i32
    %dma_start3A_836 = arith.constant 2 : i32
    %dma_start3A_837 = arith.constant 2 : i32
    %dma_start3A_838 = arith.constant 0 : i32
    %dma_start3A_839 = arith.constant 0 : i32
    %dma_start3A_840 = tpu.memref_slice %arg14[%dma_start3A_835, %dma_start3A_836, %dma_start3A_838, %dma_start3A_839] : memref<6x8x8x64xf32, #tpu.memory_space<vmem>> -> memref<1x1x8x64xf32, #tpu.memory_space<vmem>>
    %dma_start3A_841 = tpu.memref_squeeze %dma_start3A_840 : memref<1x1x8x64xf32, #tpu.memory_space<vmem>> -> memref<8x64xf32, #tpu.memory_space<vmem>>
    %dma_start3A_842 = arith.constant 0 : i32
    %dma_start3A_843 = tpu.memref_slice %arg5[%multiple_of3A_817, %dma_start3A_842] : memref<100000x64xf32, #tpu.memory_space<hbm>> -> memref<8x64xf32, #tpu.memory_space<hbm>>
    %dma_start3A_844 = tpu.memref_slice %arg20[%dma_start3A_837] : memref<6x!tpu.dma_semaphore, #tpu.memory_space<semaphore_mem>> -> memref<1x!tpu.dma_semaphore, #tpu.memory_space<semaphore_mem>>
    %dma_start3A_845 = tpu.memref_squeeze %dma_start3A_844 : memref<1x!tpu.dma_semaphore, #tpu.memory_space<semaphore_mem>> -> memref<!tpu.dma_semaphore, #tpu.memory_space<semaphore_mem>>
    %dma_start3A_846 = arith.constant 0 : i32
    %dma_start3A_847 = arith.constant 0 : i32
    %dma_start3A_848 = tpu.memref_slice %arg14[%dma_start3A_835, %dma_start3A_836, %dma_start3A_846, %dma_start3A_847] : memref<6x8x8x64xf32, #tpu.memory_space<vmem>> -> memref<1x1x8x64xf32, #tpu.memory_space<vmem>>
    %dma_start3A_849 = tpu.memref_squeeze %dma_start3A_848 : memref<1x1x8x64xf32, #tpu.memory_space<vmem>> -> memref<8x64xf32, #tpu.memory_space<vmem>>
    %dma_start3A_850 = arith.constant 0 : i32
    %dma_start3A_851 = tpu.memref_slice %arg5[%multiple_of3A_817, %dma_start3A_850] : memref<100000x64xf32, #tpu.memory_space<hbm>> -> memref<8x64xf32, #tpu.memory_space<hbm>>
    tpu.enqueue_dma source(%dma_start3A_851 : memref<8x64xf32, #tpu.memory_space<hbm>>) target(%dma_start3A_849 : memref<8x64xf32, #tpu.memory_space<vmem>>) target_semaphore(%dma_start3A_845 : memref<!tpu.dma_semaphore, #tpu.memory_space<semaphore_mem>>)
    %slice3A_852 = vector.extract_strided_slice %shift_left3A_725 {offsets = [3], sizes = [1], strides = [1]} : vector<16xi32> to vector<1xi32>
    %squeeze3A_853 = vector.extract %slice3A_852[0] : i32 from vector<1xi32>
    %multiple_of3A_854 = tpu.assume_multiple %squeeze3A_853, 8 : i32
    %slice3A_855 = vector.extract_strided_slice %shift_left3A_731 {offsets = [3], sizes = [1], strides = [1]} : vector<16xi32> to vector<1xi32>
    %squeeze3A_856 = vector.extract %slice3A_855[0] : i32 from vector<1xi32>
    %multiple_of3A_857 = tpu.assume_multiple %squeeze3A_856, 8 : i32
    %dma_start3A_858 = arith.constant 2 : i32
    %dma_start3A_859 = arith.constant 3 : i32
    %dma_start3A_860 = arith.constant 2 : i32
    %dma_start3A_861 = arith.constant 0 : i32
    %dma_start3A_862 = arith.constant 0 : i32
    %dma_start3A_863 = tpu.memref_slice %arg13[%dma_start3A_858, %dma_start3A_859, %dma_start3A_861, %dma_start3A_862] : memref<6x8x8x64xf32, #tpu.memory_space<vmem>> -> memref<1x1x8x64xf32, #tpu.memory_space<vmem>>
    %dma_start3A_864 = tpu.memref_squeeze %dma_start3A_863 : memref<1x1x8x64xf32, #tpu.memory_space<vmem>> -> memref<8x64xf32, #tpu.memory_space<vmem>>
    %dma_start3A_865 = arith.constant 0 : i32
    %dma_start3A_866 = tpu.memref_slice %arg4[%multiple_of3A_854, %dma_start3A_865] : memref<1000000x64xf32, #tpu.memory_space<hbm>> -> memref<8x64xf32, #tpu.memory_space<hbm>>
    %dma_start3A_867 = tpu.memref_slice %arg20[%dma_start3A_860] : memref<6x!tpu.dma_semaphore, #tpu.memory_space<semaphore_mem>> -> memref<1x!tpu.dma_semaphore, #tpu.memory_space<semaphore_mem>>
    %dma_start3A_868 = tpu.memref_squeeze %dma_start3A_867 : memref<1x!tpu.dma_semaphore, #tpu.memory_space<semaphore_mem>> -> memref<!tpu.dma_semaphore, #tpu.memory_space<semaphore_mem>>
    %dma_start3A_869 = arith.constant 0 : i32
    %dma_start3A_870 = arith.constant 0 : i32
    %dma_start3A_871 = tpu.memref_slice %arg13[%dma_start3A_858, %dma_start3A_859, %dma_start3A_869, %dma_start3A_870] : memref<6x8x8x64xf32, #tpu.memory_space<vmem>> -> memref<1x1x8x64xf32, #tpu.memory_space<vmem>>
    %dma_start3A_872 = tpu.memref_squeeze %dma_start3A_871 : memref<1x1x8x64xf32, #tpu.memory_space<vmem>> -> memref<8x64xf32, #tpu.memory_space<vmem>>
    %dma_start3A_873 = arith.constant 0 : i32
    %dma_start3A_874 = tpu.memref_slice %arg4[%multiple_of3A_854, %dma_start3A_873] : memref<1000000x64xf32, #tpu.memory_space<hbm>> -> memref<8x64xf32, #tpu.memory_space<hbm>>
    tpu.enqueue_dma source(%dma_start3A_874 : memref<8x64xf32, #tpu.memory_space<hbm>>) target(%dma_start3A_872 : memref<8x64xf32, #tpu.memory_space<vmem>>) target_semaphore(%dma_start3A_868 : memref<!tpu.dma_semaphore, #tpu.memory_space<semaphore_mem>>)
    %dma_start3A_875 = arith.constant 2 : i32
    %dma_start3A_876 = arith.constant 3 : i32
    %dma_start3A_877 = arith.constant 2 : i32
    %dma_start3A_878 = arith.constant 0 : i32
    %dma_start3A_879 = arith.constant 0 : i32
    %dma_start3A_880 = tpu.memref_slice %arg14[%dma_start3A_875, %dma_start3A_876, %dma_start3A_878, %dma_start3A_879] : memref<6x8x8x64xf32, #tpu.memory_space<vmem>> -> memref<1x1x8x64xf32, #tpu.memory_space<vmem>>
    %dma_start3A_881 = tpu.memref_squeeze %dma_start3A_880 : memref<1x1x8x64xf32, #tpu.memory_space<vmem>> -> memref<8x64xf32, #tpu.memory_space<vmem>>
    %dma_start3A_882 = arith.constant 0 : i32
    %dma_start3A_883 = tpu.memref_slice %arg5[%multiple_of3A_857, %dma_start3A_882] : memref<100000x64xf32, #tpu.memory_space<hbm>> -> memref<8x64xf32, #tpu.memory_space<hbm>>
    %dma_start3A_884 = tpu.memref_slice %arg20[%dma_start3A_877] : memref<6x!tpu.dma_semaphore, #tpu.memory_space<semaphore_mem>> -> memref<1x!tpu.dma_semaphore, #tpu.memory_space<semaphore_mem>>
    %dma_start3A_885 = tpu.memref_squeeze %dma_start3A_884 : memref<1x!tpu.dma_semaphore, #tpu.memory_space<semaphore_mem>> -> memref<!tpu.dma_semaphore, #tpu.memory_space<semaphore_mem>>
    %dma_start3A_886 = arith.constant 0 : i32
    %dma_start3A_887 = arith.constant 0 : i32
    %dma_start3A_888 = tpu.memref_slice %arg14[%dma_start3A_875, %dma_start3A_876, %dma_start3A_886, %dma_start3A_887] : memref<6x8x8x64xf32, #tpu.memory_space<vmem>> -> memref<1x1x8x64xf32, #tpu.memory_space<vmem>>
    %dma_start3A_889 = tpu.memref_squeeze %dma_start3A_888 : memref<1x1x8x64xf32, #tpu.memory_space<vmem>> -> memref<8x64xf32, #tpu.memory_space<vmem>>
    %dma_start3A_890 = arith.constant 0 : i32
    %dma_start3A_891 = tpu.memref_slice %arg5[%multiple_of3A_857, %dma_start3A_890] : memref<100000x64xf32, #tpu.memory_space<hbm>> -> memref<8x64xf32, #tpu.memory_space<hbm>>
    tpu.enqueue_dma source(%dma_start3A_891 : memref<8x64xf32, #tpu.memory_space<hbm>>) target(%dma_start3A_889 : memref<8x64xf32, #tpu.memory_space<vmem>>) target_semaphore(%dma_start3A_885 : memref<!tpu.dma_semaphore, #tpu.memory_space<semaphore_mem>>)
    %slice3A_892 = vector.extract_strided_slice %shift_left3A_725 {offsets = [4], sizes = [1], strides = [1]} : vector<16xi32> to vector<1xi32>
    %squeeze3A_893 = vector.extract %slice3A_892[0] : i32 from vector<1xi32>
    %multiple_of3A_894 = tpu.assume_multiple %squeeze3A_893, 8 : i32
    %slice3A_895 = vector.extract_strided_slice %shift_left3A_731 {offsets = [4], sizes = [1], strides = [1]} : vector<16xi32> to vector<1xi32>
    %squeeze3A_896 = vector.extract %slice3A_895[0] : i32 from vector<1xi32>
    %multiple_of3A_897 = tpu.assume_multiple %squeeze3A_896, 8 : i32
    %dma_start3A_898 = arith.constant 2 : i32
    %dma_start3A_899 = arith.constant 4 : i32
    %dma_start3A_900 = arith.constant 2 : i32
    %dma_start3A_901 = arith.constant 0 : i32
    %dma_start3A_902 = arith.constant 0 : i32
    %dma_start3A_903 = tpu.memref_slice %arg13[%dma_start3A_898, %dma_start3A_899, %dma_start3A_901, %dma_start3A_902] : memref<6x8x8x64xf32, #tpu.memory_space<vmem>> -> memref<1x1x8x64xf32, #tpu.memory_space<vmem>>
    %dma_start3A_904 = tpu.memref_squeeze %dma_start3A_903 : memref<1x1x8x64xf32, #tpu.memory_space<vmem>> -> memref<8x64xf32, #tpu.memory_space<vmem>>
    %dma_start3A_905 = arith.constant 0 : i32
    %dma_start3A_906 = tpu.memref_slice %arg4[%multiple_of3A_894, %dma_start3A_905] : memref<1000000x64xf32, #tpu.memory_space<hbm>> -> memref<8x64xf32, #tpu.memory_space<hbm>>
    %dma_start3A_907 = tpu.memref_slice %arg20[%dma_start3A_900] : memref<6x!tpu.dma_semaphore, #tpu.memory_space<semaphore_mem>> -> memref<1x!tpu.dma_semaphore, #tpu.memory_space<semaphore_mem>>
    %dma_start3A_908 = tpu.memref_squeeze %dma_start3A_907 : memref<1x!tpu.dma_semaphore, #tpu.memory_space<semaphore_mem>> -> memref<!tpu.dma_semaphore, #tpu.memory_space<semaphore_mem>>
    %dma_start3A_909 = arith.constant 0 : i32
    %dma_start3A_910 = arith.constant 0 : i32
    %dma_start3A_911 = tpu.memref_slice %arg13[%dma_start3A_898, %dma_start3A_899, %dma_start3A_909, %dma_start3A_910] : memref<6x8x8x64xf32, #tpu.memory_space<vmem>> -> memref<1x1x8x64xf32, #tpu.memory_space<vmem>>
    %dma_start3A_912 = tpu.memref_squeeze %dma_start3A_911 : memref<1x1x8x64xf32, #tpu.memory_space<vmem>> -> memref<8x64xf32, #tpu.memory_space<vmem>>
    %dma_start3A_913 = arith.constant 0 : i32
    %dma_start3A_914 = tpu.memref_slice %arg4[%multiple_of3A_894, %dma_start3A_913] : memref<1000000x64xf32, #tpu.memory_space<hbm>> -> memref<8x64xf32, #tpu.memory_space<hbm>>
    tpu.enqueue_dma source(%dma_start3A_914 : memref<8x64xf32, #tpu.memory_space<hbm>>) target(%dma_start3A_912 : memref<8x64xf32, #tpu.memory_space<vmem>>) target_semaphore(%dma_start3A_908 : memref<!tpu.dma_semaphore, #tpu.memory_space<semaphore_mem>>)
    %dma_start3A_915 = arith.constant 2 : i32
    %dma_start3A_916 = arith.constant 4 : i32
    %dma_start3A_917 = arith.constant 2 : i32
    %dma_start3A_918 = arith.constant 0 : i32
    %dma_start3A_919 = arith.constant 0 : i32
    %dma_start3A_920 = tpu.memref_slice %arg14[%dma_start3A_915, %dma_start3A_916, %dma_start3A_918, %dma_start3A_919] : memref<6x8x8x64xf32, #tpu.memory_space<vmem>> -> memref<1x1x8x64xf32, #tpu.memory_space<vmem>>
    %dma_start3A_921 = tpu.memref_squeeze %dma_start3A_920 : memref<1x1x8x64xf32, #tpu.memory_space<vmem>> -> memref<8x64xf32, #tpu.memory_space<vmem>>
    %dma_start3A_922 = arith.constant 0 : i32
    %dma_start3A_923 = tpu.memref_slice %arg5[%multiple_of3A_897, %dma_start3A_922] : memref<100000x64xf32, #tpu.memory_space<hbm>> -> memref<8x64xf32, #tpu.memory_space<hbm>>
    %dma_start3A_924 = tpu.memref_slice %arg20[%dma_start3A_917] : memref<6x!tpu.dma_semaphore, #tpu.memory_space<semaphore_mem>> -> memref<1x!tpu.dma_semaphore, #tpu.memory_space<semaphore_mem>>
    %dma_start3A_925 = tpu.memref_squeeze %dma_start3A_924 : memref<1x!tpu.dma_semaphore, #tpu.memory_space<semaphore_mem>> -> memref<!tpu.dma_semaphore, #tpu.memory_space<semaphore_mem>>
    %dma_start3A_926 = arith.constant 0 : i32
    %dma_start3A_927 = arith.constant 0 : i32
    %dma_start3A_928 = tpu.memref_slice %arg14[%dma_start3A_915, %dma_start3A_916, %dma_start3A_926, %dma_start3A_927] : memref<6x8x8x64xf32, #tpu.memory_space<vmem>> -> memref<1x1x8x64xf32, #tpu.memory_space<vmem>>
    %dma_start3A_929 = tpu.memref_squeeze %dma_start3A_928 : memref<1x1x8x64xf32, #tpu.memory_space<vmem>> -> memref<8x64xf32, #tpu.memory_space<vmem>>
    %dma_start3A_930 = arith.constant 0 : i32
    %dma_start3A_931 = tpu.memref_slice %arg5[%multiple_of3A_897, %dma_start3A_930] : memref<100000x64xf32, #tpu.memory_space<hbm>> -> memref<8x64xf32, #tpu.memory_space<hbm>>
    tpu.enqueue_dma source(%dma_start3A_931 : memref<8x64xf32, #tpu.memory_space<hbm>>) target(%dma_start3A_929 : memref<8x64xf32, #tpu.memory_space<vmem>>) target_semaphore(%dma_start3A_925 : memref<!tpu.dma_semaphore, #tpu.memory_space<semaphore_mem>>)
    %slice3A_932 = vector.extract_strided_slice %shift_left3A_725 {offsets = [5], sizes = [1], strides = [1]} : vector<16xi32> to vector<1xi32>
    %squeeze3A_933 = vector.extract %slice3A_932[0] : i32 from vector<1xi32>
    %multiple_of3A_934 = tpu.assume_multiple %squeeze3A_933, 8 : i32
    %slice3A_935 = vector.extract_strided_slice %shift_left3A_731 {offsets = [5], sizes = [1], strides = [1]} : vector<16xi32> to vector<1xi32>
    %squeeze3A_936 = vector.extract %slice3A_935[0] : i32 from vector<1xi32>
    %multiple_of3A_937 = tpu.assume_multiple %squeeze3A_936, 8 : i32
    %dma_start3A_938 = arith.constant 2 : i32
    %dma_start3A_939 = arith.constant 5 : i32
    %dma_start3A_940 = arith.constant 2 : i32
    %dma_start3A_941 = arith.constant 0 : i32
    %dma_start3A_942 = arith.constant 0 : i32
    %dma_start3A_943 = tpu.memref_slice %arg13[%dma_start3A_938, %dma_start3A_939, %dma_start3A_941, %dma_start3A_942] : memref<6x8x8x64xf32, #tpu.memory_space<vmem>> -> memref<1x1x8x64xf32, #tpu.memory_space<vmem>>
    %dma_start3A_944 = tpu.memref_squeeze %dma_start3A_943 : memref<1x1x8x64xf32, #tpu.memory_space<vmem>> -> memref<8x64xf32, #tpu.memory_space<vmem>>
    %dma_start3A_945 = arith.constant 0 : i32
    %dma_start3A_946 = tpu.memref_slice %arg4[%multiple_of3A_934, %dma_start3A_945] : memref<1000000x64xf32, #tpu.memory_space<hbm>> -> memref<8x64xf32, #tpu.memory_space<hbm>>
    %dma_start3A_947 = tpu.memref_slice %arg20[%dma_start3A_940] : memref<6x!tpu.dma_semaphore, #tpu.memory_space<semaphore_mem>> -> memref<1x!tpu.dma_semaphore, #tpu.memory_space<semaphore_mem>>
    %dma_start3A_948 = tpu.memref_squeeze %dma_start3A_947 : memref<1x!tpu.dma_semaphore, #tpu.memory_space<semaphore_mem>> -> memref<!tpu.dma_semaphore, #tpu.memory_space<semaphore_mem>>
    %dma_start3A_949 = arith.constant 0 : i32
    %dma_start3A_950 = arith.constant 0 : i32
    %dma_start3A_951 = tpu.memref_slice %arg13[%dma_start3A_938, %dma_start3A_939, %dma_start3A_949, %dma_start3A_950] : memref<6x8x8x64xf32, #tpu.memory_space<vmem>> -> memref<1x1x8x64xf32, #tpu.memory_space<vmem>>
    %dma_start3A_952 = tpu.memref_squeeze %dma_start3A_951 : memref<1x1x8x64xf32, #tpu.memory_space<vmem>> -> memref<8x64xf32, #tpu.memory_space<vmem>>
    %dma_start3A_953 = arith.constant 0 : i32
    %dma_start3A_954 = tpu.memref_slice %arg4[%multiple_of3A_934, %dma_start3A_953] : memref<1000000x64xf32, #tpu.memory_space<hbm>> -> memref<8x64xf32, #tpu.memory_space<hbm>>
    tpu.enqueue_dma source(%dma_start3A_954 : memref<8x64xf32, #tpu.memory_space<hbm>>) target(%dma_start3A_952 : memref<8x64xf32, #tpu.memory_space<vmem>>) target_semaphore(%dma_start3A_948 : memref<!tpu.dma_semaphore, #tpu.memory_space<semaphore_mem>>)
    %dma_start3A_955 = arith.constant 2 : i32
    %dma_start3A_956 = arith.constant 5 : i32
    %dma_start3A_957 = arith.constant 2 : i32
    %dma_start3A_958 = arith.constant 0 : i32
    %dma_start3A_959 = arith.constant 0 : i32
    %dma_start3A_960 = tpu.memref_slice %arg14[%dma_start3A_955, %dma_start3A_956, %dma_start3A_958, %dma_start3A_959] : memref<6x8x8x64xf32, #tpu.memory_space<vmem>> -> memref<1x1x8x64xf32, #tpu.memory_space<vmem>>
    %dma_start3A_961 = tpu.memref_squeeze %dma_start3A_960 : memref<1x1x8x64xf32, #tpu.memory_space<vmem>> -> memref<8x64xf32, #tpu.memory_space<vmem>>
    %dma_start3A_962 = arith.constant 0 : i32
    %dma_start3A_963 = tpu.memref_slice %arg5[%multiple_of3A_937, %dma_start3A_962] : memref<100000x64xf32, #tpu.memory_space<hbm>> -> memref<8x64xf32, #tpu.memory_space<hbm>>
    %dma_start3A_964 = tpu.memref_slice %arg20[%dma_start3A_957] : memref<6x!tpu.dma_semaphore, #tpu.memory_space<semaphore_mem>> -> memref<1x!tpu.dma_semaphore, #tpu.memory_space<semaphore_mem>>
    %dma_start3A_965 = tpu.memref_squeeze %dma_start3A_964 : memref<1x!tpu.dma_semaphore, #tpu.memory_space<semaphore_mem>> -> memref<!tpu.dma_semaphore, #tpu.memory_space<semaphore_mem>>
    %dma_start3A_966 = arith.constant 0 : i32
    %dma_start3A_967 = arith.constant 0 : i32
    %dma_start3A_968 = tpu.memref_slice %arg14[%dma_start3A_955, %dma_start3A_956, %dma_start3A_966, %dma_start3A_967] : memref<6x8x8x64xf32, #tpu.memory_space<vmem>> -> memref<1x1x8x64xf32, #tpu.memory_space<vmem>>
    %dma_start3A_969 = tpu.memref_squeeze %dma_start3A_968 : memref<1x1x8x64xf32, #tpu.memory_space<vmem>> -> memref<8x64xf32, #tpu.memory_space<vmem>>
    %dma_start3A_970 = arith.constant 0 : i32
    %dma_start3A_971 = tpu.memref_slice %arg5[%multiple_of3A_937, %dma_start3A_970] : memref<100000x64xf32, #tpu.memory_space<hbm>> -> memref<8x64xf32, #tpu.memory_space<hbm>>
    tpu.enqueue_dma source(%dma_start3A_971 : memref<8x64xf32, #tpu.memory_space<hbm>>) target(%dma_start3A_969 : memref<8x64xf32, #tpu.memory_space<vmem>>) target_semaphore(%dma_start3A_965 : memref<!tpu.dma_semaphore, #tpu.memory_space<semaphore_mem>>)
    %slice3A_972 = vector.extract_strided_slice %shift_left3A_725 {offsets = [6], sizes = [1], strides = [1]} : vector<16xi32> to vector<1xi32>
    %squeeze3A_973 = vector.extract %slice3A_972[0] : i32 from vector<1xi32>
    %multiple_of3A_974 = tpu.assume_multiple %squeeze3A_973, 8 : i32
    %slice3A_975 = vector.extract_strided_slice %shift_left3A_731 {offsets = [6], sizes = [1], strides = [1]} : vector<16xi32> to vector<1xi32>
    %squeeze3A_976 = vector.extract %slice3A_975[0] : i32 from vector<1xi32>
    %multiple_of3A_977 = tpu.assume_multiple %squeeze3A_976, 8 : i32
    %dma_start3A_978 = arith.constant 2 : i32
    %dma_start3A_979 = arith.constant 6 : i32
    %dma_start3A_980 = arith.constant 2 : i32
    %dma_start3A_981 = arith.constant 0 : i32
    %dma_start3A_982 = arith.constant 0 : i32
    %dma_start3A_983 = tpu.memref_slice %arg13[%dma_start3A_978, %dma_start3A_979, %dma_start3A_981, %dma_start3A_982] : memref<6x8x8x64xf32, #tpu.memory_space<vmem>> -> memref<1x1x8x64xf32, #tpu.memory_space<vmem>>
    %dma_start3A_984 = tpu.memref_squeeze %dma_start3A_983 : memref<1x1x8x64xf32, #tpu.memory_space<vmem>> -> memref<8x64xf32, #tpu.memory_space<vmem>>
    %dma_start3A_985 = arith.constant 0 : i32
    %dma_start3A_986 = tpu.memref_slice %arg4[%multiple_of3A_974, %dma_start3A_985] : memref<1000000x64xf32, #tpu.memory_space<hbm>> -> memref<8x64xf32, #tpu.memory_space<hbm>>
    %dma_start3A_987 = tpu.memref_slice %arg20[%dma_start3A_980] : memref<6x!tpu.dma_semaphore, #tpu.memory_space<semaphore_mem>> -> memref<1x!tpu.dma_semaphore, #tpu.memory_space<semaphore_mem>>
    %dma_start3A_988 = tpu.memref_squeeze %dma_start3A_987 : memref<1x!tpu.dma_semaphore, #tpu.memory_space<semaphore_mem>> -> memref<!tpu.dma_semaphore, #tpu.memory_space<semaphore_mem>>
    %dma_start3A_989 = arith.constant 0 : i32
    %dma_start3A_990 = arith.constant 0 : i32
    %dma_start3A_991 = tpu.memref_slice %arg13[%dma_start3A_978, %dma_start3A_979, %dma_start3A_989, %dma_start3A_990] : memref<6x8x8x64xf32, #tpu.memory_space<vmem>> -> memref<1x1x8x64xf32, #tpu.memory_space<vmem>>
    %dma_start3A_992 = tpu.memref_squeeze %dma_start3A_991 : memref<1x1x8x64xf32, #tpu.memory_space<vmem>> -> memref<8x64xf32, #tpu.memory_space<vmem>>
    %dma_start3A_993 = arith.constant 0 : i32
    %dma_start3A_994 = tpu.memref_slice %arg4[%multiple_of3A_974, %dma_start3A_993] : memref<1000000x64xf32, #tpu.memory_space<hbm>> -> memref<8x64xf32, #tpu.memory_space<hbm>>
    tpu.enqueue_dma source(%dma_start3A_994 : memref<8x64xf32, #tpu.memory_space<hbm>>) target(%dma_start3A_992 : memref<8x64xf32, #tpu.memory_space<vmem>>) target_semaphore(%dma_start3A_988 : memref<!tpu.dma_semaphore, #tpu.memory_space<semaphore_mem>>)
    %dma_start3A_995 = arith.constant 2 : i32
    %dma_start3A_996 = arith.constant 6 : i32
    %dma_start3A_997 = arith.constant 2 : i32
    %dma_start3A_998 = arith.constant 0 : i32
    %dma_start3A_999 = arith.constant 0 : i32
    %dma_start3A_1000 = tpu.memref_slice %arg14[%dma_start3A_995, %dma_start3A_996, %dma_start3A_998, %dma_start3A_999] : memref<6x8x8x64xf32, #tpu.memory_space<vmem>> -> memref<1x1x8x64xf32, #tpu.memory_space<vmem>>
    %dma_start3A_1001 = tpu.memref_squeeze %dma_start3A_1000 : memref<1x1x8x64xf32, #tpu.memory_space<vmem>> -> memref<8x64xf32, #tpu.memory_space<vmem>>
    %dma_start3A_1002 = arith.constant 0 : i32
    %dma_start3A_1003 = tpu.memref_slice %arg5[%multiple_of3A_977, %dma_start3A_1002] : memref<100000x64xf32, #tpu.memory_space<hbm>> -> memref<8x64xf32, #tpu.memory_space<hbm>>
    %dma_start3A_1004 = tpu.memref_slice %arg20[%dma_start3A_997] : memref<6x!tpu.dma_semaphore, #tpu.memory_space<semaphore_mem>> -> memref<1x!tpu.dma_semaphore, #tpu.memory_space<semaphore_mem>>
    %dma_start3A_1005 = tpu.memref_squeeze %dma_start3A_1004 : memref<1x!tpu.dma_semaphore, #tpu.memory_space<semaphore_mem>> -> memref<!tpu.dma_semaphore, #tpu.memory_space<semaphore_mem>>
    %dma_start3A_1006 = arith.constant 0 : i32
    %dma_start3A_1007 = arith.constant 0 : i32
    %dma_start3A_1008 = tpu.memref_slice %arg14[%dma_start3A_995, %dma_start3A_996, %dma_start3A_1006, %dma_start3A_1007] : memref<6x8x8x64xf32, #tpu.memory_space<vmem>> -> memref<1x1x8x64xf32, #tpu.memory_space<vmem>>
    %dma_start3A_1009 = tpu.memref_squeeze %dma_start3A_1008 : memref<1x1x8x64xf32, #tpu.memory_space<vmem>> -> memref<8x64xf32, #tpu.memory_space<vmem>>
    %dma_start3A_1010 = arith.constant 0 : i32
    %dma_start3A_1011 = tpu.memref_slice %arg5[%multiple_of3A_977, %dma_start3A_1010] : memref<100000x64xf32, #tpu.memory_space<hbm>> -> memref<8x64xf32, #tpu.memory_space<hbm>>
    tpu.enqueue_dma source(%dma_start3A_1011 : memref<8x64xf32, #tpu.memory_space<hbm>>) target(%dma_start3A_1009 : memref<8x64xf32, #tpu.memory_space<vmem>>) target_semaphore(%dma_start3A_1005 : memref<!tpu.dma_semaphore, #tpu.memory_space<semaphore_mem>>)
    %slice3A_1012 = vector.extract_strided_slice %shift_left3A_725 {offsets = [7], sizes = [1], strides = [1]} : vector<16xi32> to vector<1xi32>
    %squeeze3A_1013 = vector.extract %slice3A_1012[0] : i32 from vector<1xi32>
    %multiple_of3A_1014 = tpu.assume_multiple %squeeze3A_1013, 8 : i32
    %slice3A_1015 = vector.extract_strided_slice %shift_left3A_731 {offsets = [7], sizes = [1], strides = [1]} : vector<16xi32> to vector<1xi32>
    %squeeze3A_1016 = vector.extract %slice3A_1015[0] : i32 from vector<1xi32>
    %multiple_of3A_1017 = tpu.assume_multiple %squeeze3A_1016, 8 : i32
    %dma_start3A_1018 = arith.constant 2 : i32
    %dma_start3A_1019 = arith.constant 7 : i32
    %dma_start3A_1020 = arith.constant 2 : i32
    %dma_start3A_1021 = arith.constant 0 : i32
    %dma_start3A_1022 = arith.constant 0 : i32
    %dma_start3A_1023 = tpu.memref_slice %arg13[%dma_start3A_1018, %dma_start3A_1019, %dma_start3A_1021, %dma_start3A_1022] : memref<6x8x8x64xf32, #tpu.memory_space<vmem>> -> memref<1x1x8x64xf32, #tpu.memory_space<vmem>>
    %dma_start3A_1024 = tpu.memref_squeeze %dma_start3A_1023 : memref<1x1x8x64xf32, #tpu.memory_space<vmem>> -> memref<8x64xf32, #tpu.memory_space<vmem>>
    %dma_start3A_1025 = arith.constant 0 : i32
    %dma_start3A_1026 = tpu.memref_slice %arg4[%multiple_of3A_1014, %dma_start3A_1025] : memref<1000000x64xf32, #tpu.memory_space<hbm>> -> memref<8x64xf32, #tpu.memory_space<hbm>>
    %dma_start3A_1027 = tpu.memref_slice %arg20[%dma_start3A_1020] : memref<6x!tpu.dma_semaphore, #tpu.memory_space<semaphore_mem>> -> memref<1x!tpu.dma_semaphore, #tpu.memory_space<semaphore_mem>>
    %dma_start3A_1028 = tpu.memref_squeeze %dma_start3A_1027 : memref<1x!tpu.dma_semaphore, #tpu.memory_space<semaphore_mem>> -> memref<!tpu.dma_semaphore, #tpu.memory_space<semaphore_mem>>
    %dma_start3A_1029 = arith.constant 0 : i32
    %dma_start3A_1030 = arith.constant 0 : i32
    %dma_start3A_1031 = tpu.memref_slice %arg13[%dma_start3A_1018, %dma_start3A_1019, %dma_start3A_1029, %dma_start3A_1030] : memref<6x8x8x64xf32, #tpu.memory_space<vmem>> -> memref<1x1x8x64xf32, #tpu.memory_space<vmem>>
    %dma_start3A_1032 = tpu.memref_squeeze %dma_start3A_1031 : memref<1x1x8x64xf32, #tpu.memory_space<vmem>> -> memref<8x64xf32, #tpu.memory_space<vmem>>
    %dma_start3A_1033 = arith.constant 0 : i32
    %dma_start3A_1034 = tpu.memref_slice %arg4[%multiple_of3A_1014, %dma_start3A_1033] : memref<1000000x64xf32, #tpu.memory_space<hbm>> -> memref<8x64xf32, #tpu.memory_space<hbm>>
    tpu.enqueue_dma source(%dma_start3A_1034 : memref<8x64xf32, #tpu.memory_space<hbm>>) target(%dma_start3A_1032 : memref<8x64xf32, #tpu.memory_space<vmem>>) target_semaphore(%dma_start3A_1028 : memref<!tpu.dma_semaphore, #tpu.memory_space<semaphore_mem>>)
    %dma_start3A_1035 = arith.constant 2 : i32
    %dma_start3A_1036 = arith.constant 7 : i32
    %dma_start3A_1037 = arith.constant 2 : i32
    %dma_start3A_1038 = arith.constant 0 : i32
    %dma_start3A_1039 = arith.constant 0 : i32
    %dma_start3A_1040 = tpu.memref_slice %arg14[%dma_start3A_1035, %dma_start3A_1036, %dma_start3A_1038, %dma_start3A_1039] : memref<6x8x8x64xf32, #tpu.memory_space<vmem>> -> memref<1x1x8x64xf32, #tpu.memory_space<vmem>>
    %dma_start3A_1041 = tpu.memref_squeeze %dma_start3A_1040 : memref<1x1x8x64xf32, #tpu.memory_space<vmem>> -> memref<8x64xf32, #tpu.memory_space<vmem>>
    %dma_start3A_1042 = arith.constant 0 : i32
    %dma_start3A_1043 = tpu.memref_slice %arg5[%multiple_of3A_1017, %dma_start3A_1042] : memref<100000x64xf32, #tpu.memory_space<hbm>> -> memref<8x64xf32, #tpu.memory_space<hbm>>
    %dma_start3A_1044 = tpu.memref_slice %arg20[%dma_start3A_1037] : memref<6x!tpu.dma_semaphore, #tpu.memory_space<semaphore_mem>> -> memref<1x!tpu.dma_semaphore, #tpu.memory_space<semaphore_mem>>
    %dma_start3A_1045 = tpu.memref_squeeze %dma_start3A_1044 : memref<1x!tpu.dma_semaphore, #tpu.memory_space<semaphore_mem>> -> memref<!tpu.dma_semaphore, #tpu.memory_space<semaphore_mem>>
    %dma_start3A_1046 = arith.constant 0 : i32
    %dma_start3A_1047 = arith.constant 0 : i32
    %dma_start3A_1048 = tpu.memref_slice %arg14[%dma_start3A_1035, %dma_start3A_1036, %dma_start3A_1046, %dma_start3A_1047] : memref<6x8x8x64xf32, #tpu.memory_space<vmem>> -> memref<1x1x8x64xf32, #tpu.memory_space<vmem>>
    %dma_start3A_1049 = tpu.memref_squeeze %dma_start3A_1048 : memref<1x1x8x64xf32, #tpu.memory_space<vmem>> -> memref<8x64xf32, #tpu.memory_space<vmem>>
    %dma_start3A_1050 = arith.constant 0 : i32
    %dma_start3A_1051 = tpu.memref_slice %arg5[%multiple_of3A_1017, %dma_start3A_1050] : memref<100000x64xf32, #tpu.memory_space<hbm>> -> memref<8x64xf32, #tpu.memory_space<hbm>>
    tpu.enqueue_dma source(%dma_start3A_1051 : memref<8x64xf32, #tpu.memory_space<hbm>>) target(%dma_start3A_1049 : memref<8x64xf32, #tpu.memory_space<vmem>>) target_semaphore(%dma_start3A_1045 : memref<!tpu.dma_semaphore, #tpu.memory_space<semaphore_mem>>)
    %get3A_1052 = arith.constant 24 : index
    %get3A_1053 = tpu.vector_load %arg11[%get3A_1052] {strides = array<i32>} : memref<528xi32, #tpu.memory_space<vmem>>, vector<16xi32>,
    %get3A_1054 = arith.constant 24 : index
    %get3A_1055 = tpu.vector_load %arg12[%get3A_1054] {strides = array<i32>} : memref<528xi32, #tpu.memory_space<vmem>>, vector<16xi32>,
    %shift_right_arithmetic3A_1056 = arith.constant 3 : i32
    %shift_right_arithmetic3A_1057 = vector.broadcast %shift_right_arithmetic3A_1056 : i32 to vector<16xi32>
    %shift_right_arithmetic3A_1058 = arith.shrsi %get3A_1053, %shift_right_arithmetic3A_1057 : vector<16xi32>
    %shift_left3A_1059 = arith.constant 3 : i32
    %shift_left3A_1060 = vector.broadcast %shift_left3A_1059 : i32 to vector<16xi32>
    %shift_left3A_1061 = arith.shli %shift_right_arithmetic3A_1058, %shift_left3A_1060 : vector<16xi32>
    %shift_right_arithmetic3A_1062 = arith.constant 3 : i32
    %shift_right_arithmetic3A_1063 = vector.broadcast %shift_right_arithmetic3A_1062 : i32 to vector<16xi32>
    %shift_right_arithmetic3A_1064 = arith.shrsi %get3A_1055, %shift_right_arithmetic3A_1063 : vector<16xi32>
    %shift_left3A_1065 = arith.constant 3 : i32
    %shift_left3A_1066 = vector.broadcast %shift_left3A_1065 : i32 to vector<16xi32>
    %shift_left3A_1067 = arith.shli %shift_right_arithmetic3A_1064, %shift_left3A_1066 : vector<16xi32>
    %slice3A_1068 = vector.extract_strided_slice %shift_left3A_1061 {offsets = [0], sizes = [1], strides = [1]} : vector<16xi32> to vector<1xi32>
    %squeeze3A_1069 = vector.extract %slice3A_1068[0] : i32 from vector<1xi32>
    %multiple_of3A_1070 = tpu.assume_multiple %squeeze3A_1069, 8 : i32
    %slice3A_1071 = vector.extract_strided_slice %shift_left3A_1067 {offsets = [0], sizes = [1], strides = [1]} : vector<16xi32> to vector<1xi32>
    %squeeze3A_1072 = vector.extract %slice3A_1071[0] : i32 from vector<1xi32>
    %multiple_of3A_1073 = tpu.assume_multiple %squeeze3A_1072, 8 : i32
    %dma_start3A_1074 = arith.constant 3 : i32
    %dma_start3A_1075 = arith.constant 0 : i32
    %dma_start3A_1076 = arith.constant 3 : i32
    %dma_start3A_1077 = arith.constant 0 : i32
    %dma_start3A_1078 = arith.constant 0 : i32
    %dma_start3A_1079 = tpu.memref_slice %arg13[%dma_start3A_1074, %dma_start3A_1075, %dma_start3A_1077, %dma_start3A_1078] : memref<6x8x8x64xf32, #tpu.memory_space<vmem>> -> memref<1x1x8x64xf32, #tpu.memory_space<vmem>>
    %dma_start3A_1080 = tpu.memref_squeeze %dma_start3A_1079 : memref<1x1x8x64xf32, #tpu.memory_space<vmem>> -> memref<8x64xf32, #tpu.memory_space<vmem>>
    %dma_start3A_1081 = arith.constant 0 : i32
    %dma_start3A_1082 = tpu.memref_slice %arg4[%multiple_of3A_1070, %dma_start3A_1081] : memref<1000000x64xf32, #tpu.memory_space<hbm>> -> memref<8x64xf32, #tpu.memory_space<hbm>>
    %dma_start3A_1083 = tpu.memref_slice %arg20[%dma_start3A_1076] : memref<6x!tpu.dma_semaphore, #tpu.memory_space<semaphore_mem>> -> memref<1x!tpu.dma_semaphore, #tpu.memory_space<semaphore_mem>>
    %dma_start3A_1084 = tpu.memref_squeeze %dma_start3A_1083 : memref<1x!tpu.dma_semaphore, #tpu.memory_space<semaphore_mem>> -> memref<!tpu.dma_semaphore, #tpu.memory_space<semaphore_mem>>
    %dma_start3A_1085 = arith.constant 0 : i32
    %dma_start3A_1086 = arith.constant 0 : i32
    %dma_start3A_1087 = tpu.memref_slice %arg13[%dma_start3A_1074, %dma_start3A_1075, %dma_start3A_1085, %dma_start3A_1086] : memref<6x8x8x64xf32, #tpu.memory_space<vmem>> -> memref<1x1x8x64xf32, #tpu.memory_space<vmem>>
    %dma_start3A_1088 = tpu.memref_squeeze %dma_start3A_1087 : memref<1x1x8x64xf32, #tpu.memory_space<vmem>> -> memref<8x64xf32, #tpu.memory_space<vmem>>
    %dma_start3A_1089 = arith.constant 0 : i32
    %dma_start3A_1090 = tpu.memref_slice %arg4[%multiple_of3A_1070, %dma_start3A_1089] : memref<1000000x64xf32, #tpu.memory_space<hbm>> -> memref<8x64xf32, #tpu.memory_space<hbm>>
    tpu.enqueue_dma source(%dma_start3A_1090 : memref<8x64xf32, #tpu.memory_space<hbm>>) target(%dma_start3A_1088 : memref<8x64xf32, #tpu.memory_space<vmem>>) target_semaphore(%dma_start3A_1084 : memref<!tpu.dma_semaphore, #tpu.memory_space<semaphore_mem>>)
    %dma_start3A_1091 = arith.constant 3 : i32
    %dma_start3A_1092 = arith.constant 0 : i32
    %dma_start3A_1093 = arith.constant 3 : i32
    %dma_start3A_1094 = arith.constant 0 : i32
    %dma_start3A_1095 = arith.constant 0 : i32
    %dma_start3A_1096 = tpu.memref_slice %arg14[%dma_start3A_1091, %dma_start3A_1092, %dma_start3A_1094, %dma_start3A_1095] : memref<6x8x8x64xf32, #tpu.memory_space<vmem>> -> memref<1x1x8x64xf32, #tpu.memory_space<vmem>>
    %dma_start3A_1097 = tpu.memref_squeeze %dma_start3A_1096 : memref<1x1x8x64xf32, #tpu.memory_space<vmem>> -> memref<8x64xf32, #tpu.memory_space<vmem>>
    %dma_start3A_1098 = arith.constant 0 : i32
    %dma_start3A_1099 = tpu.memref_slice %arg5[%multiple_of3A_1073, %dma_start3A_1098] : memref<100000x64xf32, #tpu.memory_space<hbm>> -> memref<8x64xf32, #tpu.memory_space<hbm>>
    %dma_start3A_1100 = tpu.memref_slice %arg20[%dma_start3A_1093] : memref<6x!tpu.dma_semaphore, #tpu.memory_space<semaphore_mem>> -> memref<1x!tpu.dma_semaphore, #tpu.memory_space<semaphore_mem>>
    %dma_start3A_1101 = tpu.memref_squeeze %dma_start3A_1100 : memref<1x!tpu.dma_semaphore, #tpu.memory_space<semaphore_mem>> -> memref<!tpu.dma_semaphore, #tpu.memory_space<semaphore_mem>>
    %dma_start3A_1102 = arith.constant 0 : i32
    %dma_start3A_1103 = arith.constant 0 : i32
    %dma_start3A_1104 = tpu.memref_slice %arg14[%dma_start3A_1091, %dma_start3A_1092, %dma_start3A_1102, %dma_start3A_1103] : memref<6x8x8x64xf32, #tpu.memory_space<vmem>> -> memref<1x1x8x64xf32, #tpu.memory_space<vmem>>
    %dma_start3A_1105 = tpu.memref_squeeze %dma_start3A_1104 : memref<1x1x8x64xf32, #tpu.memory_space<vmem>> -> memref<8x64xf32, #tpu.memory_space<vmem>>
    %dma_start3A_1106 = arith.constant 0 : i32
    %dma_start3A_1107 = tpu.memref_slice %arg5[%multiple_of3A_1073, %dma_start3A_1106] : memref<100000x64xf32, #tpu.memory_space<hbm>> -> memref<8x64xf32, #tpu.memory_space<hbm>>
    tpu.enqueue_dma source(%dma_start3A_1107 : memref<8x64xf32, #tpu.memory_space<hbm>>) target(%dma_start3A_1105 : memref<8x64xf32, #tpu.memory_space<vmem>>) target_semaphore(%dma_start3A_1101 : memref<!tpu.dma_semaphore, #tpu.memory_space<semaphore_mem>>)
    %slice3A_1108 = vector.extract_strided_slice %shift_left3A_1061 {offsets = [1], sizes = [1], strides = [1]} : vector<16xi32> to vector<1xi32>
    %squeeze3A_1109 = vector.extract %slice3A_1108[0] : i32 from vector<1xi32>
    %multiple_of3A_1110 = tpu.assume_multiple %squeeze3A_1109, 8 : i32
    %slice3A_1111 = vector.extract_strided_slice %shift_left3A_1067 {offsets = [1], sizes = [1], strides = [1]} : vector<16xi32> to vector<1xi32>
    %squeeze3A_1112 = vector.extract %slice3A_1111[0] : i32 from vector<1xi32>
    %multiple_of3A_1113 = tpu.assume_multiple %squeeze3A_1112, 8 : i32
    %dma_start3A_1114 = arith.constant 3 : i32
    %dma_start3A_1115 = arith.constant 1 : i32
    %dma_start3A_1116 = arith.constant 3 : i32
    %dma_start3A_1117 = arith.constant 0 : i32
    %dma_start3A_1118 = arith.constant 0 : i32
    %dma_start3A_1119 = tpu.memref_slice %arg13[%dma_start3A_1114, %dma_start3A_1115, %dma_start3A_1117, %dma_start3A_1118] : memref<6x8x8x64xf32, #tpu.memory_space<vmem>> -> memref<1x1x8x64xf32, #tpu.memory_space<vmem>>
    %dma_start3A_1120 = tpu.memref_squeeze %dma_start3A_1119 : memref<1x1x8x64xf32, #tpu.memory_space<vmem>> -> memref<8x64xf32, #tpu.memory_space<vmem>>
    %dma_start3A_1121 = arith.constant 0 : i32
    %dma_start3A_1122 = tpu.memref_slice %arg4[%multiple_of3A_1110, %dma_start3A_1121] : memref<1000000x64xf32, #tpu.memory_space<hbm>> -> memref<8x64xf32, #tpu.memory_space<hbm>>
    %dma_start3A_1123 = tpu.memref_slice %arg20[%dma_start3A_1116] : memref<6x!tpu.dma_semaphore, #tpu.memory_space<semaphore_mem>> -> memref<1x!tpu.dma_semaphore, #tpu.memory_space<semaphore_mem>>
    %dma_start3A_1124 = tpu.memref_squeeze %dma_start3A_1123 : memref<1x!tpu.dma_semaphore, #tpu.memory_space<semaphore_mem>> -> memref<!tpu.dma_semaphore, #tpu.memory_space<semaphore_mem>>
    %dma_start3A_1125 = arith.constant 0 : i32
    %dma_start3A_1126 = arith.constant 0 : i32
    %dma_start3A_1127 = tpu.memref_slice %arg13[%dma_start3A_1114, %dma_start3A_1115, %dma_start3A_1125, %dma_start3A_1126] : memref<6x8x8x64xf32, #tpu.memory_space<vmem>> -> memref<1x1x8x64xf32, #tpu.memory_space<vmem>>
    %dma_start3A_1128 = tpu.memref_squeeze %dma_start3A_1127 : memref<1x1x8x64xf32, #tpu.memory_space<vmem>> -> memref<8x64xf32, #tpu.memory_space<vmem>>
    %dma_start3A_1129 = arith.constant 0 : i32
    %dma_start3A_1130 = tpu.memref_slice %arg4[%multiple_of3A_1110, %dma_start3A_1129] : memref<1000000x64xf32, #tpu.memory_space<hbm>> -> memref<8x64xf32, #tpu.memory_space<hbm>>
    tpu.enqueue_dma source(%dma_start3A_1130 : memref<8x64xf32, #tpu.memory_space<hbm>>) target(%dma_start3A_1128 : memref<8x64xf32, #tpu.memory_space<vmem>>) target_semaphore(%dma_start3A_1124 : memref<!tpu.dma_semaphore, #tpu.memory_space<semaphore_mem>>)
    %dma_start3A_1131 = arith.constant 3 : i32
    %dma_start3A_1132 = arith.constant 1 : i32
    %dma_start3A_1133 = arith.constant 3 : i32
    %dma_start3A_1134 = arith.constant 0 : i32
    %dma_start3A_1135 = arith.constant 0 : i32
    %dma_start3A_1136 = tpu.memref_slice %arg14[%dma_start3A_1131, %dma_start3A_1132, %dma_start3A_1134, %dma_start3A_1135] : memref<6x8x8x64xf32, #tpu.memory_space<vmem>> -> memref<1x1x8x64xf32, #tpu.memory_space<vmem>>
    %dma_start3A_1137 = tpu.memref_squeeze %dma_start3A_1136 : memref<1x1x8x64xf32, #tpu.memory_space<vmem>> -> memref<8x64xf32, #tpu.memory_space<vmem>>
    %dma_start3A_1138 = arith.constant 0 : i32
    %dma_start3A_1139 = tpu.memref_slice %arg5[%multiple_of3A_1113, %dma_start3A_1138] : memref<100000x64xf32, #tpu.memory_space<hbm>> -> memref<8x64xf32, #tpu.memory_space<hbm>>
    %dma_start3A_1140 = tpu.memref_slice %arg20[%dma_start3A_1133] : memref<6x!tpu.dma_semaphore, #tpu.memory_space<semaphore_mem>> -> memref<1x!tpu.dma_semaphore, #tpu.memory_space<semaphore_mem>>
    %dma_start3A_1141 = tpu.memref_squeeze %dma_start3A_1140 : memref<1x!tpu.dma_semaphore, #tpu.memory_space<semaphore_mem>> -> memref<!tpu.dma_semaphore, #tpu.memory_space<semaphore_mem>>
    %dma_start3A_1142 = arith.constant 0 : i32
    %dma_start3A_1143 = arith.constant 0 : i32
    %dma_start3A_1144 = tpu.memref_slice %arg14[%dma_start3A_1131, %dma_start3A_1132, %dma_start3A_1142, %dma_start3A_1143] : memref<6x8x8x64xf32, #tpu.memory_space<vmem>> -> memref<1x1x8x64xf32, #tpu.memory_space<vmem>>
    %dma_start3A_1145 = tpu.memref_squeeze %dma_start3A_1144 : memref<1x1x8x64xf32, #tpu.memory_space<vmem>> -> memref<8x64xf32, #tpu.memory_space<vmem>>
    %dma_start3A_1146 = arith.constant 0 : i32
    %dma_start3A_1147 = tpu.memref_slice %arg5[%multiple_of3A_1113, %dma_start3A_1146] : memref<100000x64xf32, #tpu.memory_space<hbm>> -> memref<8x64xf32, #tpu.memory_space<hbm>>
    tpu.enqueue_dma source(%dma_start3A_1147 : memref<8x64xf32, #tpu.memory_space<hbm>>) target(%dma_start3A_1145 : memref<8x64xf32, #tpu.memory_space<vmem>>) target_semaphore(%dma_start3A_1141 : memref<!tpu.dma_semaphore, #tpu.memory_space<semaphore_mem>>)
    %slice3A_1148 = vector.extract_strided_slice %shift_left3A_1061 {offsets = [2], sizes = [1], strides = [1]} : vector<16xi32> to vector<1xi32>
    %squeeze3A_1149 = vector.extract %slice3A_1148[0] : i32 from vector<1xi32>
    %multiple_of3A_1150 = tpu.assume_multiple %squeeze3A_1149, 8 : i32
    %slice3A_1151 = vector.extract_strided_slice %shift_left3A_1067 {offsets = [2], sizes = [1], strides = [1]} : vector<16xi32> to vector<1xi32>
    %squeeze3A_1152 = vector.extract %slice3A_1151[0] : i32 from vector<1xi32>
    %multiple_of3A_1153 = tpu.assume_multiple %squeeze3A_1152, 8 : i32
    %dma_start3A_1154 = arith.constant 3 : i32
    %dma_start3A_1155 = arith.constant 2 : i32
    %dma_start3A_1156 = arith.constant 3 : i32
    %dma_start3A_1157 = arith.constant 0 : i32
    %dma_start3A_1158 = arith.constant 0 : i32
    %dma_start3A_1159 = tpu.memref_slice %arg13[%dma_start3A_1154, %dma_start3A_1155, %dma_start3A_1157, %dma_start3A_1158] : memref<6x8x8x64xf32, #tpu.memory_space<vmem>> -> memref<1x1x8x64xf32, #tpu.memory_space<vmem>>
    %dma_start3A_1160 = tpu.memref_squeeze %dma_start3A_1159 : memref<1x1x8x64xf32, #tpu.memory_space<vmem>> -> memref<8x64xf32, #tpu.memory_space<vmem>>
    %dma_start3A_1161 = arith.constant 0 : i32
    %dma_start3A_1162 = tpu.memref_slice %arg4[%multiple_of3A_1150, %dma_start3A_1161] : memref<1000000x64xf32, #tpu.memory_space<hbm>> -> memref<8x64xf32, #tpu.memory_space<hbm>>
    %dma_start3A_1163 = tpu.memref_slice %arg20[%dma_start3A_1156] : memref<6x!tpu.dma_semaphore, #tpu.memory_space<semaphore_mem>> -> memref<1x!tpu.dma_semaphore, #tpu.memory_space<semaphore_mem>>
    %dma_start3A_1164 = tpu.memref_squeeze %dma_start3A_1163 : memref<1x!tpu.dma_semaphore, #tpu.memory_space<semaphore_mem>> -> memref<!tpu.dma_semaphore, #tpu.memory_space<semaphore_mem>>
    %dma_start3A_1165 = arith.constant 0 : i32
    %dma_start3A_1166 = arith.constant 0 : i32
    %dma_start3A_1167 = tpu.memref_slice %arg13[%dma_start3A_1154, %dma_start3A_1155, %dma_start3A_1165, %dma_start3A_1166] : memref<6x8x8x64xf32, #tpu.memory_space<vmem>> -> memref<1x1x8x64xf32, #tpu.memory_space<vmem>>
    %dma_start3A_1168 = tpu.memref_squeeze %dma_start3A_1167 : memref<1x1x8x64xf32, #tpu.memory_space<vmem>> -> memref<8x64xf32, #tpu.memory_space<vmem>>
    %dma_start3A_1169 = arith.constant 0 : i32
    %dma_start3A_1170 = tpu.memref_slice %arg4[%multiple_of3A_1150, %dma_start3A_1169] : memref<1000000x64xf32, #tpu.memory_space<hbm>> -> memref<8x64xf32, #tpu.memory_space<hbm>>
    tpu.enqueue_dma source(%dma_start3A_1170 : memref<8x64xf32, #tpu.memory_space<hbm>>) target(%dma_start3A_1168 : memref<8x64xf32, #tpu.memory_space<vmem>>) target_semaphore(%dma_start3A_1164 : memref<!tpu.dma_semaphore, #tpu.memory_space<semaphore_mem>>)
    %dma_start3A_1171 = arith.constant 3 : i32
    %dma_start3A_1172 = arith.constant 2 : i32
    %dma_start3A_1173 = arith.constant 3 : i32
    %dma_start3A_1174 = arith.constant 0 : i32
    %dma_start3A_1175 = arith.constant 0 : i32
    %dma_start3A_1176 = tpu.memref_slice %arg14[%dma_start3A_1171, %dma_start3A_1172, %dma_start3A_1174, %dma_start3A_1175] : memref<6x8x8x64xf32, #tpu.memory_space<vmem>> -> memref<1x1x8x64xf32, #tpu.memory_space<vmem>>
    %dma_start3A_1177 = tpu.memref_squeeze %dma_start3A_1176 : memref<1x1x8x64xf32, #tpu.memory_space<vmem>> -> memref<8x64xf32, #tpu.memory_space<vmem>>
    %dma_start3A_1178 = arith.constant 0 : i32
    %dma_start3A_1179 = tpu.memref_slice %arg5[%multiple_of3A_1153, %dma_start3A_1178] : memref<100000x64xf32, #tpu.memory_space<hbm>> -> memref<8x64xf32, #tpu.memory_space<hbm>>
    %dma_start3A_1180 = tpu.memref_slice %arg20[%dma_start3A_1173] : memref<6x!tpu.dma_semaphore, #tpu.memory_space<semaphore_mem>> -> memref<1x!tpu.dma_semaphore, #tpu.memory_space<semaphore_mem>>
    %dma_start3A_1181 = tpu.memref_squeeze %dma_start3A_1180 : memref<1x!tpu.dma_semaphore, #tpu.memory_space<semaphore_mem>> -> memref<!tpu.dma_semaphore, #tpu.memory_space<semaphore_mem>>
    %dma_start3A_1182 = arith.constant 0 : i32
    %dma_start3A_1183 = arith.constant 0 : i32
    %dma_start3A_1184 = tpu.memref_slice %arg14[%dma_start3A_1171, %dma_start3A_1172, %dma_start3A_1182, %dma_start3A_1183] : memref<6x8x8x64xf32, #tpu.memory_space<vmem>> -> memref<1x1x8x64xf32, #tpu.memory_space<vmem>>
    %dma_start3A_1185 = tpu.memref_squeeze %dma_start3A_1184 : memref<1x1x8x64xf32, #tpu.memory_space<vmem>> -> memref<8x64xf32, #tpu.memory_space<vmem>>
    %dma_start3A_1186 = arith.constant 0 : i32
    %dma_start3A_1187 = tpu.memref_slice %arg5[%multiple_of3A_1153, %dma_start3A_1186] : memref<100000x64xf32, #tpu.memory_space<hbm>> -> memref<8x64xf32, #tpu.memory_space<hbm>>
    tpu.enqueue_dma source(%dma_start3A_1187 : memref<8x64xf32, #tpu.memory_space<hbm>>) target(%dma_start3A_1185 : memref<8x64xf32, #tpu.memory_space<vmem>>) target_semaphore(%dma_start3A_1181 : memref<!tpu.dma_semaphore, #tpu.memory_space<semaphore_mem>>)
    %slice3A_1188 = vector.extract_strided_slice %shift_left3A_1061 {offsets = [3], sizes = [1], strides = [1]} : vector<16xi32> to vector<1xi32>
    %squeeze3A_1189 = vector.extract %slice3A_1188[0] : i32 from vector<1xi32>
    %multiple_of3A_1190 = tpu.assume_multiple %squeeze3A_1189, 8 : i32
    %slice3A_1191 = vector.extract_strided_slice %shift_left3A_1067 {offsets = [3], sizes = [1], strides = [1]} : vector<16xi32> to vector<1xi32>
    %squeeze3A_1192 = vector.extract %slice3A_1191[0] : i32 from vector<1xi32>
    %multiple_of3A_1193 = tpu.assume_multiple %squeeze3A_1192, 8 : i32
    %dma_start3A_1194 = arith.constant 3 : i32
    %dma_start3A_1195 = arith.constant 3 : i32
    %dma_start3A_1196 = arith.constant 3 : i32
    %dma_start3A_1197 = arith.constant 0 : i32
    %dma_start3A_1198 = arith.constant 0 : i32
    %dma_start3A_1199 = tpu.memref_slice %arg13[%dma_start3A_1194, %dma_start3A_1195, %dma_start3A_1197, %dma_start3A_1198] : memref<6x8x8x64xf32, #tpu.memory_space<vmem>> -> memref<1x1x8x64xf32, #tpu.memory_space<vmem>>
    %dma_start3A_1200 = tpu.memref_squeeze %dma_start3A_1199 : memref<1x1x8x64xf32, #tpu.memory_space<vmem>> -> memref<8x64xf32, #tpu.memory_space<vmem>>
    %dma_start3A_1201 = arith.constant 0 : i32
    %dma_start3A_1202 = tpu.memref_slice %arg4[%multiple_of3A_1190, %dma_start3A_1201] : memref<1000000x64xf32, #tpu.memory_space<hbm>> -> memref<8x64xf32, #tpu.memory_space<hbm>>
    %dma_start3A_1203 = tpu.memref_slice %arg20[%dma_start3A_1196] : memref<6x!tpu.dma_semaphore, #tpu.memory_space<semaphore_mem>> -> memref<1x!tpu.dma_semaphore, #tpu.memory_space<semaphore_mem>>
    %dma_start3A_1204 = tpu.memref_squeeze %dma_start3A_1203 : memref<1x!tpu.dma_semaphore, #tpu.memory_space<semaphore_mem>> -> memref<!tpu.dma_semaphore, #tpu.memory_space<semaphore_mem>>
    %dma_start3A_1205 = arith.constant 0 : i32
    %dma_start3A_1206 = arith.constant 0 : i32
    %dma_start3A_1207 = tpu.memref_slice %arg13[%dma_start3A_1194, %dma_start3A_1195, %dma_start3A_1205, %dma_start3A_1206] : memref<6x8x8x64xf32, #tpu.memory_space<vmem>> -> memref<1x1x8x64xf32, #tpu.memory_space<vmem>>
    %dma_start3A_1208 = tpu.memref_squeeze %dma_start3A_1207 : memref<1x1x8x64xf32, #tpu.memory_space<vmem>> -> memref<8x64xf32, #tpu.memory_space<vmem>>
    %dma_start3A_1209 = arith.constant 0 : i32
    %dma_start3A_1210 = tpu.memref_slice %arg4[%multiple_of3A_1190, %dma_start3A_1209] : memref<1000000x64xf32, #tpu.memory_space<hbm>> -> memref<8x64xf32, #tpu.memory_space<hbm>>
    tpu.enqueue_dma source(%dma_start3A_1210 : memref<8x64xf32, #tpu.memory_space<hbm>>) target(%dma_start3A_1208 : memref<8x64xf32, #tpu.memory_space<vmem>>) target_semaphore(%dma_start3A_1204 : memref<!tpu.dma_semaphore, #tpu.memory_space<semaphore_mem>>)
    %dma_start3A_1211 = arith.constant 3 : i32
    %dma_start3A_1212 = arith.constant 3 : i32
    %dma_start3A_1213 = arith.constant 3 : i32
    %dma_start3A_1214 = arith.constant 0 : i32
    %dma_start3A_1215 = arith.constant 0 : i32
    %dma_start3A_1216 = tpu.memref_slice %arg14[%dma_start3A_1211, %dma_start3A_1212, %dma_start3A_1214, %dma_start3A_1215] : memref<6x8x8x64xf32, #tpu.memory_space<vmem>> -> memref<1x1x8x64xf32, #tpu.memory_space<vmem>>
    %dma_start3A_1217 = tpu.memref_squeeze %dma_start3A_1216 : memref<1x1x8x64xf32, #tpu.memory_space<vmem>> -> memref<8x64xf32, #tpu.memory_space<vmem>>
    %dma_start3A_1218 = arith.constant 0 : i32
    %dma_start3A_1219 = tpu.memref_slice %arg5[%multiple_of3A_1193, %dma_start3A_1218] : memref<100000x64xf32, #tpu.memory_space<hbm>> -> memref<8x64xf32, #tpu.memory_space<hbm>>
    %dma_start3A_1220 = tpu.memref_slice %arg20[%dma_start3A_1213] : memref<6x!tpu.dma_semaphore, #tpu.memory_space<semaphore_mem>> -> memref<1x!tpu.dma_semaphore, #tpu.memory_space<semaphore_mem>>
    %dma_start3A_1221 = tpu.memref_squeeze %dma_start3A_1220 : memref<1x!tpu.dma_semaphore, #tpu.memory_space<semaphore_mem>> -> memref<!tpu.dma_semaphore, #tpu.memory_space<semaphore_mem>>
    %dma_start3A_1222 = arith.constant 0 : i32
    %dma_start3A_1223 = arith.constant 0 : i32
    %dma_start3A_1224 = tpu.memref_slice %arg14[%dma_start3A_1211, %dma_start3A_1212, %dma_start3A_1222, %dma_start3A_1223] : memref<6x8x8x64xf32, #tpu.memory_space<vmem>> -> memref<1x1x8x64xf32, #tpu.memory_space<vmem>>
    %dma_start3A_1225 = tpu.memref_squeeze %dma_start3A_1224 : memref<1x1x8x64xf32, #tpu.memory_space<vmem>> -> memref<8x64xf32, #tpu.memory_space<vmem>>
    %dma_start3A_1226 = arith.constant 0 : i32
    %dma_start3A_1227 = tpu.memref_slice %arg5[%multiple_of3A_1193, %dma_start3A_1226] : memref<100000x64xf32, #tpu.memory_space<hbm>> -> memref<8x64xf32, #tpu.memory_space<hbm>>
    tpu.enqueue_dma source(%dma_start3A_1227 : memref<8x64xf32, #tpu.memory_space<hbm>>) target(%dma_start3A_1225 : memref<8x64xf32, #tpu.memory_space<vmem>>) target_semaphore(%dma_start3A_1221 : memref<!tpu.dma_semaphore, #tpu.memory_space<semaphore_mem>>)
    %slice3A_1228 = vector.extract_strided_slice %shift_left3A_1061 {offsets = [4], sizes = [1], strides = [1]} : vector<16xi32> to vector<1xi32>
    %squeeze3A_1229 = vector.extract %slice3A_1228[0] : i32 from vector<1xi32>
    %multiple_of3A_1230 = tpu.assume_multiple %squeeze3A_1229, 8 : i32
    %slice3A_1231 = vector.extract_strided_slice %shift_left3A_1067 {offsets = [4], sizes = [1], strides = [1]} : vector<16xi32> to vector<1xi32>
    %squeeze3A_1232 = vector.extract %slice3A_1231[0] : i32 from vector<1xi32>
    %multiple_of3A_1233 = tpu.assume_multiple %squeeze3A_1232, 8 : i32
    %dma_start3A_1234 = arith.constant 3 : i32
    %dma_start3A_1235 = arith.constant 4 : i32
    %dma_start3A_1236 = arith.constant 3 : i32
    %dma_start3A_1237 = arith.constant 0 : i32
    %dma_start3A_1238 = arith.constant 0 : i32
    %dma_start3A_1239 = tpu.memref_slice %arg13[%dma_start3A_1234, %dma_start3A_1235, %dma_start3A_1237, %dma_start3A_1238] : memref<6x8x8x64xf32, #tpu.memory_space<vmem>> -> memref<1x1x8x64xf32, #tpu.memory_space<vmem>>
    %dma_start3A_1240 = tpu.memref_squeeze %dma_start3A_1239 : memref<1x1x8x64xf32, #tpu.memory_space<vmem>> -> memref<8x64xf32, #tpu.memory_space<vmem>>
    %dma_start3A_1241 = arith.constant 0 : i32
    %dma_start3A_1242 = tpu.memref_slice %arg4[%multiple_of3A_1230, %dma_start3A_1241] : memref<1000000x64xf32, #tpu.memory_space<hbm>> -> memref<8x64xf32, #tpu.memory_space<hbm>>
    %dma_start3A_1243 = tpu.memref_slice %arg20[%dma_start3A_1236] : memref<6x!tpu.dma_semaphore, #tpu.memory_space<semaphore_mem>> -> memref<1x!tpu.dma_semaphore, #tpu.memory_space<semaphore_mem>>
    %dma_start3A_1244 = tpu.memref_squeeze %dma_start3A_1243 : memref<1x!tpu.dma_semaphore, #tpu.memory_space<semaphore_mem>> -> memref<!tpu.dma_semaphore, #tpu.memory_space<semaphore_mem>>
    %dma_start3A_1245 = arith.constant 0 : i32
    %dma_start3A_1246 = arith.constant 0 : i32
    %dma_start3A_1247 = tpu.memref_slice %arg13[%dma_start3A_1234, %dma_start3A_1235, %dma_start3A_1245, %dma_start3A_1246] : memref<6x8x8x64xf32, #tpu.memory_space<vmem>> -> memref<1x1x8x64xf32, #tpu.memory_space<vmem>>
    %dma_start3A_1248 = tpu.memref_squeeze %dma_start3A_1247 : memref<1x1x8x64xf32, #tpu.memory_space<vmem>> -> memref<8x64xf32, #tpu.memory_space<vmem>>
    %dma_start3A_1249 = arith.constant 0 : i32
    %dma_start3A_1250 = tpu.memref_slice %arg4[%multiple_of3A_1230, %dma_start3A_1249] : memref<1000000x64xf32, #tpu.memory_space<hbm>> -> memref<8x64xf32, #tpu.memory_space<hbm>>
    tpu.enqueue_dma source(%dma_start3A_1250 : memref<8x64xf32, #tpu.memory_space<hbm>>) target(%dma_start3A_1248 : memref<8x64xf32, #tpu.memory_space<vmem>>) target_semaphore(%dma_start3A_1244 : memref<!tpu.dma_semaphore, #tpu.memory_space<semaphore_mem>>)
    %dma_start3A_1251 = arith.constant 3 : i32
    %dma_start3A_1252 = arith.constant 4 : i32
    %dma_start3A_1253 = arith.constant 3 : i32
    %dma_start3A_1254 = arith.constant 0 : i32
    %dma_start3A_1255 = arith.constant 0 : i32
    %dma_start3A_1256 = tpu.memref_slice %arg14[%dma_start3A_1251, %dma_start3A_1252, %dma_start3A_1254, %dma_start3A_1255] : memref<6x8x8x64xf32, #tpu.memory_space<vmem>> -> memref<1x1x8x64xf32, #tpu.memory_space<vmem>>
    %dma_start3A_1257 = tpu.memref_squeeze %dma_start3A_1256 : memref<1x1x8x64xf32, #tpu.memory_space<vmem>> -> memref<8x64xf32, #tpu.memory_space<vmem>>
    %dma_start3A_1258 = arith.constant 0 : i32
    %dma_start3A_1259 = tpu.memref_slice %arg5[%multiple_of3A_1233, %dma_start3A_1258] : memref<100000x64xf32, #tpu.memory_space<hbm>> -> memref<8x64xf32, #tpu.memory_space<hbm>>
    %dma_start3A_1260 = tpu.memref_slice %arg20[%dma_start3A_1253] : memref<6x!tpu.dma_semaphore, #tpu.memory_space<semaphore_mem>> -> memref<1x!tpu.dma_semaphore, #tpu.memory_space<semaphore_mem>>
    %dma_start3A_1261 = tpu.memref_squeeze %dma_start3A_1260 : memref<1x!tpu.dma_semaphore, #tpu.memory_space<semaphore_mem>> -> memref<!tpu.dma_semaphore, #tpu.memory_space<semaphore_mem>>
    %dma_start3A_1262 = arith.constant 0 : i32
    %dma_start3A_1263 = arith.constant 0 : i32
    %dma_start3A_1264 = tpu.memref_slice %arg14[%dma_start3A_1251, %dma_start3A_1252, %dma_start3A_1262, %dma_start3A_1263] : memref<6x8x8x64xf32, #tpu.memory_space<vmem>> -> memref<1x1x8x64xf32, #tpu.memory_space<vmem>>
    %dma_start3A_1265 = tpu.memref_squeeze %dma_start3A_1264 : memref<1x1x8x64xf32, #tpu.memory_space<vmem>> -> memref<8x64xf32, #tpu.memory_space<vmem>>
    %dma_start3A_1266 = arith.constant 0 : i32
    %dma_start3A_1267 = tpu.memref_slice %arg5[%multiple_of3A_1233, %dma_start3A_1266] : memref<100000x64xf32, #tpu.memory_space<hbm>> -> memref<8x64xf32, #tpu.memory_space<hbm>>
    tpu.enqueue_dma source(%dma_start3A_1267 : memref<8x64xf32, #tpu.memory_space<hbm>>) target(%dma_start3A_1265 : memref<8x64xf32, #tpu.memory_space<vmem>>) target_semaphore(%dma_start3A_1261 : memref<!tpu.dma_semaphore, #tpu.memory_space<semaphore_mem>>)
    %slice3A_1268 = vector.extract_strided_slice %shift_left3A_1061 {offsets = [5], sizes = [1], strides = [1]} : vector<16xi32> to vector<1xi32>
    %squeeze3A_1269 = vector.extract %slice3A_1268[0] : i32 from vector<1xi32>
    %multiple_of3A_1270 = tpu.assume_multiple %squeeze3A_1269, 8 : i32
    %slice3A_1271 = vector.extract_strided_slice %shift_left3A_1067 {offsets = [5], sizes = [1], strides = [1]} : vector<16xi32> to vector<1xi32>
    %squeeze3A_1272 = vector.extract %slice3A_1271[0] : i32 from vector<1xi32>
    %multiple_of3A_1273 = tpu.assume_multiple %squeeze3A_1272, 8 : i32
    %dma_start3A_1274 = arith.constant 3 : i32
    %dma_start3A_1275 = arith.constant 5 : i32
    %dma_start3A_1276 = arith.constant 3 : i32
    %dma_start3A_1277 = arith.constant 0 : i32
    %dma_start3A_1278 = arith.constant 0 : i32
    %dma_start3A_1279 = tpu.memref_slice %arg13[%dma_start3A_1274, %dma_start3A_1275, %dma_start3A_1277, %dma_start3A_1278] : memref<6x8x8x64xf32, #tpu.memory_space<vmem>> -> memref<1x1x8x64xf32, #tpu.memory_space<vmem>>
    %dma_start3A_1280 = tpu.memref_squeeze %dma_start3A_1279 : memref<1x1x8x64xf32, #tpu.memory_space<vmem>> -> memref<8x64xf32, #tpu.memory_space<vmem>>
    %dma_start3A_1281 = arith.constant 0 : i32
    %dma_start3A_1282 = tpu.memref_slice %arg4[%multiple_of3A_1270, %dma_start3A_1281] : memref<1000000x64xf32, #tpu.memory_space<hbm>> -> memref<8x64xf32, #tpu.memory_space<hbm>>
    %dma_start3A_1283 = tpu.memref_slice %arg20[%dma_start3A_1276] : memref<6x!tpu.dma_semaphore, #tpu.memory_space<semaphore_mem>> -> memref<1x!tpu.dma_semaphore, #tpu.memory_space<semaphore_mem>>
    %dma_start3A_1284 = tpu.memref_squeeze %dma_start3A_1283 : memref<1x!tpu.dma_semaphore, #tpu.memory_space<semaphore_mem>> -> memref<!tpu.dma_semaphore, #tpu.memory_space<semaphore_mem>>
    %dma_start3A_1285 = arith.constant 0 : i32
    %dma_start3A_1286 = arith.constant 0 : i32
    %dma_start3A_1287 = tpu.memref_slice %arg13[%dma_start3A_1274, %dma_start3A_1275, %dma_start3A_1285, %dma_start3A_1286] : memref<6x8x8x64xf32, #tpu.memory_space<vmem>> -> memref<1x1x8x64xf32, #tpu.memory_space<vmem>>
    %dma_start3A_1288 = tpu.memref_squeeze %dma_start3A_1287 : memref<1x1x8x64xf32, #tpu.memory_space<vmem>> -> memref<8x64xf32, #tpu.memory_space<vmem>>
    %dma_start3A_1289 = arith.constant 0 : i32
    %dma_start3A_1290 = tpu.memref_slice %arg4[%multiple_of3A_1270, %dma_start3A_1289] : memref<1000000x64xf32, #tpu.memory_space<hbm>> -> memref<8x64xf32, #tpu.memory_space<hbm>>
    tpu.enqueue_dma source(%dma_start3A_1290 : memref<8x64xf32, #tpu.memory_space<hbm>>) target(%dma_start3A_1288 : memref<8x64xf32, #tpu.memory_space<vmem>>) target_semaphore(%dma_start3A_1284 : memref<!tpu.dma_semaphore, #tpu.memory_space<semaphore_mem>>)
    %dma_start3A_1291 = arith.constant 3 : i32
    %dma_start3A_1292 = arith.constant 5 : i32
    %dma_start3A_1293 = arith.constant 3 : i32
    %dma_start3A_1294 = arith.constant 0 : i32
    %dma_start3A_1295 = arith.constant 0 : i32
    %dma_start3A_1296 = tpu.memref_slice %arg14[%dma_start3A_1291, %dma_start3A_1292, %dma_start3A_1294, %dma_start3A_1295] : memref<6x8x8x64xf32, #tpu.memory_space<vmem>> -> memref<1x1x8x64xf32, #tpu.memory_space<vmem>>
    %dma_start3A_1297 = tpu.memref_squeeze %dma_start3A_1296 : memref<1x1x8x64xf32, #tpu.memory_space<vmem>> -> memref<8x64xf32, #tpu.memory_space<vmem>>
    %dma_start3A_1298 = arith.constant 0 : i32
    %dma_start3A_1299 = tpu.memref_slice %arg5[%multiple_of3A_1273, %dma_start3A_1298] : memref<100000x64xf32, #tpu.memory_space<hbm>> -> memref<8x64xf32, #tpu.memory_space<hbm>>
    %dma_start3A_1300 = tpu.memref_slice %arg20[%dma_start3A_1293] : memref<6x!tpu.dma_semaphore, #tpu.memory_space<semaphore_mem>> -> memref<1x!tpu.dma_semaphore, #tpu.memory_space<semaphore_mem>>
    %dma_start3A_1301 = tpu.memref_squeeze %dma_start3A_1300 : memref<1x!tpu.dma_semaphore, #tpu.memory_space<semaphore_mem>> -> memref<!tpu.dma_semaphore, #tpu.memory_space<semaphore_mem>>
    %dma_start3A_1302 = arith.constant 0 : i32
    %dma_start3A_1303 = arith.constant 0 : i32
    %dma_start3A_1304 = tpu.memref_slice %arg14[%dma_start3A_1291, %dma_start3A_1292, %dma_start3A_1302, %dma_start3A_1303] : memref<6x8x8x64xf32, #tpu.memory_space<vmem>> -> memref<1x1x8x64xf32, #tpu.memory_space<vmem>>
    %dma_start3A_1305 = tpu.memref_squeeze %dma_start3A_1304 : memref<1x1x8x64xf32, #tpu.memory_space<vmem>> -> memref<8x64xf32, #tpu.memory_space<vmem>>
    %dma_start3A_1306 = arith.constant 0 : i32
    %dma_start3A_1307 = tpu.memref_slice %arg5[%multiple_of3A_1273, %dma_start3A_1306] : memref<100000x64xf32, #tpu.memory_space<hbm>> -> memref<8x64xf32, #tpu.memory_space<hbm>>
    tpu.enqueue_dma source(%dma_start3A_1307 : memref<8x64xf32, #tpu.memory_space<hbm>>) target(%dma_start3A_1305 : memref<8x64xf32, #tpu.memory_space<vmem>>) target_semaphore(%dma_start3A_1301 : memref<!tpu.dma_semaphore, #tpu.memory_space<semaphore_mem>>)
    %slice3A_1308 = vector.extract_strided_slice %shift_left3A_1061 {offsets = [6], sizes = [1], strides = [1]} : vector<16xi32> to vector<1xi32>
    %squeeze3A_1309 = vector.extract %slice3A_1308[0] : i32 from vector<1xi32>
    %multiple_of3A_1310 = tpu.assume_multiple %squeeze3A_1309, 8 : i32
    %slice3A_1311 = vector.extract_strided_slice %shift_left3A_1067 {offsets = [6], sizes = [1], strides = [1]} : vector<16xi32> to vector<1xi32>
    %squeeze3A_1312 = vector.extract %slice3A_1311[0] : i32 from vector<1xi32>
    %multiple_of3A_1313 = tpu.assume_multiple %squeeze3A_1312, 8 : i32
    %dma_start3A_1314 = arith.constant 3 : i32
    %dma_start3A_1315 = arith.constant 6 : i32
    %dma_start3A_1316 = arith.constant 3 : i32
    %dma_start3A_1317 = arith.constant 0 : i32
    %dma_start3A_1318 = arith.constant 0 : i32
    %dma_start3A_1319 = tpu.memref_slice %arg13[%dma_start3A_1314, %dma_start3A_1315, %dma_start3A_1317, %dma_start3A_1318] : memref<6x8x8x64xf32, #tpu.memory_space<vmem>> -> memref<1x1x8x64xf32, #tpu.memory_space<vmem>>
    %dma_start3A_1320 = tpu.memref_squeeze %dma_start3A_1319 : memref<1x1x8x64xf32, #tpu.memory_space<vmem>> -> memref<8x64xf32, #tpu.memory_space<vmem>>
    %dma_start3A_1321 = arith.constant 0 : i32
    %dma_start3A_1322 = tpu.memref_slice %arg4[%multiple_of3A_1310, %dma_start3A_1321] : memref<1000000x64xf32, #tpu.memory_space<hbm>> -> memref<8x64xf32, #tpu.memory_space<hbm>>
    %dma_start3A_1323 = tpu.memref_slice %arg20[%dma_start3A_1316] : memref<6x!tpu.dma_semaphore, #tpu.memory_space<semaphore_mem>> -> memref<1x!tpu.dma_semaphore, #tpu.memory_space<semaphore_mem>>
    %dma_start3A_1324 = tpu.memref_squeeze %dma_start3A_1323 : memref<1x!tpu.dma_semaphore, #tpu.memory_space<semaphore_mem>> -> memref<!tpu.dma_semaphore, #tpu.memory_space<semaphore_mem>>
    %dma_start3A_1325 = arith.constant 0 : i32
    %dma_start3A_1326 = arith.constant 0 : i32
    %dma_start3A_1327 = tpu.memref_slice %arg13[%dma_start3A_1314, %dma_start3A_1315, %dma_start3A_1325, %dma_start3A_1326] : memref<6x8x8x64xf32, #tpu.memory_space<vmem>> -> memref<1x1x8x64xf32, #tpu.memory_space<vmem>>
    %dma_start3A_1328 = tpu.memref_squeeze %dma_start3A_1327 : memref<1x1x8x64xf32, #tpu.memory_space<vmem>> -> memref<8x64xf32, #tpu.memory_space<vmem>>
    %dma_start3A_1329 = arith.constant 0 : i32
    %dma_start3A_1330 = tpu.memref_slice %arg4[%multiple_of3A_1310, %dma_start3A_1329] : memref<1000000x64xf32, #tpu.memory_space<hbm>> -> memref<8x64xf32, #tpu.memory_space<hbm>>
    tpu.enqueue_dma source(%dma_start3A_1330 : memref<8x64xf32, #tpu.memory_space<hbm>>) target(%dma_start3A_1328 : memref<8x64xf32, #tpu.memory_space<vmem>>) target_semaphore(%dma_start3A_1324 : memref<!tpu.dma_semaphore, #tpu.memory_space<semaphore_mem>>)
    %dma_start3A_1331 = arith.constant 3 : i32
    %dma_start3A_1332 = arith.constant 6 : i32
    %dma_start3A_1333 = arith.constant 3 : i32
    %dma_start3A_1334 = arith.constant 0 : i32
    %dma_start3A_1335 = arith.constant 0 : i32
    %dma_start3A_1336 = tpu.memref_slice %arg14[%dma_start3A_1331, %dma_start3A_1332, %dma_start3A_1334, %dma_start3A_1335] : memref<6x8x8x64xf32, #tpu.memory_space<vmem>> -> memref<1x1x8x64xf32, #tpu.memory_space<vmem>>
    %dma_start3A_1337 = tpu.memref_squeeze %dma_start3A_1336 : memref<1x1x8x64xf32, #tpu.memory_space<vmem>> -> memref<8x64xf32, #tpu.memory_space<vmem>>
    %dma_start3A_1338 = arith.constant 0 : i32
    %dma_start3A_1339 = tpu.memref_slice %arg5[%multiple_of3A_1313, %dma_start3A_1338] : memref<100000x64xf32, #tpu.memory_space<hbm>> -> memref<8x64xf32, #tpu.memory_space<hbm>>
    %dma_start3A_1340 = tpu.memref_slice %arg20[%dma_start3A_1333] : memref<6x!tpu.dma_semaphore, #tpu.memory_space<semaphore_mem>> -> memref<1x!tpu.dma_semaphore, #tpu.memory_space<semaphore_mem>>
    %dma_start3A_1341 = tpu.memref_squeeze %dma_start3A_1340 : memref<1x!tpu.dma_semaphore, #tpu.memory_space<semaphore_mem>> -> memref<!tpu.dma_semaphore, #tpu.memory_space<semaphore_mem>>
    %dma_start3A_1342 = arith.constant 0 : i32
    %dma_start3A_1343 = arith.constant 0 : i32
    %dma_start3A_1344 = tpu.memref_slice %arg14[%dma_start3A_1331, %dma_start3A_1332, %dma_start3A_1342, %dma_start3A_1343] : memref<6x8x8x64xf32, #tpu.memory_space<vmem>> -> memref<1x1x8x64xf32, #tpu.memory_space<vmem>>
    %dma_start3A_1345 = tpu.memref_squeeze %dma_start3A_1344 : memref<1x1x8x64xf32, #tpu.memory_space<vmem>> -> memref<8x64xf32, #tpu.memory_space<vmem>>
    %dma_start3A_1346 = arith.constant 0 : i32
    %dma_start3A_1347 = tpu.memref_slice %arg5[%multiple_of3A_1313, %dma_start3A_1346] : memref<100000x64xf32, #tpu.memory_space<hbm>> -> memref<8x64xf32, #tpu.memory_space<hbm>>
    tpu.enqueue_dma source(%dma_start3A_1347 : memref<8x64xf32, #tpu.memory_space<hbm>>) target(%dma_start3A_1345 : memref<8x64xf32, #tpu.memory_space<vmem>>) target_semaphore(%dma_start3A_1341 : memref<!tpu.dma_semaphore, #tpu.memory_space<semaphore_mem>>)
    %slice3A_1348 = vector.extract_strided_slice %shift_left3A_1061 {offsets = [7], sizes = [1], strides = [1]} : vector<16xi32> to vector<1xi32>
    %squeeze3A_1349 = vector.extract %slice3A_1348[0] : i32 from vector<1xi32>
    %multiple_of3A_1350 = tpu.assume_multiple %squeeze3A_1349, 8 : i32
    %slice3A_1351 = vector.extract_strided_slice %shift_left3A_1067 {offsets = [7], sizes = [1], strides = [1]} : vector<16xi32> to vector<1xi32>
    %squeeze3A_1352 = vector.extract %slice3A_1351[0] : i32 from vector<1xi32>
    %multiple_of3A_1353 = tpu.assume_multiple %squeeze3A_1352, 8 : i32
    %dma_start3A_1354 = arith.constant 3 : i32
    %dma_start3A_1355 = arith.constant 7 : i32
    %dma_start3A_1356 = arith.constant 3 : i32
    %dma_start3A_1357 = arith.constant 0 : i32
    %dma_start3A_1358 = arith.constant 0 : i32
    %dma_start3A_1359 = tpu.memref_slice %arg13[%dma_start3A_1354, %dma_start3A_1355, %dma_start3A_1357, %dma_start3A_1358] : memref<6x8x8x64xf32, #tpu.memory_space<vmem>> -> memref<1x1x8x64xf32, #tpu.memory_space<vmem>>
    %dma_start3A_1360 = tpu.memref_squeeze %dma_start3A_1359 : memref<1x1x8x64xf32, #tpu.memory_space<vmem>> -> memref<8x64xf32, #tpu.memory_space<vmem>>
    %dma_start3A_1361 = arith.constant 0 : i32
    %dma_start3A_1362 = tpu.memref_slice %arg4[%multiple_of3A_1350, %dma_start3A_1361] : memref<1000000x64xf32, #tpu.memory_space<hbm>> -> memref<8x64xf32, #tpu.memory_space<hbm>>
    %dma_start3A_1363 = tpu.memref_slice %arg20[%dma_start3A_1356] : memref<6x!tpu.dma_semaphore, #tpu.memory_space<semaphore_mem>> -> memref<1x!tpu.dma_semaphore, #tpu.memory_space<semaphore_mem>>
    %dma_start3A_1364 = tpu.memref_squeeze %dma_start3A_1363 : memref<1x!tpu.dma_semaphore, #tpu.memory_space<semaphore_mem>> -> memref<!tpu.dma_semaphore, #tpu.memory_space<semaphore_mem>>
    %dma_start3A_1365 = arith.constant 0 : i32
    %dma_start3A_1366 = arith.constant 0 : i32
    %dma_start3A_1367 = tpu.memref_slice %arg13[%dma_start3A_1354, %dma_start3A_1355, %dma_start3A_1365, %dma_start3A_1366] : memref<6x8x8x64xf32, #tpu.memory_space<vmem>> -> memref<1x1x8x64xf32, #tpu.memory_space<vmem>>
    %dma_start3A_1368 = tpu.memref_squeeze %dma_start3A_1367 : memref<1x1x8x64xf32, #tpu.memory_space<vmem>> -> memref<8x64xf32, #tpu.memory_space<vmem>>
    %dma_start3A_1369 = arith.constant 0 : i32
    %dma_start3A_1370 = tpu.memref_slice %arg4[%multiple_of3A_1350, %dma_start3A_1369] : memref<1000000x64xf32, #tpu.memory_space<hbm>> -> memref<8x64xf32, #tpu.memory_space<hbm>>
    tpu.enqueue_dma source(%dma_start3A_1370 : memref<8x64xf32, #tpu.memory_space<hbm>>) target(%dma_start3A_1368 : memref<8x64xf32, #tpu.memory_space<vmem>>) target_semaphore(%dma_start3A_1364 : memref<!tpu.dma_semaphore, #tpu.memory_space<semaphore_mem>>)
    %dma_start3A_1371 = arith.constant 3 : i32
    %dma_start3A_1372 = arith.constant 7 : i32
    %dma_start3A_1373 = arith.constant 3 : i32
    %dma_start3A_1374 = arith.constant 0 : i32
    %dma_start3A_1375 = arith.constant 0 : i32
    %dma_start3A_1376 = tpu.memref_slice %arg14[%dma_start3A_1371, %dma_start3A_1372, %dma_start3A_1374, %dma_start3A_1375] : memref<6x8x8x64xf32, #tpu.memory_space<vmem>> -> memref<1x1x8x64xf32, #tpu.memory_space<vmem>>
    %dma_start3A_1377 = tpu.memref_squeeze %dma_start3A_1376 : memref<1x1x8x64xf32, #tpu.memory_space<vmem>> -> memref<8x64xf32, #tpu.memory_space<vmem>>
    %dma_start3A_1378 = arith.constant 0 : i32
    %dma_start3A_1379 = tpu.memref_slice %arg5[%multiple_of3A_1353, %dma_start3A_1378] : memref<100000x64xf32, #tpu.memory_space<hbm>> -> memref<8x64xf32, #tpu.memory_space<hbm>>
    %dma_start3A_1380 = tpu.memref_slice %arg20[%dma_start3A_1373] : memref<6x!tpu.dma_semaphore, #tpu.memory_space<semaphore_mem>> -> memref<1x!tpu.dma_semaphore, #tpu.memory_space<semaphore_mem>>
    %dma_start3A_1381 = tpu.memref_squeeze %dma_start3A_1380 : memref<1x!tpu.dma_semaphore, #tpu.memory_space<semaphore_mem>> -> memref<!tpu.dma_semaphore, #tpu.memory_space<semaphore_mem>>
    %dma_start3A_1382 = arith.constant 0 : i32
    %dma_start3A_1383 = arith.constant 0 : i32
    %dma_start3A_1384 = tpu.memref_slice %arg14[%dma_start3A_1371, %dma_start3A_1372, %dma_start3A_1382, %dma_start3A_1383] : memref<6x8x8x64xf32, #tpu.memory_space<vmem>> -> memref<1x1x8x64xf32, #tpu.memory_space<vmem>>
    %dma_start3A_1385 = tpu.memref_squeeze %dma_start3A_1384 : memref<1x1x8x64xf32, #tpu.memory_space<vmem>> -> memref<8x64xf32, #tpu.memory_space<vmem>>
    %dma_start3A_1386 = arith.constant 0 : i32
    %dma_start3A_1387 = tpu.memref_slice %arg5[%multiple_of3A_1353, %dma_start3A_1386] : memref<100000x64xf32, #tpu.memory_space<hbm>> -> memref<8x64xf32, #tpu.memory_space<hbm>>
    tpu.enqueue_dma source(%dma_start3A_1387 : memref<8x64xf32, #tpu.memory_space<hbm>>) target(%dma_start3A_1385 : memref<8x64xf32, #tpu.memory_space<vmem>>) target_semaphore(%dma_start3A_1381 : memref<!tpu.dma_semaphore, #tpu.memory_space<semaphore_mem>>)
    %get3A_1388 = arith.constant 32 : index
    %get3A_1389 = tpu.vector_load %arg11[%get3A_1388] {strides = array<i32>} : memref<528xi32, #tpu.memory_space<vmem>>, vector<16xi32>,
    %get3A_1390 = arith.constant 32 : index
    %get3A_1391 = tpu.vector_load %arg12[%get3A_1390] {strides = array<i32>} : memref<528xi32, #tpu.memory_space<vmem>>, vector<16xi32>,
    %shift_right_arithmetic3A_1392 = arith.constant 3 : i32
    %shift_right_arithmetic3A_1393 = vector.broadcast %shift_right_arithmetic3A_1392 : i32 to vector<16xi32>
    %shift_right_arithmetic3A_1394 = arith.shrsi %get3A_1389, %shift_right_arithmetic3A_1393 : vector<16xi32>
    %shift_left3A_1395 = arith.constant 3 : i32
    %shift_left3A_1396 = vector.broadcast %shift_left3A_1395 : i32 to vector<16xi32>
    %shift_left3A_1397 = arith.shli %shift_right_arithmetic3A_1394, %shift_left3A_1396 : vector<16xi32>
    %shift_right_arithmetic3A_1398 = arith.constant 3 : i32
    %shift_right_arithmetic3A_1399 = vector.broadcast %shift_right_arithmetic3A_1398 : i32 to vector<16xi32>
    %shift_right_arithmetic3A_1400 = arith.shrsi %get3A_1391, %shift_right_arithmetic3A_1399 : vector<16xi32>
    %shift_left3A_1401 = arith.constant 3 : i32
    %shift_left3A_1402 = vector.broadcast %shift_left3A_1401 : i32 to vector<16xi32>
    %shift_left3A_1403 = arith.shli %shift_right_arithmetic3A_1400, %shift_left3A_1402 : vector<16xi32>
    %slice3A_1404 = vector.extract_strided_slice %shift_left3A_1397 {offsets = [0], sizes = [1], strides = [1]} : vector<16xi32> to vector<1xi32>
    %squeeze3A_1405 = vector.extract %slice3A_1404[0] : i32 from vector<1xi32>
    %multiple_of3A_1406 = tpu.assume_multiple %squeeze3A_1405, 8 : i32
    %slice3A_1407 = vector.extract_strided_slice %shift_left3A_1403 {offsets = [0], sizes = [1], strides = [1]} : vector<16xi32> to vector<1xi32>
    %squeeze3A_1408 = vector.extract %slice3A_1407[0] : i32 from vector<1xi32>
    %multiple_of3A_1409 = tpu.assume_multiple %squeeze3A_1408, 8 : i32
    %dma_start3A_1410 = arith.constant 4 : i32
    %dma_start3A_1411 = arith.constant 0 : i32
    %dma_start3A_1412 = arith.constant 4 : i32
    %dma_start3A_1413 = arith.constant 0 : i32
    %dma_start3A_1414 = arith.constant 0 : i32
    %dma_start3A_1415 = tpu.memref_slice %arg13[%dma_start3A_1410, %dma_start3A_1411, %dma_start3A_1413, %dma_start3A_1414] : memref<6x8x8x64xf32, #tpu.memory_space<vmem>> -> memref<1x1x8x64xf32, #tpu.memory_space<vmem>>
    %dma_start3A_1416 = tpu.memref_squeeze %dma_start3A_1415 : memref<1x1x8x64xf32, #tpu.memory_space<vmem>> -> memref<8x64xf32, #tpu.memory_space<vmem>>
    %dma_start3A_1417 = arith.constant 0 : i32
    %dma_start3A_1418 = tpu.memref_slice %arg4[%multiple_of3A_1406, %dma_start3A_1417] : memref<1000000x64xf32, #tpu.memory_space<hbm>> -> memref<8x64xf32, #tpu.memory_space<hbm>>
    %dma_start3A_1419 = tpu.memref_slice %arg20[%dma_start3A_1412] : memref<6x!tpu.dma_semaphore, #tpu.memory_space<semaphore_mem>> -> memref<1x!tpu.dma_semaphore, #tpu.memory_space<semaphore_mem>>
    %dma_start3A_1420 = tpu.memref_squeeze %dma_start3A_1419 : memref<1x!tpu.dma_semaphore, #tpu.memory_space<semaphore_mem>> -> memref<!tpu.dma_semaphore, #tpu.memory_space<semaphore_mem>>
    %dma_start3A_1421 = arith.constant 0 : i32
    %dma_start3A_1422 = arith.constant 0 : i32
    %dma_start3A_1423 = tpu.memref_slice %arg13[%dma_start3A_1410, %dma_start3A_1411, %dma_start3A_1421, %dma_start3A_1422] : memref<6x8x8x64xf32, #tpu.memory_space<vmem>> -> memref<1x1x8x64xf32, #tpu.memory_space<vmem>>
    %dma_start3A_1424 = tpu.memref_squeeze %dma_start3A_1423 : memref<1x1x8x64xf32, #tpu.memory_space<vmem>> -> memref<8x64xf32, #tpu.memory_space<vmem>>
    %dma_start3A_1425 = arith.constant 0 : i32
    %dma_start3A_1426 = tpu.memref_slice %arg4[%multiple_of3A_1406, %dma_start3A_1425] : memref<1000000x64xf32, #tpu.memory_space<hbm>> -> memref<8x64xf32, #tpu.memory_space<hbm>>
    tpu.enqueue_dma source(%dma_start3A_1426 : memref<8x64xf32, #tpu.memory_space<hbm>>) target(%dma_start3A_1424 : memref<8x64xf32, #tpu.memory_space<vmem>>) target_semaphore(%dma_start3A_1420 : memref<!tpu.dma_semaphore, #tpu.memory_space<semaphore_mem>>)
    %dma_start3A_1427 = arith.constant 4 : i32
    %dma_start3A_1428 = arith.constant 0 : i32
    %dma_start3A_1429 = arith.constant 4 : i32
    %dma_start3A_1430 = arith.constant 0 : i32
    %dma_start3A_1431 = arith.constant 0 : i32
    %dma_start3A_1432 = tpu.memref_slice %arg14[%dma_start3A_1427, %dma_start3A_1428, %dma_start3A_1430, %dma_start3A_1431] : memref<6x8x8x64xf32, #tpu.memory_space<vmem>> -> memref<1x1x8x64xf32, #tpu.memory_space<vmem>>
    %dma_start3A_1433 = tpu.memref_squeeze %dma_start3A_1432 : memref<1x1x8x64xf32, #tpu.memory_space<vmem>> -> memref<8x64xf32, #tpu.memory_space<vmem>>
    %dma_start3A_1434 = arith.constant 0 : i32
    %dma_start3A_1435 = tpu.memref_slice %arg5[%multiple_of3A_1409, %dma_start3A_1434] : memref<100000x64xf32, #tpu.memory_space<hbm>> -> memref<8x64xf32, #tpu.memory_space<hbm>>
    %dma_start3A_1436 = tpu.memref_slice %arg20[%dma_start3A_1429] : memref<6x!tpu.dma_semaphore, #tpu.memory_space<semaphore_mem>> -> memref<1x!tpu.dma_semaphore, #tpu.memory_space<semaphore_mem>>
    %dma_start3A_1437 = tpu.memref_squeeze %dma_start3A_1436 : memref<1x!tpu.dma_semaphore, #tpu.memory_space<semaphore_mem>> -> memref<!tpu.dma_semaphore, #tpu.memory_space<semaphore_mem>>
    %dma_start3A_1438 = arith.constant 0 : i32
    %dma_start3A_1439 = arith.constant 0 : i32
    %dma_start3A_1440 = tpu.memref_slice %arg14[%dma_start3A_1427, %dma_start3A_1428, %dma_start3A_1438, %dma_start3A_1439] : memref<6x8x8x64xf32, #tpu.memory_space<vmem>> -> memref<1x1x8x64xf32, #tpu.memory_space<vmem>>
    %dma_start3A_1441 = tpu.memref_squeeze %dma_start3A_1440 : memref<1x1x8x64xf32, #tpu.memory_space<vmem>> -> memref<8x64xf32, #tpu.memory_space<vmem>>
    %dma_start3A_1442 = arith.constant 0 : i32
    %dma_start3A_1443 = tpu.memref_slice %arg5[%multiple_of3A_1409, %dma_start3A_1442] : memref<100000x64xf32, #tpu.memory_space<hbm>> -> memref<8x64xf32, #tpu.memory_space<hbm>>
    tpu.enqueue_dma source(%dma_start3A_1443 : memref<8x64xf32, #tpu.memory_space<hbm>>) target(%dma_start3A_1441 : memref<8x64xf32, #tpu.memory_space<vmem>>) target_semaphore(%dma_start3A_1437 : memref<!tpu.dma_semaphore, #tpu.memory_space<semaphore_mem>>)
    %slice3A_1444 = vector.extract_strided_slice %shift_left3A_1397 {offsets = [1], sizes = [1], strides = [1]} : vector<16xi32> to vector<1xi32>
    %squeeze3A_1445 = vector.extract %slice3A_1444[0] : i32 from vector<1xi32>
    %multiple_of3A_1446 = tpu.assume_multiple %squeeze3A_1445, 8 : i32
    %slice3A_1447 = vector.extract_strided_slice %shift_left3A_1403 {offsets = [1], sizes = [1], strides = [1]} : vector<16xi32> to vector<1xi32>
    %squeeze3A_1448 = vector.extract %slice3A_1447[0] : i32 from vector<1xi32>
    %multiple_of3A_1449 = tpu.assume_multiple %squeeze3A_1448, 8 : i32
    %dma_start3A_1450 = arith.constant 4 : i32
    %dma_start3A_1451 = arith.constant 1 : i32
    %dma_start3A_1452 = arith.constant 4 : i32
    %dma_start3A_1453 = arith.constant 0 : i32
    %dma_start3A_1454 = arith.constant 0 : i32
    %dma_start3A_1455 = tpu.memref_slice %arg13[%dma_start3A_1450, %dma_start3A_1451, %dma_start3A_1453, %dma_start3A_1454] : memref<6x8x8x64xf32, #tpu.memory_space<vmem>> -> memref<1x1x8x64xf32, #tpu.memory_space<vmem>>
    %dma_start3A_1456 = tpu.memref_squeeze %dma_start3A_1455 : memref<1x1x8x64xf32, #tpu.memory_space<vmem>> -> memref<8x64xf32, #tpu.memory_space<vmem>>
    %dma_start3A_1457 = arith.constant 0 : i32
    %dma_start3A_1458 = tpu.memref_slice %arg4[%multiple_of3A_1446, %dma_start3A_1457] : memref<1000000x64xf32, #tpu.memory_space<hbm>> -> memref<8x64xf32, #tpu.memory_space<hbm>>
    %dma_start3A_1459 = tpu.memref_slice %arg20[%dma_start3A_1452] : memref<6x!tpu.dma_semaphore, #tpu.memory_space<semaphore_mem>> -> memref<1x!tpu.dma_semaphore, #tpu.memory_space<semaphore_mem>>
    %dma_start3A_1460 = tpu.memref_squeeze %dma_start3A_1459 : memref<1x!tpu.dma_semaphore, #tpu.memory_space<semaphore_mem>> -> memref<!tpu.dma_semaphore, #tpu.memory_space<semaphore_mem>>
    %dma_start3A_1461 = arith.constant 0 : i32
    %dma_start3A_1462 = arith.constant 0 : i32
    %dma_start3A_1463 = tpu.memref_slice %arg13[%dma_start3A_1450, %dma_start3A_1451, %dma_start3A_1461, %dma_start3A_1462] : memref<6x8x8x64xf32, #tpu.memory_space<vmem>> -> memref<1x1x8x64xf32, #tpu.memory_space<vmem>>
    %dma_start3A_1464 = tpu.memref_squeeze %dma_start3A_1463 : memref<1x1x8x64xf32, #tpu.memory_space<vmem>> -> memref<8x64xf32, #tpu.memory_space<vmem>>
    %dma_start3A_1465 = arith.constant 0 : i32
    %dma_start3A_1466 = tpu.memref_slice %arg4[%multiple_of3A_1446, %dma_start3A_1465] : memref<1000000x64xf32, #tpu.memory_space<hbm>> -> memref<8x64xf32, #tpu.memory_space<hbm>>
    tpu.enqueue_dma source(%dma_start3A_1466 : memref<8x64xf32, #tpu.memory_space<hbm>>) target(%dma_start3A_1464 : memref<8x64xf32, #tpu.memory_space<vmem>>) target_semaphore(%dma_start3A_1460 : memref<!tpu.dma_semaphore, #tpu.memory_space<semaphore_mem>>)
    %dma_start3A_1467 = arith.constant 4 : i32
    %dma_start3A_1468 = arith.constant 1 : i32
    %dma_start3A_1469 = arith.constant 4 : i32
    %dma_start3A_1470 = arith.constant 0 : i32
    %dma_start3A_1471 = arith.constant 0 : i32
    %dma_start3A_1472 = tpu.memref_slice %arg14[%dma_start3A_1467, %dma_start3A_1468, %dma_start3A_1470, %dma_start3A_1471] : memref<6x8x8x64xf32, #tpu.memory_space<vmem>> -> memref<1x1x8x64xf32, #tpu.memory_space<vmem>>
    %dma_start3A_1473 = tpu.memref_squeeze %dma_start3A_1472 : memref<1x1x8x64xf32, #tpu.memory_space<vmem>> -> memref<8x64xf32, #tpu.memory_space<vmem>>
    %dma_start3A_1474 = arith.constant 0 : i32
    %dma_start3A_1475 = tpu.memref_slice %arg5[%multiple_of3A_1449, %dma_start3A_1474] : memref<100000x64xf32, #tpu.memory_space<hbm>> -> memref<8x64xf32, #tpu.memory_space<hbm>>
    %dma_start3A_1476 = tpu.memref_slice %arg20[%dma_start3A_1469] : memref<6x!tpu.dma_semaphore, #tpu.memory_space<semaphore_mem>> -> memref<1x!tpu.dma_semaphore, #tpu.memory_space<semaphore_mem>>
    %dma_start3A_1477 = tpu.memref_squeeze %dma_start3A_1476 : memref<1x!tpu.dma_semaphore, #tpu.memory_space<semaphore_mem>> -> memref<!tpu.dma_semaphore, #tpu.memory_space<semaphore_mem>>
    %dma_start3A_1478 = arith.constant 0 : i32
    %dma_start3A_1479 = arith.constant 0 : i32
    %dma_start3A_1480 = tpu.memref_slice %arg14[%dma_start3A_1467, %dma_start3A_1468, %dma_start3A_1478, %dma_start3A_1479] : memref<6x8x8x64xf32, #tpu.memory_space<vmem>> -> memref<1x1x8x64xf32, #tpu.memory_space<vmem>>
    %dma_start3A_1481 = tpu.memref_squeeze %dma_start3A_1480 : memref<1x1x8x64xf32, #tpu.memory_space<vmem>> -> memref<8x64xf32, #tpu.memory_space<vmem>>
    %dma_start3A_1482 = arith.constant 0 : i32
    %dma_start3A_1483 = tpu.memref_slice %arg5[%multiple_of3A_1449, %dma_start3A_1482] : memref<100000x64xf32, #tpu.memory_space<hbm>> -> memref<8x64xf32, #tpu.memory_space<hbm>>
    tpu.enqueue_dma source(%dma_start3A_1483 : memref<8x64xf32, #tpu.memory_space<hbm>>) target(%dma_start3A_1481 : memref<8x64xf32, #tpu.memory_space<vmem>>) target_semaphore(%dma_start3A_1477 : memref<!tpu.dma_semaphore, #tpu.memory_space<semaphore_mem>>)
    %slice3A_1484 = vector.extract_strided_slice %shift_left3A_1397 {offsets = [2], sizes = [1], strides = [1]} : vector<16xi32> to vector<1xi32>
    %squeeze3A_1485 = vector.extract %slice3A_1484[0] : i32 from vector<1xi32>
    %multiple_of3A_1486 = tpu.assume_multiple %squeeze3A_1485, 8 : i32
    %slice3A_1487 = vector.extract_strided_slice %shift_left3A_1403 {offsets = [2], sizes = [1], strides = [1]} : vector<16xi32> to vector<1xi32>
    %squeeze3A_1488 = vector.extract %slice3A_1487[0] : i32 from vector<1xi32>
    %multiple_of3A_1489 = tpu.assume_multiple %squeeze3A_1488, 8 : i32
    %dma_start3A_1490 = arith.constant 4 : i32
    %dma_start3A_1491 = arith.constant 2 : i32
    %dma_start3A_1492 = arith.constant 4 : i32
    %dma_start3A_1493 = arith.constant 0 : i32
    %dma_start3A_1494 = arith.constant 0 : i32
    %dma_start3A_1495 = tpu.memref_slice %arg13[%dma_start3A_1490, %dma_start3A_1491, %dma_start3A_1493, %dma_start3A_1494] : memref<6x8x8x64xf32, #tpu.memory_space<vmem>> -> memref<1x1x8x64xf32, #tpu.memory_space<vmem>>
    %dma_start3A_1496 = tpu.memref_squeeze %dma_start3A_1495 : memref<1x1x8x64xf32, #tpu.memory_space<vmem>> -> memref<8x64xf32, #tpu.memory_space<vmem>>
    %dma_start3A_1497 = arith.constant 0 : i32
    %dma_start3A_1498 = tpu.memref_slice %arg4[%multiple_of3A_1486, %dma_start3A_1497] : memref<1000000x64xf32, #tpu.memory_space<hbm>> -> memref<8x64xf32, #tpu.memory_space<hbm>>
    %dma_start3A_1499 = tpu.memref_slice %arg20[%dma_start3A_1492] : memref<6x!tpu.dma_semaphore, #tpu.memory_space<semaphore_mem>> -> memref<1x!tpu.dma_semaphore, #tpu.memory_space<semaphore_mem>>
    %dma_start3A_1500 = tpu.memref_squeeze %dma_start3A_1499 : memref<1x!tpu.dma_semaphore, #tpu.memory_space<semaphore_mem>> -> memref<!tpu.dma_semaphore, #tpu.memory_space<semaphore_mem>>
    %dma_start3A_1501 = arith.constant 0 : i32
    %dma_start3A_1502 = arith.constant 0 : i32
    %dma_start3A_1503 = tpu.memref_slice %arg13[%dma_start3A_1490, %dma_start3A_1491, %dma_start3A_1501, %dma_start3A_1502] : memref<6x8x8x64xf32, #tpu.memory_space<vmem>> -> memref<1x1x8x64xf32, #tpu.memory_space<vmem>>
    %dma_start3A_1504 = tpu.memref_squeeze %dma_start3A_1503 : memref<1x1x8x64xf32, #tpu.memory_space<vmem>> -> memref<8x64xf32, #tpu.memory_space<vmem>>
    %dma_start3A_1505 = arith.constant 0 : i32
    %dma_start3A_1506 = tpu.memref_slice %arg4[%multiple_of3A_1486, %dma_start3A_1505] : memref<1000000x64xf32, #tpu.memory_space<hbm>> -> memref<8x64xf32, #tpu.memory_space<hbm>>
    tpu.enqueue_dma source(%dma_start3A_1506 : memref<8x64xf32, #tpu.memory_space<hbm>>) target(%dma_start3A_1504 : memref<8x64xf32, #tpu.memory_space<vmem>>) target_semaphore(%dma_start3A_1500 : memref<!tpu.dma_semaphore, #tpu.memory_space<semaphore_mem>>)
    %dma_start3A_1507 = arith.constant 4 : i32
    %dma_start3A_1508 = arith.constant 2 : i32
    %dma_start3A_1509 = arith.constant 4 : i32
    %dma_start3A_1510 = arith.constant 0 : i32
    %dma_start3A_1511 = arith.constant 0 : i32
    %dma_start3A_1512 = tpu.memref_slice %arg14[%dma_start3A_1507, %dma_start3A_1508, %dma_start3A_1510, %dma_start3A_1511] : memref<6x8x8x64xf32, #tpu.memory_space<vmem>> -> memref<1x1x8x64xf32, #tpu.memory_space<vmem>>
    %dma_start3A_1513 = tpu.memref_squeeze %dma_start3A_1512 : memref<1x1x8x64xf32, #tpu.memory_space<vmem>> -> memref<8x64xf32, #tpu.memory_space<vmem>>
    %dma_start3A_1514 = arith.constant 0 : i32
    %dma_start3A_1515 = tpu.memref_slice %arg5[%multiple_of3A_1489, %dma_start3A_1514] : memref<100000x64xf32, #tpu.memory_space<hbm>> -> memref<8x64xf32, #tpu.memory_space<hbm>>
    %dma_start3A_1516 = tpu.memref_slice %arg20[%dma_start3A_1509] : memref<6x!tpu.dma_semaphore, #tpu.memory_space<semaphore_mem>> -> memref<1x!tpu.dma_semaphore, #tpu.memory_space<semaphore_mem>>
    %dma_start3A_1517 = tpu.memref_squeeze %dma_start3A_1516 : memref<1x!tpu.dma_semaphore, #tpu.memory_space<semaphore_mem>> -> memref<!tpu.dma_semaphore, #tpu.memory_space<semaphore_mem>>
    %dma_start3A_1518 = arith.constant 0 : i32
    %dma_start3A_1519 = arith.constant 0 : i32
    %dma_start3A_1520 = tpu.memref_slice %arg14[%dma_start3A_1507, %dma_start3A_1508, %dma_start3A_1518, %dma_start3A_1519] : memref<6x8x8x64xf32, #tpu.memory_space<vmem>> -> memref<1x1x8x64xf32, #tpu.memory_space<vmem>>
    %dma_start3A_1521 = tpu.memref_squeeze %dma_start3A_1520 : memref<1x1x8x64xf32, #tpu.memory_space<vmem>> -> memref<8x64xf32, #tpu.memory_space<vmem>>
    %dma_start3A_1522 = arith.constant 0 : i32
    %dma_start3A_1523 = tpu.memref_slice %arg5[%multiple_of3A_1489, %dma_start3A_1522] : memref<100000x64xf32, #tpu.memory_space<hbm>> -> memref<8x64xf32, #tpu.memory_space<hbm>>
    tpu.enqueue_dma source(%dma_start3A_1523 : memref<8x64xf32, #tpu.memory_space<hbm>>) target(%dma_start3A_1521 : memref<8x64xf32, #tpu.memory_space<vmem>>) target_semaphore(%dma_start3A_1517 : memref<!tpu.dma_semaphore, #tpu.memory_space<semaphore_mem>>)
    %slice3A_1524 = vector.extract_strided_slice %shift_left3A_1397 {offsets = [3], sizes = [1], strides = [1]} : vector<16xi32> to vector<1xi32>
    %squeeze3A_1525 = vector.extract %slice3A_1524[0] : i32 from vector<1xi32>
    %multiple_of3A_1526 = tpu.assume_multiple %squeeze3A_1525, 8 : i32
    %slice3A_1527 = vector.extract_strided_slice %shift_left3A_1403 {offsets = [3], sizes = [1], strides = [1]} : vector<16xi32> to vector<1xi32>
    %squeeze3A_1528 = vector.extract %slice3A_1527[0] : i32 from vector<1xi32>
    %multiple_of3A_1529 = tpu.assume_multiple %squeeze3A_1528, 8 : i32
    %dma_start3A_1530 = arith.constant 4 : i32
    %dma_start3A_1531 = arith.constant 3 : i32
    %dma_start3A_1532 = arith.constant 4 : i32
    %dma_start3A_1533 = arith.constant 0 : i32
    %dma_start3A_1534 = arith.constant 0 : i32
    %dma_start3A_1535 = tpu.memref_slice %arg13[%dma_start3A_1530, %dma_start3A_1531, %dma_start3A_1533, %dma_start3A_1534] : memref<6x8x8x64xf32, #tpu.memory_space<vmem>> -> memref<1x1x8x64xf32, #tpu.memory_space<vmem>>
    %dma_start3A_1536 = tpu.memref_squeeze %dma_start3A_1535 : memref<1x1x8x64xf32, #tpu.memory_space<vmem>> -> memref<8x64xf32, #tpu.memory_space<vmem>>
    %dma_start3A_1537 = arith.constant 0 : i32
    %dma_start3A_1538 = tpu.memref_slice %arg4[%multiple_of3A_1526, %dma_start3A_1537] : memref<1000000x64xf32, #tpu.memory_space<hbm>> -> memref<8x64xf32, #tpu.memory_space<hbm>>
    %dma_start3A_1539 = tpu.memref_slice %arg20[%dma_start3A_1532] : memref<6x!tpu.dma_semaphore, #tpu.memory_space<semaphore_mem>> -> memref<1x!tpu.dma_semaphore, #tpu.memory_space<semaphore_mem>>
    %dma_start3A_1540 = tpu.memref_squeeze %dma_start3A_1539 : memref<1x!tpu.dma_semaphore, #tpu.memory_space<semaphore_mem>> -> memref<!tpu.dma_semaphore, #tpu.memory_space<semaphore_mem>>
    %dma_start3A_1541 = arith.constant 0 : i32
    %dma_start3A_1542 = arith.constant 0 : i32
    %dma_start3A_1543 = tpu.memref_slice %arg13[%dma_start3A_1530, %dma_start3A_1531, %dma_start3A_1541, %dma_start3A_1542] : memref<6x8x8x64xf32, #tpu.memory_space<vmem>> -> memref<1x1x8x64xf32, #tpu.memory_space<vmem>>
    %dma_start3A_1544 = tpu.memref_squeeze %dma_start3A_1543 : memref<1x1x8x64xf32, #tpu.memory_space<vmem>> -> memref<8x64xf32, #tpu.memory_space<vmem>>
    %dma_start3A_1545 = arith.constant 0 : i32
    %dma_start3A_1546 = tpu.memref_slice %arg4[%multiple_of3A_1526, %dma_start3A_1545] : memref<1000000x64xf32, #tpu.memory_space<hbm>> -> memref<8x64xf32, #tpu.memory_space<hbm>>
    tpu.enqueue_dma source(%dma_start3A_1546 : memref<8x64xf32, #tpu.memory_space<hbm>>) target(%dma_start3A_1544 : memref<8x64xf32, #tpu.memory_space<vmem>>) target_semaphore(%dma_start3A_1540 : memref<!tpu.dma_semaphore, #tpu.memory_space<semaphore_mem>>)
    %dma_start3A_1547 = arith.constant 4 : i32
    %dma_start3A_1548 = arith.constant 3 : i32
    %dma_start3A_1549 = arith.constant 4 : i32
    %dma_start3A_1550 = arith.constant 0 : i32
    %dma_start3A_1551 = arith.constant 0 : i32
    %dma_start3A_1552 = tpu.memref_slice %arg14[%dma_start3A_1547, %dma_start3A_1548, %dma_start3A_1550, %dma_start3A_1551] : memref<6x8x8x64xf32, #tpu.memory_space<vmem>> -> memref<1x1x8x64xf32, #tpu.memory_space<vmem>>
    %dma_start3A_1553 = tpu.memref_squeeze %dma_start3A_1552 : memref<1x1x8x64xf32, #tpu.memory_space<vmem>> -> memref<8x64xf32, #tpu.memory_space<vmem>>
    %dma_start3A_1554 = arith.constant 0 : i32
    %dma_start3A_1555 = tpu.memref_slice %arg5[%multiple_of3A_1529, %dma_start3A_1554] : memref<100000x64xf32, #tpu.memory_space<hbm>> -> memref<8x64xf32, #tpu.memory_space<hbm>>
    %dma_start3A_1556 = tpu.memref_slice %arg20[%dma_start3A_1549] : memref<6x!tpu.dma_semaphore, #tpu.memory_space<semaphore_mem>> -> memref<1x!tpu.dma_semaphore, #tpu.memory_space<semaphore_mem>>
    %dma_start3A_1557 = tpu.memref_squeeze %dma_start3A_1556 : memref<1x!tpu.dma_semaphore, #tpu.memory_space<semaphore_mem>> -> memref<!tpu.dma_semaphore, #tpu.memory_space<semaphore_mem>>
    %dma_start3A_1558 = arith.constant 0 : i32
    %dma_start3A_1559 = arith.constant 0 : i32
    %dma_start3A_1560 = tpu.memref_slice %arg14[%dma_start3A_1547, %dma_start3A_1548, %dma_start3A_1558, %dma_start3A_1559] : memref<6x8x8x64xf32, #tpu.memory_space<vmem>> -> memref<1x1x8x64xf32, #tpu.memory_space<vmem>>
    %dma_start3A_1561 = tpu.memref_squeeze %dma_start3A_1560 : memref<1x1x8x64xf32, #tpu.memory_space<vmem>> -> memref<8x64xf32, #tpu.memory_space<vmem>>
    %dma_start3A_1562 = arith.constant 0 : i32
    %dma_start3A_1563 = tpu.memref_slice %arg5[%multiple_of3A_1529, %dma_start3A_1562] : memref<100000x64xf32, #tpu.memory_space<hbm>> -> memref<8x64xf32, #tpu.memory_space<hbm>>
    tpu.enqueue_dma source(%dma_start3A_1563 : memref<8x64xf32, #tpu.memory_space<hbm>>) target(%dma_start3A_1561 : memref<8x64xf32, #tpu.memory_space<vmem>>) target_semaphore(%dma_start3A_1557 : memref<!tpu.dma_semaphore, #tpu.memory_space<semaphore_mem>>)
    %slice3A_1564 = vector.extract_strided_slice %shift_left3A_1397 {offsets = [4], sizes = [1], strides = [1]} : vector<16xi32> to vector<1xi32>
    %squeeze3A_1565 = vector.extract %slice3A_1564[0] : i32 from vector<1xi32>
    %multiple_of3A_1566 = tpu.assume_multiple %squeeze3A_1565, 8 : i32
    %slice3A_1567 = vector.extract_strided_slice %shift_left3A_1403 {offsets = [4], sizes = [1], strides = [1]} : vector<16xi32> to vector<1xi32>
    %squeeze3A_1568 = vector.extract %slice3A_1567[0] : i32 from vector<1xi32>
    %multiple_of3A_1569 = tpu.assume_multiple %squeeze3A_1568, 8 : i32
    %dma_start3A_1570 = arith.constant 4 : i32
    %dma_start3A_1571 = arith.constant 4 : i32
    %dma_start3A_1572 = arith.constant 4 : i32
    %dma_start3A_1573 = arith.constant 0 : i32
    %dma_start3A_1574 = arith.constant 0 : i32
    %dma_start3A_1575 = tpu.memref_slice %arg13[%dma_start3A_1570, %dma_start3A_1571, %dma_start3A_1573, %dma_start3A_1574] : memref<6x8x8x64xf32, #tpu.memory_space<vmem>> -> memref<1x1x8x64xf32, #tpu.memory_space<vmem>>
    %dma_start3A_1576 = tpu.memref_squeeze %dma_start3A_1575 : memref<1x1x8x64xf32, #tpu.memory_space<vmem>> -> memref<8x64xf32, #tpu.memory_space<vmem>>
    %dma_start3A_1577 = arith.constant 0 : i32
    %dma_start3A_1578 = tpu.memref_slice %arg4[%multiple_of3A_1566, %dma_start3A_1577] : memref<1000000x64xf32, #tpu.memory_space<hbm>> -> memref<8x64xf32, #tpu.memory_space<hbm>>
    %dma_start3A_1579 = tpu.memref_slice %arg20[%dma_start3A_1572] : memref<6x!tpu.dma_semaphore, #tpu.memory_space<semaphore_mem>> -> memref<1x!tpu.dma_semaphore, #tpu.memory_space<semaphore_mem>>
    %dma_start3A_1580 = tpu.memref_squeeze %dma_start3A_1579 : memref<1x!tpu.dma_semaphore, #tpu.memory_space<semaphore_mem>> -> memref<!tpu.dma_semaphore, #tpu.memory_space<semaphore_mem>>
    %dma_start3A_1581 = arith.constant 0 : i32
    %dma_start3A_1582 = arith.constant 0 : i32
    %dma_start3A_1583 = tpu.memref_slice %arg13[%dma_start3A_1570, %dma_start3A_1571, %dma_start3A_1581, %dma_start3A_1582] : memref<6x8x8x64xf32, #tpu.memory_space<vmem>> -> memref<1x1x8x64xf32, #tpu.memory_space<vmem>>
    %dma_start3A_1584 = tpu.memref_squeeze %dma_start3A_1583 : memref<1x1x8x64xf32, #tpu.memory_space<vmem>> -> memref<8x64xf32, #tpu.memory_space<vmem>>
    %dma_start3A_1585 = arith.constant 0 : i32
    %dma_start3A_1586 = tpu.memref_slice %arg4[%multiple_of3A_1566, %dma_start3A_1585] : memref<1000000x64xf32, #tpu.memory_space<hbm>> -> memref<8x64xf32, #tpu.memory_space<hbm>>
    tpu.enqueue_dma source(%dma_start3A_1586 : memref<8x64xf32, #tpu.memory_space<hbm>>) target(%dma_start3A_1584 : memref<8x64xf32, #tpu.memory_space<vmem>>) target_semaphore(%dma_start3A_1580 : memref<!tpu.dma_semaphore, #tpu.memory_space<semaphore_mem>>)
    %dma_start3A_1587 = arith.constant 4 : i32
    %dma_start3A_1588 = arith.constant 4 : i32
    %dma_start3A_1589 = arith.constant 4 : i32
    %dma_start3A_1590 = arith.constant 0 : i32
    %dma_start3A_1591 = arith.constant 0 : i32
    %dma_start3A_1592 = tpu.memref_slice %arg14[%dma_start3A_1587, %dma_start3A_1588, %dma_start3A_1590, %dma_start3A_1591] : memref<6x8x8x64xf32, #tpu.memory_space<vmem>> -> memref<1x1x8x64xf32, #tpu.memory_space<vmem>>
    %dma_start3A_1593 = tpu.memref_squeeze %dma_start3A_1592 : memref<1x1x8x64xf32, #tpu.memory_space<vmem>> -> memref<8x64xf32, #tpu.memory_space<vmem>>
    %dma_start3A_1594 = arith.constant 0 : i32
    %dma_start3A_1595 = tpu.memref_slice %arg5[%multiple_of3A_1569, %dma_start3A_1594] : memref<100000x64xf32, #tpu.memory_space<hbm>> -> memref<8x64xf32, #tpu.memory_space<hbm>>
    %dma_start3A_1596 = tpu.memref_slice %arg20[%dma_start3A_1589] : memref<6x!tpu.dma_semaphore, #tpu.memory_space<semaphore_mem>> -> memref<1x!tpu.dma_semaphore, #tpu.memory_space<semaphore_mem>>
    %dma_start3A_1597 = tpu.memref_squeeze %dma_start3A_1596 : memref<1x!tpu.dma_semaphore, #tpu.memory_space<semaphore_mem>> -> memref<!tpu.dma_semaphore, #tpu.memory_space<semaphore_mem>>
    %dma_start3A_1598 = arith.constant 0 : i32
    %dma_start3A_1599 = arith.constant 0 : i32
    %dma_start3A_1600 = tpu.memref_slice %arg14[%dma_start3A_1587, %dma_start3A_1588, %dma_start3A_1598, %dma_start3A_1599] : memref<6x8x8x64xf32, #tpu.memory_space<vmem>> -> memref<1x1x8x64xf32, #tpu.memory_space<vmem>>
    %dma_start3A_1601 = tpu.memref_squeeze %dma_start3A_1600 : memref<1x1x8x64xf32, #tpu.memory_space<vmem>> -> memref<8x64xf32, #tpu.memory_space<vmem>>
    %dma_start3A_1602 = arith.constant 0 : i32
    %dma_start3A_1603 = tpu.memref_slice %arg5[%multiple_of3A_1569, %dma_start3A_1602] : memref<100000x64xf32, #tpu.memory_space<hbm>> -> memref<8x64xf32, #tpu.memory_space<hbm>>
    tpu.enqueue_dma source(%dma_start3A_1603 : memref<8x64xf32, #tpu.memory_space<hbm>>) target(%dma_start3A_1601 : memref<8x64xf32, #tpu.memory_space<vmem>>) target_semaphore(%dma_start3A_1597 : memref<!tpu.dma_semaphore, #tpu.memory_space<semaphore_mem>>)
    %slice3A_1604 = vector.extract_strided_slice %shift_left3A_1397 {offsets = [5], sizes = [1], strides = [1]} : vector<16xi32> to vector<1xi32>
    %squeeze3A_1605 = vector.extract %slice3A_1604[0] : i32 from vector<1xi32>
    %multiple_of3A_1606 = tpu.assume_multiple %squeeze3A_1605, 8 : i32
    %slice3A_1607 = vector.extract_strided_slice %shift_left3A_1403 {offsets = [5], sizes = [1], strides = [1]} : vector<16xi32> to vector<1xi32>
    %squeeze3A_1608 = vector.extract %slice3A_1607[0] : i32 from vector<1xi32>
    %multiple_of3A_1609 = tpu.assume_multiple %squeeze3A_1608, 8 : i32
    %dma_start3A_1610 = arith.constant 4 : i32
    %dma_start3A_1611 = arith.constant 5 : i32
    %dma_start3A_1612 = arith.constant 4 : i32
    %dma_start3A_1613 = arith.constant 0 : i32
    %dma_start3A_1614 = arith.constant 0 : i32
    %dma_start3A_1615 = tpu.memref_slice %arg13[%dma_start3A_1610, %dma_start3A_1611, %dma_start3A_1613, %dma_start3A_1614] : memref<6x8x8x64xf32, #tpu.memory_space<vmem>> -> memref<1x1x8x64xf32, #tpu.memory_space<vmem>>
    %dma_start3A_1616 = tpu.memref_squeeze %dma_start3A_1615 : memref<1x1x8x64xf32, #tpu.memory_space<vmem>> -> memref<8x64xf32, #tpu.memory_space<vmem>>
    %dma_start3A_1617 = arith.constant 0 : i32
    %dma_start3A_1618 = tpu.memref_slice %arg4[%multiple_of3A_1606, %dma_start3A_1617] : memref<1000000x64xf32, #tpu.memory_space<hbm>> -> memref<8x64xf32, #tpu.memory_space<hbm>>
    %dma_start3A_1619 = tpu.memref_slice %arg20[%dma_start3A_1612] : memref<6x!tpu.dma_semaphore, #tpu.memory_space<semaphore_mem>> -> memref<1x!tpu.dma_semaphore, #tpu.memory_space<semaphore_mem>>
    %dma_start3A_1620 = tpu.memref_squeeze %dma_start3A_1619 : memref<1x!tpu.dma_semaphore, #tpu.memory_space<semaphore_mem>> -> memref<!tpu.dma_semaphore, #tpu.memory_space<semaphore_mem>>
    %dma_start3A_1621 = arith.constant 0 : i32
    %dma_start3A_1622 = arith.constant 0 : i32
    %dma_start3A_1623 = tpu.memref_slice %arg13[%dma_start3A_1610, %dma_start3A_1611, %dma_start3A_1621, %dma_start3A_1622] : memref<6x8x8x64xf32, #tpu.memory_space<vmem>> -> memref<1x1x8x64xf32, #tpu.memory_space<vmem>>
    %dma_start3A_1624 = tpu.memref_squeeze %dma_start3A_1623 : memref<1x1x8x64xf32, #tpu.memory_space<vmem>> -> memref<8x64xf32, #tpu.memory_space<vmem>>
    %dma_start3A_1625 = arith.constant 0 : i32
    %dma_start3A_1626 = tpu.memref_slice %arg4[%multiple_of3A_1606, %dma_start3A_1625] : memref<1000000x64xf32, #tpu.memory_space<hbm>> -> memref<8x64xf32, #tpu.memory_space<hbm>>
    tpu.enqueue_dma source(%dma_start3A_1626 : memref<8x64xf32, #tpu.memory_space<hbm>>) target(%dma_start3A_1624 : memref<8x64xf32, #tpu.memory_space<vmem>>) target_semaphore(%dma_start3A_1620 : memref<!tpu.dma_semaphore, #tpu.memory_space<semaphore_mem>>)
    %dma_start3A_1627 = arith.constant 4 : i32
    %dma_start3A_1628 = arith.constant 5 : i32
    %dma_start3A_1629 = arith.constant 4 : i32
    %dma_start3A_1630 = arith.constant 0 : i32
    %dma_start3A_1631 = arith.constant 0 : i32
    %dma_start3A_1632 = tpu.memref_slice %arg14[%dma_start3A_1627, %dma_start3A_1628, %dma_start3A_1630, %dma_start3A_1631] : memref<6x8x8x64xf32, #tpu.memory_space<vmem>> -> memref<1x1x8x64xf32, #tpu.memory_space<vmem>>
    %dma_start3A_1633 = tpu.memref_squeeze %dma_start3A_1632 : memref<1x1x8x64xf32, #tpu.memory_space<vmem>> -> memref<8x64xf32, #tpu.memory_space<vmem>>
    %dma_start3A_1634 = arith.constant 0 : i32
    %dma_start3A_1635 = tpu.memref_slice %arg5[%multiple_of3A_1609, %dma_start3A_1634] : memref<100000x64xf32, #tpu.memory_space<hbm>> -> memref<8x64xf32, #tpu.memory_space<hbm>>
    %dma_start3A_1636 = tpu.memref_slice %arg20[%dma_start3A_1629] : memref<6x!tpu.dma_semaphore, #tpu.memory_space<semaphore_mem>> -> memref<1x!tpu.dma_semaphore, #tpu.memory_space<semaphore_mem>>
    %dma_start3A_1637 = tpu.memref_squeeze %dma_start3A_1636 : memref<1x!tpu.dma_semaphore, #tpu.memory_space<semaphore_mem>> -> memref<!tpu.dma_semaphore, #tpu.memory_space<semaphore_mem>>
    %dma_start3A_1638 = arith.constant 0 : i32
    %dma_start3A_1639 = arith.constant 0 : i32
    %dma_start3A_1640 = tpu.memref_slice %arg14[%dma_start3A_1627, %dma_start3A_1628, %dma_start3A_1638, %dma_start3A_1639] : memref<6x8x8x64xf32, #tpu.memory_space<vmem>> -> memref<1x1x8x64xf32, #tpu.memory_space<vmem>>
    %dma_start3A_1641 = tpu.memref_squeeze %dma_start3A_1640 : memref<1x1x8x64xf32, #tpu.memory_space<vmem>> -> memref<8x64xf32, #tpu.memory_space<vmem>>
    %dma_start3A_1642 = arith.constant 0 : i32
    %dma_start3A_1643 = tpu.memref_slice %arg5[%multiple_of3A_1609, %dma_start3A_1642] : memref<100000x64xf32, #tpu.memory_space<hbm>> -> memref<8x64xf32, #tpu.memory_space<hbm>>
    tpu.enqueue_dma source(%dma_start3A_1643 : memref<8x64xf32, #tpu.memory_space<hbm>>) target(%dma_start3A_1641 : memref<8x64xf32, #tpu.memory_space<vmem>>) target_semaphore(%dma_start3A_1637 : memref<!tpu.dma_semaphore, #tpu.memory_space<semaphore_mem>>)
    %slice3A_1644 = vector.extract_strided_slice %shift_left3A_1397 {offsets = [6], sizes = [1], strides = [1]} : vector<16xi32> to vector<1xi32>
    %squeeze3A_1645 = vector.extract %slice3A_1644[0] : i32 from vector<1xi32>
    %multiple_of3A_1646 = tpu.assume_multiple %squeeze3A_1645, 8 : i32
    %slice3A_1647 = vector.extract_strided_slice %shift_left3A_1403 {offsets = [6], sizes = [1], strides = [1]} : vector<16xi32> to vector<1xi32>
    %squeeze3A_1648 = vector.extract %slice3A_1647[0] : i32 from vector<1xi32>
    %multiple_of3A_1649 = tpu.assume_multiple %squeeze3A_1648, 8 : i32
    %dma_start3A_1650 = arith.constant 4 : i32
    %dma_start3A_1651 = arith.constant 6 : i32
    %dma_start3A_1652 = arith.constant 4 : i32
    %dma_start3A_1653 = arith.constant 0 : i32
    %dma_start3A_1654 = arith.constant 0 : i32
    %dma_start3A_1655 = tpu.memref_slice %arg13[%dma_start3A_1650, %dma_start3A_1651, %dma_start3A_1653, %dma_start3A_1654] : memref<6x8x8x64xf32, #tpu.memory_space<vmem>> -> memref<1x1x8x64xf32, #tpu.memory_space<vmem>>
    %dma_start3A_1656 = tpu.memref_squeeze %dma_start3A_1655 : memref<1x1x8x64xf32, #tpu.memory_space<vmem>> -> memref<8x64xf32, #tpu.memory_space<vmem>>
    %dma_start3A_1657 = arith.constant 0 : i32
    %dma_start3A_1658 = tpu.memref_slice %arg4[%multiple_of3A_1646, %dma_start3A_1657] : memref<1000000x64xf32, #tpu.memory_space<hbm>> -> memref<8x64xf32, #tpu.memory_space<hbm>>
    %dma_start3A_1659 = tpu.memref_slice %arg20[%dma_start3A_1652] : memref<6x!tpu.dma_semaphore, #tpu.memory_space<semaphore_mem>> -> memref<1x!tpu.dma_semaphore, #tpu.memory_space<semaphore_mem>>
    %dma_start3A_1660 = tpu.memref_squeeze %dma_start3A_1659 : memref<1x!tpu.dma_semaphore, #tpu.memory_space<semaphore_mem>> -> memref<!tpu.dma_semaphore, #tpu.memory_space<semaphore_mem>>
    %dma_start3A_1661 = arith.constant 0 : i32
    %dma_start3A_1662 = arith.constant 0 : i32
    %dma_start3A_1663 = tpu.memref_slice %arg13[%dma_start3A_1650, %dma_start3A_1651, %dma_start3A_1661, %dma_start3A_1662] : memref<6x8x8x64xf32, #tpu.memory_space<vmem>> -> memref<1x1x8x64xf32, #tpu.memory_space<vmem>>
    %dma_start3A_1664 = tpu.memref_squeeze %dma_start3A_1663 : memref<1x1x8x64xf32, #tpu.memory_space<vmem>> -> memref<8x64xf32, #tpu.memory_space<vmem>>
    %dma_start3A_1665 = arith.constant 0 : i32
    %dma_start3A_1666 = tpu.memref_slice %arg4[%multiple_of3A_1646, %dma_start3A_1665] : memref<1000000x64xf32, #tpu.memory_space<hbm>> -> memref<8x64xf32, #tpu.memory_space<hbm>>
    tpu.enqueue_dma source(%dma_start3A_1666 : memref<8x64xf32, #tpu.memory_space<hbm>>) target(%dma_start3A_1664 : memref<8x64xf32, #tpu.memory_space<vmem>>) target_semaphore(%dma_start3A_1660 : memref<!tpu.dma_semaphore, #tpu.memory_space<semaphore_mem>>)
    %dma_start3A_1667 = arith.constant 4 : i32
    %dma_start3A_1668 = arith.constant 6 : i32
    %dma_start3A_1669 = arith.constant 4 : i32
    %dma_start3A_1670 = arith.constant 0 : i32
    %dma_start3A_1671 = arith.constant 0 : i32
    %dma_start3A_1672 = tpu.memref_slice %arg14[%dma_start3A_1667, %dma_start3A_1668, %dma_start3A_1670, %dma_start3A_1671] : memref<6x8x8x64xf32, #tpu.memory_space<vmem>> -> memref<1x1x8x64xf32, #tpu.memory_space<vmem>>
    %dma_start3A_1673 = tpu.memref_squeeze %dma_start3A_1672 : memref<1x1x8x64xf32, #tpu.memory_space<vmem>> -> memref<8x64xf32, #tpu.memory_space<vmem>>
    %dma_start3A_1674 = arith.constant 0 : i32
    %dma_start3A_1675 = tpu.memref_slice %arg5[%multiple_of3A_1649, %dma_start3A_1674] : memref<100000x64xf32, #tpu.memory_space<hbm>> -> memref<8x64xf32, #tpu.memory_space<hbm>>
    %dma_start3A_1676 = tpu.memref_slice %arg20[%dma_start3A_1669] : memref<6x!tpu.dma_semaphore, #tpu.memory_space<semaphore_mem>> -> memref<1x!tpu.dma_semaphore, #tpu.memory_space<semaphore_mem>>
    %dma_start3A_1677 = tpu.memref_squeeze %dma_start3A_1676 : memref<1x!tpu.dma_semaphore, #tpu.memory_space<semaphore_mem>> -> memref<!tpu.dma_semaphore, #tpu.memory_space<semaphore_mem>>
    %dma_start3A_1678 = arith.constant 0 : i32
    %dma_start3A_1679 = arith.constant 0 : i32
    %dma_start3A_1680 = tpu.memref_slice %arg14[%dma_start3A_1667, %dma_start3A_1668, %dma_start3A_1678, %dma_start3A_1679] : memref<6x8x8x64xf32, #tpu.memory_space<vmem>> -> memref<1x1x8x64xf32, #tpu.memory_space<vmem>>
    %dma_start3A_1681 = tpu.memref_squeeze %dma_start3A_1680 : memref<1x1x8x64xf32, #tpu.memory_space<vmem>> -> memref<8x64xf32, #tpu.memory_space<vmem>>
    %dma_start3A_1682 = arith.constant 0 : i32
    %dma_start3A_1683 = tpu.memref_slice %arg5[%multiple_of3A_1649, %dma_start3A_1682] : memref<100000x64xf32, #tpu.memory_space<hbm>> -> memref<8x64xf32, #tpu.memory_space<hbm>>
    tpu.enqueue_dma source(%dma_start3A_1683 : memref<8x64xf32, #tpu.memory_space<hbm>>) target(%dma_start3A_1681 : memref<8x64xf32, #tpu.memory_space<vmem>>) target_semaphore(%dma_start3A_1677 : memref<!tpu.dma_semaphore, #tpu.memory_space<semaphore_mem>>)
    %slice3A_1684 = vector.extract_strided_slice %shift_left3A_1397 {offsets = [7], sizes = [1], strides = [1]} : vector<16xi32> to vector<1xi32>
    %squeeze3A_1685 = vector.extract %slice3A_1684[0] : i32 from vector<1xi32>
    %multiple_of3A_1686 = tpu.assume_multiple %squeeze3A_1685, 8 : i32
    %slice3A_1687 = vector.extract_strided_slice %shift_left3A_1403 {offsets = [7], sizes = [1], strides = [1]} : vector<16xi32> to vector<1xi32>
    %squeeze3A_1688 = vector.extract %slice3A_1687[0] : i32 from vector<1xi32>
    %multiple_of3A_1689 = tpu.assume_multiple %squeeze3A_1688, 8 : i32
    %dma_start3A_1690 = arith.constant 4 : i32
    %dma_start3A_1691 = arith.constant 7 : i32
    %dma_start3A_1692 = arith.constant 4 : i32
    %dma_start3A_1693 = arith.constant 0 : i32
    %dma_start3A_1694 = arith.constant 0 : i32
    %dma_start3A_1695 = tpu.memref_slice %arg13[%dma_start3A_1690, %dma_start3A_1691, %dma_start3A_1693, %dma_start3A_1694] : memref<6x8x8x64xf32, #tpu.memory_space<vmem>> -> memref<1x1x8x64xf32, #tpu.memory_space<vmem>>
    %dma_start3A_1696 = tpu.memref_squeeze %dma_start3A_1695 : memref<1x1x8x64xf32, #tpu.memory_space<vmem>> -> memref<8x64xf32, #tpu.memory_space<vmem>>
    %dma_start3A_1697 = arith.constant 0 : i32
    %dma_start3A_1698 = tpu.memref_slice %arg4[%multiple_of3A_1686, %dma_start3A_1697] : memref<1000000x64xf32, #tpu.memory_space<hbm>> -> memref<8x64xf32, #tpu.memory_space<hbm>>
    %dma_start3A_1699 = tpu.memref_slice %arg20[%dma_start3A_1692] : memref<6x!tpu.dma_semaphore, #tpu.memory_space<semaphore_mem>> -> memref<1x!tpu.dma_semaphore, #tpu.memory_space<semaphore_mem>>
    %dma_start3A_1700 = tpu.memref_squeeze %dma_start3A_1699 : memref<1x!tpu.dma_semaphore, #tpu.memory_space<semaphore_mem>> -> memref<!tpu.dma_semaphore, #tpu.memory_space<semaphore_mem>>
    %dma_start3A_1701 = arith.constant 0 : i32
    %dma_start3A_1702 = arith.constant 0 : i32
    %dma_start3A_1703 = tpu.memref_slice %arg13[%dma_start3A_1690, %dma_start3A_1691, %dma_start3A_1701, %dma_start3A_1702] : memref<6x8x8x64xf32, #tpu.memory_space<vmem>> -> memref<1x1x8x64xf32, #tpu.memory_space<vmem>>
    %dma_start3A_1704 = tpu.memref_squeeze %dma_start3A_1703 : memref<1x1x8x64xf32, #tpu.memory_space<vmem>> -> memref<8x64xf32, #tpu.memory_space<vmem>>
    %dma_start3A_1705 = arith.constant 0 : i32
    %dma_start3A_1706 = tpu.memref_slice %arg4[%multiple_of3A_1686, %dma_start3A_1705] : memref<1000000x64xf32, #tpu.memory_space<hbm>> -> memref<8x64xf32, #tpu.memory_space<hbm>>
    tpu.enqueue_dma source(%dma_start3A_1706 : memref<8x64xf32, #tpu.memory_space<hbm>>) target(%dma_start3A_1704 : memref<8x64xf32, #tpu.memory_space<vmem>>) target_semaphore(%dma_start3A_1700 : memref<!tpu.dma_semaphore, #tpu.memory_space<semaphore_mem>>)
    %dma_start3A_1707 = arith.constant 4 : i32
    %dma_start3A_1708 = arith.constant 7 : i32
    %dma_start3A_1709 = arith.constant 4 : i32
    %dma_start3A_1710 = arith.constant 0 : i32
    %dma_start3A_1711 = arith.constant 0 : i32
    %dma_start3A_1712 = tpu.memref_slice %arg14[%dma_start3A_1707, %dma_start3A_1708, %dma_start3A_1710, %dma_start3A_1711] : memref<6x8x8x64xf32, #tpu.memory_space<vmem>> -> memref<1x1x8x64xf32, #tpu.memory_space<vmem>>
    %dma_start3A_1713 = tpu.memref_squeeze %dma_start3A_1712 : memref<1x1x8x64xf32, #tpu.memory_space<vmem>> -> memref<8x64xf32, #tpu.memory_space<vmem>>
    %dma_start3A_1714 = arith.constant 0 : i32
    %dma_start3A_1715 = tpu.memref_slice %arg5[%multiple_of3A_1689, %dma_start3A_1714] : memref<100000x64xf32, #tpu.memory_space<hbm>> -> memref<8x64xf32, #tpu.memory_space<hbm>>
    %dma_start3A_1716 = tpu.memref_slice %arg20[%dma_start3A_1709] : memref<6x!tpu.dma_semaphore, #tpu.memory_space<semaphore_mem>> -> memref<1x!tpu.dma_semaphore, #tpu.memory_space<semaphore_mem>>
    %dma_start3A_1717 = tpu.memref_squeeze %dma_start3A_1716 : memref<1x!tpu.dma_semaphore, #tpu.memory_space<semaphore_mem>> -> memref<!tpu.dma_semaphore, #tpu.memory_space<semaphore_mem>>
    %dma_start3A_1718 = arith.constant 0 : i32
    %dma_start3A_1719 = arith.constant 0 : i32
    %dma_start3A_1720 = tpu.memref_slice %arg14[%dma_start3A_1707, %dma_start3A_1708, %dma_start3A_1718, %dma_start3A_1719] : memref<6x8x8x64xf32, #tpu.memory_space<vmem>> -> memref<1x1x8x64xf32, #tpu.memory_space<vmem>>
    %dma_start3A_1721 = tpu.memref_squeeze %dma_start3A_1720 : memref<1x1x8x64xf32, #tpu.memory_space<vmem>> -> memref<8x64xf32, #tpu.memory_space<vmem>>
    %dma_start3A_1722 = arith.constant 0 : i32
    %dma_start3A_1723 = tpu.memref_slice %arg5[%multiple_of3A_1689, %dma_start3A_1722] : memref<100000x64xf32, #tpu.memory_space<hbm>> -> memref<8x64xf32, #tpu.memory_space<hbm>>
    tpu.enqueue_dma source(%dma_start3A_1723 : memref<8x64xf32, #tpu.memory_space<hbm>>) target(%dma_start3A_1721 : memref<8x64xf32, #tpu.memory_space<vmem>>) target_semaphore(%dma_start3A_1717 : memref<!tpu.dma_semaphore, #tpu.memory_space<semaphore_mem>>)
    %scan3A = arith.constant 0 : i32
    %scan3A_1724 = arith.constant 64 : i32
    %scan3A_1725 = arith.addi %scan3A, %scan3A_1724 : i32
    %scan3A_1726 = arith.constant 1 : i32
    scf.for %scan3A_1782 = %scan3A to %scan3A_1725 step %scan3A_1726  : i32 {
      %mul3A_1783 = arith.constant 1 : i32
      %mul3A_1784 = arith.muli %scan3A_1782, %mul3A_1783 : i32
      %add3A_1785 = arith.constant 0 : i32
      %add3A_1786 = arith.addi %add3A_1785, %mul3A_1784 : i32
      %add3A_1787 = arith.constant 6 : i32
      %add3A_1788 = arith.addi %add3A_1786, %add3A_1787 : i32
      %sub3A = arith.constant 1 : i32
      %sub3A_1789 = arith.subi %add3A_1788, %sub3A : i32
      %lt3A = arith.constant 64 : i32
      %lt3A_1790 = arith.cmpi slt, %sub3A_1789, %lt3A : i32
      %convert_element_type3A = arith.extui %lt3A_1790 : i1 to i32
      %cond3A = arith.constant 0 : i32
      %cond3A_1791 = arith.cmpi ne, %convert_element_type3A, %cond3A : i32
      scf.if %cond3A_1791 {
        %add3A_2407 = arith.constant 6 : i32
        %add3A_2408 = arith.addi %add3A_1786, %add3A_2407 : i32
        %sub3A_2409 = arith.constant 1 : i32
        %sub3A_2410 = arith.subi %add3A_2408, %sub3A_2409 : i32
        %jit3A_2411 = arith.constant 6 : i32
        %eq3A_2412 = arith.constant 0 : i32
        %eq3A_2413 = arith.cmpi eq, %jit3A_2411, %eq3A_2412 : i32
        %jit3A_2414 = arith.constant 1 : i32
        %select_n3A_2415 = arith.select %eq3A_2413, %jit3A_2414, %jit3A_2411 : i32
        %rem3A_2416 = arith.remsi %sub3A_2410, %select_n3A_2415 : i32
        %ne3A_2417 = arith.constant 0 : i32
        %ne3A_2418 = arith.cmpi ne, %rem3A_2416, %ne3A_2417 : i32
        %lt3A_2419 = arith.constant 0 : i32
        %lt3A_2420 = arith.cmpi slt, %rem3A_2416, %lt3A_2419 : i32
        %lt3A_2421 = arith.constant 0 : i32
        %lt3A_2422 = arith.cmpi slt, %select_n3A_2415, %lt3A_2421 : i32
        %ne3A_2423 = arith.xori %lt3A_2420, %lt3A_2422 : i1
        %and3A_2424 = arith.andi %ne3A_2423, %ne3A_2418 : i1
        %add3A_2425 = arith.addi %rem3A_2416, %select_n3A_2415 : i32
        %select_n3A_2426 = arith.select %and3A_2424, %add3A_2425, %rem3A_2416 : i32
        %mul3A_2427 = arith.constant 8 : i32
        %mul3A_2428 = arith.muli %sub3A_2410, %mul3A_2427 : i32
        %get3A_2429 = arith.index_cast %mul3A_2428 : i32 to index
        %get3A_2430 = tpu.vector_load %arg11[%get3A_2429] {strides = array<i32>} : memref<528xi32, #tpu.memory_space<vmem>>, vector<16xi32>,
        %mul3A_2431 = arith.constant 8 : i32
        %mul3A_2432 = arith.muli %sub3A_2410, %mul3A_2431 : i32
        %get3A_2433 = arith.index_cast %mul3A_2432 : i32 to index
        %get3A_2434 = tpu.vector_load %arg12[%get3A_2433] {strides = array<i32>} : memref<528xi32, #tpu.memory_space<vmem>>, vector<16xi32>,
        %shift_right_arithmetic3A_2435 = arith.constant 3 : i32
        %shift_right_arithmetic3A_2436 = vector.broadcast %shift_right_arithmetic3A_2435 : i32 to vector<16xi32>
        %shift_right_arithmetic3A_2437 = arith.shrsi %get3A_2430, %shift_right_arithmetic3A_2436 : vector<16xi32>
        %shift_left3A_2438 = arith.constant 3 : i32
        %shift_left3A_2439 = vector.broadcast %shift_left3A_2438 : i32 to vector<16xi32>
        %shift_left3A_2440 = arith.shli %shift_right_arithmetic3A_2437, %shift_left3A_2439 : vector<16xi32>
        %shift_right_arithmetic3A_2441 = arith.constant 3 : i32
        %shift_right_arithmetic3A_2442 = vector.broadcast %shift_right_arithmetic3A_2441 : i32 to vector<16xi32>
        %shift_right_arithmetic3A_2443 = arith.shrsi %get3A_2434, %shift_right_arithmetic3A_2442 : vector<16xi32>
        %shift_left3A_2444 = arith.constant 3 : i32
        %shift_left3A_2445 = vector.broadcast %shift_left3A_2444 : i32 to vector<16xi32>
        %shift_left3A_2446 = arith.shli %shift_right_arithmetic3A_2443, %shift_left3A_2445 : vector<16xi32>
        %slice3A_2447 = vector.extract_strided_slice %shift_left3A_2440 {offsets = [0], sizes = [1], strides = [1]} : vector<16xi32> to vector<1xi32>
        %squeeze3A_2448 = vector.extract %slice3A_2447[0] : i32 from vector<1xi32>
        %multiple_of3A_2449 = tpu.assume_multiple %squeeze3A_2448, 8 : i32
        %slice3A_2450 = vector.extract_strided_slice %shift_left3A_2446 {offsets = [0], sizes = [1], strides = [1]} : vector<16xi32> to vector<1xi32>
        %squeeze3A_2451 = vector.extract %slice3A_2450[0] : i32 from vector<1xi32>
        %multiple_of3A_2452 = tpu.assume_multiple %squeeze3A_2451, 8 : i32
        %dma_start3A_2453 = arith.constant 0 : i32
        %dma_start3A_2454 = arith.constant 0 : i32
        %dma_start3A_2455 = arith.constant 0 : i32
        %dma_start3A_2456 = tpu.memref_slice %arg13[%select_n3A_2426, %dma_start3A_2453, %dma_start3A_2454, %dma_start3A_2455] : memref<6x8x8x64xf32, #tpu.memory_space<vmem>> -> memref<1x1x8x64xf32, #tpu.memory_space<vmem>>
        %dma_start3A_2457 = tpu.memref_squeeze %dma_start3A_2456 : memref<1x1x8x64xf32, #tpu.memory_space<vmem>> -> memref<8x64xf32, #tpu.memory_space<vmem>>
        %dma_start3A_2458 = arith.constant 0 : i32
        %dma_start3A_2459 = tpu.memref_slice %arg4[%multiple_of3A_2449, %dma_start3A_2458] : memref<1000000x64xf32, #tpu.memory_space<hbm>> -> memref<8x64xf32, #tpu.memory_space<hbm>>
        %dma_start3A_2460 = tpu.memref_slice %arg20[%select_n3A_2426] : memref<6x!tpu.dma_semaphore, #tpu.memory_space<semaphore_mem>> -> memref<1x!tpu.dma_semaphore, #tpu.memory_space<semaphore_mem>>
        %dma_start3A_2461 = tpu.memref_squeeze %dma_start3A_2460 : memref<1x!tpu.dma_semaphore, #tpu.memory_space<semaphore_mem>> -> memref<!tpu.dma_semaphore, #tpu.memory_space<semaphore_mem>>
        %dma_start3A_2462 = arith.constant 0 : i32
        %dma_start3A_2463 = arith.constant 0 : i32
        %dma_start3A_2464 = tpu.memref_slice %arg13[%select_n3A_2426, %dma_start3A_2453, %dma_start3A_2462, %dma_start3A_2463] : memref<6x8x8x64xf32, #tpu.memory_space<vmem>> -> memref<1x1x8x64xf32, #tpu.memory_space<vmem>>
        %dma_start3A_2465 = tpu.memref_squeeze %dma_start3A_2464 : memref<1x1x8x64xf32, #tpu.memory_space<vmem>> -> memref<8x64xf32, #tpu.memory_space<vmem>>
        %dma_start3A_2466 = arith.constant 0 : i32
        %dma_start3A_2467 = tpu.memref_slice %arg4[%multiple_of3A_2449, %dma_start3A_2466] : memref<1000000x64xf32, #tpu.memory_space<hbm>> -> memref<8x64xf32, #tpu.memory_space<hbm>>
        tpu.enqueue_dma source(%dma_start3A_2467 : memref<8x64xf32, #tpu.memory_space<hbm>>) target(%dma_start3A_2465 : memref<8x64xf32, #tpu.memory_space<vmem>>) target_semaphore(%dma_start3A_2461 : memref<!tpu.dma_semaphore, #tpu.memory_space<semaphore_mem>>)
        %dma_start3A_2468 = arith.constant 0 : i32
        %dma_start3A_2469 = arith.constant 0 : i32
        %dma_start3A_2470 = arith.constant 0 : i32
        %dma_start3A_2471 = tpu.memref_slice %arg14[%select_n3A_2426, %dma_start3A_2468, %dma_start3A_2469, %dma_start3A_2470] : memref<6x8x8x64xf32, #tpu.memory_space<vmem>> -> memref<1x1x8x64xf32, #tpu.memory_space<vmem>>
        %dma_start3A_2472 = tpu.memref_squeeze %dma_start3A_2471 : memref<1x1x8x64xf32, #tpu.memory_space<vmem>> -> memref<8x64xf32, #tpu.memory_space<vmem>>
        %dma_start3A_2473 = arith.constant 0 : i32
        %dma_start3A_2474 = tpu.memref_slice %arg5[%multiple_of3A_2452, %dma_start3A_2473] : memref<100000x64xf32, #tpu.memory_space<hbm>> -> memref<8x64xf32, #tpu.memory_space<hbm>>
        %dma_start3A_2475 = tpu.memref_slice %arg20[%select_n3A_2426] : memref<6x!tpu.dma_semaphore, #tpu.memory_space<semaphore_mem>> -> memref<1x!tpu.dma_semaphore, #tpu.memory_space<semaphore_mem>>
        %dma_start3A_2476 = tpu.memref_squeeze %dma_start3A_2475 : memref<1x!tpu.dma_semaphore, #tpu.memory_space<semaphore_mem>> -> memref<!tpu.dma_semaphore, #tpu.memory_space<semaphore_mem>>
        %dma_start3A_2477 = arith.constant 0 : i32
        %dma_start3A_2478 = arith.constant 0 : i32
        %dma_start3A_2479 = tpu.memref_slice %arg14[%select_n3A_2426, %dma_start3A_2468, %dma_start3A_2477, %dma_start3A_2478] : memref<6x8x8x64xf32, #tpu.memory_space<vmem>> -> memref<1x1x8x64xf32, #tpu.memory_space<vmem>>
        %dma_start3A_2480 = tpu.memref_squeeze %dma_start3A_2479 : memref<1x1x8x64xf32, #tpu.memory_space<vmem>> -> memref<8x64xf32, #tpu.memory_space<vmem>>
        %dma_start3A_2481 = arith.constant 0 : i32
        %dma_start3A_2482 = tpu.memref_slice %arg5[%multiple_of3A_2452, %dma_start3A_2481] : memref<100000x64xf32, #tpu.memory_space<hbm>> -> memref<8x64xf32, #tpu.memory_space<hbm>>
        tpu.enqueue_dma source(%dma_start3A_2482 : memref<8x64xf32, #tpu.memory_space<hbm>>) target(%dma_start3A_2480 : memref<8x64xf32, #tpu.memory_space<vmem>>) target_semaphore(%dma_start3A_2476 : memref<!tpu.dma_semaphore, #tpu.memory_space<semaphore_mem>>)
        %slice3A_2483 = vector.extract_strided_slice %shift_left3A_2440 {offsets = [1], sizes = [1], strides = [1]} : vector<16xi32> to vector<1xi32>
        %squeeze3A_2484 = vector.extract %slice3A_2483[0] : i32 from vector<1xi32>
        %multiple_of3A_2485 = tpu.assume_multiple %squeeze3A_2484, 8 : i32
        %slice3A_2486 = vector.extract_strided_slice %shift_left3A_2446 {offsets = [1], sizes = [1], strides = [1]} : vector<16xi32> to vector<1xi32>
        %squeeze3A_2487 = vector.extract %slice3A_2486[0] : i32 from vector<1xi32>
        %multiple_of3A_2488 = tpu.assume_multiple %squeeze3A_2487, 8 : i32
        %dma_start3A_2489 = arith.constant 1 : i32
        %dma_start3A_2490 = arith.constant 0 : i32
        %dma_start3A_2491 = arith.constant 0 : i32
        %dma_start3A_2492 = tpu.memref_slice %arg13[%select_n3A_2426, %dma_start3A_2489, %dma_start3A_2490, %dma_start3A_2491] : memref<6x8x8x64xf32, #tpu.memory_space<vmem>> -> memref<1x1x8x64xf32, #tpu.memory_space<vmem>>
        %dma_start3A_2493 = tpu.memref_squeeze %dma_start3A_2492 : memref<1x1x8x64xf32, #tpu.memory_space<vmem>> -> memref<8x64xf32, #tpu.memory_space<vmem>>
        %dma_start3A_2494 = arith.constant 0 : i32
        %dma_start3A_2495 = tpu.memref_slice %arg4[%multiple_of3A_2485, %dma_start3A_2494] : memref<1000000x64xf32, #tpu.memory_space<hbm>> -> memref<8x64xf32, #tpu.memory_space<hbm>>
        %dma_start3A_2496 = tpu.memref_slice %arg20[%select_n3A_2426] : memref<6x!tpu.dma_semaphore, #tpu.memory_space<semaphore_mem>> -> memref<1x!tpu.dma_semaphore, #tpu.memory_space<semaphore_mem>>
        %dma_start3A_2497 = tpu.memref_squeeze %dma_start3A_2496 : memref<1x!tpu.dma_semaphore, #tpu.memory_space<semaphore_mem>> -> memref<!tpu.dma_semaphore, #tpu.memory_space<semaphore_mem>>
        %dma_start3A_2498 = arith.constant 0 : i32
        %dma_start3A_2499 = arith.constant 0 : i32
        %dma_start3A_2500 = tpu.memref_slice %arg13[%select_n3A_2426, %dma_start3A_2489, %dma_start3A_2498, %dma_start3A_2499] : memref<6x8x8x64xf32, #tpu.memory_space<vmem>> -> memref<1x1x8x64xf32, #tpu.memory_space<vmem>>
        %dma_start3A_2501 = tpu.memref_squeeze %dma_start3A_2500 : memref<1x1x8x64xf32, #tpu.memory_space<vmem>> -> memref<8x64xf32, #tpu.memory_space<vmem>>
        %dma_start3A_2502 = arith.constant 0 : i32
        %dma_start3A_2503 = tpu.memref_slice %arg4[%multiple_of3A_2485, %dma_start3A_2502] : memref<1000000x64xf32, #tpu.memory_space<hbm>> -> memref<8x64xf32, #tpu.memory_space<hbm>>
        tpu.enqueue_dma source(%dma_start3A_2503 : memref<8x64xf32, #tpu.memory_space<hbm>>) target(%dma_start3A_2501 : memref<8x64xf32, #tpu.memory_space<vmem>>) target_semaphore(%dma_start3A_2497 : memref<!tpu.dma_semaphore, #tpu.memory_space<semaphore_mem>>)
        %dma_start3A_2504 = arith.constant 1 : i32
        %dma_start3A_2505 = arith.constant 0 : i32
        %dma_start3A_2506 = arith.constant 0 : i32
        %dma_start3A_2507 = tpu.memref_slice %arg14[%select_n3A_2426, %dma_start3A_2504, %dma_start3A_2505, %dma_start3A_2506] : memref<6x8x8x64xf32, #tpu.memory_space<vmem>> -> memref<1x1x8x64xf32, #tpu.memory_space<vmem>>
        %dma_start3A_2508 = tpu.memref_squeeze %dma_start3A_2507 : memref<1x1x8x64xf32, #tpu.memory_space<vmem>> -> memref<8x64xf32, #tpu.memory_space<vmem>>
        %dma_start3A_2509 = arith.constant 0 : i32
        %dma_start3A_2510 = tpu.memref_slice %arg5[%multiple_of3A_2488, %dma_start3A_2509] : memref<100000x64xf32, #tpu.memory_space<hbm>> -> memref<8x64xf32, #tpu.memory_space<hbm>>
        %dma_start3A_2511 = tpu.memref_slice %arg20[%select_n3A_2426] : memref<6x!tpu.dma_semaphore, #tpu.memory_space<semaphore_mem>> -> memref<1x!tpu.dma_semaphore, #tpu.memory_space<semaphore_mem>>
        %dma_start3A_2512 = tpu.memref_squeeze %dma_start3A_2511 : memref<1x!tpu.dma_semaphore, #tpu.memory_space<semaphore_mem>> -> memref<!tpu.dma_semaphore, #tpu.memory_space<semaphore_mem>>
        %dma_start3A_2513 = arith.constant 0 : i32
        %dma_start3A_2514 = arith.constant 0 : i32
        %dma_start3A_2515 = tpu.memref_slice %arg14[%select_n3A_2426, %dma_start3A_2504, %dma_start3A_2513, %dma_start3A_2514] : memref<6x8x8x64xf32, #tpu.memory_space<vmem>> -> memref<1x1x8x64xf32, #tpu.memory_space<vmem>>
        %dma_start3A_2516 = tpu.memref_squeeze %dma_start3A_2515 : memref<1x1x8x64xf32, #tpu.memory_space<vmem>> -> memref<8x64xf32, #tpu.memory_space<vmem>>
        %dma_start3A_2517 = arith.constant 0 : i32
        %dma_start3A_2518 = tpu.memref_slice %arg5[%multiple_of3A_2488, %dma_start3A_2517] : memref<100000x64xf32, #tpu.memory_space<hbm>> -> memref<8x64xf32, #tpu.memory_space<hbm>>
        tpu.enqueue_dma source(%dma_start3A_2518 : memref<8x64xf32, #tpu.memory_space<hbm>>) target(%dma_start3A_2516 : memref<8x64xf32, #tpu.memory_space<vmem>>) target_semaphore(%dma_start3A_2512 : memref<!tpu.dma_semaphore, #tpu.memory_space<semaphore_mem>>)
        %slice3A_2519 = vector.extract_strided_slice %shift_left3A_2440 {offsets = [2], sizes = [1], strides = [1]} : vector<16xi32> to vector<1xi32>
        %squeeze3A_2520 = vector.extract %slice3A_2519[0] : i32 from vector<1xi32>
        %multiple_of3A_2521 = tpu.assume_multiple %squeeze3A_2520, 8 : i32
        %slice3A_2522 = vector.extract_strided_slice %shift_left3A_2446 {offsets = [2], sizes = [1], strides = [1]} : vector<16xi32> to vector<1xi32>
        %squeeze3A_2523 = vector.extract %slice3A_2522[0] : i32 from vector<1xi32>
        %multiple_of3A_2524 = tpu.assume_multiple %squeeze3A_2523, 8 : i32
        %dma_start3A_2525 = arith.constant 2 : i32
        %dma_start3A_2526 = arith.constant 0 : i32
        %dma_start3A_2527 = arith.constant 0 : i32
        %dma_start3A_2528 = tpu.memref_slice %arg13[%select_n3A_2426, %dma_start3A_2525, %dma_start3A_2526, %dma_start3A_2527] : memref<6x8x8x64xf32, #tpu.memory_space<vmem>> -> memref<1x1x8x64xf32, #tpu.memory_space<vmem>>
        %dma_start3A_2529 = tpu.memref_squeeze %dma_start3A_2528 : memref<1x1x8x64xf32, #tpu.memory_space<vmem>> -> memref<8x64xf32, #tpu.memory_space<vmem>>
        %dma_start3A_2530 = arith.constant 0 : i32
        %dma_start3A_2531 = tpu.memref_slice %arg4[%multiple_of3A_2521, %dma_start3A_2530] : memref<1000000x64xf32, #tpu.memory_space<hbm>> -> memref<8x64xf32, #tpu.memory_space<hbm>>
        %dma_start3A_2532 = tpu.memref_slice %arg20[%select_n3A_2426] : memref<6x!tpu.dma_semaphore, #tpu.memory_space<semaphore_mem>> -> memref<1x!tpu.dma_semaphore, #tpu.memory_space<semaphore_mem>>
        %dma_start3A_2533 = tpu.memref_squeeze %dma_start3A_2532 : memref<1x!tpu.dma_semaphore, #tpu.memory_space<semaphore_mem>> -> memref<!tpu.dma_semaphore, #tpu.memory_space<semaphore_mem>>
        %dma_start3A_2534 = arith.constant 0 : i32
        %dma_start3A_2535 = arith.constant 0 : i32
        %dma_start3A_2536 = tpu.memref_slice %arg13[%select_n3A_2426, %dma_start3A_2525, %dma_start3A_2534, %dma_start3A_2535] : memref<6x8x8x64xf32, #tpu.memory_space<vmem>> -> memref<1x1x8x64xf32, #tpu.memory_space<vmem>>
        %dma_start3A_2537 = tpu.memref_squeeze %dma_start3A_2536 : memref<1x1x8x64xf32, #tpu.memory_space<vmem>> -> memref<8x64xf32, #tpu.memory_space<vmem>>
        %dma_start3A_2538 = arith.constant 0 : i32
        %dma_start3A_2539 = tpu.memref_slice %arg4[%multiple_of3A_2521, %dma_start3A_2538] : memref<1000000x64xf32, #tpu.memory_space<hbm>> -> memref<8x64xf32, #tpu.memory_space<hbm>>
        tpu.enqueue_dma source(%dma_start3A_2539 : memref<8x64xf32, #tpu.memory_space<hbm>>) target(%dma_start3A_2537 : memref<8x64xf32, #tpu.memory_space<vmem>>) target_semaphore(%dma_start3A_2533 : memref<!tpu.dma_semaphore, #tpu.memory_space<semaphore_mem>>)
        %dma_start3A_2540 = arith.constant 2 : i32
        %dma_start3A_2541 = arith.constant 0 : i32
        %dma_start3A_2542 = arith.constant 0 : i32
        %dma_start3A_2543 = tpu.memref_slice %arg14[%select_n3A_2426, %dma_start3A_2540, %dma_start3A_2541, %dma_start3A_2542] : memref<6x8x8x64xf32, #tpu.memory_space<vmem>> -> memref<1x1x8x64xf32, #tpu.memory_space<vmem>>
        %dma_start3A_2544 = tpu.memref_squeeze %dma_start3A_2543 : memref<1x1x8x64xf32, #tpu.memory_space<vmem>> -> memref<8x64xf32, #tpu.memory_space<vmem>>
        %dma_start3A_2545 = arith.constant 0 : i32
        %dma_start3A_2546 = tpu.memref_slice %arg5[%multiple_of3A_2524, %dma_start3A_2545] : memref<100000x64xf32, #tpu.memory_space<hbm>> -> memref<8x64xf32, #tpu.memory_space<hbm>>
        %dma_start3A_2547 = tpu.memref_slice %arg20[%select_n3A_2426] : memref<6x!tpu.dma_semaphore, #tpu.memory_space<semaphore_mem>> -> memref<1x!tpu.dma_semaphore, #tpu.memory_space<semaphore_mem>>
        %dma_start3A_2548 = tpu.memref_squeeze %dma_start3A_2547 : memref<1x!tpu.dma_semaphore, #tpu.memory_space<semaphore_mem>> -> memref<!tpu.dma_semaphore, #tpu.memory_space<semaphore_mem>>
        %dma_start3A_2549 = arith.constant 0 : i32
        %dma_start3A_2550 = arith.constant 0 : i32
        %dma_start3A_2551 = tpu.memref_slice %arg14[%select_n3A_2426, %dma_start3A_2540, %dma_start3A_2549, %dma_start3A_2550] : memref<6x8x8x64xf32, #tpu.memory_space<vmem>> -> memref<1x1x8x64xf32, #tpu.memory_space<vmem>>
        %dma_start3A_2552 = tpu.memref_squeeze %dma_start3A_2551 : memref<1x1x8x64xf32, #tpu.memory_space<vmem>> -> memref<8x64xf32, #tpu.memory_space<vmem>>
        %dma_start3A_2553 = arith.constant 0 : i32
        %dma_start3A_2554 = tpu.memref_slice %arg5[%multiple_of3A_2524, %dma_start3A_2553] : memref<100000x64xf32, #tpu.memory_space<hbm>> -> memref<8x64xf32, #tpu.memory_space<hbm>>
        tpu.enqueue_dma source(%dma_start3A_2554 : memref<8x64xf32, #tpu.memory_space<hbm>>) target(%dma_start3A_2552 : memref<8x64xf32, #tpu.memory_space<vmem>>) target_semaphore(%dma_start3A_2548 : memref<!tpu.dma_semaphore, #tpu.memory_space<semaphore_mem>>)
        %slice3A_2555 = vector.extract_strided_slice %shift_left3A_2440 {offsets = [3], sizes = [1], strides = [1]} : vector<16xi32> to vector<1xi32>
        %squeeze3A_2556 = vector.extract %slice3A_2555[0] : i32 from vector<1xi32>
        %multiple_of3A_2557 = tpu.assume_multiple %squeeze3A_2556, 8 : i32
        %slice3A_2558 = vector.extract_strided_slice %shift_left3A_2446 {offsets = [3], sizes = [1], strides = [1]} : vector<16xi32> to vector<1xi32>
        %squeeze3A_2559 = vector.extract %slice3A_2558[0] : i32 from vector<1xi32>
        %multiple_of3A_2560 = tpu.assume_multiple %squeeze3A_2559, 8 : i32
        %dma_start3A_2561 = arith.constant 3 : i32
        %dma_start3A_2562 = arith.constant 0 : i32
        %dma_start3A_2563 = arith.constant 0 : i32
        %dma_start3A_2564 = tpu.memref_slice %arg13[%select_n3A_2426, %dma_start3A_2561, %dma_start3A_2562, %dma_start3A_2563] : memref<6x8x8x64xf32, #tpu.memory_space<vmem>> -> memref<1x1x8x64xf32, #tpu.memory_space<vmem>>
        %dma_start3A_2565 = tpu.memref_squeeze %dma_start3A_2564 : memref<1x1x8x64xf32, #tpu.memory_space<vmem>> -> memref<8x64xf32, #tpu.memory_space<vmem>>
        %dma_start3A_2566 = arith.constant 0 : i32
        %dma_start3A_2567 = tpu.memref_slice %arg4[%multiple_of3A_2557, %dma_start3A_2566] : memref<1000000x64xf32, #tpu.memory_space<hbm>> -> memref<8x64xf32, #tpu.memory_space<hbm>>
        %dma_start3A_2568 = tpu.memref_slice %arg20[%select_n3A_2426] : memref<6x!tpu.dma_semaphore, #tpu.memory_space<semaphore_mem>> -> memref<1x!tpu.dma_semaphore, #tpu.memory_space<semaphore_mem>>
        %dma_start3A_2569 = tpu.memref_squeeze %dma_start3A_2568 : memref<1x!tpu.dma_semaphore, #tpu.memory_space<semaphore_mem>> -> memref<!tpu.dma_semaphore, #tpu.memory_space<semaphore_mem>>
        %dma_start3A_2570 = arith.constant 0 : i32
        %dma_start3A_2571 = arith.constant 0 : i32
        %dma_start3A_2572 = tpu.memref_slice %arg13[%select_n3A_2426, %dma_start3A_2561, %dma_start3A_2570, %dma_start3A_2571] : memref<6x8x8x64xf32, #tpu.memory_space<vmem>> -> memref<1x1x8x64xf32, #tpu.memory_space<vmem>>
        %dma_start3A_2573 = tpu.memref_squeeze %dma_start3A_2572 : memref<1x1x8x64xf32, #tpu.memory_space<vmem>> -> memref<8x64xf32, #tpu.memory_space<vmem>>
        %dma_start3A_2574 = arith.constant 0 : i32
        %dma_start3A_2575 = tpu.memref_slice %arg4[%multiple_of3A_2557, %dma_start3A_2574] : memref<1000000x64xf32, #tpu.memory_space<hbm>> -> memref<8x64xf32, #tpu.memory_space<hbm>>
        tpu.enqueue_dma source(%dma_start3A_2575 : memref<8x64xf32, #tpu.memory_space<hbm>>) target(%dma_start3A_2573 : memref<8x64xf32, #tpu.memory_space<vmem>>) target_semaphore(%dma_start3A_2569 : memref<!tpu.dma_semaphore, #tpu.memory_space<semaphore_mem>>)
        %dma_start3A_2576 = arith.constant 3 : i32
        %dma_start3A_2577 = arith.constant 0 : i32
        %dma_start3A_2578 = arith.constant 0 : i32
        %dma_start3A_2579 = tpu.memref_slice %arg14[%select_n3A_2426, %dma_start3A_2576, %dma_start3A_2577, %dma_start3A_2578] : memref<6x8x8x64xf32, #tpu.memory_space<vmem>> -> memref<1x1x8x64xf32, #tpu.memory_space<vmem>>
        %dma_start3A_2580 = tpu.memref_squeeze %dma_start3A_2579 : memref<1x1x8x64xf32, #tpu.memory_space<vmem>> -> memref<8x64xf32, #tpu.memory_space<vmem>>
        %dma_start3A_2581 = arith.constant 0 : i32
        %dma_start3A_2582 = tpu.memref_slice %arg5[%multiple_of3A_2560, %dma_start3A_2581] : memref<100000x64xf32, #tpu.memory_space<hbm>> -> memref<8x64xf32, #tpu.memory_space<hbm>>
        %dma_start3A_2583 = tpu.memref_slice %arg20[%select_n3A_2426] : memref<6x!tpu.dma_semaphore, #tpu.memory_space<semaphore_mem>> -> memref<1x!tpu.dma_semaphore, #tpu.memory_space<semaphore_mem>>
        %dma_start3A_2584 = tpu.memref_squeeze %dma_start3A_2583 : memref<1x!tpu.dma_semaphore, #tpu.memory_space<semaphore_mem>> -> memref<!tpu.dma_semaphore, #tpu.memory_space<semaphore_mem>>
        %dma_start3A_2585 = arith.constant 0 : i32
        %dma_start3A_2586 = arith.constant 0 : i32
        %dma_start3A_2587 = tpu.memref_slice %arg14[%select_n3A_2426, %dma_start3A_2576, %dma_start3A_2585, %dma_start3A_2586] : memref<6x8x8x64xf32, #tpu.memory_space<vmem>> -> memref<1x1x8x64xf32, #tpu.memory_space<vmem>>
        %dma_start3A_2588 = tpu.memref_squeeze %dma_start3A_2587 : memref<1x1x8x64xf32, #tpu.memory_space<vmem>> -> memref<8x64xf32, #tpu.memory_space<vmem>>
        %dma_start3A_2589 = arith.constant 0 : i32
        %dma_start3A_2590 = tpu.memref_slice %arg5[%multiple_of3A_2560, %dma_start3A_2589] : memref<100000x64xf32, #tpu.memory_space<hbm>> -> memref<8x64xf32, #tpu.memory_space<hbm>>
        tpu.enqueue_dma source(%dma_start3A_2590 : memref<8x64xf32, #tpu.memory_space<hbm>>) target(%dma_start3A_2588 : memref<8x64xf32, #tpu.memory_space<vmem>>) target_semaphore(%dma_start3A_2584 : memref<!tpu.dma_semaphore, #tpu.memory_space<semaphore_mem>>)
        %slice3A_2591 = vector.extract_strided_slice %shift_left3A_2440 {offsets = [4], sizes = [1], strides = [1]} : vector<16xi32> to vector<1xi32>
        %squeeze3A_2592 = vector.extract %slice3A_2591[0] : i32 from vector<1xi32>
        %multiple_of3A_2593 = tpu.assume_multiple %squeeze3A_2592, 8 : i32
        %slice3A_2594 = vector.extract_strided_slice %shift_left3A_2446 {offsets = [4], sizes = [1], strides = [1]} : vector<16xi32> to vector<1xi32>
        %squeeze3A_2595 = vector.extract %slice3A_2594[0] : i32 from vector<1xi32>
        %multiple_of3A_2596 = tpu.assume_multiple %squeeze3A_2595, 8 : i32
        %dma_start3A_2597 = arith.constant 4 : i32
        %dma_start3A_2598 = arith.constant 0 : i32
        %dma_start3A_2599 = arith.constant 0 : i32
        %dma_start3A_2600 = tpu.memref_slice %arg13[%select_n3A_2426, %dma_start3A_2597, %dma_start3A_2598, %dma_start3A_2599] : memref<6x8x8x64xf32, #tpu.memory_space<vmem>> -> memref<1x1x8x64xf32, #tpu.memory_space<vmem>>
        %dma_start3A_2601 = tpu.memref_squeeze %dma_start3A_2600 : memref<1x1x8x64xf32, #tpu.memory_space<vmem>> -> memref<8x64xf32, #tpu.memory_space<vmem>>
        %dma_start3A_2602 = arith.constant 0 : i32
        %dma_start3A_2603 = tpu.memref_slice %arg4[%multiple_of3A_2593, %dma_start3A_2602] : memref<1000000x64xf32, #tpu.memory_space<hbm>> -> memref<8x64xf32, #tpu.memory_space<hbm>>
        %dma_start3A_2604 = tpu.memref_slice %arg20[%select_n3A_2426] : memref<6x!tpu.dma_semaphore, #tpu.memory_space<semaphore_mem>> -> memref<1x!tpu.dma_semaphore, #tpu.memory_space<semaphore_mem>>
        %dma_start3A_2605 = tpu.memref_squeeze %dma_start3A_2604 : memref<1x!tpu.dma_semaphore, #tpu.memory_space<semaphore_mem>> -> memref<!tpu.dma_semaphore, #tpu.memory_space<semaphore_mem>>
        %dma_start3A_2606 = arith.constant 0 : i32
        %dma_start3A_2607 = arith.constant 0 : i32
        %dma_start3A_2608 = tpu.memref_slice %arg13[%select_n3A_2426, %dma_start3A_2597, %dma_start3A_2606, %dma_start3A_2607] : memref<6x8x8x64xf32, #tpu.memory_space<vmem>> -> memref<1x1x8x64xf32, #tpu.memory_space<vmem>>
        %dma_start3A_2609 = tpu.memref_squeeze %dma_start3A_2608 : memref<1x1x8x64xf32, #tpu.memory_space<vmem>> -> memref<8x64xf32, #tpu.memory_space<vmem>>
        %dma_start3A_2610 = arith.constant 0 : i32
        %dma_start3A_2611 = tpu.memref_slice %arg4[%multiple_of3A_2593, %dma_start3A_2610] : memref<1000000x64xf32, #tpu.memory_space<hbm>> -> memref<8x64xf32, #tpu.memory_space<hbm>>
        tpu.enqueue_dma source(%dma_start3A_2611 : memref<8x64xf32, #tpu.memory_space<hbm>>) target(%dma_start3A_2609 : memref<8x64xf32, #tpu.memory_space<vmem>>) target_semaphore(%dma_start3A_2605 : memref<!tpu.dma_semaphore, #tpu.memory_space<semaphore_mem>>)
        %dma_start3A_2612 = arith.constant 4 : i32
        %dma_start3A_2613 = arith.constant 0 : i32
        %dma_start3A_2614 = arith.constant 0 : i32
        %dma_start3A_2615 = tpu.memref_slice %arg14[%select_n3A_2426, %dma_start3A_2612, %dma_start3A_2613, %dma_start3A_2614] : memref<6x8x8x64xf32, #tpu.memory_space<vmem>> -> memref<1x1x8x64xf32, #tpu.memory_space<vmem>>
        %dma_start3A_2616 = tpu.memref_squeeze %dma_start3A_2615 : memref<1x1x8x64xf32, #tpu.memory_space<vmem>> -> memref<8x64xf32, #tpu.memory_space<vmem>>
        %dma_start3A_2617 = arith.constant 0 : i32
        %dma_start3A_2618 = tpu.memref_slice %arg5[%multiple_of3A_2596, %dma_start3A_2617] : memref<100000x64xf32, #tpu.memory_space<hbm>> -> memref<8x64xf32, #tpu.memory_space<hbm>>
        %dma_start3A_2619 = tpu.memref_slice %arg20[%select_n3A_2426] : memref<6x!tpu.dma_semaphore, #tpu.memory_space<semaphore_mem>> -> memref<1x!tpu.dma_semaphore, #tpu.memory_space<semaphore_mem>>
        %dma_start3A_2620 = tpu.memref_squeeze %dma_start3A_2619 : memref<1x!tpu.dma_semaphore, #tpu.memory_space<semaphore_mem>> -> memref<!tpu.dma_semaphore, #tpu.memory_space<semaphore_mem>>
        %dma_start3A_2621 = arith.constant 0 : i32
        %dma_start3A_2622 = arith.constant 0 : i32
        %dma_start3A_2623 = tpu.memref_slice %arg14[%select_n3A_2426, %dma_start3A_2612, %dma_start3A_2621, %dma_start3A_2622] : memref<6x8x8x64xf32, #tpu.memory_space<vmem>> -> memref<1x1x8x64xf32, #tpu.memory_space<vmem>>
        %dma_start3A_2624 = tpu.memref_squeeze %dma_start3A_2623 : memref<1x1x8x64xf32, #tpu.memory_space<vmem>> -> memref<8x64xf32, #tpu.memory_space<vmem>>
        %dma_start3A_2625 = arith.constant 0 : i32
        %dma_start3A_2626 = tpu.memref_slice %arg5[%multiple_of3A_2596, %dma_start3A_2625] : memref<100000x64xf32, #tpu.memory_space<hbm>> -> memref<8x64xf32, #tpu.memory_space<hbm>>
        tpu.enqueue_dma source(%dma_start3A_2626 : memref<8x64xf32, #tpu.memory_space<hbm>>) target(%dma_start3A_2624 : memref<8x64xf32, #tpu.memory_space<vmem>>) target_semaphore(%dma_start3A_2620 : memref<!tpu.dma_semaphore, #tpu.memory_space<semaphore_mem>>)
        %slice3A_2627 = vector.extract_strided_slice %shift_left3A_2440 {offsets = [5], sizes = [1], strides = [1]} : vector<16xi32> to vector<1xi32>
        %squeeze3A_2628 = vector.extract %slice3A_2627[0] : i32 from vector<1xi32>
        %multiple_of3A_2629 = tpu.assume_multiple %squeeze3A_2628, 8 : i32
        %slice3A_2630 = vector.extract_strided_slice %shift_left3A_2446 {offsets = [5], sizes = [1], strides = [1]} : vector<16xi32> to vector<1xi32>
        %squeeze3A_2631 = vector.extract %slice3A_2630[0] : i32 from vector<1xi32>
        %multiple_of3A_2632 = tpu.assume_multiple %squeeze3A_2631, 8 : i32
        %dma_start3A_2633 = arith.constant 5 : i32
        %dma_start3A_2634 = arith.constant 0 : i32
        %dma_start3A_2635 = arith.constant 0 : i32
        %dma_start3A_2636 = tpu.memref_slice %arg13[%select_n3A_2426, %dma_start3A_2633, %dma_start3A_2634, %dma_start3A_2635] : memref<6x8x8x64xf32, #tpu.memory_space<vmem>> -> memref<1x1x8x64xf32, #tpu.memory_space<vmem>>
        %dma_start3A_2637 = tpu.memref_squeeze %dma_start3A_2636 : memref<1x1x8x64xf32, #tpu.memory_space<vmem>> -> memref<8x64xf32, #tpu.memory_space<vmem>>
        %dma_start3A_2638 = arith.constant 0 : i32
        %dma_start3A_2639 = tpu.memref_slice %arg4[%multiple_of3A_2629, %dma_start3A_2638] : memref<1000000x64xf32, #tpu.memory_space<hbm>> -> memref<8x64xf32, #tpu.memory_space<hbm>>
        %dma_start3A_2640 = tpu.memref_slice %arg20[%select_n3A_2426] : memref<6x!tpu.dma_semaphore, #tpu.memory_space<semaphore_mem>> -> memref<1x!tpu.dma_semaphore, #tpu.memory_space<semaphore_mem>>
        %dma_start3A_2641 = tpu.memref_squeeze %dma_start3A_2640 : memref<1x!tpu.dma_semaphore, #tpu.memory_space<semaphore_mem>> -> memref<!tpu.dma_semaphore, #tpu.memory_space<semaphore_mem>>
        %dma_start3A_2642 = arith.constant 0 : i32
        %dma_start3A_2643 = arith.constant 0 : i32
        %dma_start3A_2644 = tpu.memref_slice %arg13[%select_n3A_2426, %dma_start3A_2633, %dma_start3A_2642, %dma_start3A_2643] : memref<6x8x8x64xf32, #tpu.memory_space<vmem>> -> memref<1x1x8x64xf32, #tpu.memory_space<vmem>>
        %dma_start3A_2645 = tpu.memref_squeeze %dma_start3A_2644 : memref<1x1x8x64xf32, #tpu.memory_space<vmem>> -> memref<8x64xf32, #tpu.memory_space<vmem>>
        %dma_start3A_2646 = arith.constant 0 : i32
        %dma_start3A_2647 = tpu.memref_slice %arg4[%multiple_of3A_2629, %dma_start3A_2646] : memref<1000000x64xf32, #tpu.memory_space<hbm>> -> memref<8x64xf32, #tpu.memory_space<hbm>>
        tpu.enqueue_dma source(%dma_start3A_2647 : memref<8x64xf32, #tpu.memory_space<hbm>>) target(%dma_start3A_2645 : memref<8x64xf32, #tpu.memory_space<vmem>>) target_semaphore(%dma_start3A_2641 : memref<!tpu.dma_semaphore, #tpu.memory_space<semaphore_mem>>)
        %dma_start3A_2648 = arith.constant 5 : i32
        %dma_start3A_2649 = arith.constant 0 : i32
        %dma_start3A_2650 = arith.constant 0 : i32
        %dma_start3A_2651 = tpu.memref_slice %arg14[%select_n3A_2426, %dma_start3A_2648, %dma_start3A_2649, %dma_start3A_2650] : memref<6x8x8x64xf32, #tpu.memory_space<vmem>> -> memref<1x1x8x64xf32, #tpu.memory_space<vmem>>
        %dma_start3A_2652 = tpu.memref_squeeze %dma_start3A_2651 : memref<1x1x8x64xf32, #tpu.memory_space<vmem>> -> memref<8x64xf32, #tpu.memory_space<vmem>>
        %dma_start3A_2653 = arith.constant 0 : i32
        %dma_start3A_2654 = tpu.memref_slice %arg5[%multiple_of3A_2632, %dma_start3A_2653] : memref<100000x64xf32, #tpu.memory_space<hbm>> -> memref<8x64xf32, #tpu.memory_space<hbm>>
        %dma_start3A_2655 = tpu.memref_slice %arg20[%select_n3A_2426] : memref<6x!tpu.dma_semaphore, #tpu.memory_space<semaphore_mem>> -> memref<1x!tpu.dma_semaphore, #tpu.memory_space<semaphore_mem>>
        %dma_start3A_2656 = tpu.memref_squeeze %dma_start3A_2655 : memref<1x!tpu.dma_semaphore, #tpu.memory_space<semaphore_mem>> -> memref<!tpu.dma_semaphore, #tpu.memory_space<semaphore_mem>>
        %dma_start3A_2657 = arith.constant 0 : i32
        %dma_start3A_2658 = arith.constant 0 : i32
        %dma_start3A_2659 = tpu.memref_slice %arg14[%select_n3A_2426, %dma_start3A_2648, %dma_start3A_2657, %dma_start3A_2658] : memref<6x8x8x64xf32, #tpu.memory_space<vmem>> -> memref<1x1x8x64xf32, #tpu.memory_space<vmem>>
        %dma_start3A_2660 = tpu.memref_squeeze %dma_start3A_2659 : memref<1x1x8x64xf32, #tpu.memory_space<vmem>> -> memref<8x64xf32, #tpu.memory_space<vmem>>
        %dma_start3A_2661 = arith.constant 0 : i32
        %dma_start3A_2662 = tpu.memref_slice %arg5[%multiple_of3A_2632, %dma_start3A_2661] : memref<100000x64xf32, #tpu.memory_space<hbm>> -> memref<8x64xf32, #tpu.memory_space<hbm>>
        tpu.enqueue_dma source(%dma_start3A_2662 : memref<8x64xf32, #tpu.memory_space<hbm>>) target(%dma_start3A_2660 : memref<8x64xf32, #tpu.memory_space<vmem>>) target_semaphore(%dma_start3A_2656 : memref<!tpu.dma_semaphore, #tpu.memory_space<semaphore_mem>>)
        %slice3A_2663 = vector.extract_strided_slice %shift_left3A_2440 {offsets = [6], sizes = [1], strides = [1]} : vector<16xi32> to vector<1xi32>
        %squeeze3A_2664 = vector.extract %slice3A_2663[0] : i32 from vector<1xi32>
        %multiple_of3A_2665 = tpu.assume_multiple %squeeze3A_2664, 8 : i32
        %slice3A_2666 = vector.extract_strided_slice %shift_left3A_2446 {offsets = [6], sizes = [1], strides = [1]} : vector<16xi32> to vector<1xi32>
        %squeeze3A_2667 = vector.extract %slice3A_2666[0] : i32 from vector<1xi32>
        %multiple_of3A_2668 = tpu.assume_multiple %squeeze3A_2667, 8 : i32
        %dma_start3A_2669 = arith.constant 6 : i32
        %dma_start3A_2670 = arith.constant 0 : i32
        %dma_start3A_2671 = arith.constant 0 : i32
        %dma_start3A_2672 = tpu.memref_slice %arg13[%select_n3A_2426, %dma_start3A_2669, %dma_start3A_2670, %dma_start3A_2671] : memref<6x8x8x64xf32, #tpu.memory_space<vmem>> -> memref<1x1x8x64xf32, #tpu.memory_space<vmem>>
        %dma_start3A_2673 = tpu.memref_squeeze %dma_start3A_2672 : memref<1x1x8x64xf32, #tpu.memory_space<vmem>> -> memref<8x64xf32, #tpu.memory_space<vmem>>
        %dma_start3A_2674 = arith.constant 0 : i32
        %dma_start3A_2675 = tpu.memref_slice %arg4[%multiple_of3A_2665, %dma_start3A_2674] : memref<1000000x64xf32, #tpu.memory_space<hbm>> -> memref<8x64xf32, #tpu.memory_space<hbm>>
        %dma_start3A_2676 = tpu.memref_slice %arg20[%select_n3A_2426] : memref<6x!tpu.dma_semaphore, #tpu.memory_space<semaphore_mem>> -> memref<1x!tpu.dma_semaphore, #tpu.memory_space<semaphore_mem>>
        %dma_start3A_2677 = tpu.memref_squeeze %dma_start3A_2676 : memref<1x!tpu.dma_semaphore, #tpu.memory_space<semaphore_mem>> -> memref<!tpu.dma_semaphore, #tpu.memory_space<semaphore_mem>>
        %dma_start3A_2678 = arith.constant 0 : i32
        %dma_start3A_2679 = arith.constant 0 : i32
        %dma_start3A_2680 = tpu.memref_slice %arg13[%select_n3A_2426, %dma_start3A_2669, %dma_start3A_2678, %dma_start3A_2679] : memref<6x8x8x64xf32, #tpu.memory_space<vmem>> -> memref<1x1x8x64xf32, #tpu.memory_space<vmem>>
        %dma_start3A_2681 = tpu.memref_squeeze %dma_start3A_2680 : memref<1x1x8x64xf32, #tpu.memory_space<vmem>> -> memref<8x64xf32, #tpu.memory_space<vmem>>
        %dma_start3A_2682 = arith.constant 0 : i32
        %dma_start3A_2683 = tpu.memref_slice %arg4[%multiple_of3A_2665, %dma_start3A_2682] : memref<1000000x64xf32, #tpu.memory_space<hbm>> -> memref<8x64xf32, #tpu.memory_space<hbm>>
        tpu.enqueue_dma source(%dma_start3A_2683 : memref<8x64xf32, #tpu.memory_space<hbm>>) target(%dma_start3A_2681 : memref<8x64xf32, #tpu.memory_space<vmem>>) target_semaphore(%dma_start3A_2677 : memref<!tpu.dma_semaphore, #tpu.memory_space<semaphore_mem>>)
        %dma_start3A_2684 = arith.constant 6 : i32
        %dma_start3A_2685 = arith.constant 0 : i32
        %dma_start3A_2686 = arith.constant 0 : i32
        %dma_start3A_2687 = tpu.memref_slice %arg14[%select_n3A_2426, %dma_start3A_2684, %dma_start3A_2685, %dma_start3A_2686] : memref<6x8x8x64xf32, #tpu.memory_space<vmem>> -> memref<1x1x8x64xf32, #tpu.memory_space<vmem>>
        %dma_start3A_2688 = tpu.memref_squeeze %dma_start3A_2687 : memref<1x1x8x64xf32, #tpu.memory_space<vmem>> -> memref<8x64xf32, #tpu.memory_space<vmem>>
        %dma_start3A_2689 = arith.constant 0 : i32
        %dma_start3A_2690 = tpu.memref_slice %arg5[%multiple_of3A_2668, %dma_start3A_2689] : memref<100000x64xf32, #tpu.memory_space<hbm>> -> memref<8x64xf32, #tpu.memory_space<hbm>>
        %dma_start3A_2691 = tpu.memref_slice %arg20[%select_n3A_2426] : memref<6x!tpu.dma_semaphore, #tpu.memory_space<semaphore_mem>> -> memref<1x!tpu.dma_semaphore, #tpu.memory_space<semaphore_mem>>
        %dma_start3A_2692 = tpu.memref_squeeze %dma_start3A_2691 : memref<1x!tpu.dma_semaphore, #tpu.memory_space<semaphore_mem>> -> memref<!tpu.dma_semaphore, #tpu.memory_space<semaphore_mem>>
        %dma_start3A_2693 = arith.constant 0 : i32
        %dma_start3A_2694 = arith.constant 0 : i32
        %dma_start3A_2695 = tpu.memref_slice %arg14[%select_n3A_2426, %dma_start3A_2684, %dma_start3A_2693, %dma_start3A_2694] : memref<6x8x8x64xf32, #tpu.memory_space<vmem>> -> memref<1x1x8x64xf32, #tpu.memory_space<vmem>>
        %dma_start3A_2696 = tpu.memref_squeeze %dma_start3A_2695 : memref<1x1x8x64xf32, #tpu.memory_space<vmem>> -> memref<8x64xf32, #tpu.memory_space<vmem>>
        %dma_start3A_2697 = arith.constant 0 : i32
        %dma_start3A_2698 = tpu.memref_slice %arg5[%multiple_of3A_2668, %dma_start3A_2697] : memref<100000x64xf32, #tpu.memory_space<hbm>> -> memref<8x64xf32, #tpu.memory_space<hbm>>
        tpu.enqueue_dma source(%dma_start3A_2698 : memref<8x64xf32, #tpu.memory_space<hbm>>) target(%dma_start3A_2696 : memref<8x64xf32, #tpu.memory_space<vmem>>) target_semaphore(%dma_start3A_2692 : memref<!tpu.dma_semaphore, #tpu.memory_space<semaphore_mem>>)
        %slice3A_2699 = vector.extract_strided_slice %shift_left3A_2440 {offsets = [7], sizes = [1], strides = [1]} : vector<16xi32> to vector<1xi32>
        %squeeze3A_2700 = vector.extract %slice3A_2699[0] : i32 from vector<1xi32>
        %multiple_of3A_2701 = tpu.assume_multiple %squeeze3A_2700, 8 : i32
        %slice3A_2702 = vector.extract_strided_slice %shift_left3A_2446 {offsets = [7], sizes = [1], strides = [1]} : vector<16xi32> to vector<1xi32>
        %squeeze3A_2703 = vector.extract %slice3A_2702[0] : i32 from vector<1xi32>
        %multiple_of3A_2704 = tpu.assume_multiple %squeeze3A_2703, 8 : i32
        %dma_start3A_2705 = arith.constant 7 : i32
        %dma_start3A_2706 = arith.constant 0 : i32
        %dma_start3A_2707 = arith.constant 0 : i32
        %dma_start3A_2708 = tpu.memref_slice %arg13[%select_n3A_2426, %dma_start3A_2705, %dma_start3A_2706, %dma_start3A_2707] : memref<6x8x8x64xf32, #tpu.memory_space<vmem>> -> memref<1x1x8x64xf32, #tpu.memory_space<vmem>>
        %dma_start3A_2709 = tpu.memref_squeeze %dma_start3A_2708 : memref<1x1x8x64xf32, #tpu.memory_space<vmem>> -> memref<8x64xf32, #tpu.memory_space<vmem>>
        %dma_start3A_2710 = arith.constant 0 : i32
        %dma_start3A_2711 = tpu.memref_slice %arg4[%multiple_of3A_2701, %dma_start3A_2710] : memref<1000000x64xf32, #tpu.memory_space<hbm>> -> memref<8x64xf32, #tpu.memory_space<hbm>>
        %dma_start3A_2712 = tpu.memref_slice %arg20[%select_n3A_2426] : memref<6x!tpu.dma_semaphore, #tpu.memory_space<semaphore_mem>> -> memref<1x!tpu.dma_semaphore, #tpu.memory_space<semaphore_mem>>
        %dma_start3A_2713 = tpu.memref_squeeze %dma_start3A_2712 : memref<1x!tpu.dma_semaphore, #tpu.memory_space<semaphore_mem>> -> memref<!tpu.dma_semaphore, #tpu.memory_space<semaphore_mem>>
        %dma_start3A_2714 = arith.constant 0 : i32
        %dma_start3A_2715 = arith.constant 0 : i32
        %dma_start3A_2716 = tpu.memref_slice %arg13[%select_n3A_2426, %dma_start3A_2705, %dma_start3A_2714, %dma_start3A_2715] : memref<6x8x8x64xf32, #tpu.memory_space<vmem>> -> memref<1x1x8x64xf32, #tpu.memory_space<vmem>>
        %dma_start3A_2717 = tpu.memref_squeeze %dma_start3A_2716 : memref<1x1x8x64xf32, #tpu.memory_space<vmem>> -> memref<8x64xf32, #tpu.memory_space<vmem>>
        %dma_start3A_2718 = arith.constant 0 : i32
        %dma_start3A_2719 = tpu.memref_slice %arg4[%multiple_of3A_2701, %dma_start3A_2718] : memref<1000000x64xf32, #tpu.memory_space<hbm>> -> memref<8x64xf32, #tpu.memory_space<hbm>>
        tpu.enqueue_dma source(%dma_start3A_2719 : memref<8x64xf32, #tpu.memory_space<hbm>>) target(%dma_start3A_2717 : memref<8x64xf32, #tpu.memory_space<vmem>>) target_semaphore(%dma_start3A_2713 : memref<!tpu.dma_semaphore, #tpu.memory_space<semaphore_mem>>)
        %dma_start3A_2720 = arith.constant 7 : i32
        %dma_start3A_2721 = arith.constant 0 : i32
        %dma_start3A_2722 = arith.constant 0 : i32
        %dma_start3A_2723 = tpu.memref_slice %arg14[%select_n3A_2426, %dma_start3A_2720, %dma_start3A_2721, %dma_start3A_2722] : memref<6x8x8x64xf32, #tpu.memory_space<vmem>> -> memref<1x1x8x64xf32, #tpu.memory_space<vmem>>
        %dma_start3A_2724 = tpu.memref_squeeze %dma_start3A_2723 : memref<1x1x8x64xf32, #tpu.memory_space<vmem>> -> memref<8x64xf32, #tpu.memory_space<vmem>>
        %dma_start3A_2725 = arith.constant 0 : i32
        %dma_start3A_2726 = tpu.memref_slice %arg5[%multiple_of3A_2704, %dma_start3A_2725] : memref<100000x64xf32, #tpu.memory_space<hbm>> -> memref<8x64xf32, #tpu.memory_space<hbm>>
        %dma_start3A_2727 = tpu.memref_slice %arg20[%select_n3A_2426] : memref<6x!tpu.dma_semaphore, #tpu.memory_space<semaphore_mem>> -> memref<1x!tpu.dma_semaphore, #tpu.memory_space<semaphore_mem>>
        %dma_start3A_2728 = tpu.memref_squeeze %dma_start3A_2727 : memref<1x!tpu.dma_semaphore, #tpu.memory_space<semaphore_mem>> -> memref<!tpu.dma_semaphore, #tpu.memory_space<semaphore_mem>>
        %dma_start3A_2729 = arith.constant 0 : i32
        %dma_start3A_2730 = arith.constant 0 : i32
        %dma_start3A_2731 = tpu.memref_slice %arg14[%select_n3A_2426, %dma_start3A_2720, %dma_start3A_2729, %dma_start3A_2730] : memref<6x8x8x64xf32, #tpu.memory_space<vmem>> -> memref<1x1x8x64xf32, #tpu.memory_space<vmem>>
        %dma_start3A_2732 = tpu.memref_squeeze %dma_start3A_2731 : memref<1x1x8x64xf32, #tpu.memory_space<vmem>> -> memref<8x64xf32, #tpu.memory_space<vmem>>
        %dma_start3A_2733 = arith.constant 0 : i32
        %dma_start3A_2734 = tpu.memref_slice %arg5[%multiple_of3A_2704, %dma_start3A_2733] : memref<100000x64xf32, #tpu.memory_space<hbm>> -> memref<8x64xf32, #tpu.memory_space<hbm>>
        tpu.enqueue_dma source(%dma_start3A_2734 : memref<8x64xf32, #tpu.memory_space<hbm>>) target(%dma_start3A_2732 : memref<8x64xf32, #tpu.memory_space<vmem>>) target_semaphore(%dma_start3A_2728 : memref<!tpu.dma_semaphore, #tpu.memory_space<semaphore_mem>>)
      } else {
      }
      %jit3A = arith.constant 6 : i32
      %eq3A = arith.constant 0 : i32
      %eq3A_1792 = arith.cmpi eq, %jit3A, %eq3A : i32
      %jit3A_1793 = arith.constant 1 : i32
      %select_n3A = arith.select %eq3A_1792, %jit3A_1793, %jit3A : i32
      %rem3A = arith.remsi %add3A_1786, %select_n3A : i32
      %ne3A = arith.constant 0 : i32
      %ne3A_1794 = arith.cmpi ne, %rem3A, %ne3A : i32
      %lt3A_1795 = arith.constant 0 : i32
      %lt3A_1796 = arith.cmpi slt, %rem3A, %lt3A_1795 : i32
      %lt3A_1797 = arith.constant 0 : i32
      %lt3A_1798 = arith.cmpi slt, %select_n3A, %lt3A_1797 : i32
      %ne3A_1799 = arith.xori %lt3A_1796, %lt3A_1798 : i1
      %and3A = arith.andi %ne3A_1799, %ne3A_1794 : i1
      %add3A_1800 = arith.addi %rem3A, %select_n3A : i32
      %select_n3A_1801 = arith.select %and3A, %add3A_1800, %rem3A : i32
      %dma_wait3A_1802 = arith.constant 0 : i32
      %dma_wait3A_1803 = arith.constant 0 : i32
      %dma_wait3A_1804 = arith.constant 0 : i32
      %dma_wait3A_1805 = tpu.memref_slice %arg13[%select_n3A_1801, %dma_wait3A_1802, %dma_wait3A_1803, %dma_wait3A_1804] : memref<6x8x8x64xf32, #tpu.memory_space<vmem>> -> memref<1x8x8x64xf32, #tpu.memory_space<vmem>>
      %dma_wait3A_1806 = tpu.memref_squeeze %dma_wait3A_1805 : memref<1x8x8x64xf32, #tpu.memory_space<vmem>> -> memref<8x8x64xf32, #tpu.memory_space<vmem>>
      %dma_wait3A_1807 = tpu.memref_slice %arg20[%select_n3A_1801] : memref<6x!tpu.dma_semaphore, #tpu.memory_space<semaphore_mem>> -> memref<1x!tpu.dma_semaphore, #tpu.memory_space<semaphore_mem>>
      %dma_wait3A_1808 = tpu.memref_squeeze %dma_wait3A_1807 : memref<1x!tpu.dma_semaphore, #tpu.memory_space<semaphore_mem>> -> memref<!tpu.dma_semaphore, #tpu.memory_space<semaphore_mem>>
      %dma_wait3A_1809 = arith.constant 0 : i32
      %dma_wait3A_1810 = arith.constant 0 : i32
      %dma_wait3A_1811 = arith.constant 0 : i32
      %dma_wait3A_1812 = tpu.memref_slice %arg13[%select_n3A_1801, %dma_wait3A_1809, %dma_wait3A_1810, %dma_wait3A_1811] : memref<6x8x8x64xf32, #tpu.memory_space<vmem>> -> memref<1x8x8x64xf32, #tpu.memory_space<vmem>>
      %dma_wait3A_1813 = tpu.memref_squeeze %dma_wait3A_1812 : memref<1x8x8x64xf32, #tpu.memory_space<vmem>> -> memref<8x8x64xf32, #tpu.memory_space<vmem>>
      tpu.wait_dma2 semaphore(%dma_wait3A_1808 : memref<!tpu.dma_semaphore, #tpu.memory_space<semaphore_mem>>) src(%arg9 : memref<8x8x64xf32, #tpu.memory_space<hbm>>) dst(%dma_wait3A_1813 : memref<8x8x64xf32, #tpu.memory_space<vmem>>)
      %dma_wait3A_1814 = arith.constant 0 : i32
      %dma_wait3A_1815 = arith.constant 0 : i32
      %dma_wait3A_1816 = arith.constant 0 : i32
      %dma_wait3A_1817 = tpu.memref_slice %arg14[%select_n3A_1801, %dma_wait3A_1814, %dma_wait3A_1815, %dma_wait3A_1816] : memref<6x8x8x64xf32, #tpu.memory_space<vmem>> -> memref<1x8x8x64xf32, #tpu.memory_space<vmem>>
      %dma_wait3A_1818 = tpu.memref_squeeze %dma_wait3A_1817 : memref<1x8x8x64xf32, #tpu.memory_space<vmem>> -> memref<8x8x64xf32, #tpu.memory_space<vmem>>
      %dma_wait3A_1819 = tpu.memref_slice %arg20[%select_n3A_1801] : memref<6x!tpu.dma_semaphore, #tpu.memory_space<semaphore_mem>> -> memref<1x!tpu.dma_semaphore, #tpu.memory_space<semaphore_mem>>
      %dma_wait3A_1820 = tpu.memref_squeeze %dma_wait3A_1819 : memref<1x!tpu.dma_semaphore, #tpu.memory_space<semaphore_mem>> -> memref<!tpu.dma_semaphore, #tpu.memory_space<semaphore_mem>>
      %dma_wait3A_1821 = arith.constant 0 : i32
      %dma_wait3A_1822 = arith.constant 0 : i32
      %dma_wait3A_1823 = arith.constant 0 : i32
      %dma_wait3A_1824 = tpu.memref_slice %arg14[%select_n3A_1801, %dma_wait3A_1821, %dma_wait3A_1822, %dma_wait3A_1823] : memref<6x8x8x64xf32, #tpu.memory_space<vmem>> -> memref<1x8x8x64xf32, #tpu.memory_space<vmem>>
      %dma_wait3A_1825 = tpu.memref_squeeze %dma_wait3A_1824 : memref<1x8x8x64xf32, #tpu.memory_space<vmem>> -> memref<8x8x64xf32, #tpu.memory_space<vmem>>
      tpu.wait_dma2 semaphore(%dma_wait3A_1820 : memref<!tpu.dma_semaphore, #tpu.memory_space<semaphore_mem>>) src(%arg9 : memref<8x8x64xf32, #tpu.memory_space<hbm>>) dst(%dma_wait3A_1825 : memref<8x8x64xf32, #tpu.memory_space<vmem>>)
      %jit3A_1826 = arith.constant 6 : i32
      %eq3A_1827 = arith.constant 0 : i32
      %eq3A_1828 = arith.cmpi eq, %jit3A_1826, %eq3A_1827 : i32
      %jit3A_1829 = arith.constant 1 : i32
      %select_n3A_1830 = arith.select %eq3A_1828, %jit3A_1829, %jit3A_1826 : i32
      %rem3A_1831 = arith.remsi %add3A_1786, %select_n3A_1830 : i32
      %ne3A_1832 = arith.constant 0 : i32
      %ne3A_1833 = arith.cmpi ne, %rem3A_1831, %ne3A_1832 : i32
      %lt3A_1834 = arith.constant 0 : i32
      %lt3A_1835 = arith.cmpi slt, %rem3A_1831, %lt3A_1834 : i32
      %lt3A_1836 = arith.constant 0 : i32
      %lt3A_1837 = arith.cmpi slt, %select_n3A_1830, %lt3A_1836 : i32
      %ne3A_1838 = arith.xori %lt3A_1835, %lt3A_1837 : i1
      %and3A_1839 = arith.andi %ne3A_1838, %ne3A_1833 : i1
      %add3A_1840 = arith.addi %rem3A_1831, %select_n3A_1830 : i32
      %select_n3A_1841 = arith.select %and3A_1839, %add3A_1840, %rem3A_1831 : i32
      %mul3A_1842 = arith.constant 8 : i32
      %mul3A_1843 = arith.muli %add3A_1786, %mul3A_1842 : i32
      %get3A_1844 = arith.index_cast %mul3A_1843 : i32 to index
      %get3A_1845 = tpu.vector_load %arg11[%get3A_1844] {strides = array<i32>} : memref<528xi32, #tpu.memory_space<vmem>>, vector<16xi32>,
      %and3A_1846 = arith.constant 7 : i32
      %and3A_1847 = vector.broadcast %and3A_1846 : i32 to vector<16xi32>
      %and3A_1848 = arith.andi %get3A_1845, %and3A_1847 : vector<16xi32>
      %get3A_1849 = arith.index_cast %mul3A_1843 : i32 to index
      %get3A_1850 = tpu.vector_load %arg12[%get3A_1849] {strides = array<i32>} : memref<528xi32, #tpu.memory_space<vmem>>, vector<16xi32>,
      %and3A_1851 = arith.constant 7 : i32
      %and3A_1852 = vector.broadcast %and3A_1851 : i32 to vector<16xi32>
      %and3A_1853 = arith.andi %get3A_1850, %and3A_1852 : vector<16xi32>
      %broadcast_in_dim3A = arith.constant 0.000000e+00 : f32
      %broadcast_in_dim3A_1854 = vector.broadcast %broadcast_in_dim3A : f32 to vector<16xf32>
      %slice3A_1855 = vector.extract_strided_slice %and3A_1848 {offsets = [0], sizes = [1], strides = [1]} : vector<16xi32> to vector<1xi32>
      %squeeze3A_1856 = vector.extract %slice3A_1855[0] : i32 from vector<1xi32>
      %slice3A_1857 = vector.extract_strided_slice %and3A_1853 {offsets = [0], sizes = [1], strides = [1]} : vector<16xi32> to vector<1xi32>
      %squeeze3A_1858 = vector.extract %slice3A_1857[0] : i32 from vector<1xi32>
      %get3A_1859 = arith.constant 0 : i32
      %get3A_1860 = arith.index_cast %select_n3A_1841 : i32 to index
      %get3A_1861 = arith.index_cast %get3A_1859 : i32 to index
      %get3A_1862 = arith.index_cast %squeeze3A_1856 : i32 to index
      %get3A_1863 = arith.constant 0 : index
      %get3A_1864 = tpu.vector_load %arg13[%get3A_1860, %get3A_1861, %get3A_1862, %get3A_1863] {strides = array<i32>} : memref<6x8x8x64xf32, #tpu.memory_space<vmem>>, vector<16xf32>,
      %get3A_1865 = arith.constant 0 : i32
      %get3A_1866 = arith.index_cast %select_n3A_1841 : i32 to index
      %get3A_1867 = arith.index_cast %get3A_1865 : i32 to index
      %get3A_1868 = arith.index_cast %squeeze3A_1858 : i32 to index
      %get3A_1869 = arith.constant 0 : index
      %get3A_1870 = tpu.vector_load %arg14[%get3A_1866, %get3A_1867, %get3A_1868, %get3A_1869] {strides = array<i32>} : memref<6x8x8x64xf32, #tpu.memory_space<vmem>>, vector<16xf32>,
      %mul3A_1871 = arith.mulf %get3A_1864, %get3A_1870 : vector<16xf32>
      %get3A_1872 = arith.constant 0 : i32
      %get3A_1873 = arith.index_cast %select_n3A_1841 : i32 to index
      %get3A_1874 = arith.index_cast %get3A_1872 : i32 to index
      %get3A_1875 = arith.index_cast %squeeze3A_1856 : i32 to index
      %get3A_1876 = arith.constant 16 : index
      %get3A_1877 = tpu.vector_load %arg13[%get3A_1873, %get3A_1874, %get3A_1875, %get3A_1876] {strides = array<i32>} : memref<6x8x8x64xf32, #tpu.memory_space<vmem>>, vector<16xf32>,
      %get3A_1878 = arith.constant 0 : i32
      %get3A_1879 = arith.index_cast %select_n3A_1841 : i32 to index
      %get3A_1880 = arith.index_cast %get3A_1878 : i32 to index
      %get3A_1881 = arith.index_cast %squeeze3A_1858 : i32 to index
      %get3A_1882 = arith.constant 16 : index
      %get3A_1883 = tpu.vector_load %arg14[%get3A_1879, %get3A_1880, %get3A_1881, %get3A_1882] {strides = array<i32>} : memref<6x8x8x64xf32, #tpu.memory_space<vmem>>, vector<16xf32>,
      %mul3A_1884 = arith.mulf %get3A_1877, %get3A_1883 : vector<16xf32>
      %add3A_1885 = arith.addf %mul3A_1871, %mul3A_1884 : vector<16xf32>
      %get3A_1886 = arith.constant 0 : i32
      %get3A_1887 = arith.index_cast %select_n3A_1841 : i32 to index
      %get3A_1888 = arith.index_cast %get3A_1886 : i32 to index
      %get3A_1889 = arith.index_cast %squeeze3A_1856 : i32 to index
      %get3A_1890 = arith.constant 32 : index
      %get3A_1891 = tpu.vector_load %arg13[%get3A_1887, %get3A_1888, %get3A_1889, %get3A_1890] {strides = array<i32>} : memref<6x8x8x64xf32, #tpu.memory_space<vmem>>, vector<16xf32>,
      %get3A_1892 = arith.constant 0 : i32
      %get3A_1893 = arith.index_cast %select_n3A_1841 : i32 to index
      %get3A_1894 = arith.index_cast %get3A_1892 : i32 to index
      %get3A_1895 = arith.index_cast %squeeze3A_1858 : i32 to index
      %get3A_1896 = arith.constant 32 : index
      %get3A_1897 = tpu.vector_load %arg14[%get3A_1893, %get3A_1894, %get3A_1895, %get3A_1896] {strides = array<i32>} : memref<6x8x8x64xf32, #tpu.memory_space<vmem>>, vector<16xf32>,
      %mul3A_1898 = arith.mulf %get3A_1891, %get3A_1897 : vector<16xf32>
      %add3A_1899 = arith.addf %add3A_1885, %mul3A_1898 : vector<16xf32>
      %get3A_1900 = arith.constant 0 : i32
      %get3A_1901 = arith.index_cast %select_n3A_1841 : i32 to index
      %get3A_1902 = arith.index_cast %get3A_1900 : i32 to index
      %get3A_1903 = arith.index_cast %squeeze3A_1856 : i32 to index
      %get3A_1904 = arith.constant 48 : index
      %get3A_1905 = tpu.vector_load %arg13[%get3A_1901, %get3A_1902, %get3A_1903, %get3A_1904] {strides = array<i32>} : memref<6x8x8x64xf32, #tpu.memory_space<vmem>>, vector<16xf32>,
      %get3A_1906 = arith.constant 0 : i32
      %get3A_1907 = arith.index_cast %select_n3A_1841 : i32 to index
      %get3A_1908 = arith.index_cast %get3A_1906 : i32 to index
      %get3A_1909 = arith.index_cast %squeeze3A_1858 : i32 to index
      %get3A_1910 = arith.constant 48 : index
      %get3A_1911 = tpu.vector_load %arg14[%get3A_1907, %get3A_1908, %get3A_1909, %get3A_1910] {strides = array<i32>} : memref<6x8x8x64xf32, #tpu.memory_space<vmem>>, vector<16xf32>,
      %mul3A_1912 = arith.mulf %get3A_1905, %get3A_1911 : vector<16xf32>
      %add3A_1913 = arith.addf %add3A_1899, %mul3A_1912 : vector<16xf32>
      %eq3A_1914 = arith.constant 0 : i32
      %eq3A_1915 = vector.broadcast %eq3A_1914 : i32 to vector<16xi32>
      %eq3A_1916 = arith.cmpi eq, %iota3A, %eq3A_1915 : vector<16xi32>
      %reduce_sum3A = arith.constant true
      %reduce_sum3A_1917 = vector.broadcast %reduce_sum3A : i1 to vector<16xi1>
      %reduce_sum3A_1918 = tpu.scan <sum>, %add3A_1913 masked %reduce_sum3A_1917 : vector<16xf32>, vector<16xi1> -> vector<16xf32>
      %reduce_sum3A_1919 = vector.extract %reduce_sum3A_1918[15] : f32 from vector<16xf32>
      %add3A_1920 = vector.broadcast %reduce_sum3A_1919 : f32 to vector<16xf32>
      %add3A_1921 = arith.addf %broadcast_in_dim3A_1854, %add3A_1920 : vector<16xf32>
      %select_n3A_1922 = arith.select %eq3A_1916, %add3A_1921, %broadcast_in_dim3A_1854 : vector<16xi1>, vector<16xf32>
      %slice3A_1923 = vector.extract_strided_slice %and3A_1848 {offsets = [1], sizes = [1], strides = [1]} : vector<16xi32> to vector<1xi32>
      %squeeze3A_1924 = vector.extract %slice3A_1923[0] : i32 from vector<1xi32>
      %slice3A_1925 = vector.extract_strided_slice %and3A_1853 {offsets = [1], sizes = [1], strides = [1]} : vector<16xi32> to vector<1xi32>
      %squeeze3A_1926 = vector.extract %slice3A_1925[0] : i32 from vector<1xi32>
      %get3A_1927 = arith.constant 1 : i32
      %get3A_1928 = arith.index_cast %select_n3A_1841 : i32 to index
      %get3A_1929 = arith.index_cast %get3A_1927 : i32 to index
      %get3A_1930 = arith.index_cast %squeeze3A_1924 : i32 to index
      %get3A_1931 = arith.constant 0 : index
      %get3A_1932 = tpu.vector_load %arg13[%get3A_1928, %get3A_1929, %get3A_1930, %get3A_1931] {strides = array<i32>} : memref<6x8x8x64xf32, #tpu.memory_space<vmem>>, vector<16xf32>,
      %get3A_1933 = arith.constant 1 : i32
      %get3A_1934 = arith.index_cast %select_n3A_1841 : i32 to index
      %get3A_1935 = arith.index_cast %get3A_1933 : i32 to index
      %get3A_1936 = arith.index_cast %squeeze3A_1926 : i32 to index
      %get3A_1937 = arith.constant 0 : index
      %get3A_1938 = tpu.vector_load %arg14[%get3A_1934, %get3A_1935, %get3A_1936, %get3A_1937] {strides = array<i32>} : memref<6x8x8x64xf32, #tpu.memory_space<vmem>>, vector<16xf32>,
      %mul3A_1939 = arith.mulf %get3A_1932, %get3A_1938 : vector<16xf32>
      %get3A_1940 = arith.constant 1 : i32
      %get3A_1941 = arith.index_cast %select_n3A_1841 : i32 to index
      %get3A_1942 = arith.index_cast %get3A_1940 : i32 to index
      %get3A_1943 = arith.index_cast %squeeze3A_1924 : i32 to index
      %get3A_1944 = arith.constant 16 : index
      %get3A_1945 = tpu.vector_load %arg13[%get3A_1941, %get3A_1942, %get3A_1943, %get3A_1944] {strides = array<i32>} : memref<6x8x8x64xf32, #tpu.memory_space<vmem>>, vector<16xf32>,
      %get3A_1946 = arith.constant 1 : i32
      %get3A_1947 = arith.index_cast %select_n3A_1841 : i32 to index
      %get3A_1948 = arith.index_cast %get3A_1946 : i32 to index
      %get3A_1949 = arith.index_cast %squeeze3A_1926 : i32 to index
      %get3A_1950 = arith.constant 16 : index
      %get3A_1951 = tpu.vector_load %arg14[%get3A_1947, %get3A_1948, %get3A_1949, %get3A_1950] {strides = array<i32>} : memref<6x8x8x64xf32, #tpu.memory_space<vmem>>, vector<16xf32>,
      %mul3A_1952 = arith.mulf %get3A_1945, %get3A_1951 : vector<16xf32>
      %add3A_1953 = arith.addf %mul3A_1939, %mul3A_1952 : vector<16xf32>
      %get3A_1954 = arith.constant 1 : i32
      %get3A_1955 = arith.index_cast %select_n3A_1841 : i32 to index
      %get3A_1956 = arith.index_cast %get3A_1954 : i32 to index
      %get3A_1957 = arith.index_cast %squeeze3A_1924 : i32 to index
      %get3A_1958 = arith.constant 32 : index
      %get3A_1959 = tpu.vector_load %arg13[%get3A_1955, %get3A_1956, %get3A_1957, %get3A_1958] {strides = array<i32>} : memref<6x8x8x64xf32, #tpu.memory_space<vmem>>, vector<16xf32>,
      %get3A_1960 = arith.constant 1 : i32
      %get3A_1961 = arith.index_cast %select_n3A_1841 : i32 to index
      %get3A_1962 = arith.index_cast %get3A_1960 : i32 to index
      %get3A_1963 = arith.index_cast %squeeze3A_1926 : i32 to index
      %get3A_1964 = arith.constant 32 : index
      %get3A_1965 = tpu.vector_load %arg14[%get3A_1961, %get3A_1962, %get3A_1963, %get3A_1964] {strides = array<i32>} : memref<6x8x8x64xf32, #tpu.memory_space<vmem>>, vector<16xf32>,
      %mul3A_1966 = arith.mulf %get3A_1959, %get3A_1965 : vector<16xf32>
      %add3A_1967 = arith.addf %add3A_1953, %mul3A_1966 : vector<16xf32>
      %get3A_1968 = arith.constant 1 : i32
      %get3A_1969 = arith.index_cast %select_n3A_1841 : i32 to index
      %get3A_1970 = arith.index_cast %get3A_1968 : i32 to index
      %get3A_1971 = arith.index_cast %squeeze3A_1924 : i32 to index
      %get3A_1972 = arith.constant 48 : index
      %get3A_1973 = tpu.vector_load %arg13[%get3A_1969, %get3A_1970, %get3A_1971, %get3A_1972] {strides = array<i32>} : memref<6x8x8x64xf32, #tpu.memory_space<vmem>>, vector<16xf32>,
      %get3A_1974 = arith.constant 1 : i32
      %get3A_1975 = arith.index_cast %select_n3A_1841 : i32 to index
      %get3A_1976 = arith.index_cast %get3A_1974 : i32 to index
      %get3A_1977 = arith.index_cast %squeeze3A_1926 : i32 to index
      %get3A_1978 = arith.constant 48 : index
      %get3A_1979 = tpu.vector_load %arg14[%get3A_1975, %get3A_1976, %get3A_1977, %get3A_1978] {strides = array<i32>} : memref<6x8x8x64xf32, #tpu.memory_space<vmem>>, vector<16xf32>,
      %mul3A_1980 = arith.mulf %get3A_1973, %get3A_1979 : vector<16xf32>
      %add3A_1981 = arith.addf %add3A_1967, %mul3A_1980 : vector<16xf32>
      %eq3A_1982 = arith.constant 1 : i32
      %eq3A_1983 = vector.broadcast %eq3A_1982 : i32 to vector<16xi32>
      %eq3A_1984 = arith.cmpi eq, %iota3A, %eq3A_1983 : vector<16xi32>
      %reduce_sum3A_1985 = arith.constant true
      %reduce_sum3A_1986 = vector.broadcast %reduce_sum3A_1985 : i1 to vector<16xi1>
      %reduce_sum3A_1987 = tpu.scan <sum>, %add3A_1981 masked %reduce_sum3A_1986 : vector<16xf32>, vector<16xi1> -> vector<16xf32>
      %reduce_sum3A_1988 = vector.extract %reduce_sum3A_1987[15] : f32 from vector<16xf32>
      %add3A_1989 = vector.broadcast %reduce_sum3A_1988 : f32 to vector<16xf32>
      %add3A_1990 = arith.addf %select_n3A_1922, %add3A_1989 : vector<16xf32>
      %select_n3A_1991 = arith.select %eq3A_1984, %add3A_1990, %select_n3A_1922 : vector<16xi1>, vector<16xf32>
      %slice3A_1992 = vector.extract_strided_slice %and3A_1848 {offsets = [2], sizes = [1], strides = [1]} : vector<16xi32> to vector<1xi32>
      %squeeze3A_1993 = vector.extract %slice3A_1992[0] : i32 from vector<1xi32>
      %slice3A_1994 = vector.extract_strided_slice %and3A_1853 {offsets = [2], sizes = [1], strides = [1]} : vector<16xi32> to vector<1xi32>
      %squeeze3A_1995 = vector.extract %slice3A_1994[0] : i32 from vector<1xi32>
      %get3A_1996 = arith.constant 2 : i32
      %get3A_1997 = arith.index_cast %select_n3A_1841 : i32 to index
      %get3A_1998 = arith.index_cast %get3A_1996 : i32 to index
      %get3A_1999 = arith.index_cast %squeeze3A_1993 : i32 to index
      %get3A_2000 = arith.constant 0 : index
      %get3A_2001 = tpu.vector_load %arg13[%get3A_1997, %get3A_1998, %get3A_1999, %get3A_2000] {strides = array<i32>} : memref<6x8x8x64xf32, #tpu.memory_space<vmem>>, vector<16xf32>,
      %get3A_2002 = arith.constant 2 : i32
      %get3A_2003 = arith.index_cast %select_n3A_1841 : i32 to index
      %get3A_2004 = arith.index_cast %get3A_2002 : i32 to index
      %get3A_2005 = arith.index_cast %squeeze3A_1995 : i32 to index
      %get3A_2006 = arith.constant 0 : index
      %get3A_2007 = tpu.vector_load %arg14[%get3A_2003, %get3A_2004, %get3A_2005, %get3A_2006] {strides = array<i32>} : memref<6x8x8x64xf32, #tpu.memory_space<vmem>>, vector<16xf32>,
      %mul3A_2008 = arith.mulf %get3A_2001, %get3A_2007 : vector<16xf32>
      %get3A_2009 = arith.constant 2 : i32
      %get3A_2010 = arith.index_cast %select_n3A_1841 : i32 to index
      %get3A_2011 = arith.index_cast %get3A_2009 : i32 to index
      %get3A_2012 = arith.index_cast %squeeze3A_1993 : i32 to index
      %get3A_2013 = arith.constant 16 : index
      %get3A_2014 = tpu.vector_load %arg13[%get3A_2010, %get3A_2011, %get3A_2012, %get3A_2013] {strides = array<i32>} : memref<6x8x8x64xf32, #tpu.memory_space<vmem>>, vector<16xf32>,
      %get3A_2015 = arith.constant 2 : i32
      %get3A_2016 = arith.index_cast %select_n3A_1841 : i32 to index
      %get3A_2017 = arith.index_cast %get3A_2015 : i32 to index
      %get3A_2018 = arith.index_cast %squeeze3A_1995 : i32 to index
      %get3A_2019 = arith.constant 16 : index
      %get3A_2020 = tpu.vector_load %arg14[%get3A_2016, %get3A_2017, %get3A_2018, %get3A_2019] {strides = array<i32>} : memref<6x8x8x64xf32, #tpu.memory_space<vmem>>, vector<16xf32>,
      %mul3A_2021 = arith.mulf %get3A_2014, %get3A_2020 : vector<16xf32>
      %add3A_2022 = arith.addf %mul3A_2008, %mul3A_2021 : vector<16xf32>
      %get3A_2023 = arith.constant 2 : i32
      %get3A_2024 = arith.index_cast %select_n3A_1841 : i32 to index
      %get3A_2025 = arith.index_cast %get3A_2023 : i32 to index
      %get3A_2026 = arith.index_cast %squeeze3A_1993 : i32 to index
      %get3A_2027 = arith.constant 32 : index
      %get3A_2028 = tpu.vector_load %arg13[%get3A_2024, %get3A_2025, %get3A_2026, %get3A_2027] {strides = array<i32>} : memref<6x8x8x64xf32, #tpu.memory_space<vmem>>, vector<16xf32>,
      %get3A_2029 = arith.constant 2 : i32
      %get3A_2030 = arith.index_cast %select_n3A_1841 : i32 to index
      %get3A_2031 = arith.index_cast %get3A_2029 : i32 to index
      %get3A_2032 = arith.index_cast %squeeze3A_1995 : i32 to index
      %get3A_2033 = arith.constant 32 : index
      %get3A_2034 = tpu.vector_load %arg14[%get3A_2030, %get3A_2031, %get3A_2032, %get3A_2033] {strides = array<i32>} : memref<6x8x8x64xf32, #tpu.memory_space<vmem>>, vector<16xf32>,
      %mul3A_2035 = arith.mulf %get3A_2028, %get3A_2034 : vector<16xf32>
      %add3A_2036 = arith.addf %add3A_2022, %mul3A_2035 : vector<16xf32>
      %get3A_2037 = arith.constant 2 : i32
      %get3A_2038 = arith.index_cast %select_n3A_1841 : i32 to index
      %get3A_2039 = arith.index_cast %get3A_2037 : i32 to index
      %get3A_2040 = arith.index_cast %squeeze3A_1993 : i32 to index
      %get3A_2041 = arith.constant 48 : index
      %get3A_2042 = tpu.vector_load %arg13[%get3A_2038, %get3A_2039, %get3A_2040, %get3A_2041] {strides = array<i32>} : memref<6x8x8x64xf32, #tpu.memory_space<vmem>>, vector<16xf32>,
      %get3A_2043 = arith.constant 2 : i32
      %get3A_2044 = arith.index_cast %select_n3A_1841 : i32 to index
      %get3A_2045 = arith.index_cast %get3A_2043 : i32 to index
      %get3A_2046 = arith.index_cast %squeeze3A_1995 : i32 to index
      %get3A_2047 = arith.constant 48 : index
      %get3A_2048 = tpu.vector_load %arg14[%get3A_2044, %get3A_2045, %get3A_2046, %get3A_2047] {strides = array<i32>} : memref<6x8x8x64xf32, #tpu.memory_space<vmem>>, vector<16xf32>,
      %mul3A_2049 = arith.mulf %get3A_2042, %get3A_2048 : vector<16xf32>
      %add3A_2050 = arith.addf %add3A_2036, %mul3A_2049 : vector<16xf32>
      %eq3A_2051 = arith.constant 2 : i32
      %eq3A_2052 = vector.broadcast %eq3A_2051 : i32 to vector<16xi32>
      %eq3A_2053 = arith.cmpi eq, %iota3A, %eq3A_2052 : vector<16xi32>
      %reduce_sum3A_2054 = arith.constant true
      %reduce_sum3A_2055 = vector.broadcast %reduce_sum3A_2054 : i1 to vector<16xi1>
      %reduce_sum3A_2056 = tpu.scan <sum>, %add3A_2050 masked %reduce_sum3A_2055 : vector<16xf32>, vector<16xi1> -> vector<16xf32>
      %reduce_sum3A_2057 = vector.extract %reduce_sum3A_2056[15] : f32 from vector<16xf32>
      %add3A_2058 = vector.broadcast %reduce_sum3A_2057 : f32 to vector<16xf32>
      %add3A_2059 = arith.addf %select_n3A_1991, %add3A_2058 : vector<16xf32>
      %select_n3A_2060 = arith.select %eq3A_2053, %add3A_2059, %select_n3A_1991 : vector<16xi1>, vector<16xf32>
      %slice3A_2061 = vector.extract_strided_slice %and3A_1848 {offsets = [3], sizes = [1], strides = [1]} : vector<16xi32> to vector<1xi32>
      %squeeze3A_2062 = vector.extract %slice3A_2061[0] : i32 from vector<1xi32>
      %slice3A_2063 = vector.extract_strided_slice %and3A_1853 {offsets = [3], sizes = [1], strides = [1]} : vector<16xi32> to vector<1xi32>
      %squeeze3A_2064 = vector.extract %slice3A_2063[0] : i32 from vector<1xi32>
      %get3A_2065 = arith.constant 3 : i32
      %get3A_2066 = arith.index_cast %select_n3A_1841 : i32 to index
      %get3A_2067 = arith.index_cast %get3A_2065 : i32 to index
      %get3A_2068 = arith.index_cast %squeeze3A_2062 : i32 to index
      %get3A_2069 = arith.constant 0 : index
      %get3A_2070 = tpu.vector_load %arg13[%get3A_2066, %get3A_2067, %get3A_2068, %get3A_2069] {strides = array<i32>} : memref<6x8x8x64xf32, #tpu.memory_space<vmem>>, vector<16xf32>,
      %get3A_2071 = arith.constant 3 : i32
      %get3A_2072 = arith.index_cast %select_n3A_1841 : i32 to index
      %get3A_2073 = arith.index_cast %get3A_2071 : i32 to index
      %get3A_2074 = arith.index_cast %squeeze3A_2064 : i32 to index
      %get3A_2075 = arith.constant 0 : index
      %get3A_2076 = tpu.vector_load %arg14[%get3A_2072, %get3A_2073, %get3A_2074, %get3A_2075] {strides = array<i32>} : memref<6x8x8x64xf32, #tpu.memory_space<vmem>>, vector<16xf32>,
      %mul3A_2077 = arith.mulf %get3A_2070, %get3A_2076 : vector<16xf32>
      %get3A_2078 = arith.constant 3 : i32
      %get3A_2079 = arith.index_cast %select_n3A_1841 : i32 to index
      %get3A_2080 = arith.index_cast %get3A_2078 : i32 to index
      %get3A_2081 = arith.index_cast %squeeze3A_2062 : i32 to index
      %get3A_2082 = arith.constant 16 : index
      %get3A_2083 = tpu.vector_load %arg13[%get3A_2079, %get3A_2080, %get3A_2081, %get3A_2082] {strides = array<i32>} : memref<6x8x8x64xf32, #tpu.memory_space<vmem>>, vector<16xf32>,
      %get3A_2084 = arith.constant 3 : i32
      %get3A_2085 = arith.index_cast %select_n3A_1841 : i32 to index
      %get3A_2086 = arith.index_cast %get3A_2084 : i32 to index
      %get3A_2087 = arith.index_cast %squeeze3A_2064 : i32 to index
      %get3A_2088 = arith.constant 16 : index
      %get3A_2089 = tpu.vector_load %arg14[%get3A_2085, %get3A_2086, %get3A_2087, %get3A_2088] {strides = array<i32>} : memref<6x8x8x64xf32, #tpu.memory_space<vmem>>, vector<16xf32>,
      %mul3A_2090 = arith.mulf %get3A_2083, %get3A_2089 : vector<16xf32>
      %add3A_2091 = arith.addf %mul3A_2077, %mul3A_2090 : vector<16xf32>
      %get3A_2092 = arith.constant 3 : i32
      %get3A_2093 = arith.index_cast %select_n3A_1841 : i32 to index
      %get3A_2094 = arith.index_cast %get3A_2092 : i32 to index
      %get3A_2095 = arith.index_cast %squeeze3A_2062 : i32 to index
      %get3A_2096 = arith.constant 32 : index
      %get3A_2097 = tpu.vector_load %arg13[%get3A_2093, %get3A_2094, %get3A_2095, %get3A_2096] {strides = array<i32>} : memref<6x8x8x64xf32, #tpu.memory_space<vmem>>, vector<16xf32>,
      %get3A_2098 = arith.constant 3 : i32
      %get3A_2099 = arith.index_cast %select_n3A_1841 : i32 to index
      %get3A_2100 = arith.index_cast %get3A_2098 : i32 to index
      %get3A_2101 = arith.index_cast %squeeze3A_2064 : i32 to index
      %get3A_2102 = arith.constant 32 : index
      %get3A_2103 = tpu.vector_load %arg14[%get3A_2099, %get3A_2100, %get3A_2101, %get3A_2102] {strides = array<i32>} : memref<6x8x8x64xf32, #tpu.memory_space<vmem>>, vector<16xf32>,
      %mul3A_2104 = arith.mulf %get3A_2097, %get3A_2103 : vector<16xf32>
      %add3A_2105 = arith.addf %add3A_2091, %mul3A_2104 : vector<16xf32>
      %get3A_2106 = arith.constant 3 : i32
      %get3A_2107 = arith.index_cast %select_n3A_1841 : i32 to index
      %get3A_2108 = arith.index_cast %get3A_2106 : i32 to index
      %get3A_2109 = arith.index_cast %squeeze3A_2062 : i32 to index
      %get3A_2110 = arith.constant 48 : index
      %get3A_2111 = tpu.vector_load %arg13[%get3A_2107, %get3A_2108, %get3A_2109, %get3A_2110] {strides = array<i32>} : memref<6x8x8x64xf32, #tpu.memory_space<vmem>>, vector<16xf32>,
      %get3A_2112 = arith.constant 3 : i32
      %get3A_2113 = arith.index_cast %select_n3A_1841 : i32 to index
      %get3A_2114 = arith.index_cast %get3A_2112 : i32 to index
      %get3A_2115 = arith.index_cast %squeeze3A_2064 : i32 to index
      %get3A_2116 = arith.constant 48 : index
      %get3A_2117 = tpu.vector_load %arg14[%get3A_2113, %get3A_2114, %get3A_2115, %get3A_2116] {strides = array<i32>} : memref<6x8x8x64xf32, #tpu.memory_space<vmem>>, vector<16xf32>,
      %mul3A_2118 = arith.mulf %get3A_2111, %get3A_2117 : vector<16xf32>
      %add3A_2119 = arith.addf %add3A_2105, %mul3A_2118 : vector<16xf32>
      %eq3A_2120 = arith.constant 3 : i32
      %eq3A_2121 = vector.broadcast %eq3A_2120 : i32 to vector<16xi32>
      %eq3A_2122 = arith.cmpi eq, %iota3A, %eq3A_2121 : vector<16xi32>
      %reduce_sum3A_2123 = arith.constant true
      %reduce_sum3A_2124 = vector.broadcast %reduce_sum3A_2123 : i1 to vector<16xi1>
      %reduce_sum3A_2125 = tpu.scan <sum>, %add3A_2119 masked %reduce_sum3A_2124 : vector<16xf32>, vector<16xi1> -> vector<16xf32>
      %reduce_sum3A_2126 = vector.extract %reduce_sum3A_2125[15] : f32 from vector<16xf32>
      %add3A_2127 = vector.broadcast %reduce_sum3A_2126 : f32 to vector<16xf32>
      %add3A_2128 = arith.addf %select_n3A_2060, %add3A_2127 : vector<16xf32>
      %select_n3A_2129 = arith.select %eq3A_2122, %add3A_2128, %select_n3A_2060 : vector<16xi1>, vector<16xf32>
      %slice3A_2130 = vector.extract_strided_slice %and3A_1848 {offsets = [4], sizes = [1], strides = [1]} : vector<16xi32> to vector<1xi32>
      %squeeze3A_2131 = vector.extract %slice3A_2130[0] : i32 from vector<1xi32>
      %slice3A_2132 = vector.extract_strided_slice %and3A_1853 {offsets = [4], sizes = [1], strides = [1]} : vector<16xi32> to vector<1xi32>
      %squeeze3A_2133 = vector.extract %slice3A_2132[0] : i32 from vector<1xi32>
      %get3A_2134 = arith.constant 4 : i32
      %get3A_2135 = arith.index_cast %select_n3A_1841 : i32 to index
      %get3A_2136 = arith.index_cast %get3A_2134 : i32 to index
      %get3A_2137 = arith.index_cast %squeeze3A_2131 : i32 to index
      %get3A_2138 = arith.constant 0 : index
      %get3A_2139 = tpu.vector_load %arg13[%get3A_2135, %get3A_2136, %get3A_2137, %get3A_2138] {strides = array<i32>} : memref<6x8x8x64xf32, #tpu.memory_space<vmem>>, vector<16xf32>,
      %get3A_2140 = arith.constant 4 : i32
      %get3A_2141 = arith.index_cast %select_n3A_1841 : i32 to index
      %get3A_2142 = arith.index_cast %get3A_2140 : i32 to index
      %get3A_2143 = arith.index_cast %squeeze3A_2133 : i32 to index
      %get3A_2144 = arith.constant 0 : index
      %get3A_2145 = tpu.vector_load %arg14[%get3A_2141, %get3A_2142, %get3A_2143, %get3A_2144] {strides = array<i32>} : memref<6x8x8x64xf32, #tpu.memory_space<vmem>>, vector<16xf32>,
      %mul3A_2146 = arith.mulf %get3A_2139, %get3A_2145 : vector<16xf32>
      %get3A_2147 = arith.constant 4 : i32
      %get3A_2148 = arith.index_cast %select_n3A_1841 : i32 to index
      %get3A_2149 = arith.index_cast %get3A_2147 : i32 to index
      %get3A_2150 = arith.index_cast %squeeze3A_2131 : i32 to index
      %get3A_2151 = arith.constant 16 : index
      %get3A_2152 = tpu.vector_load %arg13[%get3A_2148, %get3A_2149, %get3A_2150, %get3A_2151] {strides = array<i32>} : memref<6x8x8x64xf32, #tpu.memory_space<vmem>>, vector<16xf32>,
      %get3A_2153 = arith.constant 4 : i32
      %get3A_2154 = arith.index_cast %select_n3A_1841 : i32 to index
      %get3A_2155 = arith.index_cast %get3A_2153 : i32 to index
      %get3A_2156 = arith.index_cast %squeeze3A_2133 : i32 to index
      %get3A_2157 = arith.constant 16 : index
      %get3A_2158 = tpu.vector_load %arg14[%get3A_2154, %get3A_2155, %get3A_2156, %get3A_2157] {strides = array<i32>} : memref<6x8x8x64xf32, #tpu.memory_space<vmem>>, vector<16xf32>,
      %mul3A_2159 = arith.mulf %get3A_2152, %get3A_2158 : vector<16xf32>
      %add3A_2160 = arith.addf %mul3A_2146, %mul3A_2159 : vector<16xf32>
      %get3A_2161 = arith.constant 4 : i32
      %get3A_2162 = arith.index_cast %select_n3A_1841 : i32 to index
      %get3A_2163 = arith.index_cast %get3A_2161 : i32 to index
      %get3A_2164 = arith.index_cast %squeeze3A_2131 : i32 to index
      %get3A_2165 = arith.constant 32 : index
      %get3A_2166 = tpu.vector_load %arg13[%get3A_2162, %get3A_2163, %get3A_2164, %get3A_2165] {strides = array<i32>} : memref<6x8x8x64xf32, #tpu.memory_space<vmem>>, vector<16xf32>,
      %get3A_2167 = arith.constant 4 : i32
      %get3A_2168 = arith.index_cast %select_n3A_1841 : i32 to index
      %get3A_2169 = arith.index_cast %get3A_2167 : i32 to index
      %get3A_2170 = arith.index_cast %squeeze3A_2133 : i32 to index
      %get3A_2171 = arith.constant 32 : index
      %get3A_2172 = tpu.vector_load %arg14[%get3A_2168, %get3A_2169, %get3A_2170, %get3A_2171] {strides = array<i32>} : memref<6x8x8x64xf32, #tpu.memory_space<vmem>>, vector<16xf32>,
      %mul3A_2173 = arith.mulf %get3A_2166, %get3A_2172 : vector<16xf32>
      %add3A_2174 = arith.addf %add3A_2160, %mul3A_2173 : vector<16xf32>
      %get3A_2175 = arith.constant 4 : i32
      %get3A_2176 = arith.index_cast %select_n3A_1841 : i32 to index
      %get3A_2177 = arith.index_cast %get3A_2175 : i32 to index
      %get3A_2178 = arith.index_cast %squeeze3A_2131 : i32 to index
      %get3A_2179 = arith.constant 48 : index
      %get3A_2180 = tpu.vector_load %arg13[%get3A_2176, %get3A_2177, %get3A_2178, %get3A_2179] {strides = array<i32>} : memref<6x8x8x64xf32, #tpu.memory_space<vmem>>, vector<16xf32>,
      %get3A_2181 = arith.constant 4 : i32
      %get3A_2182 = arith.index_cast %select_n3A_1841 : i32 to index
      %get3A_2183 = arith.index_cast %get3A_2181 : i32 to index
      %get3A_2184 = arith.index_cast %squeeze3A_2133 : i32 to index
      %get3A_2185 = arith.constant 48 : index
      %get3A_2186 = tpu.vector_load %arg14[%get3A_2182, %get3A_2183, %get3A_2184, %get3A_2185] {strides = array<i32>} : memref<6x8x8x64xf32, #tpu.memory_space<vmem>>, vector<16xf32>,
      %mul3A_2187 = arith.mulf %get3A_2180, %get3A_2186 : vector<16xf32>
      %add3A_2188 = arith.addf %add3A_2174, %mul3A_2187 : vector<16xf32>
      %eq3A_2189 = arith.constant 4 : i32
      %eq3A_2190 = vector.broadcast %eq3A_2189 : i32 to vector<16xi32>
      %eq3A_2191 = arith.cmpi eq, %iota3A, %eq3A_2190 : vector<16xi32>
      %reduce_sum3A_2192 = arith.constant true
      %reduce_sum3A_2193 = vector.broadcast %reduce_sum3A_2192 : i1 to vector<16xi1>
      %reduce_sum3A_2194 = tpu.scan <sum>, %add3A_2188 masked %reduce_sum3A_2193 : vector<16xf32>, vector<16xi1> -> vector<16xf32>
      %reduce_sum3A_2195 = vector.extract %reduce_sum3A_2194[15] : f32 from vector<16xf32>
      %add3A_2196 = vector.broadcast %reduce_sum3A_2195 : f32 to vector<16xf32>
      %add3A_2197 = arith.addf %select_n3A_2129, %add3A_2196 : vector<16xf32>
      %select_n3A_2198 = arith.select %eq3A_2191, %add3A_2197, %select_n3A_2129 : vector<16xi1>, vector<16xf32>
      %slice3A_2199 = vector.extract_strided_slice %and3A_1848 {offsets = [5], sizes = [1], strides = [1]} : vector<16xi32> to vector<1xi32>
      %squeeze3A_2200 = vector.extract %slice3A_2199[0] : i32 from vector<1xi32>
      %slice3A_2201 = vector.extract_strided_slice %and3A_1853 {offsets = [5], sizes = [1], strides = [1]} : vector<16xi32> to vector<1xi32>
      %squeeze3A_2202 = vector.extract %slice3A_2201[0] : i32 from vector<1xi32>
      %get3A_2203 = arith.constant 5 : i32
      %get3A_2204 = arith.index_cast %select_n3A_1841 : i32 to index
      %get3A_2205 = arith.index_cast %get3A_2203 : i32 to index
      %get3A_2206 = arith.index_cast %squeeze3A_2200 : i32 to index
      %get3A_2207 = arith.constant 0 : index
      %get3A_2208 = tpu.vector_load %arg13[%get3A_2204, %get3A_2205, %get3A_2206, %get3A_2207] {strides = array<i32>} : memref<6x8x8x64xf32, #tpu.memory_space<vmem>>, vector<16xf32>,
      %get3A_2209 = arith.constant 5 : i32
      %get3A_2210 = arith.index_cast %select_n3A_1841 : i32 to index
      %get3A_2211 = arith.index_cast %get3A_2209 : i32 to index
      %get3A_2212 = arith.index_cast %squeeze3A_2202 : i32 to index
      %get3A_2213 = arith.constant 0 : index
      %get3A_2214 = tpu.vector_load %arg14[%get3A_2210, %get3A_2211, %get3A_2212, %get3A_2213] {strides = array<i32>} : memref<6x8x8x64xf32, #tpu.memory_space<vmem>>, vector<16xf32>,
      %mul3A_2215 = arith.mulf %get3A_2208, %get3A_2214 : vector<16xf32>
      %get3A_2216 = arith.constant 5 : i32
      %get3A_2217 = arith.index_cast %select_n3A_1841 : i32 to index
      %get3A_2218 = arith.index_cast %get3A_2216 : i32 to index
      %get3A_2219 = arith.index_cast %squeeze3A_2200 : i32 to index
      %get3A_2220 = arith.constant 16 : index
      %get3A_2221 = tpu.vector_load %arg13[%get3A_2217, %get3A_2218, %get3A_2219, %get3A_2220] {strides = array<i32>} : memref<6x8x8x64xf32, #tpu.memory_space<vmem>>, vector<16xf32>,
      %get3A_2222 = arith.constant 5 : i32
      %get3A_2223 = arith.index_cast %select_n3A_1841 : i32 to index
      %get3A_2224 = arith.index_cast %get3A_2222 : i32 to index
      %get3A_2225 = arith.index_cast %squeeze3A_2202 : i32 to index
      %get3A_2226 = arith.constant 16 : index
      %get3A_2227 = tpu.vector_load %arg14[%get3A_2223, %get3A_2224, %get3A_2225, %get3A_2226] {strides = array<i32>} : memref<6x8x8x64xf32, #tpu.memory_space<vmem>>, vector<16xf32>,
      %mul3A_2228 = arith.mulf %get3A_2221, %get3A_2227 : vector<16xf32>
      %add3A_2229 = arith.addf %mul3A_2215, %mul3A_2228 : vector<16xf32>
      %get3A_2230 = arith.constant 5 : i32
      %get3A_2231 = arith.index_cast %select_n3A_1841 : i32 to index
      %get3A_2232 = arith.index_cast %get3A_2230 : i32 to index
      %get3A_2233 = arith.index_cast %squeeze3A_2200 : i32 to index
      %get3A_2234 = arith.constant 32 : index
      %get3A_2235 = tpu.vector_load %arg13[%get3A_2231, %get3A_2232, %get3A_2233, %get3A_2234] {strides = array<i32>} : memref<6x8x8x64xf32, #tpu.memory_space<vmem>>, vector<16xf32>,
      %get3A_2236 = arith.constant 5 : i32
      %get3A_2237 = arith.index_cast %select_n3A_1841 : i32 to index
      %get3A_2238 = arith.index_cast %get3A_2236 : i32 to index
      %get3A_2239 = arith.index_cast %squeeze3A_2202 : i32 to index
      %get3A_2240 = arith.constant 32 : index
      %get3A_2241 = tpu.vector_load %arg14[%get3A_2237, %get3A_2238, %get3A_2239, %get3A_2240] {strides = array<i32>} : memref<6x8x8x64xf32, #tpu.memory_space<vmem>>, vector<16xf32>,
      %mul3A_2242 = arith.mulf %get3A_2235, %get3A_2241 : vector<16xf32>
      %add3A_2243 = arith.addf %add3A_2229, %mul3A_2242 : vector<16xf32>
      %get3A_2244 = arith.constant 5 : i32
      %get3A_2245 = arith.index_cast %select_n3A_1841 : i32 to index
      %get3A_2246 = arith.index_cast %get3A_2244 : i32 to index
      %get3A_2247 = arith.index_cast %squeeze3A_2200 : i32 to index
      %get3A_2248 = arith.constant 48 : index
      %get3A_2249 = tpu.vector_load %arg13[%get3A_2245, %get3A_2246, %get3A_2247, %get3A_2248] {strides = array<i32>} : memref<6x8x8x64xf32, #tpu.memory_space<vmem>>, vector<16xf32>,
      %get3A_2250 = arith.constant 5 : i32
      %get3A_2251 = arith.index_cast %select_n3A_1841 : i32 to index
      %get3A_2252 = arith.index_cast %get3A_2250 : i32 to index
      %get3A_2253 = arith.index_cast %squeeze3A_2202 : i32 to index
      %get3A_2254 = arith.constant 48 : index
      %get3A_2255 = tpu.vector_load %arg14[%get3A_2251, %get3A_2252, %get3A_2253, %get3A_2254] {strides = array<i32>} : memref<6x8x8x64xf32, #tpu.memory_space<vmem>>, vector<16xf32>,
      %mul3A_2256 = arith.mulf %get3A_2249, %get3A_2255 : vector<16xf32>
      %add3A_2257 = arith.addf %add3A_2243, %mul3A_2256 : vector<16xf32>
      %eq3A_2258 = arith.constant 5 : i32
      %eq3A_2259 = vector.broadcast %eq3A_2258 : i32 to vector<16xi32>
      %eq3A_2260 = arith.cmpi eq, %iota3A, %eq3A_2259 : vector<16xi32>
      %reduce_sum3A_2261 = arith.constant true
      %reduce_sum3A_2262 = vector.broadcast %reduce_sum3A_2261 : i1 to vector<16xi1>
      %reduce_sum3A_2263 = tpu.scan <sum>, %add3A_2257 masked %reduce_sum3A_2262 : vector<16xf32>, vector<16xi1> -> vector<16xf32>
      %reduce_sum3A_2264 = vector.extract %reduce_sum3A_2263[15] : f32 from vector<16xf32>
      %add3A_2265 = vector.broadcast %reduce_sum3A_2264 : f32 to vector<16xf32>
      %add3A_2266 = arith.addf %select_n3A_2198, %add3A_2265 : vector<16xf32>
      %select_n3A_2267 = arith.select %eq3A_2260, %add3A_2266, %select_n3A_2198 : vector<16xi1>, vector<16xf32>
      %slice3A_2268 = vector.extract_strided_slice %and3A_1848 {offsets = [6], sizes = [1], strides = [1]} : vector<16xi32> to vector<1xi32>
      %squeeze3A_2269 = vector.extract %slice3A_2268[0] : i32 from vector<1xi32>
      %slice3A_2270 = vector.extract_strided_slice %and3A_1853 {offsets = [6], sizes = [1], strides = [1]} : vector<16xi32> to vector<1xi32>
      %squeeze3A_2271 = vector.extract %slice3A_2270[0] : i32 from vector<1xi32>
      %get3A_2272 = arith.constant 6 : i32
      %get3A_2273 = arith.index_cast %select_n3A_1841 : i32 to index
      %get3A_2274 = arith.index_cast %get3A_2272 : i32 to index
      %get3A_2275 = arith.index_cast %squeeze3A_2269 : i32 to index
      %get3A_2276 = arith.constant 0 : index
      %get3A_2277 = tpu.vector_load %arg13[%get3A_2273, %get3A_2274, %get3A_2275, %get3A_2276] {strides = array<i32>} : memref<6x8x8x64xf32, #tpu.memory_space<vmem>>, vector<16xf32>,
      %get3A_2278 = arith.constant 6 : i32
      %get3A_2279 = arith.index_cast %select_n3A_1841 : i32 to index
      %get3A_2280 = arith.index_cast %get3A_2278 : i32 to index
      %get3A_2281 = arith.index_cast %squeeze3A_2271 : i32 to index
      %get3A_2282 = arith.constant 0 : index
      %get3A_2283 = tpu.vector_load %arg14[%get3A_2279, %get3A_2280, %get3A_2281, %get3A_2282] {strides = array<i32>} : memref<6x8x8x64xf32, #tpu.memory_space<vmem>>, vector<16xf32>,
      %mul3A_2284 = arith.mulf %get3A_2277, %get3A_2283 : vector<16xf32>
      %get3A_2285 = arith.constant 6 : i32
      %get3A_2286 = arith.index_cast %select_n3A_1841 : i32 to index
      %get3A_2287 = arith.index_cast %get3A_2285 : i32 to index
      %get3A_2288 = arith.index_cast %squeeze3A_2269 : i32 to index
      %get3A_2289 = arith.constant 16 : index
      %get3A_2290 = tpu.vector_load %arg13[%get3A_2286, %get3A_2287, %get3A_2288, %get3A_2289] {strides = array<i32>} : memref<6x8x8x64xf32, #tpu.memory_space<vmem>>, vector<16xf32>,
      %get3A_2291 = arith.constant 6 : i32
      %get3A_2292 = arith.index_cast %select_n3A_1841 : i32 to index
      %get3A_2293 = arith.index_cast %get3A_2291 : i32 to index
      %get3A_2294 = arith.index_cast %squeeze3A_2271 : i32 to index
      %get3A_2295 = arith.constant 16 : index
      %get3A_2296 = tpu.vector_load %arg14[%get3A_2292, %get3A_2293, %get3A_2294, %get3A_2295] {strides = array<i32>} : memref<6x8x8x64xf32, #tpu.memory_space<vmem>>, vector<16xf32>,
      %mul3A_2297 = arith.mulf %get3A_2290, %get3A_2296 : vector<16xf32>
      %add3A_2298 = arith.addf %mul3A_2284, %mul3A_2297 : vector<16xf32>
      %get3A_2299 = arith.constant 6 : i32
      %get3A_2300 = arith.index_cast %select_n3A_1841 : i32 to index
      %get3A_2301 = arith.index_cast %get3A_2299 : i32 to index
      %get3A_2302 = arith.index_cast %squeeze3A_2269 : i32 to index
      %get3A_2303 = arith.constant 32 : index
      %get3A_2304 = tpu.vector_load %arg13[%get3A_2300, %get3A_2301, %get3A_2302, %get3A_2303] {strides = array<i32>} : memref<6x8x8x64xf32, #tpu.memory_space<vmem>>, vector<16xf32>,
      %get3A_2305 = arith.constant 6 : i32
      %get3A_2306 = arith.index_cast %select_n3A_1841 : i32 to index
      %get3A_2307 = arith.index_cast %get3A_2305 : i32 to index
      %get3A_2308 = arith.index_cast %squeeze3A_2271 : i32 to index
      %get3A_2309 = arith.constant 32 : index
      %get3A_2310 = tpu.vector_load %arg14[%get3A_2306, %get3A_2307, %get3A_2308, %get3A_2309] {strides = array<i32>} : memref<6x8x8x64xf32, #tpu.memory_space<vmem>>, vector<16xf32>,
      %mul3A_2311 = arith.mulf %get3A_2304, %get3A_2310 : vector<16xf32>
      %add3A_2312 = arith.addf %add3A_2298, %mul3A_2311 : vector<16xf32>
      %get3A_2313 = arith.constant 6 : i32
      %get3A_2314 = arith.index_cast %select_n3A_1841 : i32 to index
      %get3A_2315 = arith.index_cast %get3A_2313 : i32 to index
      %get3A_2316 = arith.index_cast %squeeze3A_2269 : i32 to index
      %get3A_2317 = arith.constant 48 : index
      %get3A_2318 = tpu.vector_load %arg13[%get3A_2314, %get3A_2315, %get3A_2316, %get3A_2317] {strides = array<i32>} : memref<6x8x8x64xf32, #tpu.memory_space<vmem>>, vector<16xf32>,
      %get3A_2319 = arith.constant 6 : i32
      %get3A_2320 = arith.index_cast %select_n3A_1841 : i32 to index
      %get3A_2321 = arith.index_cast %get3A_2319 : i32 to index
      %get3A_2322 = arith.index_cast %squeeze3A_2271 : i32 to index
      %get3A_2323 = arith.constant 48 : index
      %get3A_2324 = tpu.vector_load %arg14[%get3A_2320, %get3A_2321, %get3A_2322, %get3A_2323] {strides = array<i32>} : memref<6x8x8x64xf32, #tpu.memory_space<vmem>>, vector<16xf32>,
      %mul3A_2325 = arith.mulf %get3A_2318, %get3A_2324 : vector<16xf32>
      %add3A_2326 = arith.addf %add3A_2312, %mul3A_2325 : vector<16xf32>
      %eq3A_2327 = arith.constant 6 : i32
      %eq3A_2328 = vector.broadcast %eq3A_2327 : i32 to vector<16xi32>
      %eq3A_2329 = arith.cmpi eq, %iota3A, %eq3A_2328 : vector<16xi32>
      %reduce_sum3A_2330 = arith.constant true
      %reduce_sum3A_2331 = vector.broadcast %reduce_sum3A_2330 : i1 to vector<16xi1>
      %reduce_sum3A_2332 = tpu.scan <sum>, %add3A_2326 masked %reduce_sum3A_2331 : vector<16xf32>, vector<16xi1> -> vector<16xf32>
      %reduce_sum3A_2333 = vector.extract %reduce_sum3A_2332[15] : f32 from vector<16xf32>
      %add3A_2334 = vector.broadcast %reduce_sum3A_2333 : f32 to vector<16xf32>
      %add3A_2335 = arith.addf %select_n3A_2267, %add3A_2334 : vector<16xf32>
      %select_n3A_2336 = arith.select %eq3A_2329, %add3A_2335, %select_n3A_2267 : vector<16xi1>, vector<16xf32>
      %slice3A_2337 = vector.extract_strided_slice %and3A_1848 {offsets = [7], sizes = [1], strides = [1]} : vector<16xi32> to vector<1xi32>
      %squeeze3A_2338 = vector.extract %slice3A_2337[0] : i32 from vector<1xi32>
      %slice3A_2339 = vector.extract_strided_slice %and3A_1853 {offsets = [7], sizes = [1], strides = [1]} : vector<16xi32> to vector<1xi32>
      %squeeze3A_2340 = vector.extract %slice3A_2339[0] : i32 from vector<1xi32>
      %get3A_2341 = arith.constant 7 : i32
      %get3A_2342 = arith.index_cast %select_n3A_1841 : i32 to index
      %get3A_2343 = arith.index_cast %get3A_2341 : i32 to index
      %get3A_2344 = arith.index_cast %squeeze3A_2338 : i32 to index
      %get3A_2345 = arith.constant 0 : index
      %get3A_2346 = tpu.vector_load %arg13[%get3A_2342, %get3A_2343, %get3A_2344, %get3A_2345] {strides = array<i32>} : memref<6x8x8x64xf32, #tpu.memory_space<vmem>>, vector<16xf32>,
      %get3A_2347 = arith.constant 7 : i32
      %get3A_2348 = arith.index_cast %select_n3A_1841 : i32 to index
      %get3A_2349 = arith.index_cast %get3A_2347 : i32 to index
      %get3A_2350 = arith.index_cast %squeeze3A_2340 : i32 to index
      %get3A_2351 = arith.constant 0 : index
      %get3A_2352 = tpu.vector_load %arg14[%get3A_2348, %get3A_2349, %get3A_2350, %get3A_2351] {strides = array<i32>} : memref<6x8x8x64xf32, #tpu.memory_space<vmem>>, vector<16xf32>,
      %mul3A_2353 = arith.mulf %get3A_2346, %get3A_2352 : vector<16xf32>
      %get3A_2354 = arith.constant 7 : i32
      %get3A_2355 = arith.index_cast %select_n3A_1841 : i32 to index
      %get3A_2356 = arith.index_cast %get3A_2354 : i32 to index
      %get3A_2357 = arith.index_cast %squeeze3A_2338 : i32 to index
      %get3A_2358 = arith.constant 16 : index
      %get3A_2359 = tpu.vector_load %arg13[%get3A_2355, %get3A_2356, %get3A_2357, %get3A_2358] {strides = array<i32>} : memref<6x8x8x64xf32, #tpu.memory_space<vmem>>, vector<16xf32>,
      %get3A_2360 = arith.constant 7 : i32
      %get3A_2361 = arith.index_cast %select_n3A_1841 : i32 to index
      %get3A_2362 = arith.index_cast %get3A_2360 : i32 to index
      %get3A_2363 = arith.index_cast %squeeze3A_2340 : i32 to index
      %get3A_2364 = arith.constant 16 : index
      %get3A_2365 = tpu.vector_load %arg14[%get3A_2361, %get3A_2362, %get3A_2363, %get3A_2364] {strides = array<i32>} : memref<6x8x8x64xf32, #tpu.memory_space<vmem>>, vector<16xf32>,
      %mul3A_2366 = arith.mulf %get3A_2359, %get3A_2365 : vector<16xf32>
      %add3A_2367 = arith.addf %mul3A_2353, %mul3A_2366 : vector<16xf32>
      %get3A_2368 = arith.constant 7 : i32
      %get3A_2369 = arith.index_cast %select_n3A_1841 : i32 to index
      %get3A_2370 = arith.index_cast %get3A_2368 : i32 to index
      %get3A_2371 = arith.index_cast %squeeze3A_2338 : i32 to index
      %get3A_2372 = arith.constant 32 : index
      %get3A_2373 = tpu.vector_load %arg13[%get3A_2369, %get3A_2370, %get3A_2371, %get3A_2372] {strides = array<i32>} : memref<6x8x8x64xf32, #tpu.memory_space<vmem>>, vector<16xf32>,
      %get3A_2374 = arith.constant 7 : i32
      %get3A_2375 = arith.index_cast %select_n3A_1841 : i32 to index
      %get3A_2376 = arith.index_cast %get3A_2374 : i32 to index
      %get3A_2377 = arith.index_cast %squeeze3A_2340 : i32 to index
      %get3A_2378 = arith.constant 32 : index
      %get3A_2379 = tpu.vector_load %arg14[%get3A_2375, %get3A_2376, %get3A_2377, %get3A_2378] {strides = array<i32>} : memref<6x8x8x64xf32, #tpu.memory_space<vmem>>, vector<16xf32>,
      %mul3A_2380 = arith.mulf %get3A_2373, %get3A_2379 : vector<16xf32>
      %add3A_2381 = arith.addf %add3A_2367, %mul3A_2380 : vector<16xf32>
      %get3A_2382 = arith.constant 7 : i32
      %get3A_2383 = arith.index_cast %select_n3A_1841 : i32 to index
      %get3A_2384 = arith.index_cast %get3A_2382 : i32 to index
      %get3A_2385 = arith.index_cast %squeeze3A_2338 : i32 to index
      %get3A_2386 = arith.constant 48 : index
      %get3A_2387 = tpu.vector_load %arg13[%get3A_2383, %get3A_2384, %get3A_2385, %get3A_2386] {strides = array<i32>} : memref<6x8x8x64xf32, #tpu.memory_space<vmem>>, vector<16xf32>,
      %get3A_2388 = arith.constant 7 : i32
      %get3A_2389 = arith.index_cast %select_n3A_1841 : i32 to index
      %get3A_2390 = arith.index_cast %get3A_2388 : i32 to index
      %get3A_2391 = arith.index_cast %squeeze3A_2340 : i32 to index
      %get3A_2392 = arith.constant 48 : index
      %get3A_2393 = tpu.vector_load %arg14[%get3A_2389, %get3A_2390, %get3A_2391, %get3A_2392] {strides = array<i32>} : memref<6x8x8x64xf32, #tpu.memory_space<vmem>>, vector<16xf32>,
      %mul3A_2394 = arith.mulf %get3A_2387, %get3A_2393 : vector<16xf32>
      %add3A_2395 = arith.addf %add3A_2381, %mul3A_2394 : vector<16xf32>
      %eq3A_2396 = arith.constant 7 : i32
      %eq3A_2397 = vector.broadcast %eq3A_2396 : i32 to vector<16xi32>
      %eq3A_2398 = arith.cmpi eq, %iota3A, %eq3A_2397 : vector<16xi32>
      %reduce_sum3A_2399 = arith.constant true
      %reduce_sum3A_2400 = vector.broadcast %reduce_sum3A_2399 : i1 to vector<16xi1>
      %reduce_sum3A_2401 = tpu.scan <sum>, %add3A_2395 masked %reduce_sum3A_2400 : vector<16xf32>, vector<16xi1> -> vector<16xf32>
      %reduce_sum3A_2402 = vector.extract %reduce_sum3A_2401[15] : f32 from vector<16xf32>
      %add3A_2403 = vector.broadcast %reduce_sum3A_2402 : f32 to vector<16xf32>
      %add3A_2404 = arith.addf %select_n3A_2336, %add3A_2403 : vector<16xf32>
      %select_n3A_2405 = arith.select %eq3A_2398, %add3A_2404, %select_n3A_2336 : vector<16xi1>, vector<16xf32>
      %swap3A = arith.index_cast %mul3A_1843 : i32 to index
      %swap3A_2406 = tpu.vector_load %arg18[%swap3A] {strides = array<i32>} : memref<512xf32, #tpu.memory_space<vmem>>, vector<16xf32>,
      tpu.vector_store %arg18[%swap3A], %select_n3A_2405 {strides = array<i32>} : memref<512xf32, #tpu.memory_space<vmem>>, vector<16xf32>,
    }
    %scan3A_1727 = arith.constant 64 : i32
    %dma_wait3A = arith.constant 0 : i32
    %dma_wait3A_1728 = tpu.memref_slice %arg15[%dma_wait3A] : memref<512xf32, #tpu.memory_space<vmem>> -> memref<128xf32, #tpu.memory_space<vmem>>
    %dma_wait3A_1729 = arith.constant 0 : i32
    %dma_wait3A_1730 = tpu.memref_slice %arg11[%dma_wait3A_1729] : memref<528xi32, #tpu.memory_space<vmem>> -> memref<128xi32, #tpu.memory_space<vmem>>
    %dma_wait3A_1731 = arith.constant 0 : i32
    %dma_wait3A_1732 = tpu.memref_slice %arg6[%dma_wait3A_1731] : memref<1000000xf32, #tpu.memory_space<hbm>> -> memref<1000000xf32, #tpu.memory_space<hbm>>
    tpu.wait_indirect_dma semaphore(%arg19 : memref<!tpu.dma_semaphore, #tpu.memory_space<semaphore_mem>>) src(%dma_wait3A_1732 : memref<1000000xf32, #tpu.memory_space<hbm>>) dst(%dma_wait3A_1728 : memref<128xf32, #tpu.memory_space<vmem>>)
    %dma_wait3A_1733 = arith.constant 0 : i32
    %dma_wait3A_1734 = tpu.memref_slice %arg16[%dma_wait3A_1733] : memref<512xf32, #tpu.memory_space<vmem>> -> memref<128xf32, #tpu.memory_space<vmem>>
    %dma_wait3A_1735 = arith.constant 0 : i32
    %dma_wait3A_1736 = tpu.memref_slice %arg12[%dma_wait3A_1735] : memref<528xi32, #tpu.memory_space<vmem>> -> memref<128xi32, #tpu.memory_space<vmem>>
    %dma_wait3A_1737 = arith.constant 0 : i32
    %dma_wait3A_1738 = tpu.memref_slice %arg7[%dma_wait3A_1737] : memref<100000xf32, #tpu.memory_space<hbm>> -> memref<100000xf32, #tpu.memory_space<hbm>>
    tpu.wait_indirect_dma semaphore(%arg19 : memref<!tpu.dma_semaphore, #tpu.memory_space<semaphore_mem>>) src(%dma_wait3A_1738 : memref<100000xf32, #tpu.memory_space<hbm>>) dst(%dma_wait3A_1734 : memref<128xf32, #tpu.memory_space<vmem>>)
    %dma_wait3A_1739 = arith.constant 128 : i32
    %dma_wait3A_1740 = tpu.memref_slice %arg15[%dma_wait3A_1739] : memref<512xf32, #tpu.memory_space<vmem>> -> memref<128xf32, #tpu.memory_space<vmem>>
    %dma_wait3A_1741 = arith.constant 128 : i32
    %dma_wait3A_1742 = tpu.memref_slice %arg11[%dma_wait3A_1741] : memref<528xi32, #tpu.memory_space<vmem>> -> memref<128xi32, #tpu.memory_space<vmem>>
    %dma_wait3A_1743 = arith.constant 0 : i32
    %dma_wait3A_1744 = tpu.memref_slice %arg6[%dma_wait3A_1743] : memref<1000000xf32, #tpu.memory_space<hbm>> -> memref<1000000xf32, #tpu.memory_space<hbm>>
    tpu.wait_indirect_dma semaphore(%arg19 : memref<!tpu.dma_semaphore, #tpu.memory_space<semaphore_mem>>) src(%dma_wait3A_1744 : memref<1000000xf32, #tpu.memory_space<hbm>>) dst(%dma_wait3A_1740 : memref<128xf32, #tpu.memory_space<vmem>>)
    %dma_wait3A_1745 = arith.constant 128 : i32
    %dma_wait3A_1746 = tpu.memref_slice %arg16[%dma_wait3A_1745] : memref<512xf32, #tpu.memory_space<vmem>> -> memref<128xf32, #tpu.memory_space<vmem>>
    %dma_wait3A_1747 = arith.constant 128 : i32
    %dma_wait3A_1748 = tpu.memref_slice %arg12[%dma_wait3A_1747] : memref<528xi32, #tpu.memory_space<vmem>> -> memref<128xi32, #tpu.memory_space<vmem>>
    %dma_wait3A_1749 = arith.constant 0 : i32
    %dma_wait3A_1750 = tpu.memref_slice %arg7[%dma_wait3A_1749] : memref<100000xf32, #tpu.memory_space<hbm>> -> memref<100000xf32, #tpu.memory_space<hbm>>
    tpu.wait_indirect_dma semaphore(%arg19 : memref<!tpu.dma_semaphore, #tpu.memory_space<semaphore_mem>>) src(%dma_wait3A_1750 : memref<100000xf32, #tpu.memory_space<hbm>>) dst(%dma_wait3A_1746 : memref<128xf32, #tpu.memory_space<vmem>>)
    %dma_wait3A_1751 = arith.constant 256 : i32
    %dma_wait3A_1752 = tpu.memref_slice %arg15[%dma_wait3A_1751] : memref<512xf32, #tpu.memory_space<vmem>> -> memref<128xf32, #tpu.memory_space<vmem>>
    %dma_wait3A_1753 = arith.constant 256 : i32
    %dma_wait3A_1754 = tpu.memref_slice %arg11[%dma_wait3A_1753] : memref<528xi32, #tpu.memory_space<vmem>> -> memref<128xi32, #tpu.memory_space<vmem>>
    %dma_wait3A_1755 = arith.constant 0 : i32
    %dma_wait3A_1756 = tpu.memref_slice %arg6[%dma_wait3A_1755] : memref<1000000xf32, #tpu.memory_space<hbm>> -> memref<1000000xf32, #tpu.memory_space<hbm>>
    tpu.wait_indirect_dma semaphore(%arg19 : memref<!tpu.dma_semaphore, #tpu.memory_space<semaphore_mem>>) src(%dma_wait3A_1756 : memref<1000000xf32, #tpu.memory_space<hbm>>) dst(%dma_wait3A_1752 : memref<128xf32, #tpu.memory_space<vmem>>)
    %dma_wait3A_1757 = arith.constant 256 : i32
    %dma_wait3A_1758 = tpu.memref_slice %arg16[%dma_wait3A_1757] : memref<512xf32, #tpu.memory_space<vmem>> -> memref<128xf32, #tpu.memory_space<vmem>>
    %dma_wait3A_1759 = arith.constant 256 : i32
    %dma_wait3A_1760 = tpu.memref_slice %arg12[%dma_wait3A_1759] : memref<528xi32, #tpu.memory_space<vmem>> -> memref<128xi32, #tpu.memory_space<vmem>>
    %dma_wait3A_1761 = arith.constant 0 : i32
    %dma_wait3A_1762 = tpu.memref_slice %arg7[%dma_wait3A_1761] : memref<100000xf32, #tpu.memory_space<hbm>> -> memref<100000xf32, #tpu.memory_space<hbm>>
    tpu.wait_indirect_dma semaphore(%arg19 : memref<!tpu.dma_semaphore, #tpu.memory_space<semaphore_mem>>) src(%dma_wait3A_1762 : memref<100000xf32, #tpu.memory_space<hbm>>) dst(%dma_wait3A_1758 : memref<128xf32, #tpu.memory_space<vmem>>)
    %dma_wait3A_1763 = arith.constant 384 : i32
    %dma_wait3A_1764 = tpu.memref_slice %arg15[%dma_wait3A_1763] : memref<512xf32, #tpu.memory_space<vmem>> -> memref<128xf32, #tpu.memory_space<vmem>>
    %dma_wait3A_1765 = arith.constant 384 : i32
    %dma_wait3A_1766 = tpu.memref_slice %arg11[%dma_wait3A_1765] : memref<528xi32, #tpu.memory_space<vmem>> -> memref<128xi32, #tpu.memory_space<vmem>>
    %dma_wait3A_1767 = arith.constant 0 : i32
    %dma_wait3A_1768 = tpu.memref_slice %arg6[%dma_wait3A_1767] : memref<1000000xf32, #tpu.memory_space<hbm>> -> memref<1000000xf32, #tpu.memory_space<hbm>>
    tpu.wait_indirect_dma semaphore(%arg19 : memref<!tpu.dma_semaphore, #tpu.memory_space<semaphore_mem>>) src(%dma_wait3A_1768 : memref<1000000xf32, #tpu.memory_space<hbm>>) dst(%dma_wait3A_1764 : memref<128xf32, #tpu.memory_space<vmem>>)
    %dma_wait3A_1769 = arith.constant 384 : i32
    %dma_wait3A_1770 = tpu.memref_slice %arg16[%dma_wait3A_1769] : memref<512xf32, #tpu.memory_space<vmem>> -> memref<128xf32, #tpu.memory_space<vmem>>
    %dma_wait3A_1771 = arith.constant 384 : i32
    %dma_wait3A_1772 = tpu.memref_slice %arg12[%dma_wait3A_1771] : memref<528xi32, #tpu.memory_space<vmem>> -> memref<128xi32, #tpu.memory_space<vmem>>
    %dma_wait3A_1773 = arith.constant 0 : i32
    %dma_wait3A_1774 = tpu.memref_slice %arg7[%dma_wait3A_1773] : memref<100000xf32, #tpu.memory_space<hbm>> -> memref<100000xf32, #tpu.memory_space<hbm>>
    tpu.wait_indirect_dma semaphore(%arg19 : memref<!tpu.dma_semaphore, #tpu.memory_space<semaphore_mem>>) src(%dma_wait3A_1774 : memref<100000xf32, #tpu.memory_space<hbm>>) dst(%dma_wait3A_1770 : memref<128xf32, #tpu.memory_space<vmem>>)
    %get3A_1775 = arith.constant 0 : index
    %get3A_1776 = tpu.vector_load %arg17[%get3A_1775] {strides = array<i32>} : memref<16xf32, #tpu.memory_space<vmem>>, vector<16xf32>,
    %scan3A_1777 = arith.constant 0 : i32
    %scan3A_1778 = arith.constant 32 : i32
    %scan3A_1779 = arith.addi %scan3A_1777, %scan3A_1778 : i32
    %scan3A_1780 = arith.constant 1 : i32
    scf.for %scan3A_1782 = %scan3A_1777 to %scan3A_1779 step %scan3A_1780  : i32 {
      %mul3A_1783 = arith.constant 1 : i32
      %mul3A_1784 = arith.muli %scan3A_1782, %mul3A_1783 : i32
      %add3A_1785 = arith.constant 0 : i32
      %add3A_1786 = arith.addi %add3A_1785, %mul3A_1784 : i32
      %mul3A_1787 = arith.constant 16 : i32
      %mul3A_1788 = arith.muli %add3A_1786, %mul3A_1787 : i32
      %get3A_1789 = arith.index_cast %mul3A_1788 : i32 to index
      %get3A_1790 = tpu.vector_load %arg18[%get3A_1789] {strides = array<i32>} : memref<512xf32, #tpu.memory_space<vmem>>, vector<16xf32>,
      %get3A_1791 = arith.index_cast %mul3A_1788 : i32 to index
      %get3A_1792 = tpu.vector_load %arg15[%get3A_1791] {strides = array<i32>} : memref<512xf32, #tpu.memory_space<vmem>>, vector<16xf32>,
      %add3A_1793 = arith.addf %get3A_1790, %get3A_1792 : vector<16xf32>
      %get3A_1794 = arith.index_cast %mul3A_1788 : i32 to index
      %get3A_1795 = tpu.vector_load %arg16[%get3A_1794] {strides = array<i32>} : memref<512xf32, #tpu.memory_space<vmem>>, vector<16xf32>,
      %add3A_1796 = arith.addf %add3A_1793, %get3A_1795 : vector<16xf32>
      %add3A_1797 = arith.addf %add3A_1796, %get3A_1776 : vector<16xf32>
      %swap3A = arith.index_cast %mul3A_1788 : i32 to index
      %swap3A_1798 = tpu.vector_load %arg18[%swap3A] {strides = array<i32>} : memref<512xf32, #tpu.memory_space<vmem>>, vector<16xf32>,
      tpu.vector_store %arg18[%swap3A], %add3A_1797 {strides = array<i32>} : memref<512xf32, #tpu.memory_space<vmem>>, vector<16xf32>,
    }
    %scan3A_1781 = arith.constant 32 : i32
    "tpu.region"() ({
      %run_scoped3A = tpu.sem_alloc : memref<!tpu.dma_semaphore, #tpu.memory_space<semaphore_mem>>
      %dma_start3A_1782 = tpu.memref_slice %arg10[%mul3A_2] : memref<16384xf32, #tpu.memory_space<hbm>> -> memref<512xf32, #tpu.memory_space<hbm>>
      %dma_start3A_1783 = tpu.memref_slice %arg10[%mul3A_2] : memref<16384xf32, #tpu.memory_space<hbm>> -> memref<512xf32, #tpu.memory_space<hbm>>
      tpu.enqueue_dma source(%arg18 : memref<512xf32, #tpu.memory_space<vmem>>) target(%dma_start3A_1783 : memref<512xf32, #tpu.memory_space<hbm>>) target_semaphore(%run_scoped3A : memref<!tpu.dma_semaphore, #tpu.memory_space<semaphore_mem>>)
      %dma_wait3A_1784 = tpu.memref_slice %arg10[%mul3A_2] : memref<16384xf32, #tpu.memory_space<hbm>> -> memref<512xf32, #tpu.memory_space<hbm>>
      %dma_wait3A_1785 = tpu.memref_slice %arg10[%mul3A_2] : memref<16384xf32, #tpu.memory_space<hbm>> -> memref<512xf32, #tpu.memory_space<hbm>>
      tpu.wait_dma2 semaphore(%run_scoped3A : memref<!tpu.dma_semaphore, #tpu.memory_space<semaphore_mem>>) src(%arg18 : memref<512xf32, #tpu.memory_space<vmem>>) dst(%dma_wait3A_1785 : memref<512xf32, #tpu.memory_space<hbm>>)
      tpu.yield
    }) : () -> ()
    return
  }
}

module attributes {stable_mosaic.version = 14 : i64} {
  func.func @body(%arg0: i32, %arg1: memref<1x262144xf32, #tpu.memory_space<vmem>>, %arg2: memref<262144xf32, #tpu.memory_space<vmem>>) attributes {dimension_semantics = [#tpu.dimension_semantics<arbitrary>], iteration_bounds = array<i64: 4>, scalar_prefetch = 0 : i64, scratch_operands = 0 : i64, tpu.core_type = #tpu.core_type<tc>, window_params = [{transform_indices = @transform_0, window_bounds = array<i64: 1, 262144>}, {transform_indices = @transform_1, window_bounds = array<i64: 262144>}]} {
    %get3A = arith.constant 0 : index
    %get3A_0 = arith.constant 0 : index
    %get3A_1 = vector.load %arg1[%get3A, %get3A_0] : memref<1x262144xf32, #tpu.memory_space<vmem>>, vector<1x262144xf32>
    %reshape3A = vector.shape_cast %get3A_1 : vector<1x262144xf32> to vector<262144xf32>
    %swap3A = arith.constant 0 : index
    %swap3A_2 = vector.load %arg2[%swap3A] : memref<262144xf32, #tpu.memory_space<vmem>>, vector<262144xf32>
    tpu.vector_store %arg2[%swap3A], %reshape3A {strides = array<i32>} : memref<262144xf32, #tpu.memory_space<vmem>>, vector<262144xf32>,
    return
  }
  func.func @transform_0(%arg0: i32) -> (i32, i32) {
    %c0_i32 = arith.constant 0 : i32
    %c0_i32_0 = arith.constant 0 : i32
    return %c0_i32, %arg0 : i32, i32
  }
  func.func @transform_1(%arg0: i32) -> i32 {
    %c0_i32 = arith.constant 0 : i32
    return %arg0 : i32
  }
}

module attributes {stable_mosaic.version = 14 : i64} {
  func.func @body(%arg0: i32, %arg1: memref<1x262144xf32, #tpu.memory_space<vmem>>, %arg2: memref<262144xf32, #tpu.memory_space<vmem>>) attributes {dimension_semantics = [#tpu.dimension_semantics<arbitrary>], iteration_bounds = array<i64: 1>, scalar_prefetch = 0 : i64, scratch_operands = 0 : i64, tpu.core_type = #tpu.core_type<tc>, window_params = [{transform_indices = @transform_0, window_bounds = array<i64: 1, 262144>}, {transform_indices = @transform_1, window_bounds = array<i64: 262144>}]} {
    %get3A = arith.constant 0 : index
    %get3A_0 = arith.constant 0 : index
    %get3A_1 = vector.load %arg1[%get3A, %get3A_0] : memref<1x262144xf32, #tpu.memory_space<vmem>>, vector<1x262144xf32>
    %reshape3A = vector.shape_cast %get3A_1 : vector<1x262144xf32> to vector<262144xf32>
    %swap3A = arith.constant 0 : index
    %swap3A_2 = vector.load %arg2[%swap3A] : memref<262144xf32, #tpu.memory_space<vmem>>, vector<262144xf32>
    tpu.vector_store %arg2[%swap3A], %reshape3A {strides = array<i32>} : memref<262144xf32, #tpu.memory_space<vmem>>, vector<262144xf32>,
    return
  }
  func.func @transform_0(%arg0: i32) -> (i32, i32) {
    %c0_i32 = arith.constant 0 : i32
    %c0_i32_0 = arith.constant 0 : i32
    return %c0_i32, %arg0 : i32, i32
  }
  func.func @transform_1(%arg0: i32) -> i32 {
    %c0_i32 = arith.constant 0 : i32
    return %arg0 : i32
  }
}

</mosaic_0001>

<sc_bundles>
// kernel: kernel.5.cloned.1.call-start
scs
__scs_entry_jumppad:
0x0: {  	(pc) =	sbr.rel $0x88, $3  }
0x1: {  	(tag) =	ssettag $0x0;
	lr =	simm.s32 $0x1  }
0x2: {  	[smem:$0x3F9A] =	sst lr;
	_ =	strace $0xD0000000  }
0x3: {  	_ = 	snop  }
0x4: {  	_ = 	snop  }
0x5: {  	_ = 	snop  }
0x6: {  	_ = 	snop  }
0x7: {  	_ = 	snop  }
__scs_overlays_trampoline_lowered:
0x8: {  	[smem:$0x3FA9] =	sst s0  }
0x9: {  	[smem:$0x3FAA] =	sst s1  }
0xa: {  	[smem:$0x3FAB] =	sst s2  }
0xb: {  	[smem:$0x3FAC] =	sst s3  }
0xc: {  	[smem:$0x3FAD] =	sst s4  }
0xd: {  	[smem:$0x3FAE] =	sst s5  }
0xe: {  	[smem:$0x3FAF] =	sst s6  }
0xf: {  	[smem:$0x3FB0] =	sst s7  }
0x10: {  	[smem:$0x3FB1] =	sst s8  }
0x11: {  	[smem:$0x3FB2] =	sst s9;
	s0 =	simm.s32 @!p0 $0x0  }
0x12: {  	s1 =	sld [smem:$0x3F98];
	s0 =	simm.s32 @p0 $0x1  }
0x13: {  	[smem:$0x3FB3] =	sst s0;
	s0 =	simm.s32 @!p1 $0x0  }
0x14: {  	s2 =	sld [smem:$0x3F97];
	s0 =	simm.s32 @p1 $0x1  }
0x15: {  	[smem:$0x3FB4] =	sst s0;
	s0 =	simm.s32 @!p2 $0x0  }
0x16: {  	s3 =	sld [smem:$0x3FDB];
	s0 =	simm.s32 @p2 $0x1  }
0x17: {  	s4 =	simm.s32 $0x1BF5;
	[smem:$0x3FB6] =	sst s0  }
0x18: {  	s0 =	sld [smem:$0x3F99];
	_ =	swait.ge [sflag:s4], $0x0  }
0x19: {  	s7 =	sld [smem:$0x3F9A]  }
0x1a: {  	s8 =	sadd.s32 $0xFFFFE003, lr  }
0x1b: {  	s9 =	sadd.s32 $0xFFFFFEF7, lr;
	s5 =	simm.s32 $0xFFFFFFFF;
	p2 =	slt.u32 s8, $0xFFFFF086  }
0x1c: {  	p1 =	slt.u32 s9, $0xF7A;
	s5 =	simm.s32 @!p2 $0x0  }
0x1d: {  	s5 =	simm.s32 @p1 $0x1;
	p0 =	seq.s32 s7, s2  }
0x1e: {  	s7 =	smul.u32 @!p0 $0xF7A, s2;
	p2 =	seq.s32 @!p0 s5, $0x0  }
0x1f: {  	s9 =	smul.u32 $0xF7A, s1;
	s8 =	simm.s32 @!p0 $0x1BF5;
	p2 =	por !p2, p0  }
0x20: {  	[sflag:s8] =	ssyncset.s32 @!p0 $0xFFFFF086;
	s6 =	sadd.s32 @!p0 s3, s7;
	s7 =	simm.s32 @!p0 $0x108  }
0x21: {  	s3 =	sadd.s32 s3, s9;
	s6 =	sadd.s32 @!p0 $0x88, s6;
	s7 =	simm.s32 @p2 $0x1082  }
0x22: {  	[simem:s7], [sflag:s8] =	dma.local @!p0 [hbm:s6], $0xF7A  }
0x23: {  	s9 =	sor.u32 $0xD0000000, s2;
	s6 =	simm.s32 $0x108;
	_ =	swait.ge @!p0 [sflag:s8], $0x0  }
0x24: {  	s3 =	sadd.s32 $0x88, s3;
	s6 =	simm.s32 @!p1 $0x1082;
	[sflag:s4] =	ssyncset.s32 $0xFFFFF086  }
0x25: {  	[simem:s6], [sflag:s4] =	dma.local [hbm:s3], $0xF7A  }
0x26: {  	[smem:$0x3F9A] =	sst s1;
	(tag) =	ssettag s2;
	_ =	strace s9  }
0x27: {  	s1 =	sld [smem:$0x3FAA]  }
0x28: {  	s2 =	sld [smem:$0x3FAB]  }
0x29: {  	s4 =	sld [smem:$0x3FAD]  }
0x2a: {  	p0 =	seq.s32 s5, $0x0;
	s5 =	sld [smem:$0x3FAE]  }
0x2b: {  	s6 =	sld [smem:$0x3FAF]  }
0x2c: {  	s7 =	sld [smem:$0x3FB0]  }
0x2d: {  	s3 =	simm.s32 $0x108;
	s8 =	sld [smem:$0x3FB1]  }
0x2e: {  	s3 =	simm.s32 @!p0 $0x1082;
	s9 =	sld [smem:$0x3FB2]  }
0x2f: {  	lr =	sadd.s32 s0, s3;
	s0 =	sld [smem:$0x3FA9]  }
0x30: {  	s3 =	sld [smem:$0x3FAC]  }
0x31: {  	[smem:$0x3FB5] =	sst s10  }
0x32: {  	s10 =	sld [smem:$0x3FB3];
	_ =	sdelay $0x3  }
0x33: {  	p0 =	seq.s32 s10, $0x1;
	s10 =	sld [smem:$0x3FB5];
	_ =	sdelay $0x3  }
0x34: {  	[smem:$0x3FB5] =	sst s10  }
0x35: {  	s10 =	sld [smem:$0x3FB4];
	_ =	sdelay $0x3  }
0x36: {  	p1 =	seq.s32 s10, $0x1;
	s10 =	sld [smem:$0x3FB5];
	_ =	sdelay $0x3  }
0x37: {  	[smem:$0x3FB5] =	sst s10  }
0x38: {  	s10 =	sld [smem:$0x3FB6]  }
0x39: {  	_ = 	snop;
	(pc) =	sbr.ind lr, $3  }
0x3a: {  	_ = 	snop  }
0x3b: {  	_ = 	snop  }
0x3c: {  	p2 =	seq.s32 s10, $0x1;
	s10 =	sld [smem:$0x3FB5]  }
0x3d: {  	_ =	shalt  }
0x3e: {  	_ =	shalt  }
0x3f: {  	_ =	shalt  }
0x40: {  	_ =	shalt  }
0x41: {  	_ =	shalt  }
0x42: {  	_ =	shalt  }
0x43: {  	_ =	shalt  }
0x44: {  	_ =	shalt  }
0x45: {  	_ =	shalt  }
0x46: {  	_ =	shalt  }
0x47: {  	_ =	shalt  }
0x48: {  	_ =	shalt  }
0x49: {  	_ =	shalt  }
0x4a: {  	_ =	shalt  }
0x4b: {  	_ =	shalt  }
0x4c: {  	_ =	shalt  }
0x4d: {  	_ =	shalt  }
0x4e: {  	_ =	shalt  }
0x4f: {  	_ =	shalt  }
0x50: {  	_ =	shalt  }
0x51: {  	_ =	shalt  }
0x52: {  	_ =	shalt  }
0x53: {  	_ =	shalt  }
0x54: {  	_ =	shalt  }
0x55: {  	_ =	shalt  }
0x56: {  	_ =	shalt  }
0x57: {  	_ =	shalt  }
0x58: {  	_ =	shalt  }
0x59: {  	_ =	shalt  }
0x5a: {  	_ =	shalt  }
0x5b: {  	_ =	shalt  }
0x5c: {  	_ =	shalt  }
0x5d: {  	_ =	shalt  }
0x5e: {  	_ =	shalt  }
0x5f: {  	_ =	shalt  }
0x60: {  	_ =	shalt  }
0x61: {  	_ =	shalt  }
0x62: {  	_ =	shalt  }
0x63: {  	_ =	shalt  }
0x64: {  	_ =	shalt  }
0x65: {  	_ =	shalt  }
0x66: {  	_ =	shalt  }
0x67: {  	_ =	shalt  }
0x68: {  	_ =	shalt  }
0x69: {  	_ =	shalt  }
0x6a: {  	_ =	shalt  }
0x6b: {  	_ =	shalt  }
0x6c: {  	_ =	shalt  }
0x6d: {  	_ =	shalt  }
0x6e: {  	_ =	shalt  }
0x6f: {  	_ =	shalt  }
0x70: {  	_ =	shalt  }
0x71: {  	_ =	shalt  }
0x72: {  	_ =	shalt  }
0x73: {  	_ =	shalt  }
0x74: {  	_ =	shalt  }
0x75: {  	_ =	shalt  }
0x76: {  	_ =	shalt  }
0x77: {  	_ =	shalt  }
0x78: {  	_ =	shalt  }
0x79: {  	_ =	shalt  }
0x7a: {  	_ =	shalt  }
0x7b: {  	_ =	shalt  }
0x7c: {  	_ =	shalt  }
0x7d: {  	_ =	shalt  }
0x7e: {  	_ =	shalt  }
0x7f: {  	_ =	shalt  }
0x80: {  	_ =	shalt  }
0x81: {  	_ =	shalt  }
0x82: {  	_ =	shalt  }
0x83: {  	_ =	shalt  }
0x84: {  	_ =	shalt  }
0x85: {  	_ =	shalt  }
0x86: {  	_ =	shalt  }
0x87: {  	_ =	shalt  }
.Lfunc_end0:
.L_simem_size_0:
called_computation_lowered:
.L_overlay_start_0:
0x88: {  	s2 =	sld [smem:$0x3FD9]  }
0x89: {  	s3 =	sld [smem:$0x3FFE];
	_ =	sdelay $0x1  }
0x8a: {  	s1 =	srdreg.scid  }
0x8b: {  	s0 =	sand.u32 $0x1, s1  }
0x8c: {  	s17 =	sshll.u32 s0, $0xA;
	s2 =	sadd.s32 s3, s2  }
0x8d: {  	s2 =	sadd.s32 s2, s17  }
0x8e: {  	[smem:$0x3FC1] =	sst s2  }
0x8f: {  	_ = 	snop  }
0x90: {  	s2 =	sld [smem:$0x3FC9]  }
0x91: {  	s18 =	sld [smem:$0x3FC8]  }
0x92: {  	s4 =	sld [smem:$0x3FD0];
	(tm) =	ssettm $0x1  }
0x93: {  	s5 =	sld [smem:$0x3FFB];
	_ =	sdelay $0x3  }
0x94: {  	_ =	strace s5  }
0x95: {  	s5 =	sld [smem:$0x3FFC];
	_ =	sdelay $0x3  }
0x96: {  	_ =	strace s5  }
0x97: {  	s5 =	sld [smem:$0x3FFD];
	_ =	sdelay $0x3  }
0x98: {  	_ =	strace s5  }
0x99: {  	_ =	strace $0x8FFFFFFF  }
0x9a: {  	s19 =	sld [smem:$0x3FDB];
	_ =	sdelay $0x1  }
0x9b: {  	s6 =	simm.s32 $_scs_section_size  }
0x9c: {  	s7 =	simm.s32 $_size__tile_overlayer_lowered;
	s8 =	simm.s32 $_tile_overlayer_lowered  }
0x9d: {  	s22 =	simm.s32 $0x1BFF;
	s21 =	sshll.u32 s8, $0x1;
	s5 =	sadd.s32 s6, s19  }
0x9e: {  	s9 =	simm.s32 $0x0;
	s20 =	sshll.u32 s7, $0x1;
	s7 =	sadd.s32 s21, s5  }
0x9f: {  	[timem:s9], [sflag:s22] =	dma.local [hbm:s7], s20  }
0xa0: {  	_ =	swait.ge [sflag:s22], s20  }
0xa1: {  	s6 =	ssub.s32 $0x0, s20;
	[sflag:s22] =	ssyncset.done $0x0  }
0xa2: {  	[sflag:s22] =	ssyncadd.s32 s6;
	_ =	sdelay $0x1  }
0xa3: {  	s23 =	simm.s32 $0x1B8B  }
0xa4: {  	_ =	swait.ge [sflag:s23], $0x1  }
0xa5: {  	[sflag:s23] =	ssyncset.done $0x0  }
0xa6: {  	s25 =	simm.s32 $0x1B8E;
	s24 =	sld [smem:$0x3FFE];
	[sflag:s23] =	ssyncadd.s32 $0xFFFFFFFF  }
0xa7: {  	s26 =	simm.s32 $execute0_lowered;
	[smem:$0x3FD2] =	sst s25  }
0xa8: {  	s7 =	sshll.u32 s26, $0x1;
	_ =	strace $0x80000046;
	[dreg:$0x1] =	wrdreg $0xFFFFFFFF  }
0xa9: {  	s28 =	simm.s32 $_size_execute0_lowered;
	s5 =	sadd.s32 s5, s7;
	[dreg:$0x0] =	wrdreg $0x0  }
0xaa: {  	s7 =	sshll.u32 s28, $0x1;
	[dreg:$0x2] =	wrdreg s5  }
0xab: {  	[dreg:$0x3] =	wrdreg s7  }
0xac: {  	[dreg:$0x4] =	wrdreg $0xC0  }
0xad: {  	_ =	task [dreg:s9], $0x5FFFF  }
0xae: {  	[dreg:$0x1] =	wrdreg $0xFFFFFFFF  }
0xaf: {  	[dreg:$0x0] =	wrdreg $0x60  }
0xb0: {  	[dreg:$0x2] =	wrdreg s2  }
0xb1: {  	[dreg:$0x3] =	wrdreg s18  }
0xb2: {  	[dreg:$0x4] =	wrdreg s24  }
0xb3: {  	[dreg:$0x5] =	wrdreg s4  }
0xb4: {  	[dreg:$0x6] =	wrdreg $0x9  }
0xb5: {  	_ =	task.clear_ibuf [dreg:s9], $0x7FFFF;
	_ =	strace $0x90000046  }
0xb6: {  	s29 =	simm.s32 $0x9;
	_ =	strace $0x80000048  }
0xb7: {  	_ =	swait.ge [sflag:s29], $0x1  }
0xb8: {  	[sflag:s29] =	ssyncadd.s32 $0xFFFFFFFF  }
0xb9: {  	_ =	strace $0x90000048  }
0xba: {  	_ =	sfence  }
0xbb: {  	s30 =	sld [smem:$0x0];
	_ =	sdelay $0x2  }
0xbc: {  	s31 =	sshll.u32 s1, $0xD;
	s1 =	sshrl.u32 s1, $0x2  }
0xbd: {  	s3 =	sand.u32 $0x4000, s31;
	s1 =	sadd.s32 s1, s30  }
0xbe: {  	s0 =	sor.u32 s3, s0;
	s1 =	sshll.u32 s1, $0x11  }
0xbf: {  	s0 =	sor.u32 s1, s0  }
0xc0: {  	s0 =	sadd.s32 $0x8F2B, s0  }
0xc1: {  	[sflag:s0] =	ssyncadd.remote.s32 $0x1  }
0xc2: {  	_ =	sfence.sel $0xFFFF  }
0xc3: {  	[dreg:$0x0] =	wrdreg $0xFFFFFFFF;
	(pc) =	sbr.abs _section_cstart, $3  }
0xc4: {  	[dreg:$0x1] =	wrdreg $0xFFFFFFFF  }
0xc5: {  	_ =	task.clear_ibuf [dreg:s9], $0x2FFFF;
	_ =	strace $0x9FFFFFFF  }
0xc6: {  	(tm) =	ssettm $0x7FFFFFFF  }
0xc7: {  	_ =	shalt  }
tec
execute0_lowered:
.L_overlay_start_1:
0x0: {  	(tag) =	ssettag $0x1  }
0x1: {  	s0 =	rddreg [dreg:$0x0]  }
0x2: {  	s2 =	rddreg [dreg:$0x1]  }
0x3: {  	s7 =	rddreg [dreg:$0x2]  }
0x4: {  	s10 =	rddreg [dreg:$0x3]  }
0x5: {  	s1 =	simm.s32 $0x0;
	s6 =	srdreg.scid;
	s9 =	stileid.u32  }
0x6: {  	s14 =	simm.s32 $0x80;
	s25 =	simm.s32 $0x15500;
	s26 =	simm.s32 $0x9900  }
0x7: {  	s28 =	simm.s32 $0x15900;
	s29 =	simm.s32 $0x9D00;
	s30 =	simm.s32 $0x15D00  }
0x8: {  	s31 =	simm.s32 $0xA100;
	s13 =	simm.s32 $0x18980;
	s15 =	simm.s32 $0x0  }
0x9: {  	[smem:$0x7FF] =	sst s1;
	s3 =	sadd.s32 $0x1A9200, s7;
	s4 =	sadd.s32 $0x22800, s7  }
0xa: {  	s5 =	sadd.s32 $0x3E00, s7;
	s6 =	sand.u32 $0x1, s6;
	s9 =	sshll.u32 s9, $0x7  }
0xb: {  	_ =	strace $0x80000047;
	s8 =	ssub.s32 $0x2, s6;
	s11 =	sshll.u32 s6, $0x6  }
0xc: {  	vm0 =	vmmov $0x1;
	s6 =	sadd.s32 $0xC00, s7;
	s12 =	sshrl.u32 s8, $0x1;
	s11 =	sor.u32 s11, s9  }
0xd: {  	vm1 =	vcmask $0x30C;
	vm2 =	vcmask $0xF0C;
	vm3 =	vcmask $0x714;
	s7 =	sadd.s32 $0x10EB600, s7;
	s12 =	ssub.s32 s8, s12;
	s8 =	sadd.s32 s0, s11  }
0xe: {  	vm4 =	vcmask $0xF18;
	vm5 =	vcmask $0x131C;
	vm6 =	vcmask $0x1720;
	s9 =	sadd.s32 s2, s11;
	s10 =	sadd.s32 s10, s11;
	s0 =	simm.s32 $0x16100  }
0xf: {  	vm7 =	vcmask $0x1B20;
	vm2 =	vmor vm3, vm2;
	vm3 =	vcmask $0xB14;
	s2 =	simm.s32 $0x1;
	s11 =	smax.u32 s12, $0x1;
	s12 =	simm.s32 $0x8  }
.LBB2_1:
0x10: {  	[tilespmem:s1], [sflag:$0x8] =	stream.linear.gather [hbm4b:s8+s1], $0x200, $0x38;
	[tilespmem:$0x18B80] =	vst v63  }
0x11: {  	_ =	swait.ge [sflag:s12], $0x200  }
0x12: {  	[sflag:s12] =	ssyncset.done $0x0  }
0x13: {  	s16 =	simm.s32 $0x280;
	[sflag:s12] =	ssyncadd.s32 $0xFFFFFE00  }
0x14: {  	[tilespmem:s16], [sflag:$0x8] =	stream.linear.gather [hbm4b:s9+s1], $0x200, $0x38;
	[tilespmem:$0x18B80] =	vst v63  }
0x15: {  	_ =	swait.ge [sflag:s12], $0x200  }
0x16: {  	[sflag:s12] =	ssyncset.done $0x0  }
0x17: {  	s17 =	simm.s32 $0x18900;
	[sflag:s12] =	ssyncadd.s32 $0xFFFFFE00  }
0x18: {  	[tilespmem:s17], [sflag:$0x8] =	stream.linear.gather [hbm4b:s7+s1], $0x80, $0x38;
	[tilespmem:$0x18B80] =	vst v63  }
0x19: {  	_ =	swait.ge [sflag:s12], $0x80  }
0x1a: {  	[sflag:s12] =	ssyncset.done $0x0  }
0x1b: {  	s24 =	simm.s32 $0x18500;
	[sflag:s12] =	ssyncadd.s32 $0xFFFFFF80  }
0x1c: {  	[tilespmem:s24], [sflag:$0x1] =	stream.indirect.gather [hbm4b:s5+s14], $0x1, s1, s14, $0xb8;
	[tilespmem:$0x18B80] =	vst v63  }
0x1d: {  	s18 =	simm.s32 $0x18700  }
0x1e: {  	[tilespmem:s18], [sflag:$0x1] =	stream.indirect.gather [hbm4b:s6+s14], $0x1, s16, s14, $0xb8;
	[tilespmem:$0x18B80] =	vst v63  }
0x1f: {  	s19 =	simm.s32 $0x18580  }
0x20: {  	[tilespmem:s19], [sflag:$0x1] =	stream.indirect.gather [hbm4b:s5+s14], $0x1, s14, s14, $0xb8;
	[tilespmem:$0x18B80] =	vst v63  }
0x21: {  	s20 =	simm.s32 $0x300;
	s18 =	simm.s32 $0x18780  }
0x22: {  	[tilespmem:s18], [sflag:$0x1] =	stream.indirect.gather [hbm4b:s6+s14], $0x1, s20, s14, $0xb8;
	[tilespmem:$0x18B80] =	vst v63  }
0x23: {  	s21 =	simm.s32 $0x100;
	s22 =	simm.s32 $0x18600  }
0x24: {  	[tilespmem:s22], [sflag:$0x1] =	stream.indirect.gather [hbm4b:s5+s14], $0x1, s21, s14, $0xb8;
	[tilespmem:$0x18B80] =	vst v63  }
0x25: {  	s23 =	simm.s32 $0x380;
	s24 =	simm.s32 $0x18800  }
0x26: {  	[tilespmem:s24], [sflag:$0x1] =	stream.indirect.gather [hbm4b:s6+s14], $0x1, s23, s14, $0xb8;
	[tilespmem:$0x18B80] =	vst v63  }
0x27: {  	s19 =	simm.s32 $0x180;
	s20 =	simm.s32 $0x18680  }
0x28: {  	[tilespmem:s20], [sflag:$0x1] =	stream.indirect.gather [hbm4b:s5+s14], $0x1, s19, s14, $0xb8;
	[tilespmem:$0x18B80] =	vst v63  }
0x29: {  	s21 =	simm.s32 $0x400;
	s22 =	simm.s32 $0x18880  }
0x2a: {  	[tilespmem:s22], [sflag:$0x1] =	stream.indirect.gather [hbm4b:s6+s14], $0x1, s21, s14, $0xb8;
	[tilespmem:$0x18B80] =	vst v63  }
0x2b: {  	v0 =	vld [tilespmem:$0x0];
	_ =	sdelay $0x1  }
0x2c: {  	v1 =	vld [tilespmem:$0x280];
	_ =	sdelay $0x2  }
0x2d: {  	v0 =	vand.u32 $0xFFFFFFF8, v0  }
0x2e: {  	v0 =	vshll.u32 v0, $0x4  }
0x2f: {  	v1 =	vand.u32 $0xFFFFFFF8, v1;
	v0 =	vadd.s32 s3, v0  }
0x30: {  	v1 =	vshll.u32 v1, $0x4;
	(v2sf) =	vpush v0, $0x0  }
0x31: {  	v1 =	vadd.s32 s4, v1  }
0x32: {  	(v2sf) =	vpush v1, $0x0;
	_ =	sdelay $0x1  }
0x33: {  	(v2sf) =	vpush v0, $0x1;
	_ =	sdelay $0x1  }
0x34: {  	(v2sf) =	vpush v1, $0x1;
	_ =	sdelay $0x1  }
0x35: {  	(v2sf) =	vpush v0, $0x2;
	_ =	sdelay $0x1  }
0x36: {  	(v2sf) =	vpush v1, $0x2;
	_ =	sdelay $0x1  }
0x37: {  	(v2sf) =	vpush v0, $0x3;
	_ =	sdelay $0x1  }
0x38: {  	(v2sf) =	vpush v1, $0x3  }
0x39: {  	s24 =	simm.s32 $0x500;
	s23 =	spop (v2sf)  }
0x3a: {  	(v2sf) =	vpush v0, $0x4;
	[tilespmem:s24], [sflag:$0x2] =	stream.linear.gather [hbm4b:s23+s1], $0x400, $0x38;
	[tilespmem:$0x18B80] =	vst v63  }
0x3b: {  	s20 =	simm.s32 $0xC500;
	s19 =	spop (v2sf)  }
0x3c: {  	(v2sf) =	vpush v1, $0x4;
	[tilespmem:s20], [sflag:$0x2] =	stream.linear.gather [hbm4b:s19+s1], $0x400, $0x38;
	[tilespmem:$0x18B80] =	vst v63  }
0x3d: {  	s22 =	simm.s32 $0x900;
	s21 =	spop (v2sf)  }
0x3e: {  	(v2sf) =	vpush v0, $0x5;
	[tilespmem:s22], [sflag:$0x2] =	stream.linear.gather [hbm4b:s21+s1], $0x400, $0x38;
	[tilespmem:$0x18B80] =	vst v63  }
0x3f: {  	s24 =	simm.s32 $0xC900;
	s23 =	spop (v2sf)  }
0x40: {  	(v2sf) =	vpush v1, $0x5;
	[tilespmem:s24], [sflag:$0x2] =	stream.linear.gather [hbm4b:s23+s1], $0x400, $0x38;
	[tilespmem:$0x18B80] =	vst v63  }
0x41: {  	s20 =	simm.s32 $0xD00;
	s19 =	spop (v2sf)  }
0x42: {  	(v2sf) =	vpush v0, $0x6;
	[tilespmem:s20], [sflag:$0x2] =	stream.linear.gather [hbm4b:s19+s1], $0x400, $0x38;
	[tilespmem:$0x18B80] =	vst v63  }
0x43: {  	s21 =	spop (v2sf);
	s22 =	simm.s32 $0xCD00  }
0x44: {  	(v2sf) =	vpush v1, $0x6;
	[tilespmem:s22], [sflag:$0x2] =	stream.linear.gather [hbm4b:s21+s1], $0x400, $0x38;
	[tilespmem:$0x18B80] =	vst v63  }
0x45: {  	s23 =	spop (v2sf);
	s24 =	simm.s32 $0x1100  }
0x46: {  	(v2sf) =	vpush v0, $0x7;
	[tilespmem:s24], [sflag:$0x2] =	stream.linear.gather [hbm4b:s23+s1], $0x400, $0x38;
	[tilespmem:$0x18B80] =	vst v63  }
0x47: {  	s19 =	spop (v2sf);
	s20 =	simm.s32 $0xD100  }
0x48: {  	(v2sf) =	vpush v1, $0x7;
	[tilespmem:s20], [sflag:$0x2] =	stream.linear.gather [hbm4b:s19+s1], $0x400, $0x38;
	[tilespmem:$0x18B80] =	vst v63  }
0x49: {  	s22 =	simm.s32 $0x1500;
	s21 =	spop (v2sf)  }
0x4a: {  	[tilespmem:s22], [sflag:$0x2] =	stream.linear.gather [hbm4b:s21+s1], $0x400, $0x38;
	[tilespmem:$0x18B80] =	vst v63  }
0x4b: {  	s24 =	simm.s32 $0xD500;
	s23 =	spop (v2sf)  }
0x4c: {  	[tilespmem:s24], [sflag:$0x2] =	stream.linear.gather [hbm4b:s23+s1], $0x400, $0x38;
	[tilespmem:$0x18B80] =	vst v63  }
0x4d: {  	s20 =	simm.s32 $0x1900;
	s19 =	spop (v2sf)  }
0x4e: {  	[tilespmem:s20], [sflag:$0x2] =	stream.linear.gather [hbm4b:s19+s1], $0x400, $0x38;
	[tilespmem:$0x18B80] =	vst v63  }
0x4f: {  	s22 =	simm.s32 $0xD900;
	s21 =	spop (v2sf)  }
0x50: {  	[tilespmem:s22], [sflag:$0x2] =	stream.linear.gather [hbm4b:s21+s1], $0x400, $0x38;
	[tilespmem:$0x18B80] =	vst v63  }
0x51: {  	s23 =	spop (v2sf);
	s24 =	simm.s32 $0x1D00  }
0x52: {  	[tilespmem:s24], [sflag:$0x2] =	stream.linear.gather [hbm4b:s23+s1], $0x400, $0x38;
	[tilespmem:$0x18B80] =	vst v63  }
0x53: {  	s19 =	spop (v2sf);
	s20 =	simm.s32 $0xDD00  }
0x54: {  	[tilespmem:s20], [sflag:$0x2] =	stream.linear.gather [hbm4b:s19+s1], $0x400, $0x38;
	[tilespmem:$0x18B80] =	vst v63  }
0x55: {  	s21 =	spop (v2sf);
	s22 =	simm.s32 $0x2100  }
0x56: {  	[tilespmem:s22], [sflag:$0x2] =	stream.linear.gather [hbm4b:s21+s1], $0x400, $0x38;
	[tilespmem:$0x18B80] =	vst v63  }
0x57: {  	s23 =	spop (v2sf);
	s24 =	simm.s32 $0xE100  }
0x58: {  	[tilespmem:s24], [sflag:$0x2] =	stream.linear.gather [hbm4b:s23+s1], $0x400, $0x38;
	[tilespmem:$0x18B80] =	vst v63  }
0x59: {  	v56 =	vld [tilespmem:$0x8];
	_ =	sdelay $0x1  }
0x5a: {  	v57 =	vld [tilespmem:$0x288];
	_ =	sdelay $0x2  }
0x5b: {  	v0 =	vand.u32 $0xFFFFFFF8, v56  }
0x5c: {  	v0 =	vshll.u32 v0, $0x4  }
0x5d: {  	v1 =	vand.u32 $0xFFFFFFF8, v57;
	v0 =	vadd.s32 s3, v0  }
0x5e: {  	v1 =	vshll.u32 v1, $0x4;
	(v2sf) =	vpush v0, $0x0  }
0x5f: {  	v1 =	vadd.s32 s4, v1  }
0x60: {  	(v2sf) =	vpush v1, $0x0;
	_ =	sdelay $0x1  }
0x61: {  	(v2sf) =	vpush v0, $0x1;
	_ =	sdelay $0x1  }
0x62: {  	(v2sf) =	vpush v1, $0x1;
	_ =	sdelay $0x1  }
0x63: {  	(v2sf) =	vpush v0, $0x2;
	_ =	sdelay $0x1  }
0x64: {  	(v2sf) =	vpush v1, $0x2;
	_ =	sdelay $0x1  }
0x65: {  	(v2sf) =	vpush v0, $0x3;
	_ =	sdelay $0x1  }
0x66: {  	(v2sf) =	vpush v1, $0x3  }
0x67: {  	s20 =	simm.s32 $0x2500;
	s19 =	spop (v2sf)  }
0x68: {  	(v2sf) =	vpush v0, $0x4;
	[tilespmem:s20], [sflag:$0x3] =	stream.linear.gather [hbm4b:s19+s1], $0x400, $0x38;
	[tilespmem:$0x18B80] =	vst v63  }
0x69: {  	s22 =	simm.s32 $0xE500;
	s21 =	spop (v2sf)  }
0x6a: {  	(v2sf) =	vpush v1, $0x4;
	[tilespmem:s22], [sflag:$0x3] =	stream.linear.gather [hbm4b:s21+s1], $0x400, $0x38;
	[tilespmem:$0x18B80] =	vst v63  }
0x6b: {  	s24 =	simm.s32 $0x2900;
	s23 =	spop (v2sf)  }
0x6c: {  	(v2sf) =	vpush v0, $0x5;
	[tilespmem:s24], [sflag:$0x3] =	stream.linear.gather [hbm4b:s23+s1], $0x400, $0x38;
	[tilespmem:$0x18B80] =	vst v63  }
0x6d: {  	s20 =	simm.s32 $0xE900;
	s19 =	spop (v2sf)  }
0x6e: {  	(v2sf) =	vpush v1, $0x5;
	[tilespmem:s20], [sflag:$0x3] =	stream.linear.gather [hbm4b:s19+s1], $0x400, $0x38;
	[tilespmem:$0x18B80] =	vst v63  }
0x6f: {  	s22 =	simm.s32 $0x2D00;
	s21 =	spop (v2sf)  }
0x70: {  	(v2sf) =	vpush v0, $0x6;
	[tilespmem:s22], [sflag:$0x3] =	stream.linear.gather [hbm4b:s21+s1], $0x400, $0x38;
	[tilespmem:$0x18B80] =	vst v63  }
0x71: {  	s23 =	spop (v2sf);
	s24 =	simm.s32 $0xED00  }
0x72: {  	(v2sf) =	vpush v1, $0x6;
	[tilespmem:s24], [sflag:$0x3] =	stream.linear.gather [hbm4b:s23+s1], $0x400, $0x38;
	[tilespmem:$0x18B80] =	vst v63  }
0x73: {  	s19 =	spop (v2sf);
	s20 =	simm.s32 $0x3100  }
0x74: {  	(v2sf) =	vpush v0, $0x7;
	[tilespmem:s20], [sflag:$0x3] =	stream.linear.gather [hbm4b:s19+s1], $0x400, $0x38;
	[tilespmem:$0x18B80] =	vst v63  }
0x75: {  	s21 =	spop (v2sf);
	s22 =	simm.s32 $0xF100  }
0x76: {  	(v2sf) =	vpush v1, $0x7;
	[tilespmem:s22], [sflag:$0x3] =	stream.linear.gather [hbm4b:s21+s1], $0x400, $0x38;
	[tilespmem:$0x18B80] =	vst v63  }
0x77: {  	s24 =	simm.s32 $0x3500;
	s23 =	spop (v2sf)  }
0x78: {  	[tilespmem:s24], [sflag:$0x3] =	stream.linear.gather [hbm4b:s23+s1], $0x400, $0x38;
	[tilespmem:$0x18B80] =	vst v63  }
0x79: {  	s20 =	simm.s32 $0xF500;
	s19 =	spop (v2sf)  }
0x7a: {  	[tilespmem:s20], [sflag:$0x3] =	stream.linear.gather [hbm4b:s19+s1], $0x400, $0x38;
	[tilespmem:$0x18B80] =	vst v63  }
0x7b: {  	s22 =	simm.s32 $0x3900;
	s21 =	spop (v2sf)  }
0x7c: {  	[tilespmem:s22], [sflag:$0x3] =	stream.linear.gather [hbm4b:s21+s1], $0x400, $0x38;
	[tilespmem:$0x18B80] =	vst v63  }
0x7d: {  	s24 =	simm.s32 $0xF900;
	s23 =	spop (v2sf)  }
0x7e: {  	[tilespmem:s24], [sflag:$0x3] =	stream.linear.gather [hbm4b:s23+s1], $0x400, $0x38;
	[tilespmem:$0x18B80] =	vst v63  }
0x7f: {  	s19 =	spop (v2sf);
	s20 =	simm.s32 $0x3D00  }
0x80: {  	[tilespmem:s20], [sflag:$0x3] =	stream.linear.gather [hbm4b:s19+s1], $0x400, $0x38;
	[tilespmem:$0x18B80] =	vst v63  }
0x81: {  	s21 =	spop (v2sf);
	s22 =	simm.s32 $0xFD00  }
0x82: {  	[tilespmem:s22], [sflag:$0x3] =	stream.linear.gather [hbm4b:s21+s1], $0x400, $0x38;
	[tilespmem:$0x18B80] =	vst v63  }
0x83: {  	s23 =	spop (v2sf);
	s24 =	simm.s32 $0x4100  }
0x84: {  	[tilespmem:s24], [sflag:$0x3] =	stream.linear.gather [hbm4b:s23+s1], $0x400, $0x38;
	[tilespmem:$0x18B80] =	vst v63  }
0x85: {  	s19 =	spop (v2sf);
	s20 =	simm.s32 $0x10100  }
0x86: {  	[tilespmem:s20], [sflag:$0x3] =	stream.linear.gather [hbm4b:s19+s1], $0x400, $0x38;
	[tilespmem:$0x18B80] =	vst v63  }
0x87: {  	v58 =	vld [tilespmem:$0x10];
	_ =	sdelay $0x1  }
0x88: {  	v59 =	vld [tilespmem:$0x290];
	_ =	sdelay $0x2  }
0x89: {  	v0 =	vand.u32 $0xFFFFFFF8, v58  }
0x8a: {  	v0 =	vshll.u32 v0, $0x4  }
0x8b: {  	v1 =	vand.u32 $0xFFFFFFF8, v59;
	v0 =	vadd.s32 s3, v0  }
0x8c: {  	v1 =	vshll.u32 v1, $0x4;
	(v2sf) =	vpush v0, $0x0  }
0x8d: {  	v1 =	vadd.s32 s4, v1  }
0x8e: {  	(v2sf) =	vpush v1, $0x0;
	_ =	sdelay $0x1  }
0x8f: {  	(v2sf) =	vpush v0, $0x1;
	_ =	sdelay $0x1  }
0x90: {  	(v2sf) =	vpush v1, $0x1;
	_ =	sdelay $0x1  }
0x91: {  	(v2sf) =	vpush v0, $0x2;
	_ =	sdelay $0x1  }
0x92: {  	(v2sf) =	vpush v1, $0x2;
	_ =	sdelay $0x1  }
0x93: {  	(v2sf) =	vpush v0, $0x3;
	_ =	sdelay $0x1  }
0x94: {  	(v2sf) =	vpush v1, $0x3  }
0x95: {  	s22 =	simm.s32 $0x4500;
	s21 =	spop (v2sf)  }
0x96: {  	(v2sf) =	vpush v0, $0x4;
	[tilespmem:s22], [sflag:$0x4] =	stream.linear.gather [hbm4b:s21+s1], $0x400, $0x38;
	[tilespmem:$0x18B80] =	vst v63  }
0x97: {  	s24 =	simm.s32 $0x10500;
	s23 =	spop (v2sf)  }
0x98: {  	(v2sf) =	vpush v1, $0x4;
	[tilespmem:s24], [sflag:$0x4] =	stream.linear.gather [hbm4b:s23+s1], $0x400, $0x38;
	[tilespmem:$0x18B80] =	vst v63  }
0x99: {  	s20 =	simm.s32 $0x4900;
	s19 =	spop (v2sf)  }
0x9a: {  	(v2sf) =	vpush v0, $0x5;
	[tilespmem:s20], [sflag:$0x4] =	stream.linear.gather [hbm4b:s19+s1], $0x400, $0x38;
	[tilespmem:$0x18B80] =	vst v63  }
0x9b: {  	s22 =	simm.s32 $0x10900;
	s21 =	spop (v2sf)  }
0x9c: {  	(v2sf) =	vpush v1, $0x5;
	[tilespmem:s22], [sflag:$0x4] =	stream.linear.gather [hbm4b:s21+s1], $0x400, $0x38;
	[tilespmem:$0x18B80] =	vst v63  }
0x9d: {  	s24 =	simm.s32 $0x4D00;
	s23 =	spop (v2sf)  }
0x9e: {  	(v2sf) =	vpush v0, $0x6;
	[tilespmem:s24], [sflag:$0x4] =	stream.linear.gather [hbm4b:s23+s1], $0x400, $0x38;
	[tilespmem:$0x18B80] =	vst v63  }
0x9f: {  	s19 =	spop (v2sf);
	s20 =	simm.s32 $0x10D00  }
0xa0: {  	(v2sf) =	vpush v1, $0x6;
	[tilespmem:s20], [sflag:$0x4] =	stream.linear.gather [hbm4b:s19+s1], $0x400, $0x38;
	[tilespmem:$0x18B80] =	vst v63  }
0xa1: {  	s21 =	spop (v2sf);
	s22 =	simm.s32 $0x5100  }
0xa2: {  	(v2sf) =	vpush v0, $0x7;
	[tilespmem:s22], [sflag:$0x4] =	stream.linear.gather [hbm4b:s21+s1], $0x400, $0x38;
	[tilespmem:$0x18B80] =	vst v63  }
0xa3: {  	s23 =	spop (v2sf);
	s24 =	simm.s32 $0x11100  }
0xa4: {  	(v2sf) =	vpush v1, $0x7;
	[tilespmem:s24], [sflag:$0x4] =	stream.linear.gather [hbm4b:s23+s1], $0x400, $0x38;
	[tilespmem:$0x18B80] =	vst v63  }
0xa5: {  	s20 =	simm.s32 $0x5500;
	s19 =	spop (v2sf)  }
0xa6: {  	[tilespmem:s20], [sflag:$0x4] =	stream.linear.gather [hbm4b:s19+s1], $0x400, $0x38;
	[tilespmem:$0x18B80] =	vst v63  }
0xa7: {  	s22 =	simm.s32 $0x11500;
	s21 =	spop (v2sf)  }
0xa8: {  	[tilespmem:s22], [sflag:$0x4] =	stream.linear.gather [hbm4b:s21+s1], $0x400, $0x38;
	[tilespmem:$0x18B80] =	vst v63  }
0xa9: {  	s24 =	simm.s32 $0x5900;
	s23 =	spop (v2sf)  }
0xaa: {  	[tilespmem:s24], [sflag:$0x4] =	stream.linear.gather [hbm4b:s23+s1], $0x400, $0x38;
	[tilespmem:$0x18B80] =	vst v63  }
0xab: {  	s20 =	simm.s32 $0x11900;
	s19 =	spop (v2sf)  }
0xac: {  	[tilespmem:s20], [sflag:$0x4] =	stream.linear.gather [hbm4b:s19+s1], $0x400, $0x38;
	[tilespmem:$0x18B80] =	vst v63  }
0xad: {  	s21 =	spop (v2sf);
	s22 =	simm.s32 $0x5D00  }
0xae: {  	[tilespmem:s22], [sflag:$0x4] =	stream.linear.gather [hbm4b:s21+s1], $0x400, $0x38;
	[tilespmem:$0x18B80] =	vst v63  }
0xaf: {  	s23 =	spop (v2sf);
	s24 =	simm.s32 $0x11D00  }
0xb0: {  	[tilespmem:s24], [sflag:$0x4] =	stream.linear.gather [hbm4b:s23+s1], $0x400, $0x38;
	[tilespmem:$0x18B80] =	vst v63  }
0xb1: {  	s19 =	spop (v2sf);
	s20 =	simm.s32 $0x6100  }
0xb2: {  	[tilespmem:s20], [sflag:$0x4] =	stream.linear.gather [hbm4b:s19+s1], $0x400, $0x38;
	[tilespmem:$0x18B80] =	vst v63  }
0xb3: {  	s21 =	spop (v2sf);
	s22 =	simm.s32 $0x12100  }
0xb4: {  	[tilespmem:s22], [sflag:$0x4] =	stream.linear.gather [hbm4b:s21+s1], $0x400, $0x38;
	[tilespmem:$0x18B80] =	vst v63  }
0xb5: {  	v60 =	vld [tilespmem:$0x18];
	_ =	sdelay $0x1  }
0xb6: {  	v61 =	vld [tilespmem:$0x298];
	_ =	sdelay $0x2  }
0xb7: {  	v0 =	vand.u32 $0xFFFFFFF8, v60  }
0xb8: {  	v0 =	vshll.u32 v0, $0x4  }
0xb9: {  	v1 =	vand.u32 $0xFFFFFFF8, v61;
	v0 =	vadd.s32 s3, v0  }
0xba: {  	v1 =	vshll.u32 v1, $0x4;
	(v2sf) =	vpush v0, $0x0  }
0xbb: {  	v1 =	vadd.s32 s4, v1  }
0xbc: {  	(v2sf) =	vpush v1, $0x0;
	_ =	sdelay $0x1  }
0xbd: {  	(v2sf) =	vpush v0, $0x1;
	_ =	sdelay $0x1  }
0xbe: {  	(v2sf) =	vpush v1, $0x1;
	_ =	sdelay $0x1  }
0xbf: {  	(v2sf) =	vpush v0, $0x2;
	_ =	sdelay $0x1  }
0xc0: {  	(v2sf) =	vpush v1, $0x2;
	_ =	sdelay $0x1  }
0xc1: {  	(v2sf) =	vpush v0, $0x3;
	_ =	sdelay $0x1  }
0xc2: {  	(v2sf) =	vpush v1, $0x3  }
0xc3: {  	s24 =	simm.s32 $0x6500;
	s23 =	spop (v2sf)  }
0xc4: {  	(v2sf) =	vpush v0, $0x4;
	[tilespmem:s24], [sflag:$0x5] =	stream.linear.gather [hbm4b:s23+s1], $0x400, $0x38;
	[tilespmem:$0x18B80] =	vst v63  }
0xc5: {  	s20 =	simm.s32 $0x12500;
	s19 =	spop (v2sf)  }
0xc6: {  	(v2sf) =	vpush v1, $0x4;
	[tilespmem:s20], [sflag:$0x5] =	stream.linear.gather [hbm4b:s19+s1], $0x400, $0x38;
	[tilespmem:$0x18B80] =	vst v63  }
0xc7: {  	s22 =	simm.s32 $0x6900;
	s21 =	spop (v2sf)  }
0xc8: {  	(v2sf) =	vpush v0, $0x5;
	[tilespmem:s22], [sflag:$0x5] =	stream.linear.gather [hbm4b:s21+s1], $0x400, $0x38;
	[tilespmem:$0x18B80] =	vst v63  }
0xc9: {  	s24 =	simm.s32 $0x12900;
	s23 =	spop (v2sf)  }
0xca: {  	(v2sf) =	vpush v1, $0x5;
	[tilespmem:s24], [sflag:$0x5] =	stream.linear.gather [hbm4b:s23+s1], $0x400, $0x38;
	[tilespmem:$0x18B80] =	vst v63  }
0xcb: {  	s20 =	simm.s32 $0x6D00;
	s19 =	spop (v2sf)  }
0xcc: {  	(v2sf) =	vpush v0, $0x6;
	[tilespmem:s20], [sflag:$0x5] =	stream.linear.gather [hbm4b:s19+s1], $0x400, $0x38;
	[tilespmem:$0x18B80] =	vst v63  }
0xcd: {  	s21 =	spop (v2sf);
	s22 =	simm.s32 $0x12D00  }
0xce: {  	(v2sf) =	vpush v1, $0x6;
	[tilespmem:s22], [sflag:$0x5] =	stream.linear.gather [hbm4b:s21+s1], $0x400, $0x38;
	[tilespmem:$0x18B80] =	vst v63  }
0xcf: {  	s23 =	spop (v2sf);
	s24 =	simm.s32 $0x7100  }
0xd0: {  	(v2sf) =	vpush v0, $0x7;
	[tilespmem:s24], [sflag:$0x5] =	stream.linear.gather [hbm4b:s23+s1], $0x400, $0x38;
	[tilespmem:$0x18B80] =	vst v63  }
0xd1: {  	s19 =	spop (v2sf);
	s20 =	simm.s32 $0x13100  }
0xd2: {  	(v2sf) =	vpush v1, $0x7;
	[tilespmem:s20], [sflag:$0x5] =	stream.linear.gather [hbm4b:s19+s1], $0x400, $0x38;
	[tilespmem:$0x18B80] =	vst v63  }
0xd3: {  	s22 =	simm.s32 $0x7500;
	s21 =	spop (v2sf)  }
0xd4: {  	[tilespmem:s22], [sflag:$0x5] =	stream.linear.gather [hbm4b:s21+s1], $0x400, $0x38;
	[tilespmem:$0x18B80] =	vst v63  }
0xd5: {  	s24 =	simm.s32 $0x13500;
	s23 =	spop (v2sf)  }
0xd6: {  	[tilespmem:s24], [sflag:$0x5] =	stream.linear.gather [hbm4b:s23+s1], $0x400, $0x38;
	[tilespmem:$0x18B80] =	vst v63  }
0xd7: {  	s20 =	simm.s32 $0x7900;
	s19 =	spop (v2sf)  }
0xd8: {  	[tilespmem:s20], [sflag:$0x5] =	stream.linear.gather [hbm4b:s19+s1], $0x400, $0x38;
	[tilespmem:$0x18B80] =	vst v63  }
0xd9: {  	s22 =	simm.s32 $0x13900;
	s21 =	spop (v2sf)  }
0xda: {  	[tilespmem:s22], [sflag:$0x5] =	stream.linear.gather [hbm4b:s21+s1], $0x400, $0x38;
	[tilespmem:$0x18B80] =	vst v63  }
0xdb: {  	s23 =	spop (v2sf);
	s24 =	simm.s32 $0x7D00  }
0xdc: {  	[tilespmem:s24], [sflag:$0x5] =	stream.linear.gather [hbm4b:s23+s1], $0x400, $0x38;
	[tilespmem:$0x18B80] =	vst v63  }
0xdd: {  	s19 =	spop (v2sf);
	s20 =	simm.s32 $0x13D00  }
0xde: {  	[tilespmem:s20], [sflag:$0x5] =	stream.linear.gather [hbm4b:s19+s1], $0x400, $0x38;
	[tilespmem:$0x18B80] =	vst v63  }
0xdf: {  	s21 =	spop (v2sf);
	s22 =	simm.s32 $0x8100  }
0xe0: {  	[tilespmem:s22], [sflag:$0x5] =	stream.linear.gather [hbm4b:s21+s1], $0x400, $0x38;
	[tilespmem:$0x18B80] =	vst v63  }
0xe1: {  	s23 =	spop (v2sf);
	s24 =	simm.s32 $0x14100  }
0xe2: {  	[tilespmem:s24], [sflag:$0x5] =	stream.linear.gather [hbm4b:s23+s1], $0x400, $0x38;
	[tilespmem:$0x18B80] =	vst v63  }
0xe3: {  	v62 =	vld [tilespmem:$0x20];
	_ =	sdelay $0x1  }
0xe4: {  	v63 =	vld [tilespmem:$0x2A0];
	_ =	sdelay $0x2  }
0xe5: {  	v0 =	vand.u32 $0xFFFFFFF8, v62  }
0xe6: {  	v0 =	vshll.u32 v0, $0x4  }
0xe7: {  	v1 =	vand.u32 $0xFFFFFFF8, v63;
	v0 =	vadd.s32 s3, v0  }
0xe8: {  	v1 =	vshll.u32 v1, $0x4;
	(v2sf) =	vpush v0, $0x0  }
0xe9: {  	v1 =	vadd.s32 s4, v1  }
0xea: {  	(v2sf) =	vpush v1, $0x0;
	_ =	sdelay $0x1  }
0xeb: {  	(v2sf) =	vpush v0, $0x1;
	_ =	sdelay $0x1  }
0xec: {  	(v2sf) =	vpush v1, $0x1;
	_ =	sdelay $0x1  }
0xed: {  	(v2sf) =	vpush v0, $0x2;
	_ =	sdelay $0x1  }
0xee: {  	(v2sf) =	vpush v1, $0x2;
	_ =	sdelay $0x1  }
0xef: {  	(v2sf) =	vpush v0, $0x3;
	_ =	sdelay $0x1  }
0xf0: {  	(v2sf) =	vpush v1, $0x3  }
0xf1: {  	s20 =	simm.s32 $0x8500;
	s19 =	spop (v2sf)  }
0xf2: {  	(v2sf) =	vpush v0, $0x4;
	[tilespmem:s20], [sflag:$0x6] =	stream.linear.gather [hbm4b:s19+s1], $0x400, $0x38;
	[tilespmem:$0x18B80] =	vst v63  }
0xf3: {  	s22 =	simm.s32 $0x14500;
	s21 =	spop (v2sf)  }
0xf4: {  	(v2sf) =	vpush v1, $0x4;
	[tilespmem:s22], [sflag:$0x6] =	stream.linear.gather [hbm4b:s21+s1], $0x400, $0x38;
	[tilespmem:$0x18B80] =	vst v63  }
0xf5: {  	s24 =	simm.s32 $0x8900;
	s23 =	spop (v2sf)  }
0xf6: {  	(v2sf) =	vpush v0, $0x5;
	[tilespmem:s24], [sflag:$0x6] =	stream.linear.gather [hbm4b:s23+s1], $0x400, $0x38;
	[tilespmem:$0x18B80] =	vst v63  }
0xf7: {  	s20 =	simm.s32 $0x14900;
	s19 =	spop (v2sf)  }
0xf8: {  	(v2sf) =	vpush v1, $0x5;
	[tilespmem:s20], [sflag:$0x6] =	stream.linear.gather [hbm4b:s19+s1], $0x400, $0x38;
	[tilespmem:$0x18B80] =	vst v63  }
0xf9: {  	s22 =	simm.s32 $0x8D00;
	s21 =	spop (v2sf)  }
0xfa: {  	(v2sf) =	vpush v0, $0x6;
	[tilespmem:s22], [sflag:$0x6] =	stream.linear.gather [hbm4b:s21+s1], $0x400, $0x38;
	[tilespmem:$0x18B80] =	vst v63  }
0xfb: {  	s23 =	spop (v2sf);
	s24 =	simm.s32 $0x14D00  }
0xfc: {  	(v2sf) =	vpush v1, $0x6;
	[tilespmem:s24], [sflag:$0x6] =	stream.linear.gather [hbm4b:s23+s1], $0x400, $0x38;
	[tilespmem:$0x18B80] =	vst v63  }
0xfd: {  	s19 =	spop (v2sf);
	s20 =	simm.s32 $0x9100  }
0xfe: {  	[tilespmem:s20], [sflag:$0x6] =	stream.linear.gather [hbm4b:s19+s1], $0x400, $0x38;
	[tilespmem:$0x18B80] =	vst v63  }
0xff: {  	(v2sf) =	vpush v0, $0x7;
	s21 =	spop (v2sf);
	s22 =	simm.s32 $0x15100  }
0x100: {  	[tilespmem:s22], [sflag:$0x6] =	stream.linear.gather [hbm4b:s21+s1], $0x400, $0x38;
	[tilespmem:$0x18B80] =	vst v63  }
0x101: {  	(v2sf) =	vpush v1, $0x7;
	s24 =	simm.s32 $0x9500;
	s23 =	spop (v2sf)  }
0x102: {  	[tilespmem:s24], [sflag:$0x6] =	stream.linear.gather [hbm4b:s23+s1], $0x400, $0x38;
	[tilespmem:$0x18B80] =	vst v63  }
0x103: {  	s18 =	spop (v2sf)  }
0x104: {  	[tilespmem:s25], [sflag:$0x6] =	stream.linear.gather [hbm4b:s18+s1], $0x400, $0x38;
	[tilespmem:$0x18B80] =	vst v63  }
0x105: {  	s19 =	spop (v2sf)  }
0x106: {  	[tilespmem:s26], [sflag:$0x6] =	stream.linear.gather [hbm4b:s19+s1], $0x400, $0x38;
	[tilespmem:$0x18B80] =	vst v63  }
0x107: {  	s20 =	spop (v2sf)  }
0x108: {  	[tilespmem:s28], [sflag:$0x6] =	stream.linear.gather [hbm4b:s20+s1], $0x400, $0x38;
	[tilespmem:$0x18B80] =	vst v63  }
0x109: {  	s21 =	spop (v2sf)  }
0x10a: {  	[tilespmem:s29], [sflag:$0x6] =	stream.linear.gather [hbm4b:s21+s1], $0x400, $0x38;
	[tilespmem:$0x18B80] =	vst v63  }
0x10b: {  	s22 =	spop (v2sf)  }
0x10c: {  	[tilespmem:s30], [sflag:$0x6] =	stream.linear.gather [hbm4b:s22+s1], $0x400, $0x38;
	[tilespmem:$0x18B80] =	vst v63  }
.Ltmp0:
0x10d: {  	_ = 	snop;
	(pc) =	sbr.rel .LBB2_2-.Ltmp0, $4  }
0x10e: {  	s17 =	simm.s32 $0x0;
	s23 =	spop (v2sf)  }
0x10f: {  	[tilespmem:s31], [sflag:$0x6] =	stream.linear.gather [hbm4b:s23+s1], $0x400, $0x38;
	[tilespmem:$0x18B80] =	vst v63  }
0x110: {  	s18 =	simm.s32 $0x18980;
	s19 =	simm.s32 $0x0;
	s24 =	spop (v2sf)  }
0x111: {  	[tilespmem:s0], [sflag:$0x6] =	stream.linear.gather [hbm4b:s24+s1], $0x400, $0x38;
	[tilespmem:$0x18B80] =	vst v63  }
.LBB2_4:
0x112: {  	s20 =	smul.u32 $0xAB, s19;
	_ =	sdelay $0x1  }
0x113: {  	s20 =	sshrl.u32 s20, $0xA  }
0x114: {  	s20 =	sand.u32 $0x3F, s20  }
0x115: {  	s20 =	smul.u32 $0x6, s20;
	_ =	sdelay $0x1  }
0x116: {  	s20 =	ssub.s32 s19, s20  }
0x117: {  	s20 =	sand.u32 $0xFF, s20  }
0x118: {  	s21 =	sadd.s32 $0x2, s20  }
0x119: {  	_ =	swait.ge [sflag:s21], $0x2000  }
0x11a: {  	[sflag:s21] =	ssyncset.done $0x0  }
0x11b: {  	[sflag:s21] =	ssyncadd.s32 $0xFFFFE000  }
0x11c: {  	_ =	swait.ge [sflag:s21], $0x2000  }
0x11d: {  	[sflag:s21] =	ssyncset.done $0x0  }
0x11e: {  	[sflag:s21] =	ssyncadd.s32 $0xFFFFE000  }
0x11f: {  	v0 =	vld [tilespmem:s17+$0x0];
	_ =	sdelay $0x3  }
0x120: {  	v1 =	vld [tilespmem:s16+$0x0]  }
0x121: {  	v0 =	vand.u32 $0x7, v0  }
0x122: {  	v0 =	vshll.u32 v0, $0x7  }
0x123: {  	(v2sf) =	vpush v0, $0x0;
	_ =	sdelay $0x1  }
0x124: {  	v1 =	vand.u32 $0x7, v1  }
0x125: {  	v1 =	vshll.u32 v1, $0x7;
	(v2sf) =	vpush v0, $0x1  }
0x126: {  	(v2sf) =	vpush v1, $0x0;
	_ =	sdelay $0x6  }
0x127: {  	(v2sf) =	vpush v1, $0x1;
	_ =	sdelay $0x3  }
0x128: {  	s20 =	sshll.u32 s20, $0xD;
	s23 =	spop (v2sf)  }
0x129: {  	(v2sf) =	vpush v0, $0x2;
	s21 =	sor.u32 s23, s20  }
0x12a: {  	v2 =	vld [tilespmem:s21+$0x500]  }
0x12b: {  	s22 =	spop (v2sf);
	v4 =	vld [tilespmem:s21+$0x510]  }
0x12c: {  	(v2sf) =	vpush v0, $0x3;
	s23 =	spop (v2sf);
	v6 =	vld [tilespmem:s21+$0x520]  }
0x12d: {  	(v2sf) =	vpush v1, $0x2;
	v8 =	vld [tilespmem:s21+$0x530];
	s23 =	sor.u32 s23, s20  }
0x12e: {  	v3 =	vld [tilespmem:s23+$0xC500]  }
0x12f: {  	v5 =	vld [tilespmem:s23+$0xC510]  }
0x130: {  	s21 =	sor.u32 $0x400, s20;
	v7 =	vld [tilespmem:s23+$0xC520]  }
0x131: {  	s22 =	sor.u32 s22, s21;
	v9 =	vld [tilespmem:s23+$0xC530]  }
0x132: {  	v10 =	vld [tilespmem:s22+$0x500]  }
0x133: {  	s24 =	spop (v2sf);
	(v2sf) =	vpush v1, $0x3;
	v12 =	vld [tilespmem:s22+$0x510]  }
0x134: {  	v14 =	vld [tilespmem:s22+$0x520]  }
0x135: {  	s21 =	sor.u32 s24, s21;
	v16 =	vld [tilespmem:s22+$0x530]  }
0x136: {  	v11 =	vld [tilespmem:s21+$0xC500]  }
0x137: {  	v13 =	vld [tilespmem:s21+$0xC510]  }
0x138: {  	s22 =	sor.u32 $0x800, s20;
	v15 =	vld [tilespmem:s21+$0xC520];
	s23 =	spop (v2sf)  }
0x139: {  	v17 =	vld [tilespmem:s21+$0xC530];
	(v2sf) =	vpush v0, $0x4;
	s21 =	sor.u32 s23, s22  }
0x13a: {  	v18 =	vld [tilespmem:s21+$0x500]  }
0x13b: {  	s24 =	spop (v2sf);
	(v2sf) =	vpush v0, $0x5;
	v20 =	vld [tilespmem:s21+$0x510]  }
0x13c: {  	s23 =	spop (v2sf);
	v22 =	vld [tilespmem:s21+$0x520]  }
0x13d: {  	(v2sf) =	vpush v1, $0x4;
	v24 =	vld [tilespmem:s21+$0x530];
	s22 =	sor.u32 s23, s22  }
0x13e: {  	v19 =	vld [tilespmem:s22+$0xC500]  }
0x13f: {  	v21 =	vld [tilespmem:s22+$0xC510]  }
0x140: {  	s21 =	sor.u32 $0xC00, s20;
	v23 =	vld [tilespmem:s22+$0xC520]  }
0x141: {  	s24 =	sor.u32 s24, s21;
	v25 =	vld [tilespmem:s22+$0xC530]  }
0x142: {  	s23 =	spop (v2sf);
	(v2sf) =	vpush v1, $0x5;
	v26 =	vld [tilespmem:s24+$0x500]  }
0x143: {  	v28 =	vld [tilespmem:s24+$0x510]  }
0x144: {  	v30 =	vld [tilespmem:s24+$0x520]  }
0x145: {  	s21 =	sor.u32 s23, s21;
	v32 =	vld [tilespmem:s24+$0x530]  }
0x146: {  	v27 =	vld [tilespmem:s21+$0xC500]  }
0x147: {  	v29 =	vld [tilespmem:s21+$0xC510]  }
0x148: {  	s22 =	sor.u32 $0x1000, s20;
	v31 =	vld [tilespmem:s21+$0xC520];
	s23 =	spop (v2sf)  }
0x149: {  	v33 =	vld [tilespmem:s21+$0xC530];
	(v2sf) =	vpush v0, $0x6;
	s21 =	sor.u32 s23, s22  }
0x14a: {  	s24 =	spop (v2sf);
	(v2sf) =	vpush v0, $0x7;
	v0 =	vld [tilespmem:s21+$0x500]  }
0x14b: {  	v35 =	vld [tilespmem:s21+$0x510]  }
0x14c: {  	s23 =	spop (v2sf);
	v37 =	vld [tilespmem:s21+$0x520]  }
0x14d: {  	v39 =	vld [tilespmem:s21+$0x530];
	s22 =	sor.u32 s23, s22  }
0x14e: {  	v34 =	vld [tilespmem:s22+$0xC500]  }
0x14f: {  	v36 =	vld [tilespmem:s22+$0xC510]  }
0x150: {  	s21 =	sor.u32 $0x1400, s20;
	v38 =	vld [tilespmem:s22+$0xC520]  }
0x151: {  	(v2sf) =	vpush v1, $0x6;
	s23 =	spop (v2sf);
	v40 =	vld [tilespmem:s22+$0xC530];
	s22 =	sor.u32 s24, s21  }
0x152: {  	s21 =	sor.u32 s23, s21;
	v41 =	vld [tilespmem:s22+$0x500]  }
0x153: {  	(v2sf) =	vpush v1, $0x7;
	v1 =	vld [tilespmem:s21+$0xC500]  }
0x154: {  	v42 =	vld [tilespmem:s22+$0x510]  }
0x155: {  	v43 =	vld [tilespmem:s21+$0xC510]  }
0x156: {  	v44 =	vld [tilespmem:s22+$0x520]  }
0x157: {  	v45 =	vld [tilespmem:s21+$0xC520]  }
0x158: {  	v46 =	vld [tilespmem:s22+$0x530];
	s22 =	sor.u32 $0x1800, s20;
	s23 =	spop (v2sf)  }
0x159: {  	v47 =	vld [tilespmem:s21+$0xC530];
	s23 =	sor.u32 s23, s22  }
0x15a: {  	v2 =	vmul.f32 v3, v2;
	v62 =	vmul.f32 v5, v4;
	v48 =	vld [tilespmem:s23+$0x500]  }
0x15b: {  	v52 =	vmul.f32 v7, v6;
	v53 =	vmul.f32 v9, v8;
	v4 =	vld [tilespmem:s23+$0x510]  }
0x15c: {  	v63 =	vmul.f32 v11, v10;
	v50 =	vmul.f32 v13, v12;
	s20 =	sor.u32 $0x1C00, s20;
	s24 =	spop (v2sf);
	v54 =	vld [tilespmem:s23+$0x520]  }
0x15d: {  	v55 =	vmul.f32 v15, v14;
	v58 =	vmul.f32 v19, v18;
	v60 =	vld [tilespmem:s23+$0x530];
	s24 =	sor.u32 s24, s20  }
0x15e: {  	v59 =	vmul.f32 v21, v20;
	v61 =	vmul.f32 v27, v26;
	v26 =	vld [tilespmem:s24+$0x500]  }
0x15f: {  	v2 =	vadd.f32 v62, v2;
	v62 =	vmul.f32 v29, v28;
	v27 =	vmul.f32 v31, v30;
	v31 =	vld [tilespmem:s24+$0x510]  }
0x160: {  	v30 =	vmul.f32 v33, v32;
	v32 =	vmul.f32 v36, v35;
	s21 =	spop (v2sf);
	v35 =	vld [tilespmem:s24+$0x520]  }
0x161: {  	v36 =	vmul.f32 v38, v37;
	v38 =	vmul.f32 v40, v39;
	s21 =	sor.u32 s21, s22;
	v40 =	vld [tilespmem:s24+$0x530]  }
0x162: {  	v5 =	vadd.f32 v50, v63;
	v23 =	vmul.f32 v23, v22;
	v3 =	vadd.f32 v59, v58;
	s23 =	spop (v2sf);
	v49 =	vld [tilespmem:s21+$0xC500]  }
0x163: {  	v56 =	vmul.f32 v17, v16;
	v2 =	vadd.f32 v52, v2;
	v8 =	vadd.f32 v62, v61;
	v51 =	vld [tilespmem:s21+$0xC510];
	s20 =	sor.u32 s23, s20  }
0x164: {  	v5 =	vadd.f32 v55, v5;
	v29 =	vmul.f32 v25, v24;
	v3 =	vadd.f32 v23, v3;
	v28 =	vld [tilespmem:s20+$0xC500]  }
0x165: {  	v2 =	vadd.f32 v53, v2;
	v8 =	vadd.f32 v27, v8;
	v33 =	vld [tilespmem:s20+$0xC510]  }
0x166: {  	v5 =	vadd.f32 v56, v5;
	v3 =	vadd.f32 v29, v3;
	v0 =	vmul.f32 v34, v0;
	v57 =	vld [tilespmem:s21+$0xC520]  }
0x167: {  	v8 =	vadd.f32 v30, v8;
	v1 =	vmul.f32 v1, v41;
	v34 =	vmul.f32 v43, v42;
	v37 =	vld [tilespmem:s20+$0xC520]  }
0x168: {  	(xrf2) =	vadd.scan.msk.f32 $0xffff, v2;
	v39 =	vmul.f32 v45, v44;
	v45 =	vmul.f32 v47, v46;
	v0 =	vadd.f32 v32, v0;
	v63 =	vld [tilespmem:s21+$0xC530]  }
0x169: {  	(xrf2) =	vadd.scan.msk.f32 $0xffff, v5;
	v1 =	vadd.f32 v34, v1;
	v42 =	vld [tilespmem:s20+$0xC530];
	v41 =	vmul.f32 v49, v48;
	v4 =	vmul.f32 v51, v4  }
0x16a: {  	v0 =	vadd.f32 v36, v0;
	v43 =	vmul.f32 v28, v26;
	v44 =	vmul.f32 v33, v31  }
0x16b: {  	(xrf2) =	vadd.scan.msk.f32 $0xffff, v3;
	v1 =	vadd.f32 v39, v1;
	v46 =	vmul.f32 v57, v54;
	v4 =	vadd.f32 v4, v41  }
0x16c: {  	(xrf2) =	vadd.scan.msk.f32 $0xffff, v8;
	v0 =	vadd.f32 v38, v0;
	v48 =	vmul.f32 v37, v35;
	v47 =	vadd.f32 v44, v43  }
0x16d: {  	v1 =	vadd.f32 v45, v1;
	v50 =	vmul.f32 v63, v60;
	v49 =	vadd.f32 v46, v4  }
0x16e: {  	(xrf2) =	vadd.scan.msk.f32 $0xffff, v0;
	v52 =	vmul.f32 v42, v40;
	v51 =	vadd.f32 v48, v47  }
0x16f: {  	(xrf2) =	vadd.scan.msk.f32 $0xffff, v1;
	v53 =	vadd.f32 v50, v49  }
0x170: {  	v0 =	vadd.f32 v52, v51  }
0x171: {  	(xrf2) =	vadd.scan.msk.f32 $0xffff, v53  }
0x172: {  	v54, _, _ =	vpop (xrf2);
	(xrf2) =	vadd.scan.msk.f32 $0xffff, v0  }
0x173: {  	v55, _, _ =	vpop (xrf2);
	v1 =	vadd.f32 $0.0e+00, v54  }
0x174: {  	v0 =	vbroadcast v55, $0xF  }
0x175: {  	v56, _, _ =	vpop (xrf2);
	v1 =	vbroadcast v1, $0xF  }
0x176: {  	v57, _, _ =	vpop (xrf2);
	v2 =	vbroadcast v56, $0xF;
	v0 =	vadd.f32 $0.0e+00, v0  }
0x177: {  	v3 =	vbroadcast v57, $0xF;
	v1 =	vnsel vm0, $0x0, v1  }
0x178: {  	v58, _, _ =	vpop (xrf2);
	v0 =	vsel vm1, v1, v0;
	v1 =	vadd.f32 v2, v1  }
0x179: {  	v59, _, _ =	vpop (xrf2);
	v4 =	vbroadcast v58, $0xF;
	v3 =	vadd.f32 v3, v0  }
0x17a: {  	v2 =	vbroadcast v59, $0xF;
	v1 =	vsel vm2, v0, v1  }
0x17b: {  	v0 =	vadd.f32 v4, v0;
	v1 =	vsel vm3, v1, v3;
	v60, _, _ =	vpop (xrf2)  }
0x17c: {  	s19 =	sadd.s32 $0x1, s19;
	v2 =	vadd.f32 v2, v1;
	v61 =	vbroadcast v60, $0xF;
	v62, _, _ =	vpop (xrf2)  }
0x17d: {  	p0 =	sne.s32 s19, $0x40;
	v0 =	vsel vm4, v1, v0;
	v63 =	vbroadcast v62, $0xF  }
.Ltmp1:
0x17e: {  	v2 =	vsel vm5, v0, v2;
	v0 =	vadd.f32 v61, v0;
	(pc) =	sbr.rel @!p0 .LBB2_5-.Ltmp1, $4  }
0x17f: {  	v1 =	vadd.f32 v63, v2  }
0x180: {  	v0 =	vsel vm6, v2, v0  }
0x181: {  	v0 =	vsel vm7, v0, v1  }
0x182: {  	s17 =	sadd.s32 $0x8, s17;
	s16 =	sadd.s32 $0x8, s16;
	[tilespmem:s18+$0x0] =	vst v0;
	s18 =	sadd.s32 $0x8, s18  }
.LBB2_2:
0x183: {  	p0 =	sgt.u32 s19, $0x3A  }
.Ltmp2:
0x184: {  	_ = 	snop;
	(pc) =	sbr.rel @p0 .LBB2_4-.Ltmp2, $1  }
0x185: {  	_ =	sdelay $0x3  }
0x186: {  	v0 =	vld [tilespmem:s17+$0x28];
	_ =	sdelay $0x1  }
0x187: {  	v1 =	vld [tilespmem:s16+$0x28];
	_ =	sdelay $0x2  }
0x188: {  	v0 =	vand.u32 $0xFFFFFFF8, v0  }
0x189: {  	v0 =	vshll.u32 v0, $0x4  }
0x18a: {  	v1 =	vand.u32 $0xFFFFFFF8, v1;
	v0 =	vadd.s32 s3, v0  }
0x18b: {  	v1 =	vshll.u32 v1, $0x4;
	(v2sf) =	vpush v0, $0x0  }
0x18c: {  	v1 =	vadd.s32 s4, v1  }
0x18d: {  	(v2sf) =	vpush v1, $0x0;
	_ =	sdelay $0x1  }
0x18e: {  	(v2sf) =	vpush v0, $0x1  }
0x18f: {  	s20 =	sadd.s32 $0x5, s19  }
0x190: {  	s21 =	smul.u32 $0xAB, s20;
	(v2sf) =	vpush v1, $0x1;
	_ =	sdelay $0x1  }
0x191: {  	s21 =	sshrl.u32 s21, $0xA;
	(v2sf) =	vpush v0, $0x2  }
0x192: {  	s21 =	sand.u32 $0x3F, s21  }
0x193: {  	s21 =	smul.u32 $0x6, s21;
	(v2sf) =	vpush v1, $0x2;
	_ =	sdelay $0x1  }
0x194: {  	s20 =	ssub.s32 s20, s21;
	(v2sf) =	vpush v0, $0x3  }
0x195: {  	s20 =	sand.u32 $0xFF, s20  }
0x196: {  	s21 =	sshll.u32 s20, $0xD;
	(v2sf) =	vpush v1, $0x3  }
0x197: {  	s20 =	sadd.s32 $0x2, s20;
	s22 =	sor.u32 $0x500, s21;
	s23 =	spop (v2sf)  }
0x198: {  	(v2sf) =	vpush v0, $0x4;
	[tilespmem:s22], [sflag:s20] =	stream.linear.gather [hbm4b:s23+s1], $0x400, $0x38;
	[tilespmem:$0x18B80] =	vst v63  }
0x199: {  	s23 =	sadd.s32 $0xC500, s21;
	s24 =	spop (v2sf)  }
0x19a: {  	(v2sf) =	vpush v1, $0x4;
	[tilespmem:s23], [sflag:s20] =	stream.linear.gather [hbm4b:s24+s1], $0x400, $0x38;
	[tilespmem:$0x18B80] =	vst v63  }
0x19b: {  	s23 =	sor.u32 $0x900, s21;
	s24 =	spop (v2sf)  }
0x19c: {  	(v2sf) =	vpush v0, $0x5;
	[tilespmem:s23], [sflag:s20] =	stream.linear.gather [hbm4b:s24+s1], $0x400, $0x38;
	[tilespmem:$0x18B80] =	vst v63  }
0x19d: {  	s23 =	sadd.s32 $0xC900, s21;
	s24 =	spop (v2sf)  }
0x19e: {  	(v2sf) =	vpush v1, $0x5;
	[tilespmem:s23], [sflag:s20] =	stream.linear.gather [hbm4b:s24+s1], $0x400, $0x38;
	[tilespmem:$0x18B80] =	vst v63  }
0x19f: {  	s23 =	sor.u32 $0xD00, s21;
	s24 =	spop (v2sf)  }
0x1a0: {  	(v2sf) =	vpush v0, $0x6;
	[tilespmem:s23], [sflag:s20] =	stream.linear.gather [hbm4b:s24+s1], $0x400, $0x38;
	[tilespmem:$0x18B80] =	vst v63  }
0x1a1: {  	s23 =	sadd.s32 $0xCD00, s21;
	s24 =	spop (v2sf)  }
0x1a2: {  	(v2sf) =	vpush v1, $0x6;
	[tilespmem:s23], [sflag:s20] =	stream.linear.gather [hbm4b:s24+s1], $0x400, $0x38;
	[tilespmem:$0x18B80] =	vst v63  }
0x1a3: {  	s23 =	sor.u32 $0x1100, s21;
	s24 =	spop (v2sf)  }
0x1a4: {  	[tilespmem:s23], [sflag:s20] =	stream.linear.gather [hbm4b:s24+s1], $0x400, $0x38;
	[tilespmem:$0x18B80] =	vst v63  }
0x1a5: {  	(v2sf) =	vpush v0, $0x7;
	s23 =	sadd.s32 $0xD100, s21;
	s24 =	spop (v2sf)  }
0x1a6: {  	[tilespmem:s23], [sflag:s20] =	stream.linear.gather [hbm4b:s24+s1], $0x400, $0x38;
	[tilespmem:$0x18B80] =	vst v63  }
0x1a7: {  	(v2sf) =	vpush v1, $0x7;
	s23 =	spop (v2sf);
	s24 =	sor.u32 $0x1500, s21  }
0x1a8: {  	[tilespmem:s24], [sflag:s20] =	stream.linear.gather [hbm4b:s23+s1], $0x400, $0x38;
	[tilespmem:$0x18B80] =	vst v63  }
0x1a9: {  	s23 =	spop (v2sf);
	s24 =	sadd.s32 $0xD500, s21  }
0x1aa: {  	[tilespmem:s24], [sflag:s20] =	stream.linear.gather [hbm4b:s23+s1], $0x400, $0x38;
	[tilespmem:$0x18B80] =	vst v63  }
0x1ab: {  	s23 =	spop (v2sf);
	s24 =	sor.u32 $0x1900, s21  }
0x1ac: {  	[tilespmem:s24], [sflag:s20] =	stream.linear.gather [hbm4b:s23+s1], $0x400, $0x38;
	[tilespmem:$0x18B80] =	vst v63  }
0x1ad: {  	s23 =	spop (v2sf);
	s24 =	sadd.s32 $0xD900, s21  }
0x1ae: {  	[tilespmem:s24], [sflag:s20] =	stream.linear.gather [hbm4b:s23+s1], $0x400, $0x38;
	[tilespmem:$0x18B80] =	vst v63  }
0x1af: {  	s23 =	spop (v2sf);
	s24 =	sor.u32 $0x1D00, s21  }
0x1b0: {  	[tilespmem:s24], [sflag:s20] =	stream.linear.gather [hbm4b:s23+s1], $0x400, $0x38;
	[tilespmem:$0x18B80] =	vst v63  }
0x1b1: {  	s23 =	spop (v2sf);
	s24 =	sadd.s32 $0xDD00, s21  }
0x1b2: {  	[tilespmem:s24], [sflag:s20] =	stream.linear.gather [hbm4b:s23+s1], $0x400, $0x38;
	[tilespmem:$0x18B80] =	vst v63  }
.Ltmp3:
0x1b3: {  	_ = 	snop;
	(pc) =	sbr.rel .LBB2_4-.Ltmp3, $4  }
0x1b4: {  	s23 =	spop (v2sf);
	s24 =	sadd.s32 $0x2100, s21  }
0x1b5: {  	[tilespmem:s24], [sflag:s20] =	stream.linear.gather [hbm4b:s23+s1], $0x400, $0x38;
	[tilespmem:$0x18B80] =	vst v63  }
0x1b6: {  	s21 =	sadd.s32 $0xE100, s21;
	s24 =	spop (v2sf)  }
0x1b7: {  	[tilespmem:s21], [sflag:s20] =	stream.linear.gather [hbm4b:s24+s1], $0x400, $0x38;
	[tilespmem:$0x18B80] =	vst v63  }
.LBB2_5:
0x1b8: {  	_ =	swait.ge [sflag:s2], $0x80  }
0x1b9: {  	[sflag:s2] =	ssyncset.done $0x0  }
0x1ba: {  	[sflag:s2] =	ssyncadd.s32 $0xFFFFFF80  }
0x1bb: {  	_ =	swait.ge [sflag:s2], $0x80  }
0x1bc: {  	[sflag:s2] =	ssyncset.done $0x0  }
0x1bd: {  	[sflag:s2] =	ssyncadd.s32 $0xFFFFFF80  }
0x1be: {  	_ =	swait.ge [sflag:s2], $0x80  }
0x1bf: {  	[sflag:s2] =	ssyncset.done $0x0  }
0x1c0: {  	[sflag:s2] =	ssyncadd.s32 $0xFFFFFF80  }
0x1c1: {  	_ =	swait.ge [sflag:s2], $0x80  }
0x1c2: {  	[sflag:s2] =	ssyncset.done $0x0  }
0x1c3: {  	[sflag:s2] =	ssyncadd.s32 $0xFFFFFF80  }
0x1c4: {  	_ =	swait.ge [sflag:s2], $0x80  }
0x1c5: {  	[sflag:s2] =	ssyncset.done $0x0  }
0x1c6: {  	[sflag:s2] =	ssyncadd.s32 $0xFFFFFF80  }
0x1c7: {  	_ =	swait.ge [sflag:s2], $0x80  }
0x1c8: {  	[sflag:s2] =	ssyncset.done $0x0  }
0x1c9: {  	[sflag:s2] =	ssyncadd.s32 $0xFFFFFF80  }
0x1ca: {  	_ =	swait.ge [sflag:s2], $0x80  }
0x1cb: {  	[sflag:s2] =	ssyncset.done $0x0  }
0x1cc: {  	[sflag:s2] =	ssyncadd.s32 $0xFFFFFF80  }
0x1cd: {  	_ =	swait.ge [sflag:s2], $0x80  }
0x1ce: {  	[sflag:s2] =	ssyncset.done $0x0  }
0x1cf: {  	[sflag:s2] =	ssyncadd.s32 $0xFFFFFF80  }
0x1d0: {  	s16 =	simm.s32 $0x0;
	v0 =	vld [tilespmem:$0x18900]  }
0x1d1: {  	s17 =	simm.s32 $0x40;
	v1 =	vld [tilespmem:s16+$0x18500]  }
.LBB2_6:
0x1d2: {  	p0 =	sne.s32 s17, $0x7C0;
	v2 =	vld [tilespmem:s16+$0x18980];
	_ =	sdelay $0x1  }
0x1d3: {  	v3 =	vld [tilespmem:s16+$0x18700];
	_ =	sdelay $0x2  }
0x1d4: {  	v1 =	vadd.f32 v1, v2;
	_ =	sdelay $0x1  }
.Ltmp4:
0x1d5: {  	v1 =	vadd.f32 v3, v1;
	(pc) =	sbr.rel @p0 .LBB2_6-.Ltmp4, $4  }
0x1d6: {  	_ = 	snop  }
0x1d7: {  	v2 =	vadd.f32 v1, v0  }
0x1d8: {  	s18 =	sshra.s32 s17, $0x2  }
0x1d9: {  	s17 =	sadd.s32 $0x40, s17;
	v1 =	vld [tilespmem:s18+$0x18500];
	[tilespmem:s16+$0x18980] =	vst v2;
	s16 =	smov.u32 s18  }
0x1da: {  	v2 =	vld [tilespmem:s16+$0x18980];
	_ =	sdelay $0x1  }
0x1db: {  	v3 =	vld [tilespmem:s16+$0x18700];
	_ =	sdelay $0x2  }
0x1dc: {  	v1 =	vadd.f32 v1, v2;
	_ =	sdelay $0x1  }
0x1dd: {  	v1 =	vadd.f32 v3, v1;
	_ =	sdelay $0x1  }
0x1de: {  	s15 =	sadd.s32 $0x1, s15;
	v0 =	vadd.f32 v1, v0  }
0x1df: {  	p0 =	sne.s32 s15, s11  }
.Ltmp5:
0x1e0: {  	[tilespmem:s16+$0x18980] =	vst v0;
	(pc) =	sbr.rel @p0 .LBB2_1-.Ltmp5, $4  }
0x1e1: {  	[hbm4b:s10+s1] =	stream.linear.scatter [tilespmem:s13], [sflag:$0x8], $0x200, $0x38;
	[tilespmem:$0x18B80] =	vst v63  }
0x1e2: {  	_ =	swait.ge [sflag:s12], $0x200  }
0x1e3: {  	[sflag:s12] =	ssyncset.done $0x0  }
0x1e4: {  	[sflag:s12] =	ssyncadd.s32 $0xFFFFFE00  }
0x1e5: {  	_ =	sfence.sel $0x180000  }
0x1e6: {  	[bflag:$0x0] =	sbarrier.arrive $0xFFFF  }
0x1e7: {  	_ =	strace $0x90000047  }
0x1e8: {  	s0 =	stileid.u32;
	[bflag:$0x2] =	sbarrier.arrive $0xFFFF  }
0x1e9: {  	p0 =	sne.s32 s0, $0x0;
	s0 =	rddreg [dreg:$0x4]  }
0x1ea: {  	s0 =	sadd.s32 @!p0 $0x100000, s0  }
0x1eb: {  	[sflag:s0] =	ssyncadd.tile.s32 @!p0 $0x1;
	_ =	shalt  }
.Lfunc_end2:
_tile_overlayer_lowered:
.L_overlay_start_2:
0x1ec: {  	(tag) =	ssettag $0x2  }
0x1ed: {  	s0 =	rddreg [dreg:$0x0];
	s2 =	stileid.u32  }
0x1ee: {  	s1 =	rddreg [dreg:$0x1];
	p0 =	sne.s32 s2, $0x0  }
0x1ef: {  	s3 =	rddreg [dreg:$0x2];
	[bflag:$0x3] =	sbarrier.arrive $0xFFFF;
	s2 =	simm.s32 @!p0 $0x1C08  }
0x1f0: {  	[timem:s3], [sflag:s2] =	dma.local @!p0 [hbm:s0], s1  }
0x1f1: {  	s0 =	simm.s32 @!p0 $0x8  }
0x1f2: {  	_ =	swait.ge @!p0 [sflag:s0], s1  }
0x1f3: {  	s1 =	ssub.s32 @!p0 $0x0, s1;
	[sflag:s0] =	ssyncset.done @!p0 $0x0  }
0x1f4: {  	[sflag:s0] =	ssyncadd.s32 @!p0 s1  }
0x1f5: {  	[bflag:$0x3] =	sbarrier.arrive $0xFFFF  }
0x1f6: {  	_ =	shalt  }

</sc_bundles>
